<compile_context>
chip_gen: v7x
topology: tpu7x:2x2x1
jax: 0.10.2.dev20260603
libtpu: 0.0.44.dev20260713+nightly
codegen_flags: <defaults>
</compile_context>

<pallas_src>
import functools

import jax
import jax.numpy as jnp
from jax import lax
from jax.experimental import pallas as pl
from jax.experimental.pallas import tpu as pltpu
from jax.experimental.pallas import tpu_sc as plsc

_N, _E, _D, _H, _O, _G = 10000, 320000, 128, 32, 2, 64
_NP = _N // 4
_NW = 32
_CHUNK = 125
_KCH = 80
_RPT = _N // 16
_NBUF = 8
_DEPTH = 4



def _proj_body(x_ref, w_ref, o_ref):
    o_ref[...] = jnp.dot(x_ref[...], w_ref[...],
                         preferred_element_type=jnp.float32)


def _project(x4, w4):
    return pl.pallas_call(
        _proj_body,
        out_shape=jax.ShapeDtypeStruct((_NP, 128), jnp.float32),
    )(x4, w4)


def _mid_body(y_ref, p0_ref, p1_ref, ba_ref, wb_ref, bb_ref, wn_ref, o_ref):
    m = jnp.maximum(y_ref[...] + p0_ref[...] + p1_ref[...] + ba_ref[...], 0.0)
    h = jnp.maximum(
        jnp.dot(m, wb_ref[...], preferred_element_type=jnp.float32)
        + bb_ref[...], 0.0)
    o_ref[...] = jnp.dot(h, wn_ref[...], preferred_element_type=jnp.float32)


def _mid(y, p0, p1, ba4, wb4, bb4, wn4):
    return pl.pallas_call(
        _mid_body,
        grid=(1,),
        in_specs=[
            pl.BlockSpec((_NP, 128), lambda i: (0, 0)),
            pl.BlockSpec((_NP, 128), lambda i: (0, 0)),
            pl.BlockSpec((_NP, 128), lambda i: (0, 0)),
            pl.BlockSpec((1, 128), lambda i: (0, 0)),
            pl.BlockSpec((128, 128), lambda i: (0, 0)),
            pl.BlockSpec((1, 128), lambda i: (0, 0)),
            pl.BlockSpec((128, 128), lambda i: (0, 0)),
        ],
        out_specs=pl.BlockSpec((_NP, 128), lambda i: (0, 0)),
        out_shape=jax.ShapeDtypeStruct((_NP, 128), jnp.float32),
    )(y, p0, p1, ba4, wb4, bb4, wn4)


def _final_body(y_ref, p0_ref, p1_ref, ba_ref, wb_ref, bb_ref, b4_ref,
                wc1_ref, bc1_ref, wc2_ref, bc2_ref, o_ref):
    m = jnp.maximum(y_ref[...] + p0_ref[...] + p1_ref[...] + ba_ref[...], 0.0)
    h = jnp.maximum(
        jnp.dot(m, wb_ref[...], preferred_element_type=jnp.float32)
        + bb_ref[...], 0.0)
    lanes = lax.broadcasted_iota(jnp.int32, (_NP, 128), 1) // _H
    sums128 = jnp.zeros((_G, 128), jnp.float32)
    cnt = jnp.zeros((_G, 1), jnp.float32)
    for k in range(4):
        bk = b4_ref[k, :]
        ohtk = (bk[None, :] == lax.broadcasted_iota(jnp.int32, (_G, _NP), 0)
                ).astype(jnp.float32)
        hk = jnp.where(lanes == k, h, 0.0)
        sums128 += jnp.dot(ohtk, hk, preferred_element_type=jnp.float32)
        cnt += jnp.sum(ohtk, axis=1)[:, None]
    sums = (sums128[:, 0:32] + sums128[:, 32:64]
            + sums128[:, 64:96] + sums128[:, 96:128])
    pooled = sums / jnp.maximum(cnt, 1.0)
    z1 = jnp.maximum(
        jnp.dot(pooled, wc1_ref[...], preferred_element_type=jnp.float32)
        + bc1_ref[...], 0.0)
    z = jnp.dot(z1, wc2_ref[...],
                preferred_element_type=jnp.float32) + bc2_ref[...]
    mx = jnp.max(z, axis=1, keepdims=True)
    e = jnp.exp(z - mx)
    o_ref[...] = z - mx - jnp.log(jnp.sum(e, axis=1, keepdims=True))


def _final(y, p0, p1, ba4, wb4, bb4, b4, wc1, bc1, wc2, bc2):
    return pl.pallas_call(
        _final_body,
        grid=(1,),
        in_specs=[
            pl.BlockSpec((_NP, 128), lambda i: (0, 0)),
            pl.BlockSpec((_NP, 128), lambda i: (0, 0)),
            pl.BlockSpec((_NP, 128), lambda i: (0, 0)),
            pl.BlockSpec((1, 128), lambda i: (0, 0)),
            pl.BlockSpec((128, 128), lambda i: (0, 0)),
            pl.BlockSpec((1, 128), lambda i: (0, 0)),
            pl.BlockSpec((4, _NP), lambda i: (0, 0)),
            pl.BlockSpec((_H, _H), lambda i: (0, 0)),
            pl.BlockSpec((1, _H), lambda i: (0, 0)),
            pl.BlockSpec((_H, _O), lambda i: (0, 0)),
            pl.BlockSpec((1, _O), lambda i: (0, 0)),
        ],
        out_specs=pl.BlockSpec((_G, _O), lambda i: (0, 0)),
        out_shape=jax.ShapeDtypeStruct((_G, _O), jnp.float32),
    )(y, p0, p1, ba4, wb4, bb4, b4,
      wc1, bc1.reshape(1, _H), wc2, bc2.reshape(1, _O))



_sc_mesh = plsc.VectorSubcoreMesh(core_axis_name="c", subcore_axis_name="s")


@functools.partial(
    pl.kernel,
    mesh=_sc_mesh,
    compiler_params=pltpu.CompilerParams(use_tc_tiling_on_sc=False),
    out_type=(jax.ShapeDtypeStruct((_N, _H), jnp.float32),
              jax.ShapeDtypeStruct((_N, _H), jnp.float32)),
    scratch_types=[
        pltpu.VMEM((_KCH, _CHUNK), jnp.int32),
        pltpu.VMEM((_KCH, _CHUNK), jnp.int32),
        pltpu.VMEM((_NBUF, _CHUNK, _H), jnp.float32),
        pltpu.VMEM_SHARED((_N, _H), jnp.float32),
        pltpu.VMEM_SHARED((_N, _H), jnp.float32),
        pltpu.SemaphoreType.DMA,
        pltpu.SemaphoreType.DMA,
    ],
)
def _sc_agg(y_hbm, zeros_hbm, ei_hbm, out0_hbm, out1_hbm,
            sidx, didx, rows, acc, y_sh, gsem, ssem):
    cid = lax.axis_index("c")
    sid = lax.axis_index("s")
    w = sid * 2 + cid
    r0 = sid * _RPT
    ry = _N // 16

    pltpu.sync_copy(zeros_hbm.at[pl.ds(r0, _RPT)], acc.at[pl.ds(r0, _RPT)])
    pltpu.sync_copy(y_hbm.at[pl.ds(sid * ry, ry)], y_sh.at[pl.ds(sid * ry, ry)])
    pltpu.sync_copy(ei_hbm.at[pl.ds(w * _KCH, _KCH)], sidx)
    pltpu.sync_copy(ei_hbm.at[pl.ds((_NW + w) * _KCH, _KCH)], didx)
    plsc.subcore_barrier()

    for b in range(_DEPTH):
        pltpu.async_copy(y_sh.at[sidx.at[b]], rows.at[b], gsem)

    def body(it, carry):
        base = it * _NBUF
        for b in range(_NBUF):
            j = base + b
            pltpu.make_async_copy(y_sh.at[sidx.at[j]], rows.at[b],
                                  gsem).wait()
            pltpu.async_copy(rows.at[b], acc.at[didx.at[j]], ssem, add=True)

            @pl.when(j >= _DEPTH)
            def _():
                pltpu.make_async_copy(rows.at[b], acc.at[didx.at[j]],
                                      ssem).wait()

            nj = j + _DEPTH
            nb = (b + _DEPTH) % _NBUF

            @pl.when(nj < _KCH)
            def _():
                pltpu.async_copy(y_sh.at[sidx.at[nj]], rows.at[nb], gsem)
        return carry

    lax.fori_loop(0, _KCH // _NBUF, body, 0)
    for _ in range(_DEPTH):
        pltpu.make_async_copy(rows.at[0], acc.at[didx.at[0]], ssem).wait()
    plsc.subcore_barrier()

    @pl.when(cid == 0)
    def _():
        pltpu.sync_copy(acc.at[pl.ds(r0, _RPT)], out0_hbm.at[pl.ds(r0, _RPT)])

    @pl.when(cid == 1)
    def _():
        pltpu.sync_copy(acc.at[pl.ds(r0, _RPT)], out1_hbm.at[pl.ds(r0, _RPT)])



def _kron4(w):
    return jnp.kron(jnp.eye(4, dtype=jnp.float32), w)


def kernel(x, edge_index, batch, W0_0, b0_0, W0_1, b0_1, W1_0, b1_0,
           W1_1, b1_1, W2_0, b2_0, W2_1, b2_1, Wc1, bc1, Wc2, bc2):
    ei = edge_index.reshape(2 * _NW * _KCH, _CHUNK)
    zeros = jnp.zeros((_N, _H), jnp.float32)
    x4 = x.reshape(_NP, 4 * _D)
    b4 = jnp.stack([batch[k::4] for k in range(4)], axis=0)
    w0_4 = _kron4(W0_0)
    wb0, wn0 = _kron4(W0_1), _kron4(W1_0)
    wb1, wn1 = _kron4(W1_1), _kron4(W2_0)
    wb2 = _kron4(W2_1)
    ba0, bb0 = jnp.tile(b0_0, 4)[None], jnp.tile(b0_1, 4)[None]
    ba1, bb1 = jnp.tile(b1_0, 4)[None], jnp.tile(b1_1, 4)[None]
    ba2, bb2 = jnp.tile(b2_0, 4)[None], jnp.tile(b2_1, 4)[None]

    def packed(p):
        return p.reshape(_NP, 128)

    y0 = _project(x4, w0_4)
    p0a, p0b = _sc_agg(y0.reshape(_N, _H), zeros, ei)
    y1 = _mid(y0, packed(p0a), packed(p0b), ba0, wb0, bb0, wn0)
    p1a, p1b = _sc_agg(y1.reshape(_N, _H), zeros, ei)
    y2 = _mid(y1, packed(p1a), packed(p1b), ba1, wb1, bb1, wn1)
    p2a, p2b = _sc_agg(y2.reshape(_N, _H), zeros, ei)
    return _final(y2, packed(p2a), packed(p2b), ba2, wb2, bb2, b4,
                  Wc1, bc1, Wc2, bc2)

# --- scband reference (transcript-rebuilt; emitter-appended) ---
"""Pipeline reference for scband-baseline-ginmodel-59871844106318 (READ-ONLY COPY).

The authoritative reference and input builder live on the scoring server;
editing this copy changes nothing except your own understanding.
"""

import jax, jax.numpy as jnp
import numpy as np

N, E, D, H, O, G = 10000, 320000, 128, 32, 2, 64

def _lin(k, fan_in, fan_out):
    bound = 1.0 / np.sqrt(fan_in)
    kw, kb = jax.random.split(k)
    W = jax.random.uniform(kw, (fan_in, fan_out), minval=-bound, maxval=bound, dtype=jnp.float32)
    b = jax.random.uniform(kb, (fan_out,), minval=-bound, maxval=bound, dtype=jnp.float32)
    return W, b

def setup_inputs(seed: int = 0):
    key = jax.random.key(seed)
    ks = jax.random.split(key, 16)
    inp = {}
    inp['x'] = jax.random.normal(ks[0], (N, D), dtype=jnp.float32)
    inp['edge_index'] = jax.random.randint(ks[1], (2, E), 0, N, dtype=jnp.int32)
    inp['batch'] = jnp.sort(jax.random.randint(ks[2], (N,), 0, G, dtype=jnp.int32))
    dims = [(D, H), (H, H), (H, H), (H, H), (H, H), (H, H)]
    idx = 3
    for l in range(3):
        for j in range(2):
            fi, fo = dims[l * 2 + j]
            W, b = _lin(ks[idx], fi, fo)
            idx += 1
            inp[f'W{l}_{j}'] = W
            inp[f'b{l}_{j}'] = b
    inp['Wc1'], inp['bc1'] = _lin(ks[idx], H, H); idx += 1
    inp['Wc2'], inp['bc2'] = _lin(ks[idx], H, O); idx += 1
    return inp

def reference(x, edge_index, batch, W0_0, b0_0, W0_1, b0_1, W1_0, b1_0, W1_1, b1_1, W2_0, b2_0, W2_1, b2_1, Wc1, bc1, Wc2, bc2):
    src = edge_index[0]
    dst = edge_index[1]
    def gin(h, Wa, ba, Wb, bb):
        agg = jnp.zeros_like(h).at[dst].add(h[src])
        m = h + agg  # (1 + eps) * x + sum_{j in N(i)} x_j, eps = 0
        m = jnp.maximum(m @ Wa + ba, 0.0) @ Wb + bb
        return jnp.maximum(m, 0.0)  # outer F.relu
    h = gin(x, W0_0, b0_0, W0_1, b0_1)
    h = gin(h, W1_0, b1_0, W1_1, b1_1)
    h = gin(h, W2_0, b2_0, W2_1, b2_1)
    sums = jax.ops.segment_sum(h, batch, num_segments=G)
    cnts = jax.ops.segment_sum(jnp.ones((h.shape[0],), jnp.float32), batch, num_segments=G)
    pooled = sums / jnp.maximum(cnts, 1.0)[:, None]
    z = jnp.maximum(pooled @ Wc1 + bc1, 0.0)  # dropout is identity in eval mode
    z = z @ Wc2 + bc2
    return jax.nn.log_softmax(z, axis=1)

if __name__ == "__main__":
    import jax
    _d = setup_inputs()
    print(jax.jit(kernel)(*tuple(_d.values())))

</pallas_src>

<mosaic_0001>
#map = affine_map<(d0, d1) -> (0, 0)>
module attributes {stable_mosaic.version = 14 : i64} {
  func.func @_sc_agg(%arg0: i32, %arg1: i32, %arg2: memref<10000x32xf32, #tpu.memory_space<hbm>>, %arg3: memref<10000x32xf32, #tpu.memory_space<hbm>>, %arg4: memref<5120x125xi32, #tpu.memory_space<hbm>>, %arg5: memref<10000x32xf32, #tpu.memory_space<hbm>>, %arg6: memref<10000x32xf32, #tpu.memory_space<hbm>>, %arg7: memref<80x125xi32, #tpu.memory_space<vmem>>, %arg8: memref<80x125xi32, #tpu.memory_space<vmem>>, %arg9: memref<8x125x32xf32, #tpu.memory_space<vmem>>, %arg10: memref<10000x32xf32, #tpu.memory_space<vmem_shared>>, %arg11: memref<10000x32xf32, #tpu.memory_space<vmem_shared>>, %arg12: memref<!tpu.dma_semaphore, #tpu.memory_space<semaphore_mem>>, %arg13: memref<!tpu.dma_semaphore, #tpu.memory_space<semaphore_mem>>) attributes {dimension_semantics = [#tpu.dimension_semantics<core_parallel>, #tpu.dimension_semantics<subcore_parallel>], iteration_bounds = array<i64: 2, 16>, scalar_prefetch = 0 : i64, scratch_operands = 7 : i64, tpu.core_type = #tpu.core_type<sc_vector_subcore>, window_params = [{transform_indices = #map}, {transform_indices = #map}, {transform_indices = #map}, {transform_indices = #map}, {transform_indices = #map}]} {
    %mul3A = arith.constant 2 : i32
    %mul3A_0 = arith.muli %arg1, %mul3A : i32
    %add3A = arith.addi %mul3A_0, %arg0 : i32
    %mul3A_1 = arith.constant 625 : i32
    %mul3A_2 = arith.muli %arg1, %mul3A_1 : i32
    "tpu.region"() ({
      %run_scoped3A = tpu.sem_alloc : memref<!tpu.dma_semaphore, #tpu.memory_space<semaphore_mem>>
      %dma_start3A_120 = arith.constant 0 : i32
      %dma_start3A_121 = tpu.memref_slice %arg10[%mul3A_2, %dma_start3A_120] : memref<10000x32xf32, #tpu.memory_space<vmem_shared>> -> memref<625x32xf32, #tpu.memory_space<vmem_shared>>
      %dma_start3A_122 = arith.constant 0 : i32
      %dma_start3A_123 = tpu.memref_slice %arg3[%mul3A_2, %dma_start3A_122] : memref<10000x32xf32, #tpu.memory_space<hbm>> -> memref<625x32xf32, #tpu.memory_space<hbm>>
      tpu.enqueue_dma source(%dma_start3A_123 : memref<625x32xf32, #tpu.memory_space<hbm>>) target(%dma_start3A_121 : memref<625x32xf32, #tpu.memory_space<vmem_shared>>) target_semaphore(%run_scoped3A : memref<!tpu.dma_semaphore, #tpu.memory_space<semaphore_mem>>)
      %dma_wait3A_124 = arith.constant 0 : i32
      %dma_wait3A_125 = tpu.memref_slice %arg10[%mul3A_2, %dma_wait3A_124] : memref<10000x32xf32, #tpu.memory_space<vmem_shared>> -> memref<625x32xf32, #tpu.memory_space<vmem_shared>>
      %dma_wait3A_126 = arith.constant 0 : i32
      %dma_wait3A_127 = tpu.memref_slice %arg3[%mul3A_2, %dma_wait3A_126] : memref<10000x32xf32, #tpu.memory_space<hbm>> -> memref<625x32xf32, #tpu.memory_space<hbm>>
      tpu.wait_dma2 semaphore(%run_scoped3A : memref<!tpu.dma_semaphore, #tpu.memory_space<semaphore_mem>>) src(%dma_wait3A_127 : memref<625x32xf32, #tpu.memory_space<hbm>>) dst(%dma_wait3A_125 : memref<625x32xf32, #tpu.memory_space<vmem_shared>>)
      tpu.yield
    }) : () -> ()
    %mul3A_3 = arith.constant 625 : i32
    %mul3A_4 = arith.muli %arg1, %mul3A_3 : i32
    %mul3A_5 = arith.constant 625 : i32
    %mul3A_6 = arith.muli %arg1, %mul3A_5 : i32
    "tpu.region"() ({
      %run_scoped3A = tpu.sem_alloc : memref<!tpu.dma_semaphore, #tpu.memory_space<semaphore_mem>>
      %dma_start3A_120 = arith.constant 0 : i32
      %dma_start3A_121 = tpu.memref_slice %arg11[%mul3A_6, %dma_start3A_120] : memref<10000x32xf32, #tpu.memory_space<vmem_shared>> -> memref<625x32xf32, #tpu.memory_space<vmem_shared>>
      %dma_start3A_122 = arith.constant 0 : i32
      %dma_start3A_123 = tpu.memref_slice %arg2[%mul3A_4, %dma_start3A_122] : memref<10000x32xf32, #tpu.memory_space<hbm>> -> memref<625x32xf32, #tpu.memory_space<hbm>>
      tpu.enqueue_dma source(%dma_start3A_123 : memref<625x32xf32, #tpu.memory_space<hbm>>) target(%dma_start3A_121 : memref<625x32xf32, #tpu.memory_space<vmem_shared>>) target_semaphore(%run_scoped3A : memref<!tpu.dma_semaphore, #tpu.memory_space<semaphore_mem>>)
      %dma_wait3A_124 = arith.constant 0 : i32
      %dma_wait3A_125 = tpu.memref_slice %arg11[%mul3A_6, %dma_wait3A_124] : memref<10000x32xf32, #tpu.memory_space<vmem_shared>> -> memref<625x32xf32, #tpu.memory_space<vmem_shared>>
      %dma_wait3A_126 = arith.constant 0 : i32
      %dma_wait3A_127 = tpu.memref_slice %arg2[%mul3A_4, %dma_wait3A_126] : memref<10000x32xf32, #tpu.memory_space<hbm>> -> memref<625x32xf32, #tpu.memory_space<hbm>>
      tpu.wait_dma2 semaphore(%run_scoped3A : memref<!tpu.dma_semaphore, #tpu.memory_space<semaphore_mem>>) src(%dma_wait3A_127 : memref<625x32xf32, #tpu.memory_space<hbm>>) dst(%dma_wait3A_125 : memref<625x32xf32, #tpu.memory_space<vmem_shared>>)
      tpu.yield
    }) : () -> ()
    %mul3A_7 = arith.constant 80 : i32
    %mul3A_8 = arith.muli %add3A, %mul3A_7 : i32
    "tpu.region"() ({
      %run_scoped3A = tpu.sem_alloc : memref<!tpu.dma_semaphore, #tpu.memory_space<semaphore_mem>>
      %dma_start3A_120 = arith.constant 0 : i32
      %dma_start3A_121 = tpu.memref_slice %arg4[%mul3A_8, %dma_start3A_120] : memref<5120x125xi32, #tpu.memory_space<hbm>> -> memref<80x125xi32, #tpu.memory_space<hbm>>
      %dma_start3A_122 = arith.constant 0 : i32
      %dma_start3A_123 = tpu.memref_slice %arg4[%mul3A_8, %dma_start3A_122] : memref<5120x125xi32, #tpu.memory_space<hbm>> -> memref<80x125xi32, #tpu.memory_space<hbm>>
      tpu.enqueue_dma source(%dma_start3A_123 : memref<80x125xi32, #tpu.memory_space<hbm>>) target(%arg7 : memref<80x125xi32, #tpu.memory_space<vmem>>) target_semaphore(%run_scoped3A : memref<!tpu.dma_semaphore, #tpu.memory_space<semaphore_mem>>)
      %dma_wait3A_124 = arith.constant 0 : i32
      %dma_wait3A_125 = tpu.memref_slice %arg4[%mul3A_8, %dma_wait3A_124] : memref<5120x125xi32, #tpu.memory_space<hbm>> -> memref<80x125xi32, #tpu.memory_space<hbm>>
      %dma_wait3A_126 = arith.constant 0 : i32
      %dma_wait3A_127 = tpu.memref_slice %arg4[%mul3A_8, %dma_wait3A_126] : memref<5120x125xi32, #tpu.memory_space<hbm>> -> memref<80x125xi32, #tpu.memory_space<hbm>>
      tpu.wait_dma2 semaphore(%run_scoped3A : memref<!tpu.dma_semaphore, #tpu.memory_space<semaphore_mem>>) src(%dma_wait3A_127 : memref<80x125xi32, #tpu.memory_space<hbm>>) dst(%arg7 : memref<80x125xi32, #tpu.memory_space<vmem>>)
      tpu.yield
    }) : () -> ()
    %add3A_9 = arith.constant 32 : i32
    %add3A_10 = arith.addi %add3A_9, %add3A : i32
    %mul3A_11 = arith.constant 80 : i32
    %mul3A_12 = arith.muli %add3A_10, %mul3A_11 : i32
    "tpu.region"() ({
      %run_scoped3A = tpu.sem_alloc : memref<!tpu.dma_semaphore, #tpu.memory_space<semaphore_mem>>
      %dma_start3A_120 = arith.constant 0 : i32
      %dma_start3A_121 = tpu.memref_slice %arg4[%mul3A_12, %dma_start3A_120] : memref<5120x125xi32, #tpu.memory_space<hbm>> -> memref<80x125xi32, #tpu.memory_space<hbm>>
      %dma_start3A_122 = arith.constant 0 : i32
      %dma_start3A_123 = tpu.memref_slice %arg4[%mul3A_12, %dma_start3A_122] : memref<5120x125xi32, #tpu.memory_space<hbm>> -> memref<80x125xi32, #tpu.memory_space<hbm>>
      tpu.enqueue_dma source(%dma_start3A_123 : memref<80x125xi32, #tpu.memory_space<hbm>>) target(%arg8 : memref<80x125xi32, #tpu.memory_space<vmem>>) target_semaphore(%run_scoped3A : memref<!tpu.dma_semaphore, #tpu.memory_space<semaphore_mem>>)
      %dma_wait3A_124 = arith.constant 0 : i32
      %dma_wait3A_125 = tpu.memref_slice %arg4[%mul3A_12, %dma_wait3A_124] : memref<5120x125xi32, #tpu.memory_space<hbm>> -> memref<80x125xi32, #tpu.memory_space<hbm>>
      %dma_wait3A_126 = arith.constant 0 : i32
      %dma_wait3A_127 = tpu.memref_slice %arg4[%mul3A_12, %dma_wait3A_126] : memref<5120x125xi32, #tpu.memory_space<hbm>> -> memref<80x125xi32, #tpu.memory_space<hbm>>
      tpu.wait_dma2 semaphore(%run_scoped3A : memref<!tpu.dma_semaphore, #tpu.memory_space<semaphore_mem>>) src(%dma_wait3A_127 : memref<80x125xi32, #tpu.memory_space<hbm>>) dst(%arg8 : memref<80x125xi32, #tpu.memory_space<vmem>>)
      tpu.yield
    }) : () -> ()
    %barrier3A = arith.constant 0 : index
    tpu.barrier barrier_id(%barrier3A)
    %dma_start3A = arith.constant 0 : i32
    %dma_start3A_13 = arith.constant 0 : i32
    %dma_start3A_14 = arith.constant 0 : i32
    %dma_start3A_15 = arith.constant 0 : i32
    %dma_start3A_16 = tpu.memref_slice %arg9[%dma_start3A_13, %dma_start3A_14, %dma_start3A_15] : memref<8x125x32xf32, #tpu.memory_space<vmem>> -> memref<1x125x32xf32, #tpu.memory_space<vmem>>
    %dma_start3A_17 = tpu.memref_squeeze %dma_start3A_16 : memref<1x125x32xf32, #tpu.memory_space<vmem>> -> memref<125x32xf32, #tpu.memory_space<vmem>>
    %dma_start3A_18 = arith.constant 0 : i32
    %dma_start3A_19 = tpu.memref_slice %arg7[%dma_start3A, %dma_start3A_18] : memref<80x125xi32, #tpu.memory_space<vmem>> -> memref<1x125xi32, #tpu.memory_space<vmem>>
    %dma_start3A_20 = tpu.memref_squeeze %dma_start3A_19 : memref<1x125xi32, #tpu.memory_space<vmem>> -> memref<125xi32, #tpu.memory_space<vmem>>
    %dma_start3A_21 = arith.constant 0 : i32
    %dma_start3A_22 = arith.constant 0 : i32
    %dma_start3A_23 = tpu.memref_slice %arg11[%dma_start3A_21, %dma_start3A_22] : memref<10000x32xf32, #tpu.memory_space<vmem_shared>> -> memref<10000x32xf32, #tpu.memory_space<vmem_shared>>
    tpu.enqueue_indirect_dma source(%dma_start3A_23 : memref<10000x32xf32, #tpu.memory_space<vmem_shared>>) target(%dma_start3A_17 : memref<125x32xf32, #tpu.memory_space<vmem>>) offsets(%dma_start3A_20 : memref<125xi32, #tpu.memory_space<vmem>>) semaphore(%arg12 : memref<!tpu.dma_semaphore, #tpu.memory_space<semaphore_mem>>)
    %dma_start3A_24 = arith.constant 1 : i32
    %dma_start3A_25 = arith.constant 1 : i32
    %dma_start3A_26 = arith.constant 0 : i32
    %dma_start3A_27 = arith.constant 0 : i32
    %dma_start3A_28 = tpu.memref_slice %arg9[%dma_start3A_25, %dma_start3A_26, %dma_start3A_27] : memref<8x125x32xf32, #tpu.memory_space<vmem>> -> memref<1x125x32xf32, #tpu.memory_space<vmem>>
    %dma_start3A_29 = tpu.memref_squeeze %dma_start3A_28 : memref<1x125x32xf32, #tpu.memory_space<vmem>> -> memref<125x32xf32, #tpu.memory_space<vmem>>
    %dma_start3A_30 = arith.constant 0 : i32
    %dma_start3A_31 = tpu.memref_slice %arg7[%dma_start3A_24, %dma_start3A_30] : memref<80x125xi32, #tpu.memory_space<vmem>> -> memref<1x125xi32, #tpu.memory_space<vmem>>
    %dma_start3A_32 = tpu.memref_squeeze %dma_start3A_31 : memref<1x125xi32, #tpu.memory_space<vmem>> -> memref<125xi32, #tpu.memory_space<vmem>>
    %dma_start3A_33 = arith.constant 0 : i32
    %dma_start3A_34 = arith.constant 0 : i32
    %dma_start3A_35 = tpu.memref_slice %arg11[%dma_start3A_33, %dma_start3A_34] : memref<10000x32xf32, #tpu.memory_space<vmem_shared>> -> memref<10000x32xf32, #tpu.memory_space<vmem_shared>>
    tpu.enqueue_indirect_dma source(%dma_start3A_35 : memref<10000x32xf32, #tpu.memory_space<vmem_shared>>) target(%dma_start3A_29 : memref<125x32xf32, #tpu.memory_space<vmem>>) offsets(%dma_start3A_32 : memref<125xi32, #tpu.memory_space<vmem>>) semaphore(%arg12 : memref<!tpu.dma_semaphore, #tpu.memory_space<semaphore_mem>>)
    %dma_start3A_36 = arith.constant 2 : i32
    %dma_start3A_37 = arith.constant 2 : i32
    %dma_start3A_38 = arith.constant 0 : i32
    %dma_start3A_39 = arith.constant 0 : i32
    %dma_start3A_40 = tpu.memref_slice %arg9[%dma_start3A_37, %dma_start3A_38, %dma_start3A_39] : memref<8x125x32xf32, #tpu.memory_space<vmem>> -> memref<1x125x32xf32, #tpu.memory_space<vmem>>
    %dma_start3A_41 = tpu.memref_squeeze %dma_start3A_40 : memref<1x125x32xf32, #tpu.memory_space<vmem>> -> memref<125x32xf32, #tpu.memory_space<vmem>>
    %dma_start3A_42 = arith.constant 0 : i32
    %dma_start3A_43 = tpu.memref_slice %arg7[%dma_start3A_36, %dma_start3A_42] : memref<80x125xi32, #tpu.memory_space<vmem>> -> memref<1x125xi32, #tpu.memory_space<vmem>>
    %dma_start3A_44 = tpu.memref_squeeze %dma_start3A_43 : memref<1x125xi32, #tpu.memory_space<vmem>> -> memref<125xi32, #tpu.memory_space<vmem>>
    %dma_start3A_45 = arith.constant 0 : i32
    %dma_start3A_46 = arith.constant 0 : i32
    %dma_start3A_47 = tpu.memref_slice %arg11[%dma_start3A_45, %dma_start3A_46] : memref<10000x32xf32, #tpu.memory_space<vmem_shared>> -> memref<10000x32xf32, #tpu.memory_space<vmem_shared>>
    tpu.enqueue_indirect_dma source(%dma_start3A_47 : memref<10000x32xf32, #tpu.memory_space<vmem_shared>>) target(%dma_start3A_41 : memref<125x32xf32, #tpu.memory_space<vmem>>) offsets(%dma_start3A_44 : memref<125xi32, #tpu.memory_space<vmem>>) semaphore(%arg12 : memref<!tpu.dma_semaphore, #tpu.memory_space<semaphore_mem>>)
    %dma_start3A_48 = arith.constant 3 : i32
    %dma_start3A_49 = arith.constant 3 : i32
    %dma_start3A_50 = arith.constant 0 : i32
    %dma_start3A_51 = arith.constant 0 : i32
    %dma_start3A_52 = tpu.memref_slice %arg9[%dma_start3A_49, %dma_start3A_50, %dma_start3A_51] : memref<8x125x32xf32, #tpu.memory_space<vmem>> -> memref<1x125x32xf32, #tpu.memory_space<vmem>>
    %dma_start3A_53 = tpu.memref_squeeze %dma_start3A_52 : memref<1x125x32xf32, #tpu.memory_space<vmem>> -> memref<125x32xf32, #tpu.memory_space<vmem>>
    %dma_start3A_54 = arith.constant 0 : i32
    %dma_start3A_55 = tpu.memref_slice %arg7[%dma_start3A_48, %dma_start3A_54] : memref<80x125xi32, #tpu.memory_space<vmem>> -> memref<1x125xi32, #tpu.memory_space<vmem>>
    %dma_start3A_56 = tpu.memref_squeeze %dma_start3A_55 : memref<1x125xi32, #tpu.memory_space<vmem>> -> memref<125xi32, #tpu.memory_space<vmem>>
    %dma_start3A_57 = arith.constant 0 : i32
    %dma_start3A_58 = arith.constant 0 : i32
    %dma_start3A_59 = tpu.memref_slice %arg11[%dma_start3A_57, %dma_start3A_58] : memref<10000x32xf32, #tpu.memory_space<vmem_shared>> -> memref<10000x32xf32, #tpu.memory_space<vmem_shared>>
    tpu.enqueue_indirect_dma source(%dma_start3A_59 : memref<10000x32xf32, #tpu.memory_space<vmem_shared>>) target(%dma_start3A_53 : memref<125x32xf32, #tpu.memory_space<vmem>>) offsets(%dma_start3A_56 : memref<125xi32, #tpu.memory_space<vmem>>) semaphore(%arg12 : memref<!tpu.dma_semaphore, #tpu.memory_space<semaphore_mem>>)
    %scan3A = arith.constant 0 : i32
    %scan3A_60 = arith.constant 0 : i32
    %scan3A_61 = arith.constant 10 : i32
    %scan3A_62 = arith.addi %scan3A_60, %scan3A_61 : i32
    %scan3A_63 = arith.constant 1 : i32
    scf.for %scan3A_120 = %scan3A_60 to %scan3A_62 step %scan3A_63  : i32 {
      %mul3A_121 = arith.constant 8 : i32
      %mul3A_122 = arith.muli %scan3A_120, %mul3A_121 : i32
      %add3A_123 = arith.constant 0 : i32
      %add3A_124 = arith.addi %mul3A_122, %add3A_123 : i32
      %dma_wait3A_125 = arith.constant 0 : i32
      %dma_wait3A_126 = arith.constant 0 : i32
      %dma_wait3A_127 = arith.constant 0 : i32
      %dma_wait3A_128 = tpu.memref_slice %arg9[%dma_wait3A_125, %dma_wait3A_126, %dma_wait3A_127] : memref<8x125x32xf32, #tpu.memory_space<vmem>> -> memref<1x125x32xf32, #tpu.memory_space<vmem>>
      %dma_wait3A_129 = tpu.memref_squeeze %dma_wait3A_128 : memref<1x125x32xf32, #tpu.memory_space<vmem>> -> memref<125x32xf32, #tpu.memory_space<vmem>>
      %dma_wait3A_130 = arith.constant 0 : i32
      %dma_wait3A_131 = tpu.memref_slice %arg7[%add3A_124, %dma_wait3A_130] : memref<80x125xi32, #tpu.memory_space<vmem>> -> memref<1x125xi32, #tpu.memory_space<vmem>>
      %dma_wait3A_132 = tpu.memref_squeeze %dma_wait3A_131 : memref<1x125xi32, #tpu.memory_space<vmem>> -> memref<125xi32, #tpu.memory_space<vmem>>
      %dma_wait3A_133 = arith.constant 0 : i32
      %dma_wait3A_134 = arith.constant 0 : i32
      %dma_wait3A_135 = tpu.memref_slice %arg11[%dma_wait3A_133, %dma_wait3A_134] : memref<10000x32xf32, #tpu.memory_space<vmem_shared>> -> memref<10000x32xf32, #tpu.memory_space<vmem_shared>>
      tpu.wait_indirect_dma semaphore(%arg12 : memref<!tpu.dma_semaphore, #tpu.memory_space<semaphore_mem>>) src(%dma_wait3A_135 : memref<10000x32xf32, #tpu.memory_space<vmem_shared>>) dst(%dma_wait3A_129 : memref<125x32xf32, #tpu.memory_space<vmem>>)
      %dma_start3A_136 = arith.constant 0 : i32
      %dma_start3A_137 = arith.constant 0 : i32
      %dma_start3A_138 = arith.constant 0 : i32
      %dma_start3A_139 = tpu.memref_slice %arg9[%dma_start3A_136, %dma_start3A_137, %dma_start3A_138] : memref<8x125x32xf32, #tpu.memory_space<vmem>> -> memref<1x125x32xf32, #tpu.memory_space<vmem>>
      %dma_start3A_140 = tpu.memref_squeeze %dma_start3A_139 : memref<1x125x32xf32, #tpu.memory_space<vmem>> -> memref<125x32xf32, #tpu.memory_space<vmem>>
      %dma_start3A_141 = arith.constant 0 : i32
      %dma_start3A_142 = tpu.memref_slice %arg8[%add3A_124, %dma_start3A_141] : memref<80x125xi32, #tpu.memory_space<vmem>> -> memref<1x125xi32, #tpu.memory_space<vmem>>
      %dma_start3A_143 = tpu.memref_squeeze %dma_start3A_142 : memref<1x125xi32, #tpu.memory_space<vmem>> -> memref<125xi32, #tpu.memory_space<vmem>>
      %dma_start3A_144 = arith.constant 0 : i32
      %dma_start3A_145 = arith.constant 0 : i32
      %dma_start3A_146 = tpu.memref_slice %arg10[%dma_start3A_144, %dma_start3A_145] : memref<10000x32xf32, #tpu.memory_space<vmem_shared>> -> memref<10000x32xf32, #tpu.memory_space<vmem_shared>>
      tpu.enqueue_indirect_dma source(%dma_start3A_140 : memref<125x32xf32, #tpu.memory_space<vmem>>) target(%dma_start3A_146 : memref<10000x32xf32, #tpu.memory_space<vmem_shared>>) offsets(%dma_start3A_143 : memref<125xi32, #tpu.memory_space<vmem>>) semaphore(%arg13 : memref<!tpu.dma_semaphore, #tpu.memory_space<semaphore_mem>>) {add = true}
      %ge3A = arith.constant 4 : i32
      %ge3A_147 = arith.cmpi sge, %add3A_124, %ge3A : i32
      %convert_element_type3A_148 = arith.extui %ge3A_147 : i1 to i32
      %cond3A_149 = arith.constant 0 : i32
      %cond3A_150 = arith.cmpi ne, %convert_element_type3A_148, %cond3A_149 : i32
      scf.if %cond3A_150 {
        %dma_wait3A_409 = arith.constant 0 : i32
        %dma_wait3A_410 = arith.constant 0 : i32
        %dma_wait3A_411 = arith.constant 0 : i32
        %dma_wait3A_412 = tpu.memref_slice %arg9[%dma_wait3A_409, %dma_wait3A_410, %dma_wait3A_411] : memref<8x125x32xf32, #tpu.memory_space<vmem>> -> memref<1x125x32xf32, #tpu.memory_space<vmem>>
        %dma_wait3A_413 = tpu.memref_squeeze %dma_wait3A_412 : memref<1x125x32xf32, #tpu.memory_space<vmem>> -> memref<125x32xf32, #tpu.memory_space<vmem>>
        %dma_wait3A_414 = arith.constant 0 : i32
        %dma_wait3A_415 = tpu.memref_slice %arg8[%add3A_124, %dma_wait3A_414] : memref<80x125xi32, #tpu.memory_space<vmem>> -> memref<1x125xi32, #tpu.memory_space<vmem>>
        %dma_wait3A_416 = tpu.memref_squeeze %dma_wait3A_415 : memref<1x125xi32, #tpu.memory_space<vmem>> -> memref<125xi32, #tpu.memory_space<vmem>>
        %dma_wait3A_417 = arith.constant 0 : i32
        %dma_wait3A_418 = arith.constant 0 : i32
        %dma_wait3A_419 = tpu.memref_slice %arg10[%dma_wait3A_417, %dma_wait3A_418] : memref<10000x32xf32, #tpu.memory_space<vmem_shared>> -> memref<10000x32xf32, #tpu.memory_space<vmem_shared>>
        tpu.wait_indirect_dma semaphore(%arg13 : memref<!tpu.dma_semaphore, #tpu.memory_space<semaphore_mem>>) src(%dma_wait3A_413 : memref<125x32xf32, #tpu.memory_space<vmem>>) dst(%dma_wait3A_419 : memref<10000x32xf32, #tpu.memory_space<vmem_shared>>)
      } else {
      }
      %add3A_151 = arith.constant 4 : i32
      %add3A_152 = arith.addi %add3A_124, %add3A_151 : i32
      %lt3A = arith.constant 80 : i32
      %lt3A_153 = arith.cmpi slt, %add3A_152, %lt3A : i32
      %convert_element_type3A_154 = arith.extui %lt3A_153 : i1 to i32
      %cond3A_155 = arith.constant 0 : i32
      %cond3A_156 = arith.cmpi ne, %convert_element_type3A_154, %cond3A_155 : i32
      scf.if %cond3A_156 {
        %dma_start3A_409 = arith.constant 4 : i32
        %dma_start3A_410 = arith.constant 0 : i32
        %dma_start3A_411 = arith.constant 0 : i32
        %dma_start3A_412 = tpu.memref_slice %arg9[%dma_start3A_409, %dma_start3A_410, %dma_start3A_411] : memref<8x125x32xf32, #tpu.memory_space<vmem>> -> memref<1x125x32xf32, #tpu.memory_space<vmem>>
        %dma_start3A_413 = tpu.memref_squeeze %dma_start3A_412 : memref<1x125x32xf32, #tpu.memory_space<vmem>> -> memref<125x32xf32, #tpu.memory_space<vmem>>
        %dma_start3A_414 = arith.constant 0 : i32
        %dma_start3A_415 = tpu.memref_slice %arg7[%add3A_152, %dma_start3A_414] : memref<80x125xi32, #tpu.memory_space<vmem>> -> memref<1x125xi32, #tpu.memory_space<vmem>>
        %dma_start3A_416 = tpu.memref_squeeze %dma_start3A_415 : memref<1x125xi32, #tpu.memory_space<vmem>> -> memref<125xi32, #tpu.memory_space<vmem>>
        %dma_start3A_417 = arith.constant 0 : i32
        %dma_start3A_418 = arith.constant 0 : i32
        %dma_start3A_419 = tpu.memref_slice %arg11[%dma_start3A_417, %dma_start3A_418] : memref<10000x32xf32, #tpu.memory_space<vmem_shared>> -> memref<10000x32xf32, #tpu.memory_space<vmem_shared>>
        tpu.enqueue_indirect_dma source(%dma_start3A_419 : memref<10000x32xf32, #tpu.memory_space<vmem_shared>>) target(%dma_start3A_413 : memref<125x32xf32, #tpu.memory_space<vmem>>) offsets(%dma_start3A_416 : memref<125xi32, #tpu.memory_space<vmem>>) semaphore(%arg12 : memref<!tpu.dma_semaphore, #tpu.memory_space<semaphore_mem>>)
      } else {
      }
      %add3A_157 = arith.constant 1 : i32
      %add3A_158 = arith.addi %mul3A_122, %add3A_157 : i32
      %dma_wait3A_159 = arith.constant 1 : i32
      %dma_wait3A_160 = arith.constant 0 : i32
      %dma_wait3A_161 = arith.constant 0 : i32
      %dma_wait3A_162 = tpu.memref_slice %arg9[%dma_wait3A_159, %dma_wait3A_160, %dma_wait3A_161] : memref<8x125x32xf32, #tpu.memory_space<vmem>> -> memref<1x125x32xf32, #tpu.memory_space<vmem>>
      %dma_wait3A_163 = tpu.memref_squeeze %dma_wait3A_162 : memref<1x125x32xf32, #tpu.memory_space<vmem>> -> memref<125x32xf32, #tpu.memory_space<vmem>>
      %dma_wait3A_164 = arith.constant 0 : i32
      %dma_wait3A_165 = tpu.memref_slice %arg7[%add3A_158, %dma_wait3A_164] : memref<80x125xi32, #tpu.memory_space<vmem>> -> memref<1x125xi32, #tpu.memory_space<vmem>>
      %dma_wait3A_166 = tpu.memref_squeeze %dma_wait3A_165 : memref<1x125xi32, #tpu.memory_space<vmem>> -> memref<125xi32, #tpu.memory_space<vmem>>
      %dma_wait3A_167 = arith.constant 0 : i32
      %dma_wait3A_168 = arith.constant 0 : i32
      %dma_wait3A_169 = tpu.memref_slice %arg11[%dma_wait3A_167, %dma_wait3A_168] : memref<10000x32xf32, #tpu.memory_space<vmem_shared>> -> memref<10000x32xf32, #tpu.memory_space<vmem_shared>>
      tpu.wait_indirect_dma semaphore(%arg12 : memref<!tpu.dma_semaphore, #tpu.memory_space<semaphore_mem>>) src(%dma_wait3A_169 : memref<10000x32xf32, #tpu.memory_space<vmem_shared>>) dst(%dma_wait3A_163 : memref<125x32xf32, #tpu.memory_space<vmem>>)
      %dma_start3A_170 = arith.constant 1 : i32
      %dma_start3A_171 = arith.constant 0 : i32
      %dma_start3A_172 = arith.constant 0 : i32
      %dma_start3A_173 = tpu.memref_slice %arg9[%dma_start3A_170, %dma_start3A_171, %dma_start3A_172] : memref<8x125x32xf32, #tpu.memory_space<vmem>> -> memref<1x125x32xf32, #tpu.memory_space<vmem>>
      %dma_start3A_174 = tpu.memref_squeeze %dma_start3A_173 : memref<1x125x32xf32, #tpu.memory_space<vmem>> -> memref<125x32xf32, #tpu.memory_space<vmem>>
      %dma_start3A_175 = arith.constant 0 : i32
      %dma_start3A_176 = tpu.memref_slice %arg8[%add3A_158, %dma_start3A_175] : memref<80x125xi32, #tpu.memory_space<vmem>> -> memref<1x125xi32, #tpu.memory_space<vmem>>
      %dma_start3A_177 = tpu.memref_squeeze %dma_start3A_176 : memref<1x125xi32, #tpu.memory_space<vmem>> -> memref<125xi32, #tpu.memory_space<vmem>>
      %dma_start3A_178 = arith.constant 0 : i32
      %dma_start3A_179 = arith.constant 0 : i32
      %dma_start3A_180 = tpu.memref_slice %arg10[%dma_start3A_178, %dma_start3A_179] : memref<10000x32xf32, #tpu.memory_space<vmem_shared>> -> memref<10000x32xf32, #tpu.memory_space<vmem_shared>>
      tpu.enqueue_indirect_dma source(%dma_start3A_174 : memref<125x32xf32, #tpu.memory_space<vmem>>) target(%dma_start3A_180 : memref<10000x32xf32, #tpu.memory_space<vmem_shared>>) offsets(%dma_start3A_177 : memref<125xi32, #tpu.memory_space<vmem>>) semaphore(%arg13 : memref<!tpu.dma_semaphore, #tpu.memory_space<semaphore_mem>>) {add = true}
      %ge3A_181 = arith.constant 4 : i32
      %ge3A_182 = arith.cmpi sge, %add3A_158, %ge3A_181 : i32
      %convert_element_type3A_183 = arith.extui %ge3A_182 : i1 to i32
      %cond3A_184 = arith.constant 0 : i32
      %cond3A_185 = arith.cmpi ne, %convert_element_type3A_183, %cond3A_184 : i32
      scf.if %cond3A_185 {
        %dma_wait3A_409 = arith.constant 1 : i32
        %dma_wait3A_410 = arith.constant 0 : i32
        %dma_wait3A_411 = arith.constant 0 : i32
        %dma_wait3A_412 = tpu.memref_slice %arg9[%dma_wait3A_409, %dma_wait3A_410, %dma_wait3A_411] : memref<8x125x32xf32, #tpu.memory_space<vmem>> -> memref<1x125x32xf32, #tpu.memory_space<vmem>>
        %dma_wait3A_413 = tpu.memref_squeeze %dma_wait3A_412 : memref<1x125x32xf32, #tpu.memory_space<vmem>> -> memref<125x32xf32, #tpu.memory_space<vmem>>
        %dma_wait3A_414 = arith.constant 0 : i32
        %dma_wait3A_415 = tpu.memref_slice %arg8[%add3A_158, %dma_wait3A_414] : memref<80x125xi32, #tpu.memory_space<vmem>> -> memref<1x125xi32, #tpu.memory_space<vmem>>
        %dma_wait3A_416 = tpu.memref_squeeze %dma_wait3A_415 : memref<1x125xi32, #tpu.memory_space<vmem>> -> memref<125xi32, #tpu.memory_space<vmem>>
        %dma_wait3A_417 = arith.constant 0 : i32
        %dma_wait3A_418 = arith.constant 0 : i32
        %dma_wait3A_419 = tpu.memref_slice %arg10[%dma_wait3A_417, %dma_wait3A_418] : memref<10000x32xf32, #tpu.memory_space<vmem_shared>> -> memref<10000x32xf32, #tpu.memory_space<vmem_shared>>
        tpu.wait_indirect_dma semaphore(%arg13 : memref<!tpu.dma_semaphore, #tpu.memory_space<semaphore_mem>>) src(%dma_wait3A_413 : memref<125x32xf32, #tpu.memory_space<vmem>>) dst(%dma_wait3A_419 : memref<10000x32xf32, #tpu.memory_space<vmem_shared>>)
      } else {
      }
      %add3A_186 = arith.constant 4 : i32
      %add3A_187 = arith.addi %add3A_158, %add3A_186 : i32
      %lt3A_188 = arith.constant 80 : i32
      %lt3A_189 = arith.cmpi slt, %add3A_187, %lt3A_188 : i32
      %convert_element_type3A_190 = arith.extui %lt3A_189 : i1 to i32
      %cond3A_191 = arith.constant 0 : i32
      %cond3A_192 = arith.cmpi ne, %convert_element_type3A_190, %cond3A_191 : i32
      scf.if %cond3A_192 {
        %dma_start3A_409 = arith.constant 5 : i32
        %dma_start3A_410 = arith.constant 0 : i32
        %dma_start3A_411 = arith.constant 0 : i32
        %dma_start3A_412 = tpu.memref_slice %arg9[%dma_start3A_409, %dma_start3A_410, %dma_start3A_411] : memref<8x125x32xf32, #tpu.memory_space<vmem>> -> memref<1x125x32xf32, #tpu.memory_space<vmem>>
        %dma_start3A_413 = tpu.memref_squeeze %dma_start3A_412 : memref<1x125x32xf32, #tpu.memory_space<vmem>> -> memref<125x32xf32, #tpu.memory_space<vmem>>
        %dma_start3A_414 = arith.constant 0 : i32
        %dma_start3A_415 = tpu.memref_slice %arg7[%add3A_187, %dma_start3A_414] : memref<80x125xi32, #tpu.memory_space<vmem>> -> memref<1x125xi32, #tpu.memory_space<vmem>>
        %dma_start3A_416 = tpu.memref_squeeze %dma_start3A_415 : memref<1x125xi32, #tpu.memory_space<vmem>> -> memref<125xi32, #tpu.memory_space<vmem>>
        %dma_start3A_417 = arith.constant 0 : i32
        %dma_start3A_418 = arith.constant 0 : i32
        %dma_start3A_419 = tpu.memref_slice %arg11[%dma_start3A_417, %dma_start3A_418] : memref<10000x32xf32, #tpu.memory_space<vmem_shared>> -> memref<10000x32xf32, #tpu.memory_space<vmem_shared>>
        tpu.enqueue_indirect_dma source(%dma_start3A_419 : memref<10000x32xf32, #tpu.memory_space<vmem_shared>>) target(%dma_start3A_413 : memref<125x32xf32, #tpu.memory_space<vmem>>) offsets(%dma_start3A_416 : memref<125xi32, #tpu.memory_space<vmem>>) semaphore(%arg12 : memref<!tpu.dma_semaphore, #tpu.memory_space<semaphore_mem>>)
      } else {
      }
      %add3A_193 = arith.constant 2 : i32
      %add3A_194 = arith.addi %mul3A_122, %add3A_193 : i32
      %dma_wait3A_195 = arith.constant 2 : i32
      %dma_wait3A_196 = arith.constant 0 : i32
      %dma_wait3A_197 = arith.constant 0 : i32
      %dma_wait3A_198 = tpu.memref_slice %arg9[%dma_wait3A_195, %dma_wait3A_196, %dma_wait3A_197] : memref<8x125x32xf32, #tpu.memory_space<vmem>> -> memref<1x125x32xf32, #tpu.memory_space<vmem>>
      %dma_wait3A_199 = tpu.memref_squeeze %dma_wait3A_198 : memref<1x125x32xf32, #tpu.memory_space<vmem>> -> memref<125x32xf32, #tpu.memory_space<vmem>>
      %dma_wait3A_200 = arith.constant 0 : i32
      %dma_wait3A_201 = tpu.memref_slice %arg7[%add3A_194, %dma_wait3A_200] : memref<80x125xi32, #tpu.memory_space<vmem>> -> memref<1x125xi32, #tpu.memory_space<vmem>>
      %dma_wait3A_202 = tpu.memref_squeeze %dma_wait3A_201 : memref<1x125xi32, #tpu.memory_space<vmem>> -> memref<125xi32, #tpu.memory_space<vmem>>
      %dma_wait3A_203 = arith.constant 0 : i32
      %dma_wait3A_204 = arith.constant 0 : i32
      %dma_wait3A_205 = tpu.memref_slice %arg11[%dma_wait3A_203, %dma_wait3A_204] : memref<10000x32xf32, #tpu.memory_space<vmem_shared>> -> memref<10000x32xf32, #tpu.memory_space<vmem_shared>>
      tpu.wait_indirect_dma semaphore(%arg12 : memref<!tpu.dma_semaphore, #tpu.memory_space<semaphore_mem>>) src(%dma_wait3A_205 : memref<10000x32xf32, #tpu.memory_space<vmem_shared>>) dst(%dma_wait3A_199 : memref<125x32xf32, #tpu.memory_space<vmem>>)
      %dma_start3A_206 = arith.constant 2 : i32
      %dma_start3A_207 = arith.constant 0 : i32
      %dma_start3A_208 = arith.constant 0 : i32
      %dma_start3A_209 = tpu.memref_slice %arg9[%dma_start3A_206, %dma_start3A_207, %dma_start3A_208] : memref<8x125x32xf32, #tpu.memory_space<vmem>> -> memref<1x125x32xf32, #tpu.memory_space<vmem>>
      %dma_start3A_210 = tpu.memref_squeeze %dma_start3A_209 : memref<1x125x32xf32, #tpu.memory_space<vmem>> -> memref<125x32xf32, #tpu.memory_space<vmem>>
      %dma_start3A_211 = arith.constant 0 : i32
      %dma_start3A_212 = tpu.memref_slice %arg8[%add3A_194, %dma_start3A_211] : memref<80x125xi32, #tpu.memory_space<vmem>> -> memref<1x125xi32, #tpu.memory_space<vmem>>
      %dma_start3A_213 = tpu.memref_squeeze %dma_start3A_212 : memref<1x125xi32, #tpu.memory_space<vmem>> -> memref<125xi32, #tpu.memory_space<vmem>>
      %dma_start3A_214 = arith.constant 0 : i32
      %dma_start3A_215 = arith.constant 0 : i32
      %dma_start3A_216 = tpu.memref_slice %arg10[%dma_start3A_214, %dma_start3A_215] : memref<10000x32xf32, #tpu.memory_space<vmem_shared>> -> memref<10000x32xf32, #tpu.memory_space<vmem_shared>>
      tpu.enqueue_indirect_dma source(%dma_start3A_210 : memref<125x32xf32, #tpu.memory_space<vmem>>) target(%dma_start3A_216 : memref<10000x32xf32, #tpu.memory_space<vmem_shared>>) offsets(%dma_start3A_213 : memref<125xi32, #tpu.memory_space<vmem>>) semaphore(%arg13 : memref<!tpu.dma_semaphore, #tpu.memory_space<semaphore_mem>>) {add = true}
      %ge3A_217 = arith.constant 4 : i32
      %ge3A_218 = arith.cmpi sge, %add3A_194, %ge3A_217 : i32
      %convert_element_type3A_219 = arith.extui %ge3A_218 : i1 to i32
      %cond3A_220 = arith.constant 0 : i32
      %cond3A_221 = arith.cmpi ne, %convert_element_type3A_219, %cond3A_220 : i32
      scf.if %cond3A_221 {
        %dma_wait3A_409 = arith.constant 2 : i32
        %dma_wait3A_410 = arith.constant 0 : i32
        %dma_wait3A_411 = arith.constant 0 : i32
        %dma_wait3A_412 = tpu.memref_slice %arg9[%dma_wait3A_409, %dma_wait3A_410, %dma_wait3A_411] : memref<8x125x32xf32, #tpu.memory_space<vmem>> -> memref<1x125x32xf32, #tpu.memory_space<vmem>>
        %dma_wait3A_413 = tpu.memref_squeeze %dma_wait3A_412 : memref<1x125x32xf32, #tpu.memory_space<vmem>> -> memref<125x32xf32, #tpu.memory_space<vmem>>
        %dma_wait3A_414 = arith.constant 0 : i32
        %dma_wait3A_415 = tpu.memref_slice %arg8[%add3A_194, %dma_wait3A_414] : memref<80x125xi32, #tpu.memory_space<vmem>> -> memref<1x125xi32, #tpu.memory_space<vmem>>
        %dma_wait3A_416 = tpu.memref_squeeze %dma_wait3A_415 : memref<1x125xi32, #tpu.memory_space<vmem>> -> memref<125xi32, #tpu.memory_space<vmem>>
        %dma_wait3A_417 = arith.constant 0 : i32
        %dma_wait3A_418 = arith.constant 0 : i32
        %dma_wait3A_419 = tpu.memref_slice %arg10[%dma_wait3A_417, %dma_wait3A_418] : memref<10000x32xf32, #tpu.memory_space<vmem_shared>> -> memref<10000x32xf32, #tpu.memory_space<vmem_shared>>
        tpu.wait_indirect_dma semaphore(%arg13 : memref<!tpu.dma_semaphore, #tpu.memory_space<semaphore_mem>>) src(%dma_wait3A_413 : memref<125x32xf32, #tpu.memory_space<vmem>>) dst(%dma_wait3A_419 : memref<10000x32xf32, #tpu.memory_space<vmem_shared>>)
      } else {
      }
      %add3A_222 = arith.constant 4 : i32
      %add3A_223 = arith.addi %add3A_194, %add3A_222 : i32
      %lt3A_224 = arith.constant 80 : i32
      %lt3A_225 = arith.cmpi slt, %add3A_223, %lt3A_224 : i32
      %convert_element_type3A_226 = arith.extui %lt3A_225 : i1 to i32
      %cond3A_227 = arith.constant 0 : i32
      %cond3A_228 = arith.cmpi ne, %convert_element_type3A_226, %cond3A_227 : i32
      scf.if %cond3A_228 {
        %dma_start3A_409 = arith.constant 6 : i32
        %dma_start3A_410 = arith.constant 0 : i32
        %dma_start3A_411 = arith.constant 0 : i32
        %dma_start3A_412 = tpu.memref_slice %arg9[%dma_start3A_409, %dma_start3A_410, %dma_start3A_411] : memref<8x125x32xf32, #tpu.memory_space<vmem>> -> memref<1x125x32xf32, #tpu.memory_space<vmem>>
        %dma_start3A_413 = tpu.memref_squeeze %dma_start3A_412 : memref<1x125x32xf32, #tpu.memory_space<vmem>> -> memref<125x32xf32, #tpu.memory_space<vmem>>
        %dma_start3A_414 = arith.constant 0 : i32
        %dma_start3A_415 = tpu.memref_slice %arg7[%add3A_223, %dma_start3A_414] : memref<80x125xi32, #tpu.memory_space<vmem>> -> memref<1x125xi32, #tpu.memory_space<vmem>>
        %dma_start3A_416 = tpu.memref_squeeze %dma_start3A_415 : memref<1x125xi32, #tpu.memory_space<vmem>> -> memref<125xi32, #tpu.memory_space<vmem>>
        %dma_start3A_417 = arith.constant 0 : i32
        %dma_start3A_418 = arith.constant 0 : i32
        %dma_start3A_419 = tpu.memref_slice %arg11[%dma_start3A_417, %dma_start3A_418] : memref<10000x32xf32, #tpu.memory_space<vmem_shared>> -> memref<10000x32xf32, #tpu.memory_space<vmem_shared>>
        tpu.enqueue_indirect_dma source(%dma_start3A_419 : memref<10000x32xf32, #tpu.memory_space<vmem_shared>>) target(%dma_start3A_413 : memref<125x32xf32, #tpu.memory_space<vmem>>) offsets(%dma_start3A_416 : memref<125xi32, #tpu.memory_space<vmem>>) semaphore(%arg12 : memref<!tpu.dma_semaphore, #tpu.memory_space<semaphore_mem>>)
      } else {
      }
      %add3A_229 = arith.constant 3 : i32
      %add3A_230 = arith.addi %mul3A_122, %add3A_229 : i32
      %dma_wait3A_231 = arith.constant 3 : i32
      %dma_wait3A_232 = arith.constant 0 : i32
      %dma_wait3A_233 = arith.constant 0 : i32
      %dma_wait3A_234 = tpu.memref_slice %arg9[%dma_wait3A_231, %dma_wait3A_232, %dma_wait3A_233] : memref<8x125x32xf32, #tpu.memory_space<vmem>> -> memref<1x125x32xf32, #tpu.memory_space<vmem>>
      %dma_wait3A_235 = tpu.memref_squeeze %dma_wait3A_234 : memref<1x125x32xf32, #tpu.memory_space<vmem>> -> memref<125x32xf32, #tpu.memory_space<vmem>>
      %dma_wait3A_236 = arith.constant 0 : i32
      %dma_wait3A_237 = tpu.memref_slice %arg7[%add3A_230, %dma_wait3A_236] : memref<80x125xi32, #tpu.memory_space<vmem>> -> memref<1x125xi32, #tpu.memory_space<vmem>>
      %dma_wait3A_238 = tpu.memref_squeeze %dma_wait3A_237 : memref<1x125xi32, #tpu.memory_space<vmem>> -> memref<125xi32, #tpu.memory_space<vmem>>
      %dma_wait3A_239 = arith.constant 0 : i32
      %dma_wait3A_240 = arith.constant 0 : i32
      %dma_wait3A_241 = tpu.memref_slice %arg11[%dma_wait3A_239, %dma_wait3A_240] : memref<10000x32xf32, #tpu.memory_space<vmem_shared>> -> memref<10000x32xf32, #tpu.memory_space<vmem_shared>>
      tpu.wait_indirect_dma semaphore(%arg12 : memref<!tpu.dma_semaphore, #tpu.memory_space<semaphore_mem>>) src(%dma_wait3A_241 : memref<10000x32xf32, #tpu.memory_space<vmem_shared>>) dst(%dma_wait3A_235 : memref<125x32xf32, #tpu.memory_space<vmem>>)
      %dma_start3A_242 = arith.constant 3 : i32
      %dma_start3A_243 = arith.constant 0 : i32
      %dma_start3A_244 = arith.constant 0 : i32
      %dma_start3A_245 = tpu.memref_slice %arg9[%dma_start3A_242, %dma_start3A_243, %dma_start3A_244] : memref<8x125x32xf32, #tpu.memory_space<vmem>> -> memref<1x125x32xf32, #tpu.memory_space<vmem>>
      %dma_start3A_246 = tpu.memref_squeeze %dma_start3A_245 : memref<1x125x32xf32, #tpu.memory_space<vmem>> -> memref<125x32xf32, #tpu.memory_space<vmem>>
      %dma_start3A_247 = arith.constant 0 : i32
      %dma_start3A_248 = tpu.memref_slice %arg8[%add3A_230, %dma_start3A_247] : memref<80x125xi32, #tpu.memory_space<vmem>> -> memref<1x125xi32, #tpu.memory_space<vmem>>
      %dma_start3A_249 = tpu.memref_squeeze %dma_start3A_248 : memref<1x125xi32, #tpu.memory_space<vmem>> -> memref<125xi32, #tpu.memory_space<vmem>>
      %dma_start3A_250 = arith.constant 0 : i32
      %dma_start3A_251 = arith.constant 0 : i32
      %dma_start3A_252 = tpu.memref_slice %arg10[%dma_start3A_250, %dma_start3A_251] : memref<10000x32xf32, #tpu.memory_space<vmem_shared>> -> memref<10000x32xf32, #tpu.memory_space<vmem_shared>>
      tpu.enqueue_indirect_dma source(%dma_start3A_246 : memref<125x32xf32, #tpu.memory_space<vmem>>) target(%dma_start3A_252 : memref<10000x32xf32, #tpu.memory_space<vmem_shared>>) offsets(%dma_start3A_249 : memref<125xi32, #tpu.memory_space<vmem>>) semaphore(%arg13 : memref<!tpu.dma_semaphore, #tpu.memory_space<semaphore_mem>>) {add = true}
      %ge3A_253 = arith.constant 4 : i32
      %ge3A_254 = arith.cmpi sge, %add3A_230, %ge3A_253 : i32
      %convert_element_type3A_255 = arith.extui %ge3A_254 : i1 to i32
      %cond3A_256 = arith.constant 0 : i32
      %cond3A_257 = arith.cmpi ne, %convert_element_type3A_255, %cond3A_256 : i32
      scf.if %cond3A_257 {
        %dma_wait3A_409 = arith.constant 3 : i32
        %dma_wait3A_410 = arith.constant 0 : i32
        %dma_wait3A_411 = arith.constant 0 : i32
        %dma_wait3A_412 = tpu.memref_slice %arg9[%dma_wait3A_409, %dma_wait3A_410, %dma_wait3A_411] : memref<8x125x32xf32, #tpu.memory_space<vmem>> -> memref<1x125x32xf32, #tpu.memory_space<vmem>>
        %dma_wait3A_413 = tpu.memref_squeeze %dma_wait3A_412 : memref<1x125x32xf32, #tpu.memory_space<vmem>> -> memref<125x32xf32, #tpu.memory_space<vmem>>
        %dma_wait3A_414 = arith.constant 0 : i32
        %dma_wait3A_415 = tpu.memref_slice %arg8[%add3A_230, %dma_wait3A_414] : memref<80x125xi32, #tpu.memory_space<vmem>> -> memref<1x125xi32, #tpu.memory_space<vmem>>
        %dma_wait3A_416 = tpu.memref_squeeze %dma_wait3A_415 : memref<1x125xi32, #tpu.memory_space<vmem>> -> memref<125xi32, #tpu.memory_space<vmem>>
        %dma_wait3A_417 = arith.constant 0 : i32
        %dma_wait3A_418 = arith.constant 0 : i32
        %dma_wait3A_419 = tpu.memref_slice %arg10[%dma_wait3A_417, %dma_wait3A_418] : memref<10000x32xf32, #tpu.memory_space<vmem_shared>> -> memref<10000x32xf32, #tpu.memory_space<vmem_shared>>
        tpu.wait_indirect_dma semaphore(%arg13 : memref<!tpu.dma_semaphore, #tpu.memory_space<semaphore_mem>>) src(%dma_wait3A_413 : memref<125x32xf32, #tpu.memory_space<vmem>>) dst(%dma_wait3A_419 : memref<10000x32xf32, #tpu.memory_space<vmem_shared>>)
      } else {
      }
      %add3A_258 = arith.constant 4 : i32
      %add3A_259 = arith.addi %add3A_230, %add3A_258 : i32
      %lt3A_260 = arith.constant 80 : i32
      %lt3A_261 = arith.cmpi slt, %add3A_259, %lt3A_260 : i32
      %convert_element_type3A_262 = arith.extui %lt3A_261 : i1 to i32
      %cond3A_263 = arith.constant 0 : i32
      %cond3A_264 = arith.cmpi ne, %convert_element_type3A_262, %cond3A_263 : i32
      scf.if %cond3A_264 {
        %dma_start3A_409 = arith.constant 7 : i32
        %dma_start3A_410 = arith.constant 0 : i32
        %dma_start3A_411 = arith.constant 0 : i32
        %dma_start3A_412 = tpu.memref_slice %arg9[%dma_start3A_409, %dma_start3A_410, %dma_start3A_411] : memref<8x125x32xf32, #tpu.memory_space<vmem>> -> memref<1x125x32xf32, #tpu.memory_space<vmem>>
        %dma_start3A_413 = tpu.memref_squeeze %dma_start3A_412 : memref<1x125x32xf32, #tpu.memory_space<vmem>> -> memref<125x32xf32, #tpu.memory_space<vmem>>
        %dma_start3A_414 = arith.constant 0 : i32
        %dma_start3A_415 = tpu.memref_slice %arg7[%add3A_259, %dma_start3A_414] : memref<80x125xi32, #tpu.memory_space<vmem>> -> memref<1x125xi32, #tpu.memory_space<vmem>>
        %dma_start3A_416 = tpu.memref_squeeze %dma_start3A_415 : memref<1x125xi32, #tpu.memory_space<vmem>> -> memref<125xi32, #tpu.memory_space<vmem>>
        %dma_start3A_417 = arith.constant 0 : i32
        %dma_start3A_418 = arith.constant 0 : i32
        %dma_start3A_419 = tpu.memref_slice %arg11[%dma_start3A_417, %dma_start3A_418] : memref<10000x32xf32, #tpu.memory_space<vmem_shared>> -> memref<10000x32xf32, #tpu.memory_space<vmem_shared>>
        tpu.enqueue_indirect_dma source(%dma_start3A_419 : memref<10000x32xf32, #tpu.memory_space<vmem_shared>>) target(%dma_start3A_413 : memref<125x32xf32, #tpu.memory_space<vmem>>) offsets(%dma_start3A_416 : memref<125xi32, #tpu.memory_space<vmem>>) semaphore(%arg12 : memref<!tpu.dma_semaphore, #tpu.memory_space<semaphore_mem>>)
      } else {
      }
      %add3A_265 = arith.constant 4 : i32
      %add3A_266 = arith.addi %mul3A_122, %add3A_265 : i32
      %dma_wait3A_267 = arith.constant 4 : i32
      %dma_wait3A_268 = arith.constant 0 : i32
      %dma_wait3A_269 = arith.constant 0 : i32
      %dma_wait3A_270 = tpu.memref_slice %arg9[%dma_wait3A_267, %dma_wait3A_268, %dma_wait3A_269] : memref<8x125x32xf32, #tpu.memory_space<vmem>> -> memref<1x125x32xf32, #tpu.memory_space<vmem>>
      %dma_wait3A_271 = tpu.memref_squeeze %dma_wait3A_270 : memref<1x125x32xf32, #tpu.memory_space<vmem>> -> memref<125x32xf32, #tpu.memory_space<vmem>>
      %dma_wait3A_272 = arith.constant 0 : i32
      %dma_wait3A_273 = tpu.memref_slice %arg7[%add3A_266, %dma_wait3A_272] : memref<80x125xi32, #tpu.memory_space<vmem>> -> memref<1x125xi32, #tpu.memory_space<vmem>>
      %dma_wait3A_274 = tpu.memref_squeeze %dma_wait3A_273 : memref<1x125xi32, #tpu.memory_space<vmem>> -> memref<125xi32, #tpu.memory_space<vmem>>
      %dma_wait3A_275 = arith.constant 0 : i32
      %dma_wait3A_276 = arith.constant 0 : i32
      %dma_wait3A_277 = tpu.memref_slice %arg11[%dma_wait3A_275, %dma_wait3A_276] : memref<10000x32xf32, #tpu.memory_space<vmem_shared>> -> memref<10000x32xf32, #tpu.memory_space<vmem_shared>>
      tpu.wait_indirect_dma semaphore(%arg12 : memref<!tpu.dma_semaphore, #tpu.memory_space<semaphore_mem>>) src(%dma_wait3A_277 : memref<10000x32xf32, #tpu.memory_space<vmem_shared>>) dst(%dma_wait3A_271 : memref<125x32xf32, #tpu.memory_space<vmem>>)
      %dma_start3A_278 = arith.constant 4 : i32
      %dma_start3A_279 = arith.constant 0 : i32
      %dma_start3A_280 = arith.constant 0 : i32
      %dma_start3A_281 = tpu.memref_slice %arg9[%dma_start3A_278, %dma_start3A_279, %dma_start3A_280] : memref<8x125x32xf32, #tpu.memory_space<vmem>> -> memref<1x125x32xf32, #tpu.memory_space<vmem>>
      %dma_start3A_282 = tpu.memref_squeeze %dma_start3A_281 : memref<1x125x32xf32, #tpu.memory_space<vmem>> -> memref<125x32xf32, #tpu.memory_space<vmem>>
      %dma_start3A_283 = arith.constant 0 : i32
      %dma_start3A_284 = tpu.memref_slice %arg8[%add3A_266, %dma_start3A_283] : memref<80x125xi32, #tpu.memory_space<vmem>> -> memref<1x125xi32, #tpu.memory_space<vmem>>
      %dma_start3A_285 = tpu.memref_squeeze %dma_start3A_284 : memref<1x125xi32, #tpu.memory_space<vmem>> -> memref<125xi32, #tpu.memory_space<vmem>>
      %dma_start3A_286 = arith.constant 0 : i32
      %dma_start3A_287 = arith.constant 0 : i32
      %dma_start3A_288 = tpu.memref_slice %arg10[%dma_start3A_286, %dma_start3A_287] : memref<10000x32xf32, #tpu.memory_space<vmem_shared>> -> memref<10000x32xf32, #tpu.memory_space<vmem_shared>>
      tpu.enqueue_indirect_dma source(%dma_start3A_282 : memref<125x32xf32, #tpu.memory_space<vmem>>) target(%dma_start3A_288 : memref<10000x32xf32, #tpu.memory_space<vmem_shared>>) offsets(%dma_start3A_285 : memref<125xi32, #tpu.memory_space<vmem>>) semaphore(%arg13 : memref<!tpu.dma_semaphore, #tpu.memory_space<semaphore_mem>>) {add = true}
      %ge3A_289 = arith.constant 4 : i32
      %ge3A_290 = arith.cmpi sge, %add3A_266, %ge3A_289 : i32
      %convert_element_type3A_291 = arith.extui %ge3A_290 : i1 to i32
      %cond3A_292 = arith.constant 0 : i32
      %cond3A_293 = arith.cmpi ne, %convert_element_type3A_291, %cond3A_292 : i32
      scf.if %cond3A_293 {
        %dma_wait3A_409 = arith.constant 4 : i32
        %dma_wait3A_410 = arith.constant 0 : i32
        %dma_wait3A_411 = arith.constant 0 : i32
        %dma_wait3A_412 = tpu.memref_slice %arg9[%dma_wait3A_409, %dma_wait3A_410, %dma_wait3A_411] : memref<8x125x32xf32, #tpu.memory_space<vmem>> -> memref<1x125x32xf32, #tpu.memory_space<vmem>>
        %dma_wait3A_413 = tpu.memref_squeeze %dma_wait3A_412 : memref<1x125x32xf32, #tpu.memory_space<vmem>> -> memref<125x32xf32, #tpu.memory_space<vmem>>
        %dma_wait3A_414 = arith.constant 0 : i32
        %dma_wait3A_415 = tpu.memref_slice %arg8[%add3A_266, %dma_wait3A_414] : memref<80x125xi32, #tpu.memory_space<vmem>> -> memref<1x125xi32, #tpu.memory_space<vmem>>
        %dma_wait3A_416 = tpu.memref_squeeze %dma_wait3A_415 : memref<1x125xi32, #tpu.memory_space<vmem>> -> memref<125xi32, #tpu.memory_space<vmem>>
        %dma_wait3A_417 = arith.constant 0 : i32
        %dma_wait3A_418 = arith.constant 0 : i32
        %dma_wait3A_419 = tpu.memref_slice %arg10[%dma_wait3A_417, %dma_wait3A_418] : memref<10000x32xf32, #tpu.memory_space<vmem_shared>> -> memref<10000x32xf32, #tpu.memory_space<vmem_shared>>
        tpu.wait_indirect_dma semaphore(%arg13 : memref<!tpu.dma_semaphore, #tpu.memory_space<semaphore_mem>>) src(%dma_wait3A_413 : memref<125x32xf32, #tpu.memory_space<vmem>>) dst(%dma_wait3A_419 : memref<10000x32xf32, #tpu.memory_space<vmem_shared>>)
      } else {
      }
      %add3A_294 = arith.constant 4 : i32
      %add3A_295 = arith.addi %add3A_266, %add3A_294 : i32
      %lt3A_296 = arith.constant 80 : i32
      %lt3A_297 = arith.cmpi slt, %add3A_295, %lt3A_296 : i32
      %convert_element_type3A_298 = arith.extui %lt3A_297 : i1 to i32
      %cond3A_299 = arith.constant 0 : i32
      %cond3A_300 = arith.cmpi ne, %convert_element_type3A_298, %cond3A_299 : i32
      scf.if %cond3A_300 {
        %dma_start3A_409 = arith.constant 0 : i32
        %dma_start3A_410 = arith.constant 0 : i32
        %dma_start3A_411 = arith.constant 0 : i32
        %dma_start3A_412 = tpu.memref_slice %arg9[%dma_start3A_409, %dma_start3A_410, %dma_start3A_411] : memref<8x125x32xf32, #tpu.memory_space<vmem>> -> memref<1x125x32xf32, #tpu.memory_space<vmem>>
        %dma_start3A_413 = tpu.memref_squeeze %dma_start3A_412 : memref<1x125x32xf32, #tpu.memory_space<vmem>> -> memref<125x32xf32, #tpu.memory_space<vmem>>
        %dma_start3A_414 = arith.constant 0 : i32
        %dma_start3A_415 = tpu.memref_slice %arg7[%add3A_295, %dma_start3A_414] : memref<80x125xi32, #tpu.memory_space<vmem>> -> memref<1x125xi32, #tpu.memory_space<vmem>>
        %dma_start3A_416 = tpu.memref_squeeze %dma_start3A_415 : memref<1x125xi32, #tpu.memory_space<vmem>> -> memref<125xi32, #tpu.memory_space<vmem>>
        %dma_start3A_417 = arith.constant 0 : i32
        %dma_start3A_418 = arith.constant 0 : i32
        %dma_start3A_419 = tpu.memref_slice %arg11[%dma_start3A_417, %dma_start3A_418] : memref<10000x32xf32, #tpu.memory_space<vmem_shared>> -> memref<10000x32xf32, #tpu.memory_space<vmem_shared>>
        tpu.enqueue_indirect_dma source(%dma_start3A_419 : memref<10000x32xf32, #tpu.memory_space<vmem_shared>>) target(%dma_start3A_413 : memref<125x32xf32, #tpu.memory_space<vmem>>) offsets(%dma_start3A_416 : memref<125xi32, #tpu.memory_space<vmem>>) semaphore(%arg12 : memref<!tpu.dma_semaphore, #tpu.memory_space<semaphore_mem>>)
      } else {
      }
      %add3A_301 = arith.constant 5 : i32
      %add3A_302 = arith.addi %mul3A_122, %add3A_301 : i32
      %dma_wait3A_303 = arith.constant 5 : i32
      %dma_wait3A_304 = arith.constant 0 : i32
      %dma_wait3A_305 = arith.constant 0 : i32
      %dma_wait3A_306 = tpu.memref_slice %arg9[%dma_wait3A_303, %dma_wait3A_304, %dma_wait3A_305] : memref<8x125x32xf32, #tpu.memory_space<vmem>> -> memref<1x125x32xf32, #tpu.memory_space<vmem>>
      %dma_wait3A_307 = tpu.memref_squeeze %dma_wait3A_306 : memref<1x125x32xf32, #tpu.memory_space<vmem>> -> memref<125x32xf32, #tpu.memory_space<vmem>>
      %dma_wait3A_308 = arith.constant 0 : i32
      %dma_wait3A_309 = tpu.memref_slice %arg7[%add3A_302, %dma_wait3A_308] : memref<80x125xi32, #tpu.memory_space<vmem>> -> memref<1x125xi32, #tpu.memory_space<vmem>>
      %dma_wait3A_310 = tpu.memref_squeeze %dma_wait3A_309 : memref<1x125xi32, #tpu.memory_space<vmem>> -> memref<125xi32, #tpu.memory_space<vmem>>
      %dma_wait3A_311 = arith.constant 0 : i32
      %dma_wait3A_312 = arith.constant 0 : i32
      %dma_wait3A_313 = tpu.memref_slice %arg11[%dma_wait3A_311, %dma_wait3A_312] : memref<10000x32xf32, #tpu.memory_space<vmem_shared>> -> memref<10000x32xf32, #tpu.memory_space<vmem_shared>>
      tpu.wait_indirect_dma semaphore(%arg12 : memref<!tpu.dma_semaphore, #tpu.memory_space<semaphore_mem>>) src(%dma_wait3A_313 : memref<10000x32xf32, #tpu.memory_space<vmem_shared>>) dst(%dma_wait3A_307 : memref<125x32xf32, #tpu.memory_space<vmem>>)
      %dma_start3A_314 = arith.constant 5 : i32
      %dma_start3A_315 = arith.constant 0 : i32
      %dma_start3A_316 = arith.constant 0 : i32
      %dma_start3A_317 = tpu.memref_slice %arg9[%dma_start3A_314, %dma_start3A_315, %dma_start3A_316] : memref<8x125x32xf32, #tpu.memory_space<vmem>> -> memref<1x125x32xf32, #tpu.memory_space<vmem>>
      %dma_start3A_318 = tpu.memref_squeeze %dma_start3A_317 : memref<1x125x32xf32, #tpu.memory_space<vmem>> -> memref<125x32xf32, #tpu.memory_space<vmem>>
      %dma_start3A_319 = arith.constant 0 : i32
      %dma_start3A_320 = tpu.memref_slice %arg8[%add3A_302, %dma_start3A_319] : memref<80x125xi32, #tpu.memory_space<vmem>> -> memref<1x125xi32, #tpu.memory_space<vmem>>
      %dma_start3A_321 = tpu.memref_squeeze %dma_start3A_320 : memref<1x125xi32, #tpu.memory_space<vmem>> -> memref<125xi32, #tpu.memory_space<vmem>>
      %dma_start3A_322 = arith.constant 0 : i32
      %dma_start3A_323 = arith.constant 0 : i32
      %dma_start3A_324 = tpu.memref_slice %arg10[%dma_start3A_322, %dma_start3A_323] : memref<10000x32xf32, #tpu.memory_space<vmem_shared>> -> memref<10000x32xf32, #tpu.memory_space<vmem_shared>>
      tpu.enqueue_indirect_dma source(%dma_start3A_318 : memref<125x32xf32, #tpu.memory_space<vmem>>) target(%dma_start3A_324 : memref<10000x32xf32, #tpu.memory_space<vmem_shared>>) offsets(%dma_start3A_321 : memref<125xi32, #tpu.memory_space<vmem>>) semaphore(%arg13 : memref<!tpu.dma_semaphore, #tpu.memory_space<semaphore_mem>>) {add = true}
      %ge3A_325 = arith.constant 4 : i32
      %ge3A_326 = arith.cmpi sge, %add3A_302, %ge3A_325 : i32
      %convert_element_type3A_327 = arith.extui %ge3A_326 : i1 to i32
      %cond3A_328 = arith.constant 0 : i32
      %cond3A_329 = arith.cmpi ne, %convert_element_type3A_327, %cond3A_328 : i32
      scf.if %cond3A_329 {
        %dma_wait3A_409 = arith.constant 5 : i32
        %dma_wait3A_410 = arith.constant 0 : i32
        %dma_wait3A_411 = arith.constant 0 : i32
        %dma_wait3A_412 = tpu.memref_slice %arg9[%dma_wait3A_409, %dma_wait3A_410, %dma_wait3A_411] : memref<8x125x32xf32, #tpu.memory_space<vmem>> -> memref<1x125x32xf32, #tpu.memory_space<vmem>>
        %dma_wait3A_413 = tpu.memref_squeeze %dma_wait3A_412 : memref<1x125x32xf32, #tpu.memory_space<vmem>> -> memref<125x32xf32, #tpu.memory_space<vmem>>
        %dma_wait3A_414 = arith.constant 0 : i32
        %dma_wait3A_415 = tpu.memref_slice %arg8[%add3A_302, %dma_wait3A_414] : memref<80x125xi32, #tpu.memory_space<vmem>> -> memref<1x125xi32, #tpu.memory_space<vmem>>
        %dma_wait3A_416 = tpu.memref_squeeze %dma_wait3A_415 : memref<1x125xi32, #tpu.memory_space<vmem>> -> memref<125xi32, #tpu.memory_space<vmem>>
        %dma_wait3A_417 = arith.constant 0 : i32
        %dma_wait3A_418 = arith.constant 0 : i32
        %dma_wait3A_419 = tpu.memref_slice %arg10[%dma_wait3A_417, %dma_wait3A_418] : memref<10000x32xf32, #tpu.memory_space<vmem_shared>> -> memref<10000x32xf32, #tpu.memory_space<vmem_shared>>
        tpu.wait_indirect_dma semaphore(%arg13 : memref<!tpu.dma_semaphore, #tpu.memory_space<semaphore_mem>>) src(%dma_wait3A_413 : memref<125x32xf32, #tpu.memory_space<vmem>>) dst(%dma_wait3A_419 : memref<10000x32xf32, #tpu.memory_space<vmem_shared>>)
      } else {
      }
      %add3A_330 = arith.constant 4 : i32
      %add3A_331 = arith.addi %add3A_302, %add3A_330 : i32
      %lt3A_332 = arith.constant 80 : i32
      %lt3A_333 = arith.cmpi slt, %add3A_331, %lt3A_332 : i32
      %convert_element_type3A_334 = arith.extui %lt3A_333 : i1 to i32
      %cond3A_335 = arith.constant 0 : i32
      %cond3A_336 = arith.cmpi ne, %convert_element_type3A_334, %cond3A_335 : i32
      scf.if %cond3A_336 {
        %dma_start3A_409 = arith.constant 1 : i32
        %dma_start3A_410 = arith.constant 0 : i32
        %dma_start3A_411 = arith.constant 0 : i32
        %dma_start3A_412 = tpu.memref_slice %arg9[%dma_start3A_409, %dma_start3A_410, %dma_start3A_411] : memref<8x125x32xf32, #tpu.memory_space<vmem>> -> memref<1x125x32xf32, #tpu.memory_space<vmem>>
        %dma_start3A_413 = tpu.memref_squeeze %dma_start3A_412 : memref<1x125x32xf32, #tpu.memory_space<vmem>> -> memref<125x32xf32, #tpu.memory_space<vmem>>
        %dma_start3A_414 = arith.constant 0 : i32
        %dma_start3A_415 = tpu.memref_slice %arg7[%add3A_331, %dma_start3A_414] : memref<80x125xi32, #tpu.memory_space<vmem>> -> memref<1x125xi32, #tpu.memory_space<vmem>>
        %dma_start3A_416 = tpu.memref_squeeze %dma_start3A_415 : memref<1x125xi32, #tpu.memory_space<vmem>> -> memref<125xi32, #tpu.memory_space<vmem>>
        %dma_start3A_417 = arith.constant 0 : i32
        %dma_start3A_418 = arith.constant 0 : i32
        %dma_start3A_419 = tpu.memref_slice %arg11[%dma_start3A_417, %dma_start3A_418] : memref<10000x32xf32, #tpu.memory_space<vmem_shared>> -> memref<10000x32xf32, #tpu.memory_space<vmem_shared>>
        tpu.enqueue_indirect_dma source(%dma_start3A_419 : memref<10000x32xf32, #tpu.memory_space<vmem_shared>>) target(%dma_start3A_413 : memref<125x32xf32, #tpu.memory_space<vmem>>) offsets(%dma_start3A_416 : memref<125xi32, #tpu.memory_space<vmem>>) semaphore(%arg12 : memref<!tpu.dma_semaphore, #tpu.memory_space<semaphore_mem>>)
      } else {
      }
      %add3A_337 = arith.constant 6 : i32
      %add3A_338 = arith.addi %mul3A_122, %add3A_337 : i32
      %dma_wait3A_339 = arith.constant 6 : i32
      %dma_wait3A_340 = arith.constant 0 : i32
      %dma_wait3A_341 = arith.constant 0 : i32
      %dma_wait3A_342 = tpu.memref_slice %arg9[%dma_wait3A_339, %dma_wait3A_340, %dma_wait3A_341] : memref<8x125x32xf32, #tpu.memory_space<vmem>> -> memref<1x125x32xf32, #tpu.memory_space<vmem>>
      %dma_wait3A_343 = tpu.memref_squeeze %dma_wait3A_342 : memref<1x125x32xf32, #tpu.memory_space<vmem>> -> memref<125x32xf32, #tpu.memory_space<vmem>>
      %dma_wait3A_344 = arith.constant 0 : i32
      %dma_wait3A_345 = tpu.memref_slice %arg7[%add3A_338, %dma_wait3A_344] : memref<80x125xi32, #tpu.memory_space<vmem>> -> memref<1x125xi32, #tpu.memory_space<vmem>>
      %dma_wait3A_346 = tpu.memref_squeeze %dma_wait3A_345 : memref<1x125xi32, #tpu.memory_space<vmem>> -> memref<125xi32, #tpu.memory_space<vmem>>
      %dma_wait3A_347 = arith.constant 0 : i32
      %dma_wait3A_348 = arith.constant 0 : i32
      %dma_wait3A_349 = tpu.memref_slice %arg11[%dma_wait3A_347, %dma_wait3A_348] : memref<10000x32xf32, #tpu.memory_space<vmem_shared>> -> memref<10000x32xf32, #tpu.memory_space<vmem_shared>>
      tpu.wait_indirect_dma semaphore(%arg12 : memref<!tpu.dma_semaphore, #tpu.memory_space<semaphore_mem>>) src(%dma_wait3A_349 : memref<10000x32xf32, #tpu.memory_space<vmem_shared>>) dst(%dma_wait3A_343 : memref<125x32xf32, #tpu.memory_space<vmem>>)
      %dma_start3A_350 = arith.constant 6 : i32
      %dma_start3A_351 = arith.constant 0 : i32
      %dma_start3A_352 = arith.constant 0 : i32
      %dma_start3A_353 = tpu.memref_slice %arg9[%dma_start3A_350, %dma_start3A_351, %dma_start3A_352] : memref<8x125x32xf32, #tpu.memory_space<vmem>> -> memref<1x125x32xf32, #tpu.memory_space<vmem>>
      %dma_start3A_354 = tpu.memref_squeeze %dma_start3A_353 : memref<1x125x32xf32, #tpu.memory_space<vmem>> -> memref<125x32xf32, #tpu.memory_space<vmem>>
      %dma_start3A_355 = arith.constant 0 : i32
      %dma_start3A_356 = tpu.memref_slice %arg8[%add3A_338, %dma_start3A_355] : memref<80x125xi32, #tpu.memory_space<vmem>> -> memref<1x125xi32, #tpu.memory_space<vmem>>
      %dma_start3A_357 = tpu.memref_squeeze %dma_start3A_356 : memref<1x125xi32, #tpu.memory_space<vmem>> -> memref<125xi32, #tpu.memory_space<vmem>>
      %dma_start3A_358 = arith.constant 0 : i32
      %dma_start3A_359 = arith.constant 0 : i32
      %dma_start3A_360 = tpu.memref_slice %arg10[%dma_start3A_358, %dma_start3A_359] : memref<10000x32xf32, #tpu.memory_space<vmem_shared>> -> memref<10000x32xf32, #tpu.memory_space<vmem_shared>>
      tpu.enqueue_indirect_dma source(%dma_start3A_354 : memref<125x32xf32, #tpu.memory_space<vmem>>) target(%dma_start3A_360 : memref<10000x32xf32, #tpu.memory_space<vmem_shared>>) offsets(%dma_start3A_357 : memref<125xi32, #tpu.memory_space<vmem>>) semaphore(%arg13 : memref<!tpu.dma_semaphore, #tpu.memory_space<semaphore_mem>>) {add = true}
      %ge3A_361 = arith.constant 4 : i32
      %ge3A_362 = arith.cmpi sge, %add3A_338, %ge3A_361 : i32
      %convert_element_type3A_363 = arith.extui %ge3A_362 : i1 to i32
      %cond3A_364 = arith.constant 0 : i32
      %cond3A_365 = arith.cmpi ne, %convert_element_type3A_363, %cond3A_364 : i32
      scf.if %cond3A_365 {
        %dma_wait3A_409 = arith.constant 6 : i32
        %dma_wait3A_410 = arith.constant 0 : i32
        %dma_wait3A_411 = arith.constant 0 : i32
        %dma_wait3A_412 = tpu.memref_slice %arg9[%dma_wait3A_409, %dma_wait3A_410, %dma_wait3A_411] : memref<8x125x32xf32, #tpu.memory_space<vmem>> -> memref<1x125x32xf32, #tpu.memory_space<vmem>>
        %dma_wait3A_413 = tpu.memref_squeeze %dma_wait3A_412 : memref<1x125x32xf32, #tpu.memory_space<vmem>> -> memref<125x32xf32, #tpu.memory_space<vmem>>
        %dma_wait3A_414 = arith.constant 0 : i32
        %dma_wait3A_415 = tpu.memref_slice %arg8[%add3A_338, %dma_wait3A_414] : memref<80x125xi32, #tpu.memory_space<vmem>> -> memref<1x125xi32, #tpu.memory_space<vmem>>
        %dma_wait3A_416 = tpu.memref_squeeze %dma_wait3A_415 : memref<1x125xi32, #tpu.memory_space<vmem>> -> memref<125xi32, #tpu.memory_space<vmem>>
        %dma_wait3A_417 = arith.constant 0 : i32
        %dma_wait3A_418 = arith.constant 0 : i32
        %dma_wait3A_419 = tpu.memref_slice %arg10[%dma_wait3A_417, %dma_wait3A_418] : memref<10000x32xf32, #tpu.memory_space<vmem_shared>> -> memref<10000x32xf32, #tpu.memory_space<vmem_shared>>
        tpu.wait_indirect_dma semaphore(%arg13 : memref<!tpu.dma_semaphore, #tpu.memory_space<semaphore_mem>>) src(%dma_wait3A_413 : memref<125x32xf32, #tpu.memory_space<vmem>>) dst(%dma_wait3A_419 : memref<10000x32xf32, #tpu.memory_space<vmem_shared>>)
      } else {
      }
      %add3A_366 = arith.constant 4 : i32
      %add3A_367 = arith.addi %add3A_338, %add3A_366 : i32
      %lt3A_368 = arith.constant 80 : i32
      %lt3A_369 = arith.cmpi slt, %add3A_367, %lt3A_368 : i32
      %convert_element_type3A_370 = arith.extui %lt3A_369 : i1 to i32
      %cond3A_371 = arith.constant 0 : i32
      %cond3A_372 = arith.cmpi ne, %convert_element_type3A_370, %cond3A_371 : i32
      scf.if %cond3A_372 {
        %dma_start3A_409 = arith.constant 2 : i32
        %dma_start3A_410 = arith.constant 0 : i32
        %dma_start3A_411 = arith.constant 0 : i32
        %dma_start3A_412 = tpu.memref_slice %arg9[%dma_start3A_409, %dma_start3A_410, %dma_start3A_411] : memref<8x125x32xf32, #tpu.memory_space<vmem>> -> memref<1x125x32xf32, #tpu.memory_space<vmem>>
        %dma_start3A_413 = tpu.memref_squeeze %dma_start3A_412 : memref<1x125x32xf32, #tpu.memory_space<vmem>> -> memref<125x32xf32, #tpu.memory_space<vmem>>
        %dma_start3A_414 = arith.constant 0 : i32
        %dma_start3A_415 = tpu.memref_slice %arg7[%add3A_367, %dma_start3A_414] : memref<80x125xi32, #tpu.memory_space<vmem>> -> memref<1x125xi32, #tpu.memory_space<vmem>>
        %dma_start3A_416 = tpu.memref_squeeze %dma_start3A_415 : memref<1x125xi32, #tpu.memory_space<vmem>> -> memref<125xi32, #tpu.memory_space<vmem>>
        %dma_start3A_417 = arith.constant 0 : i32
        %dma_start3A_418 = arith.constant 0 : i32
        %dma_start3A_419 = tpu.memref_slice %arg11[%dma_start3A_417, %dma_start3A_418] : memref<10000x32xf32, #tpu.memory_space<vmem_shared>> -> memref<10000x32xf32, #tpu.memory_space<vmem_shared>>
        tpu.enqueue_indirect_dma source(%dma_start3A_419 : memref<10000x32xf32, #tpu.memory_space<vmem_shared>>) target(%dma_start3A_413 : memref<125x32xf32, #tpu.memory_space<vmem>>) offsets(%dma_start3A_416 : memref<125xi32, #tpu.memory_space<vmem>>) semaphore(%arg12 : memref<!tpu.dma_semaphore, #tpu.memory_space<semaphore_mem>>)
      } else {
      }
      %add3A_373 = arith.constant 7 : i32
      %add3A_374 = arith.addi %mul3A_122, %add3A_373 : i32
      %dma_wait3A_375 = arith.constant 7 : i32
      %dma_wait3A_376 = arith.constant 0 : i32
      %dma_wait3A_377 = arith.constant 0 : i32
      %dma_wait3A_378 = tpu.memref_slice %arg9[%dma_wait3A_375, %dma_wait3A_376, %dma_wait3A_377] : memref<8x125x32xf32, #tpu.memory_space<vmem>> -> memref<1x125x32xf32, #tpu.memory_space<vmem>>
      %dma_wait3A_379 = tpu.memref_squeeze %dma_wait3A_378 : memref<1x125x32xf32, #tpu.memory_space<vmem>> -> memref<125x32xf32, #tpu.memory_space<vmem>>
      %dma_wait3A_380 = arith.constant 0 : i32
      %dma_wait3A_381 = tpu.memref_slice %arg7[%add3A_374, %dma_wait3A_380] : memref<80x125xi32, #tpu.memory_space<vmem>> -> memref<1x125xi32, #tpu.memory_space<vmem>>
      %dma_wait3A_382 = tpu.memref_squeeze %dma_wait3A_381 : memref<1x125xi32, #tpu.memory_space<vmem>> -> memref<125xi32, #tpu.memory_space<vmem>>
      %dma_wait3A_383 = arith.constant 0 : i32
      %dma_wait3A_384 = arith.constant 0 : i32
      %dma_wait3A_385 = tpu.memref_slice %arg11[%dma_wait3A_383, %dma_wait3A_384] : memref<10000x32xf32, #tpu.memory_space<vmem_shared>> -> memref<10000x32xf32, #tpu.memory_space<vmem_shared>>
      tpu.wait_indirect_dma semaphore(%arg12 : memref<!tpu.dma_semaphore, #tpu.memory_space<semaphore_mem>>) src(%dma_wait3A_385 : memref<10000x32xf32, #tpu.memory_space<vmem_shared>>) dst(%dma_wait3A_379 : memref<125x32xf32, #tpu.memory_space<vmem>>)
      %dma_start3A_386 = arith.constant 7 : i32
      %dma_start3A_387 = arith.constant 0 : i32
      %dma_start3A_388 = arith.constant 0 : i32
      %dma_start3A_389 = tpu.memref_slice %arg9[%dma_start3A_386, %dma_start3A_387, %dma_start3A_388] : memref<8x125x32xf32, #tpu.memory_space<vmem>> -> memref<1x125x32xf32, #tpu.memory_space<vmem>>
      %dma_start3A_390 = tpu.memref_squeeze %dma_start3A_389 : memref<1x125x32xf32, #tpu.memory_space<vmem>> -> memref<125x32xf32, #tpu.memory_space<vmem>>
      %dma_start3A_391 = arith.constant 0 : i32
      %dma_start3A_392 = tpu.memref_slice %arg8[%add3A_374, %dma_start3A_391] : memref<80x125xi32, #tpu.memory_space<vmem>> -> memref<1x125xi32, #tpu.memory_space<vmem>>
      %dma_start3A_393 = tpu.memref_squeeze %dma_start3A_392 : memref<1x125xi32, #tpu.memory_space<vmem>> -> memref<125xi32, #tpu.memory_space<vmem>>
      %dma_start3A_394 = arith.constant 0 : i32
      %dma_start3A_395 = arith.constant 0 : i32
      %dma_start3A_396 = tpu.memref_slice %arg10[%dma_start3A_394, %dma_start3A_395] : memref<10000x32xf32, #tpu.memory_space<vmem_shared>> -> memref<10000x32xf32, #tpu.memory_space<vmem_shared>>
      tpu.enqueue_indirect_dma source(%dma_start3A_390 : memref<125x32xf32, #tpu.memory_space<vmem>>) target(%dma_start3A_396 : memref<10000x32xf32, #tpu.memory_space<vmem_shared>>) offsets(%dma_start3A_393 : memref<125xi32, #tpu.memory_space<vmem>>) semaphore(%arg13 : memref<!tpu.dma_semaphore, #tpu.memory_space<semaphore_mem>>) {add = true}
      %ge3A_397 = arith.constant 4 : i32
      %ge3A_398 = arith.cmpi sge, %add3A_374, %ge3A_397 : i32
      %convert_element_type3A_399 = arith.extui %ge3A_398 : i1 to i32
      %cond3A_400 = arith.constant 0 : i32
      %cond3A_401 = arith.cmpi ne, %convert_element_type3A_399, %cond3A_400 : i32
      scf.if %cond3A_401 {
        %dma_wait3A_409 = arith.constant 7 : i32
        %dma_wait3A_410 = arith.constant 0 : i32
        %dma_wait3A_411 = arith.constant 0 : i32
        %dma_wait3A_412 = tpu.memref_slice %arg9[%dma_wait3A_409, %dma_wait3A_410, %dma_wait3A_411] : memref<8x125x32xf32, #tpu.memory_space<vmem>> -> memref<1x125x32xf32, #tpu.memory_space<vmem>>
        %dma_wait3A_413 = tpu.memref_squeeze %dma_wait3A_412 : memref<1x125x32xf32, #tpu.memory_space<vmem>> -> memref<125x32xf32, #tpu.memory_space<vmem>>
        %dma_wait3A_414 = arith.constant 0 : i32
        %dma_wait3A_415 = tpu.memref_slice %arg8[%add3A_374, %dma_wait3A_414] : memref<80x125xi32, #tpu.memory_space<vmem>> -> memref<1x125xi32, #tpu.memory_space<vmem>>
        %dma_wait3A_416 = tpu.memref_squeeze %dma_wait3A_415 : memref<1x125xi32, #tpu.memory_space<vmem>> -> memref<125xi32, #tpu.memory_space<vmem>>
        %dma_wait3A_417 = arith.constant 0 : i32
        %dma_wait3A_418 = arith.constant 0 : i32
        %dma_wait3A_419 = tpu.memref_slice %arg10[%dma_wait3A_417, %dma_wait3A_418] : memref<10000x32xf32, #tpu.memory_space<vmem_shared>> -> memref<10000x32xf32, #tpu.memory_space<vmem_shared>>
        tpu.wait_indirect_dma semaphore(%arg13 : memref<!tpu.dma_semaphore, #tpu.memory_space<semaphore_mem>>) src(%dma_wait3A_413 : memref<125x32xf32, #tpu.memory_space<vmem>>) dst(%dma_wait3A_419 : memref<10000x32xf32, #tpu.memory_space<vmem_shared>>)
      } else {
      }
      %add3A_402 = arith.constant 4 : i32
      %add3A_403 = arith.addi %add3A_374, %add3A_402 : i32
      %lt3A_404 = arith.constant 80 : i32
      %lt3A_405 = arith.cmpi slt, %add3A_403, %lt3A_404 : i32
      %convert_element_type3A_406 = arith.extui %lt3A_405 : i1 to i32
      %cond3A_407 = arith.constant 0 : i32
      %cond3A_408 = arith.cmpi ne, %convert_element_type3A_406, %cond3A_407 : i32
      scf.if %cond3A_408 {
        %dma_start3A_409 = arith.constant 3 : i32
        %dma_start3A_410 = arith.constant 0 : i32
        %dma_start3A_411 = arith.constant 0 : i32
        %dma_start3A_412 = tpu.memref_slice %arg9[%dma_start3A_409, %dma_start3A_410, %dma_start3A_411] : memref<8x125x32xf32, #tpu.memory_space<vmem>> -> memref<1x125x32xf32, #tpu.memory_space<vmem>>
        %dma_start3A_413 = tpu.memref_squeeze %dma_start3A_412 : memref<1x125x32xf32, #tpu.memory_space<vmem>> -> memref<125x32xf32, #tpu.memory_space<vmem>>
        %dma_start3A_414 = arith.constant 0 : i32
        %dma_start3A_415 = tpu.memref_slice %arg7[%add3A_403, %dma_start3A_414] : memref<80x125xi32, #tpu.memory_space<vmem>> -> memref<1x125xi32, #tpu.memory_space<vmem>>
        %dma_start3A_416 = tpu.memref_squeeze %dma_start3A_415 : memref<1x125xi32, #tpu.memory_space<vmem>> -> memref<125xi32, #tpu.memory_space<vmem>>
        %dma_start3A_417 = arith.constant 0 : i32
        %dma_start3A_418 = arith.constant 0 : i32
        %dma_start3A_419 = tpu.memref_slice %arg11[%dma_start3A_417, %dma_start3A_418] : memref<10000x32xf32, #tpu.memory_space<vmem_shared>> -> memref<10000x32xf32, #tpu.memory_space<vmem_shared>>
        tpu.enqueue_indirect_dma source(%dma_start3A_419 : memref<10000x32xf32, #tpu.memory_space<vmem_shared>>) target(%dma_start3A_413 : memref<125x32xf32, #tpu.memory_space<vmem>>) offsets(%dma_start3A_416 : memref<125xi32, #tpu.memory_space<vmem>>) semaphore(%arg12 : memref<!tpu.dma_semaphore, #tpu.memory_space<semaphore_mem>>)
      } else {
      }
    }
    %scan3A_64 = arith.constant 10 : i32
    %dma_wait3A = arith.constant 0 : i32
    %dma_wait3A_65 = arith.constant 0 : i32
    %dma_wait3A_66 = arith.constant 0 : i32
    %dma_wait3A_67 = arith.constant 0 : i32
    %dma_wait3A_68 = tpu.memref_slice %arg9[%dma_wait3A, %dma_wait3A_66, %dma_wait3A_67] : memref<8x125x32xf32, #tpu.memory_space<vmem>> -> memref<1x125x32xf32, #tpu.memory_space<vmem>>
    %dma_wait3A_69 = tpu.memref_squeeze %dma_wait3A_68 : memref<1x125x32xf32, #tpu.memory_space<vmem>> -> memref<125x32xf32, #tpu.memory_space<vmem>>
    %dma_wait3A_70 = arith.constant 0 : i32
    %dma_wait3A_71 = tpu.memref_slice %arg8[%dma_wait3A_65, %dma_wait3A_70] : memref<80x125xi32, #tpu.memory_space<vmem>> -> memref<1x125xi32, #tpu.memory_space<vmem>>
    %dma_wait3A_72 = tpu.memref_squeeze %dma_wait3A_71 : memref<1x125xi32, #tpu.memory_space<vmem>> -> memref<125xi32, #tpu.memory_space<vmem>>
    %dma_wait3A_73 = arith.constant 0 : i32
    %dma_wait3A_74 = arith.constant 0 : i32
    %dma_wait3A_75 = tpu.memref_slice %arg10[%dma_wait3A_73, %dma_wait3A_74] : memref<10000x32xf32, #tpu.memory_space<vmem_shared>> -> memref<10000x32xf32, #tpu.memory_space<vmem_shared>>
    tpu.wait_indirect_dma semaphore(%arg13 : memref<!tpu.dma_semaphore, #tpu.memory_space<semaphore_mem>>) src(%dma_wait3A_69 : memref<125x32xf32, #tpu.memory_space<vmem>>) dst(%dma_wait3A_75 : memref<10000x32xf32, #tpu.memory_space<vmem_shared>>)
    %dma_wait3A_76 = arith.constant 0 : i32
    %dma_wait3A_77 = arith.constant 0 : i32
    %dma_wait3A_78 = arith.constant 0 : i32
    %dma_wait3A_79 = arith.constant 0 : i32
    %dma_wait3A_80 = tpu.memref_slice %arg9[%dma_wait3A_76, %dma_wait3A_78, %dma_wait3A_79] : memref<8x125x32xf32, #tpu.memory_space<vmem>> -> memref<1x125x32xf32, #tpu.memory_space<vmem>>
    %dma_wait3A_81 = tpu.memref_squeeze %dma_wait3A_80 : memref<1x125x32xf32, #tpu.memory_space<vmem>> -> memref<125x32xf32, #tpu.memory_space<vmem>>
    %dma_wait3A_82 = arith.constant 0 : i32
    %dma_wait3A_83 = tpu.memref_slice %arg8[%dma_wait3A_77, %dma_wait3A_82] : memref<80x125xi32, #tpu.memory_space<vmem>> -> memref<1x125xi32, #tpu.memory_space<vmem>>
    %dma_wait3A_84 = tpu.memref_squeeze %dma_wait3A_83 : memref<1x125xi32, #tpu.memory_space<vmem>> -> memref<125xi32, #tpu.memory_space<vmem>>
    %dma_wait3A_85 = arith.constant 0 : i32
    %dma_wait3A_86 = arith.constant 0 : i32
    %dma_wait3A_87 = tpu.memref_slice %arg10[%dma_wait3A_85, %dma_wait3A_86] : memref<10000x32xf32, #tpu.memory_space<vmem_shared>> -> memref<10000x32xf32, #tpu.memory_space<vmem_shared>>
    tpu.wait_indirect_dma semaphore(%arg13 : memref<!tpu.dma_semaphore, #tpu.memory_space<semaphore_mem>>) src(%dma_wait3A_81 : memref<125x32xf32, #tpu.memory_space<vmem>>) dst(%dma_wait3A_87 : memref<10000x32xf32, #tpu.memory_space<vmem_shared>>)
    %dma_wait3A_88 = arith.constant 0 : i32
    %dma_wait3A_89 = arith.constant 0 : i32
    %dma_wait3A_90 = arith.constant 0 : i32
    %dma_wait3A_91 = arith.constant 0 : i32
    %dma_wait3A_92 = tpu.memref_slice %arg9[%dma_wait3A_88, %dma_wait3A_90, %dma_wait3A_91] : memref<8x125x32xf32, #tpu.memory_space<vmem>> -> memref<1x125x32xf32, #tpu.memory_space<vmem>>
    %dma_wait3A_93 = tpu.memref_squeeze %dma_wait3A_92 : memref<1x125x32xf32, #tpu.memory_space<vmem>> -> memref<125x32xf32, #tpu.memory_space<vmem>>
    %dma_wait3A_94 = arith.constant 0 : i32
    %dma_wait3A_95 = tpu.memref_slice %arg8[%dma_wait3A_89, %dma_wait3A_94] : memref<80x125xi32, #tpu.memory_space<vmem>> -> memref<1x125xi32, #tpu.memory_space<vmem>>
    %dma_wait3A_96 = tpu.memref_squeeze %dma_wait3A_95 : memref<1x125xi32, #tpu.memory_space<vmem>> -> memref<125xi32, #tpu.memory_space<vmem>>
    %dma_wait3A_97 = arith.constant 0 : i32
    %dma_wait3A_98 = arith.constant 0 : i32
    %dma_wait3A_99 = tpu.memref_slice %arg10[%dma_wait3A_97, %dma_wait3A_98] : memref<10000x32xf32, #tpu.memory_space<vmem_shared>> -> memref<10000x32xf32, #tpu.memory_space<vmem_shared>>
    tpu.wait_indirect_dma semaphore(%arg13 : memref<!tpu.dma_semaphore, #tpu.memory_space<semaphore_mem>>) src(%dma_wait3A_93 : memref<125x32xf32, #tpu.memory_space<vmem>>) dst(%dma_wait3A_99 : memref<10000x32xf32, #tpu.memory_space<vmem_shared>>)
    %dma_wait3A_100 = arith.constant 0 : i32
    %dma_wait3A_101 = arith.constant 0 : i32
    %dma_wait3A_102 = arith.constant 0 : i32
    %dma_wait3A_103 = arith.constant 0 : i32
    %dma_wait3A_104 = tpu.memref_slice %arg9[%dma_wait3A_100, %dma_wait3A_102, %dma_wait3A_103] : memref<8x125x32xf32, #tpu.memory_space<vmem>> -> memref<1x125x32xf32, #tpu.memory_space<vmem>>
    %dma_wait3A_105 = tpu.memref_squeeze %dma_wait3A_104 : memref<1x125x32xf32, #tpu.memory_space<vmem>> -> memref<125x32xf32, #tpu.memory_space<vmem>>
    %dma_wait3A_106 = arith.constant 0 : i32
    %dma_wait3A_107 = tpu.memref_slice %arg8[%dma_wait3A_101, %dma_wait3A_106] : memref<80x125xi32, #tpu.memory_space<vmem>> -> memref<1x125xi32, #tpu.memory_space<vmem>>
    %dma_wait3A_108 = tpu.memref_squeeze %dma_wait3A_107 : memref<1x125xi32, #tpu.memory_space<vmem>> -> memref<125xi32, #tpu.memory_space<vmem>>
    %dma_wait3A_109 = arith.constant 0 : i32
    %dma_wait3A_110 = arith.constant 0 : i32
    %dma_wait3A_111 = tpu.memref_slice %arg10[%dma_wait3A_109, %dma_wait3A_110] : memref<10000x32xf32, #tpu.memory_space<vmem_shared>> -> memref<10000x32xf32, #tpu.memory_space<vmem_shared>>
    tpu.wait_indirect_dma semaphore(%arg13 : memref<!tpu.dma_semaphore, #tpu.memory_space<semaphore_mem>>) src(%dma_wait3A_105 : memref<125x32xf32, #tpu.memory_space<vmem>>) dst(%dma_wait3A_111 : memref<10000x32xf32, #tpu.memory_space<vmem_shared>>)
    %barrier3A_112 = arith.constant 0 : index
    tpu.barrier barrier_id(%barrier3A_112)
    %eq3A = arith.constant 0 : i32
    %eq3A_113 = arith.cmpi eq, %arg0, %eq3A : i32
    %convert_element_type3A = arith.extui %eq3A_113 : i1 to i32
    %cond3A = arith.constant 0 : i32
    %cond3A_114 = arith.cmpi ne, %convert_element_type3A, %cond3A : i32
    scf.if %cond3A_114 {
      "tpu.region"() ({
        %run_scoped3A = tpu.sem_alloc : memref<!tpu.dma_semaphore, #tpu.memory_space<semaphore_mem>>
        %dma_start3A_120 = arith.constant 0 : i32
        %dma_start3A_121 = tpu.memref_slice %arg5[%mul3A_2, %dma_start3A_120] : memref<10000x32xf32, #tpu.memory_space<hbm>> -> memref<625x32xf32, #tpu.memory_space<hbm>>
        %dma_start3A_122 = arith.constant 0 : i32
        %dma_start3A_123 = tpu.memref_slice %arg10[%mul3A_2, %dma_start3A_122] : memref<10000x32xf32, #tpu.memory_space<vmem_shared>> -> memref<625x32xf32, #tpu.memory_space<vmem_shared>>
        tpu.enqueue_dma source(%dma_start3A_123 : memref<625x32xf32, #tpu.memory_space<vmem_shared>>) target(%dma_start3A_121 : memref<625x32xf32, #tpu.memory_space<hbm>>) target_semaphore(%run_scoped3A : memref<!tpu.dma_semaphore, #tpu.memory_space<semaphore_mem>>)
        %dma_wait3A_124 = arith.constant 0 : i32
        %dma_wait3A_125 = tpu.memref_slice %arg5[%mul3A_2, %dma_wait3A_124] : memref<10000x32xf32, #tpu.memory_space<hbm>> -> memref<625x32xf32, #tpu.memory_space<hbm>>
        %dma_wait3A_126 = arith.constant 0 : i32
        %dma_wait3A_127 = tpu.memref_slice %arg10[%mul3A_2, %dma_wait3A_126] : memref<10000x32xf32, #tpu.memory_space<vmem_shared>> -> memref<625x32xf32, #tpu.memory_space<vmem_shared>>
        tpu.wait_dma2 semaphore(%run_scoped3A : memref<!tpu.dma_semaphore, #tpu.memory_space<semaphore_mem>>) src(%dma_wait3A_127 : memref<625x32xf32, #tpu.memory_space<vmem_shared>>) dst(%dma_wait3A_125 : memref<625x32xf32, #tpu.memory_space<hbm>>)
        tpu.yield
      }) : () -> ()
    } else {
    }
    %eq3A_115 = arith.constant 1 : i32
    %eq3A_116 = arith.cmpi eq, %arg0, %eq3A_115 : i32
    %convert_element_type3A_117 = arith.extui %eq3A_116 : i1 to i32
    %cond3A_118 = arith.constant 0 : i32
    %cond3A_119 = arith.cmpi ne, %convert_element_type3A_117, %cond3A_118 : i32
    scf.if %cond3A_119 {
      "tpu.region"() ({
        %run_scoped3A = tpu.sem_alloc : memref<!tpu.dma_semaphore, #tpu.memory_space<semaphore_mem>>
        %dma_start3A_120 = arith.constant 0 : i32
        %dma_start3A_121 = tpu.memref_slice %arg6[%mul3A_2, %dma_start3A_120] : memref<10000x32xf32, #tpu.memory_space<hbm>> -> memref<625x32xf32, #tpu.memory_space<hbm>>
        %dma_start3A_122 = arith.constant 0 : i32
        %dma_start3A_123 = tpu.memref_slice %arg10[%mul3A_2, %dma_start3A_122] : memref<10000x32xf32, #tpu.memory_space<vmem_shared>> -> memref<625x32xf32, #tpu.memory_space<vmem_shared>>
        tpu.enqueue_dma source(%dma_start3A_123 : memref<625x32xf32, #tpu.memory_space<vmem_shared>>) target(%dma_start3A_121 : memref<625x32xf32, #tpu.memory_space<hbm>>) target_semaphore(%run_scoped3A : memref<!tpu.dma_semaphore, #tpu.memory_space<semaphore_mem>>)
        %dma_wait3A_124 = arith.constant 0 : i32
        %dma_wait3A_125 = tpu.memref_slice %arg6[%mul3A_2, %dma_wait3A_124] : memref<10000x32xf32, #tpu.memory_space<hbm>> -> memref<625x32xf32, #tpu.memory_space<hbm>>
        %dma_wait3A_126 = arith.constant 0 : i32
        %dma_wait3A_127 = tpu.memref_slice %arg10[%mul3A_2, %dma_wait3A_126] : memref<10000x32xf32, #tpu.memory_space<vmem_shared>> -> memref<625x32xf32, #tpu.memory_space<vmem_shared>>
        tpu.wait_dma2 semaphore(%run_scoped3A : memref<!tpu.dma_semaphore, #tpu.memory_space<semaphore_mem>>) src(%dma_wait3A_127 : memref<625x32xf32, #tpu.memory_space<vmem_shared>>) dst(%dma_wait3A_125 : memref<625x32xf32, #tpu.memory_space<hbm>>)
        tpu.yield
      }) : () -> ()
    } else {
    }
    return
  }
}

#map = affine_map<(d0, d1) -> (0, 0)>
module attributes {stable_mosaic.version = 14 : i64} {
  func.func @_sc_agg(%arg0: i32, %arg1: i32, %arg2: memref<10000x32xf32, #tpu.memory_space<hbm>>, %arg3: memref<10000x32xf32, #tpu.memory_space<hbm>>, %arg4: memref<5120x125xi32, #tpu.memory_space<hbm>>, %arg5: memref<10000x32xf32, #tpu.memory_space<hbm>>, %arg6: memref<10000x32xf32, #tpu.memory_space<hbm>>, %arg7: memref<80x125xi32, #tpu.memory_space<vmem>>, %arg8: memref<80x125xi32, #tpu.memory_space<vmem>>, %arg9: memref<8x125x32xf32, #tpu.memory_space<vmem>>, %arg10: memref<10000x32xf32, #tpu.memory_space<vmem_shared>>, %arg11: memref<10000x32xf32, #tpu.memory_space<vmem_shared>>, %arg12: memref<!tpu.dma_semaphore, #tpu.memory_space<semaphore_mem>>, %arg13: memref<!tpu.dma_semaphore, #tpu.memory_space<semaphore_mem>>) attributes {dimension_semantics = [#tpu.dimension_semantics<core_parallel>, #tpu.dimension_semantics<subcore_parallel>], iteration_bounds = array<i64: 2, 16>, scalar_prefetch = 0 : i64, scratch_operands = 7 : i64, tpu.core_type = #tpu.core_type<sc_vector_subcore>, window_params = [{transform_indices = #map}, {transform_indices = #map}, {transform_indices = #map}, {transform_indices = #map}, {transform_indices = #map}]} {
    %mul3A = arith.constant 2 : i32
    %mul3A_0 = arith.muli %arg1, %mul3A : i32
    %add3A = arith.addi %mul3A_0, %arg0 : i32
    %mul3A_1 = arith.constant 625 : i32
    %mul3A_2 = arith.muli %arg1, %mul3A_1 : i32
    "tpu.region"() ({
      %run_scoped3A = tpu.sem_alloc : memref<!tpu.dma_semaphore, #tpu.memory_space<semaphore_mem>>
      %dma_start3A_120 = arith.constant 0 : i32
      %dma_start3A_121 = tpu.memref_slice %arg10[%mul3A_2, %dma_start3A_120] : memref<10000x32xf32, #tpu.memory_space<vmem_shared>> -> memref<625x32xf32, #tpu.memory_space<vmem_shared>>
      %dma_start3A_122 = arith.constant 0 : i32
      %dma_start3A_123 = tpu.memref_slice %arg3[%mul3A_2, %dma_start3A_122] : memref<10000x32xf32, #tpu.memory_space<hbm>> -> memref<625x32xf32, #tpu.memory_space<hbm>>
      tpu.enqueue_dma source(%dma_start3A_123 : memref<625x32xf32, #tpu.memory_space<hbm>>) target(%dma_start3A_121 : memref<625x32xf32, #tpu.memory_space<vmem_shared>>) target_semaphore(%run_scoped3A : memref<!tpu.dma_semaphore, #tpu.memory_space<semaphore_mem>>)
      %dma_wait3A_124 = arith.constant 0 : i32
      %dma_wait3A_125 = tpu.memref_slice %arg10[%mul3A_2, %dma_wait3A_124] : memref<10000x32xf32, #tpu.memory_space<vmem_shared>> -> memref<625x32xf32, #tpu.memory_space<vmem_shared>>
      %dma_wait3A_126 = arith.constant 0 : i32
      %dma_wait3A_127 = tpu.memref_slice %arg3[%mul3A_2, %dma_wait3A_126] : memref<10000x32xf32, #tpu.memory_space<hbm>> -> memref<625x32xf32, #tpu.memory_space<hbm>>
      tpu.wait_dma2 semaphore(%run_scoped3A : memref<!tpu.dma_semaphore, #tpu.memory_space<semaphore_mem>>) src(%dma_wait3A_127 : memref<625x32xf32, #tpu.memory_space<hbm>>) dst(%dma_wait3A_125 : memref<625x32xf32, #tpu.memory_space<vmem_shared>>)
      tpu.yield
    }) : () -> ()
    %mul3A_3 = arith.constant 625 : i32
    %mul3A_4 = arith.muli %arg1, %mul3A_3 : i32
    %mul3A_5 = arith.constant 625 : i32
    %mul3A_6 = arith.muli %arg1, %mul3A_5 : i32
    "tpu.region"() ({
      %run_scoped3A = tpu.sem_alloc : memref<!tpu.dma_semaphore, #tpu.memory_space<semaphore_mem>>
      %dma_start3A_120 = arith.constant 0 : i32
      %dma_start3A_121 = tpu.memref_slice %arg11[%mul3A_6, %dma_start3A_120] : memref<10000x32xf32, #tpu.memory_space<vmem_shared>> -> memref<625x32xf32, #tpu.memory_space<vmem_shared>>
      %dma_start3A_122 = arith.constant 0 : i32
      %dma_start3A_123 = tpu.memref_slice %arg2[%mul3A_4, %dma_start3A_122] : memref<10000x32xf32, #tpu.memory_space<hbm>> -> memref<625x32xf32, #tpu.memory_space<hbm>>
      tpu.enqueue_dma source(%dma_start3A_123 : memref<625x32xf32, #tpu.memory_space<hbm>>) target(%dma_start3A_121 : memref<625x32xf32, #tpu.memory_space<vmem_shared>>) target_semaphore(%run_scoped3A : memref<!tpu.dma_semaphore, #tpu.memory_space<semaphore_mem>>)
      %dma_wait3A_124 = arith.constant 0 : i32
      %dma_wait3A_125 = tpu.memref_slice %arg11[%mul3A_6, %dma_wait3A_124] : memref<10000x32xf32, #tpu.memory_space<vmem_shared>> -> memref<625x32xf32, #tpu.memory_space<vmem_shared>>
      %dma_wait3A_126 = arith.constant 0 : i32
      %dma_wait3A_127 = tpu.memref_slice %arg2[%mul3A_4, %dma_wait3A_126] : memref<10000x32xf32, #tpu.memory_space<hbm>> -> memref<625x32xf32, #tpu.memory_space<hbm>>
      tpu.wait_dma2 semaphore(%run_scoped3A : memref<!tpu.dma_semaphore, #tpu.memory_space<semaphore_mem>>) src(%dma_wait3A_127 : memref<625x32xf32, #tpu.memory_space<hbm>>) dst(%dma_wait3A_125 : memref<625x32xf32, #tpu.memory_space<vmem_shared>>)
      tpu.yield
    }) : () -> ()
    %mul3A_7 = arith.constant 80 : i32
    %mul3A_8 = arith.muli %add3A, %mul3A_7 : i32
    "tpu.region"() ({
      %run_scoped3A = tpu.sem_alloc : memref<!tpu.dma_semaphore, #tpu.memory_space<semaphore_mem>>
      %dma_start3A_120 = arith.constant 0 : i32
      %dma_start3A_121 = tpu.memref_slice %arg4[%mul3A_8, %dma_start3A_120] : memref<5120x125xi32, #tpu.memory_space<hbm>> -> memref<80x125xi32, #tpu.memory_space<hbm>>
      %dma_start3A_122 = arith.constant 0 : i32
      %dma_start3A_123 = tpu.memref_slice %arg4[%mul3A_8, %dma_start3A_122] : memref<5120x125xi32, #tpu.memory_space<hbm>> -> memref<80x125xi32, #tpu.memory_space<hbm>>
      tpu.enqueue_dma source(%dma_start3A_123 : memref<80x125xi32, #tpu.memory_space<hbm>>) target(%arg7 : memref<80x125xi32, #tpu.memory_space<vmem>>) target_semaphore(%run_scoped3A : memref<!tpu.dma_semaphore, #tpu.memory_space<semaphore_mem>>)
      %dma_wait3A_124 = arith.constant 0 : i32
      %dma_wait3A_125 = tpu.memref_slice %arg4[%mul3A_8, %dma_wait3A_124] : memref<5120x125xi32, #tpu.memory_space<hbm>> -> memref<80x125xi32, #tpu.memory_space<hbm>>
      %dma_wait3A_126 = arith.constant 0 : i32
      %dma_wait3A_127 = tpu.memref_slice %arg4[%mul3A_8, %dma_wait3A_126] : memref<5120x125xi32, #tpu.memory_space<hbm>> -> memref<80x125xi32, #tpu.memory_space<hbm>>
      tpu.wait_dma2 semaphore(%run_scoped3A : memref<!tpu.dma_semaphore, #tpu.memory_space<semaphore_mem>>) src(%dma_wait3A_127 : memref<80x125xi32, #tpu.memory_space<hbm>>) dst(%arg7 : memref<80x125xi32, #tpu.memory_space<vmem>>)
      tpu.yield
    }) : () -> ()
    %add3A_9 = arith.constant 32 : i32
    %add3A_10 = arith.addi %add3A_9, %add3A : i32
    %mul3A_11 = arith.constant 80 : i32
    %mul3A_12 = arith.muli %add3A_10, %mul3A_11 : i32
    "tpu.region"() ({
      %run_scoped3A = tpu.sem_alloc : memref<!tpu.dma_semaphore, #tpu.memory_space<semaphore_mem>>
      %dma_start3A_120 = arith.constant 0 : i32
      %dma_start3A_121 = tpu.memref_slice %arg4[%mul3A_12, %dma_start3A_120] : memref<5120x125xi32, #tpu.memory_space<hbm>> -> memref<80x125xi32, #tpu.memory_space<hbm>>
      %dma_start3A_122 = arith.constant 0 : i32
      %dma_start3A_123 = tpu.memref_slice %arg4[%mul3A_12, %dma_start3A_122] : memref<5120x125xi32, #tpu.memory_space<hbm>> -> memref<80x125xi32, #tpu.memory_space<hbm>>
      tpu.enqueue_dma source(%dma_start3A_123 : memref<80x125xi32, #tpu.memory_space<hbm>>) target(%arg8 : memref<80x125xi32, #tpu.memory_space<vmem>>) target_semaphore(%run_scoped3A : memref<!tpu.dma_semaphore, #tpu.memory_space<semaphore_mem>>)
      %dma_wait3A_124 = arith.constant 0 : i32
      %dma_wait3A_125 = tpu.memref_slice %arg4[%mul3A_12, %dma_wait3A_124] : memref<5120x125xi32, #tpu.memory_space<hbm>> -> memref<80x125xi32, #tpu.memory_space<hbm>>
      %dma_wait3A_126 = arith.constant 0 : i32
      %dma_wait3A_127 = tpu.memref_slice %arg4[%mul3A_12, %dma_wait3A_126] : memref<5120x125xi32, #tpu.memory_space<hbm>> -> memref<80x125xi32, #tpu.memory_space<hbm>>
      tpu.wait_dma2 semaphore(%run_scoped3A : memref<!tpu.dma_semaphore, #tpu.memory_space<semaphore_mem>>) src(%dma_wait3A_127 : memref<80x125xi32, #tpu.memory_space<hbm>>) dst(%arg8 : memref<80x125xi32, #tpu.memory_space<vmem>>)
      tpu.yield
    }) : () -> ()
    %barrier3A = arith.constant 0 : index
    tpu.barrier barrier_id(%barrier3A)
    %dma_start3A = arith.constant 0 : i32
    %dma_start3A_13 = arith.constant 0 : i32
    %dma_start3A_14 = arith.constant 0 : i32
    %dma_start3A_15 = arith.constant 0 : i32
    %dma_start3A_16 = tpu.memref_slice %arg9[%dma_start3A_13, %dma_start3A_14, %dma_start3A_15] : memref<8x125x32xf32, #tpu.memory_space<vmem>> -> memref<1x125x32xf32, #tpu.memory_space<vmem>>
    %dma_start3A_17 = tpu.memref_squeeze %dma_start3A_16 : memref<1x125x32xf32, #tpu.memory_space<vmem>> -> memref<125x32xf32, #tpu.memory_space<vmem>>
    %dma_start3A_18 = arith.constant 0 : i32
    %dma_start3A_19 = tpu.memref_slice %arg7[%dma_start3A, %dma_start3A_18] : memref<80x125xi32, #tpu.memory_space<vmem>> -> memref<1x125xi32, #tpu.memory_space<vmem>>
    %dma_start3A_20 = tpu.memref_squeeze %dma_start3A_19 : memref<1x125xi32, #tpu.memory_space<vmem>> -> memref<125xi32, #tpu.memory_space<vmem>>
    %dma_start3A_21 = arith.constant 0 : i32
    %dma_start3A_22 = arith.constant 0 : i32
    %dma_start3A_23 = tpu.memref_slice %arg11[%dma_start3A_21, %dma_start3A_22] : memref<10000x32xf32, #tpu.memory_space<vmem_shared>> -> memref<10000x32xf32, #tpu.memory_space<vmem_shared>>
    tpu.enqueue_indirect_dma source(%dma_start3A_23 : memref<10000x32xf32, #tpu.memory_space<vmem_shared>>) target(%dma_start3A_17 : memref<125x32xf32, #tpu.memory_space<vmem>>) offsets(%dma_start3A_20 : memref<125xi32, #tpu.memory_space<vmem>>) semaphore(%arg12 : memref<!tpu.dma_semaphore, #tpu.memory_space<semaphore_mem>>)
    %dma_start3A_24 = arith.constant 1 : i32
    %dma_start3A_25 = arith.constant 1 : i32
    %dma_start3A_26 = arith.constant 0 : i32
    %dma_start3A_27 = arith.constant 0 : i32
    %dma_start3A_28 = tpu.memref_slice %arg9[%dma_start3A_25, %dma_start3A_26, %dma_start3A_27] : memref<8x125x32xf32, #tpu.memory_space<vmem>> -> memref<1x125x32xf32, #tpu.memory_space<vmem>>
    %dma_start3A_29 = tpu.memref_squeeze %dma_start3A_28 : memref<1x125x32xf32, #tpu.memory_space<vmem>> -> memref<125x32xf32, #tpu.memory_space<vmem>>
    %dma_start3A_30 = arith.constant 0 : i32
    %dma_start3A_31 = tpu.memref_slice %arg7[%dma_start3A_24, %dma_start3A_30] : memref<80x125xi32, #tpu.memory_space<vmem>> -> memref<1x125xi32, #tpu.memory_space<vmem>>
    %dma_start3A_32 = tpu.memref_squeeze %dma_start3A_31 : memref<1x125xi32, #tpu.memory_space<vmem>> -> memref<125xi32, #tpu.memory_space<vmem>>
    %dma_start3A_33 = arith.constant 0 : i32
    %dma_start3A_34 = arith.constant 0 : i32
    %dma_start3A_35 = tpu.memref_slice %arg11[%dma_start3A_33, %dma_start3A_34] : memref<10000x32xf32, #tpu.memory_space<vmem_shared>> -> memref<10000x32xf32, #tpu.memory_space<vmem_shared>>
    tpu.enqueue_indirect_dma source(%dma_start3A_35 : memref<10000x32xf32, #tpu.memory_space<vmem_shared>>) target(%dma_start3A_29 : memref<125x32xf32, #tpu.memory_space<vmem>>) offsets(%dma_start3A_32 : memref<125xi32, #tpu.memory_space<vmem>>) semaphore(%arg12 : memref<!tpu.dma_semaphore, #tpu.memory_space<semaphore_mem>>)
    %dma_start3A_36 = arith.constant 2 : i32
    %dma_start3A_37 = arith.constant 2 : i32
    %dma_start3A_38 = arith.constant 0 : i32
    %dma_start3A_39 = arith.constant 0 : i32
    %dma_start3A_40 = tpu.memref_slice %arg9[%dma_start3A_37, %dma_start3A_38, %dma_start3A_39] : memref<8x125x32xf32, #tpu.memory_space<vmem>> -> memref<1x125x32xf32, #tpu.memory_space<vmem>>
    %dma_start3A_41 = tpu.memref_squeeze %dma_start3A_40 : memref<1x125x32xf32, #tpu.memory_space<vmem>> -> memref<125x32xf32, #tpu.memory_space<vmem>>
    %dma_start3A_42 = arith.constant 0 : i32
    %dma_start3A_43 = tpu.memref_slice %arg7[%dma_start3A_36, %dma_start3A_42] : memref<80x125xi32, #tpu.memory_space<vmem>> -> memref<1x125xi32, #tpu.memory_space<vmem>>
    %dma_start3A_44 = tpu.memref_squeeze %dma_start3A_43 : memref<1x125xi32, #tpu.memory_space<vmem>> -> memref<125xi32, #tpu.memory_space<vmem>>
    %dma_start3A_45 = arith.constant 0 : i32
    %dma_start3A_46 = arith.constant 0 : i32
    %dma_start3A_47 = tpu.memref_slice %arg11[%dma_start3A_45, %dma_start3A_46] : memref<10000x32xf32, #tpu.memory_space<vmem_shared>> -> memref<10000x32xf32, #tpu.memory_space<vmem_shared>>
    tpu.enqueue_indirect_dma source(%dma_start3A_47 : memref<10000x32xf32, #tpu.memory_space<vmem_shared>>) target(%dma_start3A_41 : memref<125x32xf32, #tpu.memory_space<vmem>>) offsets(%dma_start3A_44 : memref<125xi32, #tpu.memory_space<vmem>>) semaphore(%arg12 : memref<!tpu.dma_semaphore, #tpu.memory_space<semaphore_mem>>)
    %dma_start3A_48 = arith.constant 3 : i32
    %dma_start3A_49 = arith.constant 3 : i32
    %dma_start3A_50 = arith.constant 0 : i32
    %dma_start3A_51 = arith.constant 0 : i32
    %dma_start3A_52 = tpu.memref_slice %arg9[%dma_start3A_49, %dma_start3A_50, %dma_start3A_51] : memref<8x125x32xf32, #tpu.memory_space<vmem>> -> memref<1x125x32xf32, #tpu.memory_space<vmem>>
    %dma_start3A_53 = tpu.memref_squeeze %dma_start3A_52 : memref<1x125x32xf32, #tpu.memory_space<vmem>> -> memref<125x32xf32, #tpu.memory_space<vmem>>
    %dma_start3A_54 = arith.constant 0 : i32
    %dma_start3A_55 = tpu.memref_slice %arg7[%dma_start3A_48, %dma_start3A_54] : memref<80x125xi32, #tpu.memory_space<vmem>> -> memref<1x125xi32, #tpu.memory_space<vmem>>
    %dma_start3A_56 = tpu.memref_squeeze %dma_start3A_55 : memref<1x125xi32, #tpu.memory_space<vmem>> -> memref<125xi32, #tpu.memory_space<vmem>>
    %dma_start3A_57 = arith.constant 0 : i32
    %dma_start3A_58 = arith.constant 0 : i32
    %dma_start3A_59 = tpu.memref_slice %arg11[%dma_start3A_57, %dma_start3A_58] : memref<10000x32xf32, #tpu.memory_space<vmem_shared>> -> memref<10000x32xf32, #tpu.memory_space<vmem_shared>>
    tpu.enqueue_indirect_dma source(%dma_start3A_59 : memref<10000x32xf32, #tpu.memory_space<vmem_shared>>) target(%dma_start3A_53 : memref<125x32xf32, #tpu.memory_space<vmem>>) offsets(%dma_start3A_56 : memref<125xi32, #tpu.memory_space<vmem>>) semaphore(%arg12 : memref<!tpu.dma_semaphore, #tpu.memory_space<semaphore_mem>>)
    %scan3A = arith.constant 0 : i32
    %scan3A_60 = arith.constant 0 : i32
    %scan3A_61 = arith.constant 10 : i32
    %scan3A_62 = arith.addi %scan3A_60, %scan3A_61 : i32
    %scan3A_63 = arith.constant 1 : i32
    scf.for %scan3A_120 = %scan3A_60 to %scan3A_62 step %scan3A_63  : i32 {
      %mul3A_121 = arith.constant 8 : i32
      %mul3A_122 = arith.muli %scan3A_120, %mul3A_121 : i32
      %add3A_123 = arith.constant 0 : i32
      %add3A_124 = arith.addi %mul3A_122, %add3A_123 : i32
      %dma_wait3A_125 = arith.constant 0 : i32
      %dma_wait3A_126 = arith.constant 0 : i32
      %dma_wait3A_127 = arith.constant 0 : i32
      %dma_wait3A_128 = tpu.memref_slice %arg9[%dma_wait3A_125, %dma_wait3A_126, %dma_wait3A_127] : memref<8x125x32xf32, #tpu.memory_space<vmem>> -> memref<1x125x32xf32, #tpu.memory_space<vmem>>
      %dma_wait3A_129 = tpu.memref_squeeze %dma_wait3A_128 : memref<1x125x32xf32, #tpu.memory_space<vmem>> -> memref<125x32xf32, #tpu.memory_space<vmem>>
      %dma_wait3A_130 = arith.constant 0 : i32
      %dma_wait3A_131 = tpu.memref_slice %arg7[%add3A_124, %dma_wait3A_130] : memref<80x125xi32, #tpu.memory_space<vmem>> -> memref<1x125xi32, #tpu.memory_space<vmem>>
      %dma_wait3A_132 = tpu.memref_squeeze %dma_wait3A_131 : memref<1x125xi32, #tpu.memory_space<vmem>> -> memref<125xi32, #tpu.memory_space<vmem>>
      %dma_wait3A_133 = arith.constant 0 : i32
      %dma_wait3A_134 = arith.constant 0 : i32
      %dma_wait3A_135 = tpu.memref_slice %arg11[%dma_wait3A_133, %dma_wait3A_134] : memref<10000x32xf32, #tpu.memory_space<vmem_shared>> -> memref<10000x32xf32, #tpu.memory_space<vmem_shared>>
      tpu.wait_indirect_dma semaphore(%arg12 : memref<!tpu.dma_semaphore, #tpu.memory_space<semaphore_mem>>) src(%dma_wait3A_135 : memref<10000x32xf32, #tpu.memory_space<vmem_shared>>) dst(%dma_wait3A_129 : memref<125x32xf32, #tpu.memory_space<vmem>>)
      %dma_start3A_136 = arith.constant 0 : i32
      %dma_start3A_137 = arith.constant 0 : i32
      %dma_start3A_138 = arith.constant 0 : i32
      %dma_start3A_139 = tpu.memref_slice %arg9[%dma_start3A_136, %dma_start3A_137, %dma_start3A_138] : memref<8x125x32xf32, #tpu.memory_space<vmem>> -> memref<1x125x32xf32, #tpu.memory_space<vmem>>
      %dma_start3A_140 = tpu.memref_squeeze %dma_start3A_139 : memref<1x125x32xf32, #tpu.memory_space<vmem>> -> memref<125x32xf32, #tpu.memory_space<vmem>>
      %dma_start3A_141 = arith.constant 0 : i32
      %dma_start3A_142 = tpu.memref_slice %arg8[%add3A_124, %dma_start3A_141] : memref<80x125xi32, #tpu.memory_space<vmem>> -> memref<1x125xi32, #tpu.memory_space<vmem>>
      %dma_start3A_143 = tpu.memref_squeeze %dma_start3A_142 : memref<1x125xi32, #tpu.memory_space<vmem>> -> memref<125xi32, #tpu.memory_space<vmem>>
      %dma_start3A_144 = arith.constant 0 : i32
      %dma_start3A_145 = arith.constant 0 : i32
      %dma_start3A_146 = tpu.memref_slice %arg10[%dma_start3A_144, %dma_start3A_145] : memref<10000x32xf32, #tpu.memory_space<vmem_shared>> -> memref<10000x32xf32, #tpu.memory_space<vmem_shared>>
      tpu.enqueue_indirect_dma source(%dma_start3A_140 : memref<125x32xf32, #tpu.memory_space<vmem>>) target(%dma_start3A_146 : memref<10000x32xf32, #tpu.memory_space<vmem_shared>>) offsets(%dma_start3A_143 : memref<125xi32, #tpu.memory_space<vmem>>) semaphore(%arg13 : memref<!tpu.dma_semaphore, #tpu.memory_space<semaphore_mem>>) {add = true}
      %ge3A = arith.constant 4 : i32
      %ge3A_147 = arith.cmpi sge, %add3A_124, %ge3A : i32
      %convert_element_type3A_148 = arith.extui %ge3A_147 : i1 to i32
      %cond3A_149 = arith.constant 0 : i32
      %cond3A_150 = arith.cmpi ne, %convert_element_type3A_148, %cond3A_149 : i32
      scf.if %cond3A_150 {
        %dma_wait3A_409 = arith.constant 0 : i32
        %dma_wait3A_410 = arith.constant 0 : i32
        %dma_wait3A_411 = arith.constant 0 : i32
        %dma_wait3A_412 = tpu.memref_slice %arg9[%dma_wait3A_409, %dma_wait3A_410, %dma_wait3A_411] : memref<8x125x32xf32, #tpu.memory_space<vmem>> -> memref<1x125x32xf32, #tpu.memory_space<vmem>>
        %dma_wait3A_413 = tpu.memref_squeeze %dma_wait3A_412 : memref<1x125x32xf32, #tpu.memory_space<vmem>> -> memref<125x32xf32, #tpu.memory_space<vmem>>
        %dma_wait3A_414 = arith.constant 0 : i32
        %dma_wait3A_415 = tpu.memref_slice %arg8[%add3A_124, %dma_wait3A_414] : memref<80x125xi32, #tpu.memory_space<vmem>> -> memref<1x125xi32, #tpu.memory_space<vmem>>
        %dma_wait3A_416 = tpu.memref_squeeze %dma_wait3A_415 : memref<1x125xi32, #tpu.memory_space<vmem>> -> memref<125xi32, #tpu.memory_space<vmem>>
        %dma_wait3A_417 = arith.constant 0 : i32
        %dma_wait3A_418 = arith.constant 0 : i32
        %dma_wait3A_419 = tpu.memref_slice %arg10[%dma_wait3A_417, %dma_wait3A_418] : memref<10000x32xf32, #tpu.memory_space<vmem_shared>> -> memref<10000x32xf32, #tpu.memory_space<vmem_shared>>
        tpu.wait_indirect_dma semaphore(%arg13 : memref<!tpu.dma_semaphore, #tpu.memory_space<semaphore_mem>>) src(%dma_wait3A_413 : memref<125x32xf32, #tpu.memory_space<vmem>>) dst(%dma_wait3A_419 : memref<10000x32xf32, #tpu.memory_space<vmem_shared>>)
      } else {
      }
      %add3A_151 = arith.constant 4 : i32
      %add3A_152 = arith.addi %add3A_124, %add3A_151 : i32
      %lt3A = arith.constant 80 : i32
      %lt3A_153 = arith.cmpi slt, %add3A_152, %lt3A : i32
      %convert_element_type3A_154 = arith.extui %lt3A_153 : i1 to i32
      %cond3A_155 = arith.constant 0 : i32
      %cond3A_156 = arith.cmpi ne, %convert_element_type3A_154, %cond3A_155 : i32
      scf.if %cond3A_156 {
        %dma_start3A_409 = arith.constant 4 : i32
        %dma_start3A_410 = arith.constant 0 : i32
        %dma_start3A_411 = arith.constant 0 : i32
        %dma_start3A_412 = tpu.memref_slice %arg9[%dma_start3A_409, %dma_start3A_410, %dma_start3A_411] : memref<8x125x32xf32, #tpu.memory_space<vmem>> -> memref<1x125x32xf32, #tpu.memory_space<vmem>>
        %dma_start3A_413 = tpu.memref_squeeze %dma_start3A_412 : memref<1x125x32xf32, #tpu.memory_space<vmem>> -> memref<125x32xf32, #tpu.memory_space<vmem>>
        %dma_start3A_414 = arith.constant 0 : i32
        %dma_start3A_415 = tpu.memref_slice %arg7[%add3A_152, %dma_start3A_414] : memref<80x125xi32, #tpu.memory_space<vmem>> -> memref<1x125xi32, #tpu.memory_space<vmem>>
        %dma_start3A_416 = tpu.memref_squeeze %dma_start3A_415 : memref<1x125xi32, #tpu.memory_space<vmem>> -> memref<125xi32, #tpu.memory_space<vmem>>
        %dma_start3A_417 = arith.constant 0 : i32
        %dma_start3A_418 = arith.constant 0 : i32
        %dma_start3A_419 = tpu.memref_slice %arg11[%dma_start3A_417, %dma_start3A_418] : memref<10000x32xf32, #tpu.memory_space<vmem_shared>> -> memref<10000x32xf32, #tpu.memory_space<vmem_shared>>
        tpu.enqueue_indirect_dma source(%dma_start3A_419 : memref<10000x32xf32, #tpu.memory_space<vmem_shared>>) target(%dma_start3A_413 : memref<125x32xf32, #tpu.memory_space<vmem>>) offsets(%dma_start3A_416 : memref<125xi32, #tpu.memory_space<vmem>>) semaphore(%arg12 : memref<!tpu.dma_semaphore, #tpu.memory_space<semaphore_mem>>)
      } else {
      }
      %add3A_157 = arith.constant 1 : i32
      %add3A_158 = arith.addi %mul3A_122, %add3A_157 : i32
      %dma_wait3A_159 = arith.constant 1 : i32
      %dma_wait3A_160 = arith.constant 0 : i32
      %dma_wait3A_161 = arith.constant 0 : i32
      %dma_wait3A_162 = tpu.memref_slice %arg9[%dma_wait3A_159, %dma_wait3A_160, %dma_wait3A_161] : memref<8x125x32xf32, #tpu.memory_space<vmem>> -> memref<1x125x32xf32, #tpu.memory_space<vmem>>
      %dma_wait3A_163 = tpu.memref_squeeze %dma_wait3A_162 : memref<1x125x32xf32, #tpu.memory_space<vmem>> -> memref<125x32xf32, #tpu.memory_space<vmem>>
      %dma_wait3A_164 = arith.constant 0 : i32
      %dma_wait3A_165 = tpu.memref_slice %arg7[%add3A_158, %dma_wait3A_164] : memref<80x125xi32, #tpu.memory_space<vmem>> -> memref<1x125xi32, #tpu.memory_space<vmem>>
      %dma_wait3A_166 = tpu.memref_squeeze %dma_wait3A_165 : memref<1x125xi32, #tpu.memory_space<vmem>> -> memref<125xi32, #tpu.memory_space<vmem>>
      %dma_wait3A_167 = arith.constant 0 : i32
      %dma_wait3A_168 = arith.constant 0 : i32
      %dma_wait3A_169 = tpu.memref_slice %arg11[%dma_wait3A_167, %dma_wait3A_168] : memref<10000x32xf32, #tpu.memory_space<vmem_shared>> -> memref<10000x32xf32, #tpu.memory_space<vmem_shared>>
      tpu.wait_indirect_dma semaphore(%arg12 : memref<!tpu.dma_semaphore, #tpu.memory_space<semaphore_mem>>) src(%dma_wait3A_169 : memref<10000x32xf32, #tpu.memory_space<vmem_shared>>) dst(%dma_wait3A_163 : memref<125x32xf32, #tpu.memory_space<vmem>>)
      %dma_start3A_170 = arith.constant 1 : i32
      %dma_start3A_171 = arith.constant 0 : i32
      %dma_start3A_172 = arith.constant 0 : i32
      %dma_start3A_173 = tpu.memref_slice %arg9[%dma_start3A_170, %dma_start3A_171, %dma_start3A_172] : memref<8x125x32xf32, #tpu.memory_space<vmem>> -> memref<1x125x32xf32, #tpu.memory_space<vmem>>
      %dma_start3A_174 = tpu.memref_squeeze %dma_start3A_173 : memref<1x125x32xf32, #tpu.memory_space<vmem>> -> memref<125x32xf32, #tpu.memory_space<vmem>>
      %dma_start3A_175 = arith.constant 0 : i32
      %dma_start3A_176 = tpu.memref_slice %arg8[%add3A_158, %dma_start3A_175] : memref<80x125xi32, #tpu.memory_space<vmem>> -> memref<1x125xi32, #tpu.memory_space<vmem>>
      %dma_start3A_177 = tpu.memref_squeeze %dma_start3A_176 : memref<1x125xi32, #tpu.memory_space<vmem>> -> memref<125xi32, #tpu.memory_space<vmem>>
      %dma_start3A_178 = arith.constant 0 : i32
      %dma_start3A_179 = arith.constant 0 : i32
      %dma_start3A_180 = tpu.memref_slice %arg10[%dma_start3A_178, %dma_start3A_179] : memref<10000x32xf32, #tpu.memory_space<vmem_shared>> -> memref<10000x32xf32, #tpu.memory_space<vmem_shared>>
      tpu.enqueue_indirect_dma source(%dma_start3A_174 : memref<125x32xf32, #tpu.memory_space<vmem>>) target(%dma_start3A_180 : memref<10000x32xf32, #tpu.memory_space<vmem_shared>>) offsets(%dma_start3A_177 : memref<125xi32, #tpu.memory_space<vmem>>) semaphore(%arg13 : memref<!tpu.dma_semaphore, #tpu.memory_space<semaphore_mem>>) {add = true}
      %ge3A_181 = arith.constant 4 : i32
      %ge3A_182 = arith.cmpi sge, %add3A_158, %ge3A_181 : i32
      %convert_element_type3A_183 = arith.extui %ge3A_182 : i1 to i32
      %cond3A_184 = arith.constant 0 : i32
      %cond3A_185 = arith.cmpi ne, %convert_element_type3A_183, %cond3A_184 : i32
      scf.if %cond3A_185 {
        %dma_wait3A_409 = arith.constant 1 : i32
        %dma_wait3A_410 = arith.constant 0 : i32
        %dma_wait3A_411 = arith.constant 0 : i32
        %dma_wait3A_412 = tpu.memref_slice %arg9[%dma_wait3A_409, %dma_wait3A_410, %dma_wait3A_411] : memref<8x125x32xf32, #tpu.memory_space<vmem>> -> memref<1x125x32xf32, #tpu.memory_space<vmem>>
        %dma_wait3A_413 = tpu.memref_squeeze %dma_wait3A_412 : memref<1x125x32xf32, #tpu.memory_space<vmem>> -> memref<125x32xf32, #tpu.memory_space<vmem>>
        %dma_wait3A_414 = arith.constant 0 : i32
        %dma_wait3A_415 = tpu.memref_slice %arg8[%add3A_158, %dma_wait3A_414] : memref<80x125xi32, #tpu.memory_space<vmem>> -> memref<1x125xi32, #tpu.memory_space<vmem>>
        %dma_wait3A_416 = tpu.memref_squeeze %dma_wait3A_415 : memref<1x125xi32, #tpu.memory_space<vmem>> -> memref<125xi32, #tpu.memory_space<vmem>>
        %dma_wait3A_417 = arith.constant 0 : i32
        %dma_wait3A_418 = arith.constant 0 : i32
        %dma_wait3A_419 = tpu.memref_slice %arg10[%dma_wait3A_417, %dma_wait3A_418] : memref<10000x32xf32, #tpu.memory_space<vmem_shared>> -> memref<10000x32xf32, #tpu.memory_space<vmem_shared>>
        tpu.wait_indirect_dma semaphore(%arg13 : memref<!tpu.dma_semaphore, #tpu.memory_space<semaphore_mem>>) src(%dma_wait3A_413 : memref<125x32xf32, #tpu.memory_space<vmem>>) dst(%dma_wait3A_419 : memref<10000x32xf32, #tpu.memory_space<vmem_shared>>)
      } else {
      }
      %add3A_186 = arith.constant 4 : i32
      %add3A_187 = arith.addi %add3A_158, %add3A_186 : i32
      %lt3A_188 = arith.constant 80 : i32
      %lt3A_189 = arith.cmpi slt, %add3A_187, %lt3A_188 : i32
      %convert_element_type3A_190 = arith.extui %lt3A_189 : i1 to i32
      %cond3A_191 = arith.constant 0 : i32
      %cond3A_192 = arith.cmpi ne, %convert_element_type3A_190, %cond3A_191 : i32
      scf.if %cond3A_192 {
        %dma_start3A_409 = arith.constant 5 : i32
        %dma_start3A_410 = arith.constant 0 : i32
        %dma_start3A_411 = arith.constant 0 : i32
        %dma_start3A_412 = tpu.memref_slice %arg9[%dma_start3A_409, %dma_start3A_410, %dma_start3A_411] : memref<8x125x32xf32, #tpu.memory_space<vmem>> -> memref<1x125x32xf32, #tpu.memory_space<vmem>>
        %dma_start3A_413 = tpu.memref_squeeze %dma_start3A_412 : memref<1x125x32xf32, #tpu.memory_space<vmem>> -> memref<125x32xf32, #tpu.memory_space<vmem>>
        %dma_start3A_414 = arith.constant 0 : i32
        %dma_start3A_415 = tpu.memref_slice %arg7[%add3A_187, %dma_start3A_414] : memref<80x125xi32, #tpu.memory_space<vmem>> -> memref<1x125xi32, #tpu.memory_space<vmem>>
        %dma_start3A_416 = tpu.memref_squeeze %dma_start3A_415 : memref<1x125xi32, #tpu.memory_space<vmem>> -> memref<125xi32, #tpu.memory_space<vmem>>
        %dma_start3A_417 = arith.constant 0 : i32
        %dma_start3A_418 = arith.constant 0 : i32
        %dma_start3A_419 = tpu.memref_slice %arg11[%dma_start3A_417, %dma_start3A_418] : memref<10000x32xf32, #tpu.memory_space<vmem_shared>> -> memref<10000x32xf32, #tpu.memory_space<vmem_shared>>
        tpu.enqueue_indirect_dma source(%dma_start3A_419 : memref<10000x32xf32, #tpu.memory_space<vmem_shared>>) target(%dma_start3A_413 : memref<125x32xf32, #tpu.memory_space<vmem>>) offsets(%dma_start3A_416 : memref<125xi32, #tpu.memory_space<vmem>>) semaphore(%arg12 : memref<!tpu.dma_semaphore, #tpu.memory_space<semaphore_mem>>)
      } else {
      }
      %add3A_193 = arith.constant 2 : i32
      %add3A_194 = arith.addi %mul3A_122, %add3A_193 : i32
      %dma_wait3A_195 = arith.constant 2 : i32
      %dma_wait3A_196 = arith.constant 0 : i32
      %dma_wait3A_197 = arith.constant 0 : i32
      %dma_wait3A_198 = tpu.memref_slice %arg9[%dma_wait3A_195, %dma_wait3A_196, %dma_wait3A_197] : memref<8x125x32xf32, #tpu.memory_space<vmem>> -> memref<1x125x32xf32, #tpu.memory_space<vmem>>
      %dma_wait3A_199 = tpu.memref_squeeze %dma_wait3A_198 : memref<1x125x32xf32, #tpu.memory_space<vmem>> -> memref<125x32xf32, #tpu.memory_space<vmem>>
      %dma_wait3A_200 = arith.constant 0 : i32
      %dma_wait3A_201 = tpu.memref_slice %arg7[%add3A_194, %dma_wait3A_200] : memref<80x125xi32, #tpu.memory_space<vmem>> -> memref<1x125xi32, #tpu.memory_space<vmem>>
      %dma_wait3A_202 = tpu.memref_squeeze %dma_wait3A_201 : memref<1x125xi32, #tpu.memory_space<vmem>> -> memref<125xi32, #tpu.memory_space<vmem>>
      %dma_wait3A_203 = arith.constant 0 : i32
      %dma_wait3A_204 = arith.constant 0 : i32
      %dma_wait3A_205 = tpu.memref_slice %arg11[%dma_wait3A_203, %dma_wait3A_204] : memref<10000x32xf32, #tpu.memory_space<vmem_shared>> -> memref<10000x32xf32, #tpu.memory_space<vmem_shared>>
      tpu.wait_indirect_dma semaphore(%arg12 : memref<!tpu.dma_semaphore, #tpu.memory_space<semaphore_mem>>) src(%dma_wait3A_205 : memref<10000x32xf32, #tpu.memory_space<vmem_shared>>) dst(%dma_wait3A_199 : memref<125x32xf32, #tpu.memory_space<vmem>>)
      %dma_start3A_206 = arith.constant 2 : i32
      %dma_start3A_207 = arith.constant 0 : i32
      %dma_start3A_208 = arith.constant 0 : i32
      %dma_start3A_209 = tpu.memref_slice %arg9[%dma_start3A_206, %dma_start3A_207, %dma_start3A_208] : memref<8x125x32xf32, #tpu.memory_space<vmem>> -> memref<1x125x32xf32, #tpu.memory_space<vmem>>
      %dma_start3A_210 = tpu.memref_squeeze %dma_start3A_209 : memref<1x125x32xf32, #tpu.memory_space<vmem>> -> memref<125x32xf32, #tpu.memory_space<vmem>>
      %dma_start3A_211 = arith.constant 0 : i32
      %dma_start3A_212 = tpu.memref_slice %arg8[%add3A_194, %dma_start3A_211] : memref<80x125xi32, #tpu.memory_space<vmem>> -> memref<1x125xi32, #tpu.memory_space<vmem>>
      %dma_start3A_213 = tpu.memref_squeeze %dma_start3A_212 : memref<1x125xi32, #tpu.memory_space<vmem>> -> memref<125xi32, #tpu.memory_space<vmem>>
      %dma_start3A_214 = arith.constant 0 : i32
      %dma_start3A_215 = arith.constant 0 : i32
      %dma_start3A_216 = tpu.memref_slice %arg10[%dma_start3A_214, %dma_start3A_215] : memref<10000x32xf32, #tpu.memory_space<vmem_shared>> -> memref<10000x32xf32, #tpu.memory_space<vmem_shared>>
      tpu.enqueue_indirect_dma source(%dma_start3A_210 : memref<125x32xf32, #tpu.memory_space<vmem>>) target(%dma_start3A_216 : memref<10000x32xf32, #tpu.memory_space<vmem_shared>>) offsets(%dma_start3A_213 : memref<125xi32, #tpu.memory_space<vmem>>) semaphore(%arg13 : memref<!tpu.dma_semaphore, #tpu.memory_space<semaphore_mem>>) {add = true}
      %ge3A_217 = arith.constant 4 : i32
      %ge3A_218 = arith.cmpi sge, %add3A_194, %ge3A_217 : i32
      %convert_element_type3A_219 = arith.extui %ge3A_218 : i1 to i32
      %cond3A_220 = arith.constant 0 : i32
      %cond3A_221 = arith.cmpi ne, %convert_element_type3A_219, %cond3A_220 : i32
      scf.if %cond3A_221 {
        %dma_wait3A_409 = arith.constant 2 : i32
        %dma_wait3A_410 = arith.constant 0 : i32
        %dma_wait3A_411 = arith.constant 0 : i32
        %dma_wait3A_412 = tpu.memref_slice %arg9[%dma_wait3A_409, %dma_wait3A_410, %dma_wait3A_411] : memref<8x125x32xf32, #tpu.memory_space<vmem>> -> memref<1x125x32xf32, #tpu.memory_space<vmem>>
        %dma_wait3A_413 = tpu.memref_squeeze %dma_wait3A_412 : memref<1x125x32xf32, #tpu.memory_space<vmem>> -> memref<125x32xf32, #tpu.memory_space<vmem>>
        %dma_wait3A_414 = arith.constant 0 : i32
        %dma_wait3A_415 = tpu.memref_slice %arg8[%add3A_194, %dma_wait3A_414] : memref<80x125xi32, #tpu.memory_space<vmem>> -> memref<1x125xi32, #tpu.memory_space<vmem>>
        %dma_wait3A_416 = tpu.memref_squeeze %dma_wait3A_415 : memref<1x125xi32, #tpu.memory_space<vmem>> -> memref<125xi32, #tpu.memory_space<vmem>>
        %dma_wait3A_417 = arith.constant 0 : i32
        %dma_wait3A_418 = arith.constant 0 : i32
        %dma_wait3A_419 = tpu.memref_slice %arg10[%dma_wait3A_417, %dma_wait3A_418] : memref<10000x32xf32, #tpu.memory_space<vmem_shared>> -> memref<10000x32xf32, #tpu.memory_space<vmem_shared>>
        tpu.wait_indirect_dma semaphore(%arg13 : memref<!tpu.dma_semaphore, #tpu.memory_space<semaphore_mem>>) src(%dma_wait3A_413 : memref<125x32xf32, #tpu.memory_space<vmem>>) dst(%dma_wait3A_419 : memref<10000x32xf32, #tpu.memory_space<vmem_shared>>)
      } else {
      }
      %add3A_222 = arith.constant 4 : i32
      %add3A_223 = arith.addi %add3A_194, %add3A_222 : i32
      %lt3A_224 = arith.constant 80 : i32
      %lt3A_225 = arith.cmpi slt, %add3A_223, %lt3A_224 : i32
      %convert_element_type3A_226 = arith.extui %lt3A_225 : i1 to i32
      %cond3A_227 = arith.constant 0 : i32
      %cond3A_228 = arith.cmpi ne, %convert_element_type3A_226, %cond3A_227 : i32
      scf.if %cond3A_228 {
        %dma_start3A_409 = arith.constant 6 : i32
        %dma_start3A_410 = arith.constant 0 : i32
        %dma_start3A_411 = arith.constant 0 : i32
        %dma_start3A_412 = tpu.memref_slice %arg9[%dma_start3A_409, %dma_start3A_410, %dma_start3A_411] : memref<8x125x32xf32, #tpu.memory_space<vmem>> -> memref<1x125x32xf32, #tpu.memory_space<vmem>>
        %dma_start3A_413 = tpu.memref_squeeze %dma_start3A_412 : memref<1x125x32xf32, #tpu.memory_space<vmem>> -> memref<125x32xf32, #tpu.memory_space<vmem>>
        %dma_start3A_414 = arith.constant 0 : i32
        %dma_start3A_415 = tpu.memref_slice %arg7[%add3A_223, %dma_start3A_414] : memref<80x125xi32, #tpu.memory_space<vmem>> -> memref<1x125xi32, #tpu.memory_space<vmem>>
        %dma_start3A_416 = tpu.memref_squeeze %dma_start3A_415 : memref<1x125xi32, #tpu.memory_space<vmem>> -> memref<125xi32, #tpu.memory_space<vmem>>
        %dma_start3A_417 = arith.constant 0 : i32
        %dma_start3A_418 = arith.constant 0 : i32
        %dma_start3A_419 = tpu.memref_slice %arg11[%dma_start3A_417, %dma_start3A_418] : memref<10000x32xf32, #tpu.memory_space<vmem_shared>> -> memref<10000x32xf32, #tpu.memory_space<vmem_shared>>
        tpu.enqueue_indirect_dma source(%dma_start3A_419 : memref<10000x32xf32, #tpu.memory_space<vmem_shared>>) target(%dma_start3A_413 : memref<125x32xf32, #tpu.memory_space<vmem>>) offsets(%dma_start3A_416 : memref<125xi32, #tpu.memory_space<vmem>>) semaphore(%arg12 : memref<!tpu.dma_semaphore, #tpu.memory_space<semaphore_mem>>)
      } else {
      }
      %add3A_229 = arith.constant 3 : i32
      %add3A_230 = arith.addi %mul3A_122, %add3A_229 : i32
      %dma_wait3A_231 = arith.constant 3 : i32
      %dma_wait3A_232 = arith.constant 0 : i32
      %dma_wait3A_233 = arith.constant 0 : i32
      %dma_wait3A_234 = tpu.memref_slice %arg9[%dma_wait3A_231, %dma_wait3A_232, %dma_wait3A_233] : memref<8x125x32xf32, #tpu.memory_space<vmem>> -> memref<1x125x32xf32, #tpu.memory_space<vmem>>
      %dma_wait3A_235 = tpu.memref_squeeze %dma_wait3A_234 : memref<1x125x32xf32, #tpu.memory_space<vmem>> -> memref<125x32xf32, #tpu.memory_space<vmem>>
      %dma_wait3A_236 = arith.constant 0 : i32
      %dma_wait3A_237 = tpu.memref_slice %arg7[%add3A_230, %dma_wait3A_236] : memref<80x125xi32, #tpu.memory_space<vmem>> -> memref<1x125xi32, #tpu.memory_space<vmem>>
      %dma_wait3A_238 = tpu.memref_squeeze %dma_wait3A_237 : memref<1x125xi32, #tpu.memory_space<vmem>> -> memref<125xi32, #tpu.memory_space<vmem>>
      %dma_wait3A_239 = arith.constant 0 : i32
      %dma_wait3A_240 = arith.constant 0 : i32
      %dma_wait3A_241 = tpu.memref_slice %arg11[%dma_wait3A_239, %dma_wait3A_240] : memref<10000x32xf32, #tpu.memory_space<vmem_shared>> -> memref<10000x32xf32, #tpu.memory_space<vmem_shared>>
      tpu.wait_indirect_dma semaphore(%arg12 : memref<!tpu.dma_semaphore, #tpu.memory_space<semaphore_mem>>) src(%dma_wait3A_241 : memref<10000x32xf32, #tpu.memory_space<vmem_shared>>) dst(%dma_wait3A_235 : memref<125x32xf32, #tpu.memory_space<vmem>>)
      %dma_start3A_242 = arith.constant 3 : i32
      %dma_start3A_243 = arith.constant 0 : i32
      %dma_start3A_244 = arith.constant 0 : i32
      %dma_start3A_245 = tpu.memref_slice %arg9[%dma_start3A_242, %dma_start3A_243, %dma_start3A_244] : memref<8x125x32xf32, #tpu.memory_space<vmem>> -> memref<1x125x32xf32, #tpu.memory_space<vmem>>
      %dma_start3A_246 = tpu.memref_squeeze %dma_start3A_245 : memref<1x125x32xf32, #tpu.memory_space<vmem>> -> memref<125x32xf32, #tpu.memory_space<vmem>>
      %dma_start3A_247 = arith.constant 0 : i32
      %dma_start3A_248 = tpu.memref_slice %arg8[%add3A_230, %dma_start3A_247] : memref<80x125xi32, #tpu.memory_space<vmem>> -> memref<1x125xi32, #tpu.memory_space<vmem>>
      %dma_start3A_249 = tpu.memref_squeeze %dma_start3A_248 : memref<1x125xi32, #tpu.memory_space<vmem>> -> memref<125xi32, #tpu.memory_space<vmem>>
      %dma_start3A_250 = arith.constant 0 : i32
      %dma_start3A_251 = arith.constant 0 : i32
      %dma_start3A_252 = tpu.memref_slice %arg10[%dma_start3A_250, %dma_start3A_251] : memref<10000x32xf32, #tpu.memory_space<vmem_shared>> -> memref<10000x32xf32, #tpu.memory_space<vmem_shared>>
      tpu.enqueue_indirect_dma source(%dma_start3A_246 : memref<125x32xf32, #tpu.memory_space<vmem>>) target(%dma_start3A_252 : memref<10000x32xf32, #tpu.memory_space<vmem_shared>>) offsets(%dma_start3A_249 : memref<125xi32, #tpu.memory_space<vmem>>) semaphore(%arg13 : memref<!tpu.dma_semaphore, #tpu.memory_space<semaphore_mem>>) {add = true}
      %ge3A_253 = arith.constant 4 : i32
      %ge3A_254 = arith.cmpi sge, %add3A_230, %ge3A_253 : i32
      %convert_element_type3A_255 = arith.extui %ge3A_254 : i1 to i32
      %cond3A_256 = arith.constant 0 : i32
      %cond3A_257 = arith.cmpi ne, %convert_element_type3A_255, %cond3A_256 : i32
      scf.if %cond3A_257 {
        %dma_wait3A_409 = arith.constant 3 : i32
        %dma_wait3A_410 = arith.constant 0 : i32
        %dma_wait3A_411 = arith.constant 0 : i32
        %dma_wait3A_412 = tpu.memref_slice %arg9[%dma_wait3A_409, %dma_wait3A_410, %dma_wait3A_411] : memref<8x125x32xf32, #tpu.memory_space<vmem>> -> memref<1x125x32xf32, #tpu.memory_space<vmem>>
        %dma_wait3A_413 = tpu.memref_squeeze %dma_wait3A_412 : memref<1x125x32xf32, #tpu.memory_space<vmem>> -> memref<125x32xf32, #tpu.memory_space<vmem>>
        %dma_wait3A_414 = arith.constant 0 : i32
        %dma_wait3A_415 = tpu.memref_slice %arg8[%add3A_230, %dma_wait3A_414] : memref<80x125xi32, #tpu.memory_space<vmem>> -> memref<1x125xi32, #tpu.memory_space<vmem>>
        %dma_wait3A_416 = tpu.memref_squeeze %dma_wait3A_415 : memref<1x125xi32, #tpu.memory_space<vmem>> -> memref<125xi32, #tpu.memory_space<vmem>>
        %dma_wait3A_417 = arith.constant 0 : i32
        %dma_wait3A_418 = arith.constant 0 : i32
        %dma_wait3A_419 = tpu.memref_slice %arg10[%dma_wait3A_417, %dma_wait3A_418] : memref<10000x32xf32, #tpu.memory_space<vmem_shared>> -> memref<10000x32xf32, #tpu.memory_space<vmem_shared>>
        tpu.wait_indirect_dma semaphore(%arg13 : memref<!tpu.dma_semaphore, #tpu.memory_space<semaphore_mem>>) src(%dma_wait3A_413 : memref<125x32xf32, #tpu.memory_space<vmem>>) dst(%dma_wait3A_419 : memref<10000x32xf32, #tpu.memory_space<vmem_shared>>)
      } else {
      }
      %add3A_258 = arith.constant 4 : i32
      %add3A_259 = arith.addi %add3A_230, %add3A_258 : i32
      %lt3A_260 = arith.constant 80 : i32
      %lt3A_261 = arith.cmpi slt, %add3A_259, %lt3A_260 : i32
      %convert_element_type3A_262 = arith.extui %lt3A_261 : i1 to i32
      %cond3A_263 = arith.constant 0 : i32
      %cond3A_264 = arith.cmpi ne, %convert_element_type3A_262, %cond3A_263 : i32
      scf.if %cond3A_264 {
        %dma_start3A_409 = arith.constant 7 : i32
        %dma_start3A_410 = arith.constant 0 : i32
        %dma_start3A_411 = arith.constant 0 : i32
        %dma_start3A_412 = tpu.memref_slice %arg9[%dma_start3A_409, %dma_start3A_410, %dma_start3A_411] : memref<8x125x32xf32, #tpu.memory_space<vmem>> -> memref<1x125x32xf32, #tpu.memory_space<vmem>>
        %dma_start3A_413 = tpu.memref_squeeze %dma_start3A_412 : memref<1x125x32xf32, #tpu.memory_space<vmem>> -> memref<125x32xf32, #tpu.memory_space<vmem>>
        %dma_start3A_414 = arith.constant 0 : i32
        %dma_start3A_415 = tpu.memref_slice %arg7[%add3A_259, %dma_start3A_414] : memref<80x125xi32, #tpu.memory_space<vmem>> -> memref<1x125xi32, #tpu.memory_space<vmem>>
        %dma_start3A_416 = tpu.memref_squeeze %dma_start3A_415 : memref<1x125xi32, #tpu.memory_space<vmem>> -> memref<125xi32, #tpu.memory_space<vmem>>
        %dma_start3A_417 = arith.constant 0 : i32
        %dma_start3A_418 = arith.constant 0 : i32
        %dma_start3A_419 = tpu.memref_slice %arg11[%dma_start3A_417, %dma_start3A_418] : memref<10000x32xf32, #tpu.memory_space<vmem_shared>> -> memref<10000x32xf32, #tpu.memory_space<vmem_shared>>
        tpu.enqueue_indirect_dma source(%dma_start3A_419 : memref<10000x32xf32, #tpu.memory_space<vmem_shared>>) target(%dma_start3A_413 : memref<125x32xf32, #tpu.memory_space<vmem>>) offsets(%dma_start3A_416 : memref<125xi32, #tpu.memory_space<vmem>>) semaphore(%arg12 : memref<!tpu.dma_semaphore, #tpu.memory_space<semaphore_mem>>)
      } else {
      }
      %add3A_265 = arith.constant 4 : i32
      %add3A_266 = arith.addi %mul3A_122, %add3A_265 : i32
      %dma_wait3A_267 = arith.constant 4 : i32
      %dma_wait3A_268 = arith.constant 0 : i32
      %dma_wait3A_269 = arith.constant 0 : i32
      %dma_wait3A_270 = tpu.memref_slice %arg9[%dma_wait3A_267, %dma_wait3A_268, %dma_wait3A_269] : memref<8x125x32xf32, #tpu.memory_space<vmem>> -> memref<1x125x32xf32, #tpu.memory_space<vmem>>
      %dma_wait3A_271 = tpu.memref_squeeze %dma_wait3A_270 : memref<1x125x32xf32, #tpu.memory_space<vmem>> -> memref<125x32xf32, #tpu.memory_space<vmem>>
      %dma_wait3A_272 = arith.constant 0 : i32
      %dma_wait3A_273 = tpu.memref_slice %arg7[%add3A_266, %dma_wait3A_272] : memref<80x125xi32, #tpu.memory_space<vmem>> -> memref<1x125xi32, #tpu.memory_space<vmem>>
      %dma_wait3A_274 = tpu.memref_squeeze %dma_wait3A_273 : memref<1x125xi32, #tpu.memory_space<vmem>> -> memref<125xi32, #tpu.memory_space<vmem>>
      %dma_wait3A_275 = arith.constant 0 : i32
      %dma_wait3A_276 = arith.constant 0 : i32
      %dma_wait3A_277 = tpu.memref_slice %arg11[%dma_wait3A_275, %dma_wait3A_276] : memref<10000x32xf32, #tpu.memory_space<vmem_shared>> -> memref<10000x32xf32, #tpu.memory_space<vmem_shared>>
      tpu.wait_indirect_dma semaphore(%arg12 : memref<!tpu.dma_semaphore, #tpu.memory_space<semaphore_mem>>) src(%dma_wait3A_277 : memref<10000x32xf32, #tpu.memory_space<vmem_shared>>) dst(%dma_wait3A_271 : memref<125x32xf32, #tpu.memory_space<vmem>>)
      %dma_start3A_278 = arith.constant 4 : i32
      %dma_start3A_279 = arith.constant 0 : i32
      %dma_start3A_280 = arith.constant 0 : i32
      %dma_start3A_281 = tpu.memref_slice %arg9[%dma_start3A_278, %dma_start3A_279, %dma_start3A_280] : memref<8x125x32xf32, #tpu.memory_space<vmem>> -> memref<1x125x32xf32, #tpu.memory_space<vmem>>
      %dma_start3A_282 = tpu.memref_squeeze %dma_start3A_281 : memref<1x125x32xf32, #tpu.memory_space<vmem>> -> memref<125x32xf32, #tpu.memory_space<vmem>>
      %dma_start3A_283 = arith.constant 0 : i32
      %dma_start3A_284 = tpu.memref_slice %arg8[%add3A_266, %dma_start3A_283] : memref<80x125xi32, #tpu.memory_space<vmem>> -> memref<1x125xi32, #tpu.memory_space<vmem>>
      %dma_start3A_285 = tpu.memref_squeeze %dma_start3A_284 : memref<1x125xi32, #tpu.memory_space<vmem>> -> memref<125xi32, #tpu.memory_space<vmem>>
      %dma_start3A_286 = arith.constant 0 : i32
      %dma_start3A_287 = arith.constant 0 : i32
      %dma_start3A_288 = tpu.memref_slice %arg10[%dma_start3A_286, %dma_start3A_287] : memref<10000x32xf32, #tpu.memory_space<vmem_shared>> -> memref<10000x32xf32, #tpu.memory_space<vmem_shared>>
      tpu.enqueue_indirect_dma source(%dma_start3A_282 : memref<125x32xf32, #tpu.memory_space<vmem>>) target(%dma_start3A_288 : memref<10000x32xf32, #tpu.memory_space<vmem_shared>>) offsets(%dma_start3A_285 : memref<125xi32, #tpu.memory_space<vmem>>) semaphore(%arg13 : memref<!tpu.dma_semaphore, #tpu.memory_space<semaphore_mem>>) {add = true}
      %ge3A_289 = arith.constant 4 : i32
      %ge3A_290 = arith.cmpi sge, %add3A_266, %ge3A_289 : i32
      %convert_element_type3A_291 = arith.extui %ge3A_290 : i1 to i32
      %cond3A_292 = arith.constant 0 : i32
      %cond3A_293 = arith.cmpi ne, %convert_element_type3A_291, %cond3A_292 : i32
      scf.if %cond3A_293 {
        %dma_wait3A_409 = arith.constant 4 : i32
        %dma_wait3A_410 = arith.constant 0 : i32
        %dma_wait3A_411 = arith.constant 0 : i32
        %dma_wait3A_412 = tpu.memref_slice %arg9[%dma_wait3A_409, %dma_wait3A_410, %dma_wait3A_411] : memref<8x125x32xf32, #tpu.memory_space<vmem>> -> memref<1x125x32xf32, #tpu.memory_space<vmem>>
        %dma_wait3A_413 = tpu.memref_squeeze %dma_wait3A_412 : memref<1x125x32xf32, #tpu.memory_space<vmem>> -> memref<125x32xf32, #tpu.memory_space<vmem>>
        %dma_wait3A_414 = arith.constant 0 : i32
        %dma_wait3A_415 = tpu.memref_slice %arg8[%add3A_266, %dma_wait3A_414] : memref<80x125xi32, #tpu.memory_space<vmem>> -> memref<1x125xi32, #tpu.memory_space<vmem>>
        %dma_wait3A_416 = tpu.memref_squeeze %dma_wait3A_415 : memref<1x125xi32, #tpu.memory_space<vmem>> -> memref<125xi32, #tpu.memory_space<vmem>>
        %dma_wait3A_417 = arith.constant 0 : i32
        %dma_wait3A_418 = arith.constant 0 : i32
        %dma_wait3A_419 = tpu.memref_slice %arg10[%dma_wait3A_417, %dma_wait3A_418] : memref<10000x32xf32, #tpu.memory_space<vmem_shared>> -> memref<10000x32xf32, #tpu.memory_space<vmem_shared>>
        tpu.wait_indirect_dma semaphore(%arg13 : memref<!tpu.dma_semaphore, #tpu.memory_space<semaphore_mem>>) src(%dma_wait3A_413 : memref<125x32xf32, #tpu.memory_space<vmem>>) dst(%dma_wait3A_419 : memref<10000x32xf32, #tpu.memory_space<vmem_shared>>)
      } else {
      }
      %add3A_294 = arith.constant 4 : i32
      %add3A_295 = arith.addi %add3A_266, %add3A_294 : i32
      %lt3A_296 = arith.constant 80 : i32
      %lt3A_297 = arith.cmpi slt, %add3A_295, %lt3A_296 : i32
      %convert_element_type3A_298 = arith.extui %lt3A_297 : i1 to i32
      %cond3A_299 = arith.constant 0 : i32
      %cond3A_300 = arith.cmpi ne, %convert_element_type3A_298, %cond3A_299 : i32
      scf.if %cond3A_300 {
        %dma_start3A_409 = arith.constant 0 : i32
        %dma_start3A_410 = arith.constant 0 : i32
        %dma_start3A_411 = arith.constant 0 : i32
        %dma_start3A_412 = tpu.memref_slice %arg9[%dma_start3A_409, %dma_start3A_410, %dma_start3A_411] : memref<8x125x32xf32, #tpu.memory_space<vmem>> -> memref<1x125x32xf32, #tpu.memory_space<vmem>>
        %dma_start3A_413 = tpu.memref_squeeze %dma_start3A_412 : memref<1x125x32xf32, #tpu.memory_space<vmem>> -> memref<125x32xf32, #tpu.memory_space<vmem>>
        %dma_start3A_414 = arith.constant 0 : i32
        %dma_start3A_415 = tpu.memref_slice %arg7[%add3A_295, %dma_start3A_414] : memref<80x125xi32, #tpu.memory_space<vmem>> -> memref<1x125xi32, #tpu.memory_space<vmem>>
        %dma_start3A_416 = tpu.memref_squeeze %dma_start3A_415 : memref<1x125xi32, #tpu.memory_space<vmem>> -> memref<125xi32, #tpu.memory_space<vmem>>
        %dma_start3A_417 = arith.constant 0 : i32
        %dma_start3A_418 = arith.constant 0 : i32
        %dma_start3A_419 = tpu.memref_slice %arg11[%dma_start3A_417, %dma_start3A_418] : memref<10000x32xf32, #tpu.memory_space<vmem_shared>> -> memref<10000x32xf32, #tpu.memory_space<vmem_shared>>
        tpu.enqueue_indirect_dma source(%dma_start3A_419 : memref<10000x32xf32, #tpu.memory_space<vmem_shared>>) target(%dma_start3A_413 : memref<125x32xf32, #tpu.memory_space<vmem>>) offsets(%dma_start3A_416 : memref<125xi32, #tpu.memory_space<vmem>>) semaphore(%arg12 : memref<!tpu.dma_semaphore, #tpu.memory_space<semaphore_mem>>)
      } else {
      }
      %add3A_301 = arith.constant 5 : i32
      %add3A_302 = arith.addi %mul3A_122, %add3A_301 : i32
      %dma_wait3A_303 = arith.constant 5 : i32
      %dma_wait3A_304 = arith.constant 0 : i32
      %dma_wait3A_305 = arith.constant 0 : i32
      %dma_wait3A_306 = tpu.memref_slice %arg9[%dma_wait3A_303, %dma_wait3A_304, %dma_wait3A_305] : memref<8x125x32xf32, #tpu.memory_space<vmem>> -> memref<1x125x32xf32, #tpu.memory_space<vmem>>
      %dma_wait3A_307 = tpu.memref_squeeze %dma_wait3A_306 : memref<1x125x32xf32, #tpu.memory_space<vmem>> -> memref<125x32xf32, #tpu.memory_space<vmem>>
      %dma_wait3A_308 = arith.constant 0 : i32
      %dma_wait3A_309 = tpu.memref_slice %arg7[%add3A_302, %dma_wait3A_308] : memref<80x125xi32, #tpu.memory_space<vmem>> -> memref<1x125xi32, #tpu.memory_space<vmem>>
      %dma_wait3A_310 = tpu.memref_squeeze %dma_wait3A_309 : memref<1x125xi32, #tpu.memory_space<vmem>> -> memref<125xi32, #tpu.memory_space<vmem>>
      %dma_wait3A_311 = arith.constant 0 : i32
      %dma_wait3A_312 = arith.constant 0 : i32
      %dma_wait3A_313 = tpu.memref_slice %arg11[%dma_wait3A_311, %dma_wait3A_312] : memref<10000x32xf32, #tpu.memory_space<vmem_shared>> -> memref<10000x32xf32, #tpu.memory_space<vmem_shared>>
      tpu.wait_indirect_dma semaphore(%arg12 : memref<!tpu.dma_semaphore, #tpu.memory_space<semaphore_mem>>) src(%dma_wait3A_313 : memref<10000x32xf32, #tpu.memory_space<vmem_shared>>) dst(%dma_wait3A_307 : memref<125x32xf32, #tpu.memory_space<vmem>>)
      %dma_start3A_314 = arith.constant 5 : i32
      %dma_start3A_315 = arith.constant 0 : i32
      %dma_start3A_316 = arith.constant 0 : i32
      %dma_start3A_317 = tpu.memref_slice %arg9[%dma_start3A_314, %dma_start3A_315, %dma_start3A_316] : memref<8x125x32xf32, #tpu.memory_space<vmem>> -> memref<1x125x32xf32, #tpu.memory_space<vmem>>
      %dma_start3A_318 = tpu.memref_squeeze %dma_start3A_317 : memref<1x125x32xf32, #tpu.memory_space<vmem>> -> memref<125x32xf32, #tpu.memory_space<vmem>>
      %dma_start3A_319 = arith.constant 0 : i32
      %dma_start3A_320 = tpu.memref_slice %arg8[%add3A_302, %dma_start3A_319] : memref<80x125xi32, #tpu.memory_space<vmem>> -> memref<1x125xi32, #tpu.memory_space<vmem>>
      %dma_start3A_321 = tpu.memref_squeeze %dma_start3A_320 : memref<1x125xi32, #tpu.memory_space<vmem>> -> memref<125xi32, #tpu.memory_space<vmem>>
      %dma_start3A_322 = arith.constant 0 : i32
      %dma_start3A_323 = arith.constant 0 : i32
      %dma_start3A_324 = tpu.memref_slice %arg10[%dma_start3A_322, %dma_start3A_323] : memref<10000x32xf32, #tpu.memory_space<vmem_shared>> -> memref<10000x32xf32, #tpu.memory_space<vmem_shared>>
      tpu.enqueue_indirect_dma source(%dma_start3A_318 : memref<125x32xf32, #tpu.memory_space<vmem>>) target(%dma_start3A_324 : memref<10000x32xf32, #tpu.memory_space<vmem_shared>>) offsets(%dma_start3A_321 : memref<125xi32, #tpu.memory_space<vmem>>) semaphore(%arg13 : memref<!tpu.dma_semaphore, #tpu.memory_space<semaphore_mem>>) {add = true}
      %ge3A_325 = arith.constant 4 : i32
      %ge3A_326 = arith.cmpi sge, %add3A_302, %ge3A_325 : i32
      %convert_element_type3A_327 = arith.extui %ge3A_326 : i1 to i32
      %cond3A_328 = arith.constant 0 : i32
      %cond3A_329 = arith.cmpi ne, %convert_element_type3A_327, %cond3A_328 : i32
      scf.if %cond3A_329 {
        %dma_wait3A_409 = arith.constant 5 : i32
        %dma_wait3A_410 = arith.constant 0 : i32
        %dma_wait3A_411 = arith.constant 0 : i32
        %dma_wait3A_412 = tpu.memref_slice %arg9[%dma_wait3A_409, %dma_wait3A_410, %dma_wait3A_411] : memref<8x125x32xf32, #tpu.memory_space<vmem>> -> memref<1x125x32xf32, #tpu.memory_space<vmem>>
        %dma_wait3A_413 = tpu.memref_squeeze %dma_wait3A_412 : memref<1x125x32xf32, #tpu.memory_space<vmem>> -> memref<125x32xf32, #tpu.memory_space<vmem>>
        %dma_wait3A_414 = arith.constant 0 : i32
        %dma_wait3A_415 = tpu.memref_slice %arg8[%add3A_302, %dma_wait3A_414] : memref<80x125xi32, #tpu.memory_space<vmem>> -> memref<1x125xi32, #tpu.memory_space<vmem>>
        %dma_wait3A_416 = tpu.memref_squeeze %dma_wait3A_415 : memref<1x125xi32, #tpu.memory_space<vmem>> -> memref<125xi32, #tpu.memory_space<vmem>>
        %dma_wait3A_417 = arith.constant 0 : i32
        %dma_wait3A_418 = arith.constant 0 : i32
        %dma_wait3A_419 = tpu.memref_slice %arg10[%dma_wait3A_417, %dma_wait3A_418] : memref<10000x32xf32, #tpu.memory_space<vmem_shared>> -> memref<10000x32xf32, #tpu.memory_space<vmem_shared>>
        tpu.wait_indirect_dma semaphore(%arg13 : memref<!tpu.dma_semaphore, #tpu.memory_space<semaphore_mem>>) src(%dma_wait3A_413 : memref<125x32xf32, #tpu.memory_space<vmem>>) dst(%dma_wait3A_419 : memref<10000x32xf32, #tpu.memory_space<vmem_shared>>)
      } else {
      }
      %add3A_330 = arith.constant 4 : i32
      %add3A_331 = arith.addi %add3A_302, %add3A_330 : i32
      %lt3A_332 = arith.constant 80 : i32
      %lt3A_333 = arith.cmpi slt, %add3A_331, %lt3A_332 : i32
      %convert_element_type3A_334 = arith.extui %lt3A_333 : i1 to i32
      %cond3A_335 = arith.constant 0 : i32
      %cond3A_336 = arith.cmpi ne, %convert_element_type3A_334, %cond3A_335 : i32
      scf.if %cond3A_336 {
        %dma_start3A_409 = arith.constant 1 : i32
        %dma_start3A_410 = arith.constant 0 : i32
        %dma_start3A_411 = arith.constant 0 : i32
        %dma_start3A_412 = tpu.memref_slice %arg9[%dma_start3A_409, %dma_start3A_410, %dma_start3A_411] : memref<8x125x32xf32, #tpu.memory_space<vmem>> -> memref<1x125x32xf32, #tpu.memory_space<vmem>>
        %dma_start3A_413 = tpu.memref_squeeze %dma_start3A_412 : memref<1x125x32xf32, #tpu.memory_space<vmem>> -> memref<125x32xf32, #tpu.memory_space<vmem>>
        %dma_start3A_414 = arith.constant 0 : i32
        %dma_start3A_415 = tpu.memref_slice %arg7[%add3A_331, %dma_start3A_414] : memref<80x125xi32, #tpu.memory_space<vmem>> -> memref<1x125xi32, #tpu.memory_space<vmem>>
        %dma_start3A_416 = tpu.memref_squeeze %dma_start3A_415 : memref<1x125xi32, #tpu.memory_space<vmem>> -> memref<125xi32, #tpu.memory_space<vmem>>
        %dma_start3A_417 = arith.constant 0 : i32
        %dma_start3A_418 = arith.constant 0 : i32
        %dma_start3A_419 = tpu.memref_slice %arg11[%dma_start3A_417, %dma_start3A_418] : memref<10000x32xf32, #tpu.memory_space<vmem_shared>> -> memref<10000x32xf32, #tpu.memory_space<vmem_shared>>
        tpu.enqueue_indirect_dma source(%dma_start3A_419 : memref<10000x32xf32, #tpu.memory_space<vmem_shared>>) target(%dma_start3A_413 : memref<125x32xf32, #tpu.memory_space<vmem>>) offsets(%dma_start3A_416 : memref<125xi32, #tpu.memory_space<vmem>>) semaphore(%arg12 : memref<!tpu.dma_semaphore, #tpu.memory_space<semaphore_mem>>)
      } else {
      }
      %add3A_337 = arith.constant 6 : i32
      %add3A_338 = arith.addi %mul3A_122, %add3A_337 : i32
      %dma_wait3A_339 = arith.constant 6 : i32
      %dma_wait3A_340 = arith.constant 0 : i32
      %dma_wait3A_341 = arith.constant 0 : i32
      %dma_wait3A_342 = tpu.memref_slice %arg9[%dma_wait3A_339, %dma_wait3A_340, %dma_wait3A_341] : memref<8x125x32xf32, #tpu.memory_space<vmem>> -> memref<1x125x32xf32, #tpu.memory_space<vmem>>
      %dma_wait3A_343 = tpu.memref_squeeze %dma_wait3A_342 : memref<1x125x32xf32, #tpu.memory_space<vmem>> -> memref<125x32xf32, #tpu.memory_space<vmem>>
      %dma_wait3A_344 = arith.constant 0 : i32
      %dma_wait3A_345 = tpu.memref_slice %arg7[%add3A_338, %dma_wait3A_344] : memref<80x125xi32, #tpu.memory_space<vmem>> -> memref<1x125xi32, #tpu.memory_space<vmem>>
      %dma_wait3A_346 = tpu.memref_squeeze %dma_wait3A_345 : memref<1x125xi32, #tpu.memory_space<vmem>> -> memref<125xi32, #tpu.memory_space<vmem>>
      %dma_wait3A_347 = arith.constant 0 : i32
      %dma_wait3A_348 = arith.constant 0 : i32
      %dma_wait3A_349 = tpu.memref_slice %arg11[%dma_wait3A_347, %dma_wait3A_348] : memref<10000x32xf32, #tpu.memory_space<vmem_shared>> -> memref<10000x32xf32, #tpu.memory_space<vmem_shared>>
      tpu.wait_indirect_dma semaphore(%arg12 : memref<!tpu.dma_semaphore, #tpu.memory_space<semaphore_mem>>) src(%dma_wait3A_349 : memref<10000x32xf32, #tpu.memory_space<vmem_shared>>) dst(%dma_wait3A_343 : memref<125x32xf32, #tpu.memory_space<vmem>>)
      %dma_start3A_350 = arith.constant 6 : i32
      %dma_start3A_351 = arith.constant 0 : i32
      %dma_start3A_352 = arith.constant 0 : i32
      %dma_start3A_353 = tpu.memref_slice %arg9[%dma_start3A_350, %dma_start3A_351, %dma_start3A_352] : memref<8x125x32xf32, #tpu.memory_space<vmem>> -> memref<1x125x32xf32, #tpu.memory_space<vmem>>
      %dma_start3A_354 = tpu.memref_squeeze %dma_start3A_353 : memref<1x125x32xf32, #tpu.memory_space<vmem>> -> memref<125x32xf32, #tpu.memory_space<vmem>>
      %dma_start3A_355 = arith.constant 0 : i32
      %dma_start3A_356 = tpu.memref_slice %arg8[%add3A_338, %dma_start3A_355] : memref<80x125xi32, #tpu.memory_space<vmem>> -> memref<1x125xi32, #tpu.memory_space<vmem>>
      %dma_start3A_357 = tpu.memref_squeeze %dma_start3A_356 : memref<1x125xi32, #tpu.memory_space<vmem>> -> memref<125xi32, #tpu.memory_space<vmem>>
      %dma_start3A_358 = arith.constant 0 : i32
      %dma_start3A_359 = arith.constant 0 : i32
      %dma_start3A_360 = tpu.memref_slice %arg10[%dma_start3A_358, %dma_start3A_359] : memref<10000x32xf32, #tpu.memory_space<vmem_shared>> -> memref<10000x32xf32, #tpu.memory_space<vmem_shared>>
      tpu.enqueue_indirect_dma source(%dma_start3A_354 : memref<125x32xf32, #tpu.memory_space<vmem>>) target(%dma_start3A_360 : memref<10000x32xf32, #tpu.memory_space<vmem_shared>>) offsets(%dma_start3A_357 : memref<125xi32, #tpu.memory_space<vmem>>) semaphore(%arg13 : memref<!tpu.dma_semaphore, #tpu.memory_space<semaphore_mem>>) {add = true}
      %ge3A_361 = arith.constant 4 : i32
      %ge3A_362 = arith.cmpi sge, %add3A_338, %ge3A_361 : i32
      %convert_element_type3A_363 = arith.extui %ge3A_362 : i1 to i32
      %cond3A_364 = arith.constant 0 : i32
      %cond3A_365 = arith.cmpi ne, %convert_element_type3A_363, %cond3A_364 : i32
      scf.if %cond3A_365 {
        %dma_wait3A_409 = arith.constant 6 : i32
        %dma_wait3A_410 = arith.constant 0 : i32
        %dma_wait3A_411 = arith.constant 0 : i32
        %dma_wait3A_412 = tpu.memref_slice %arg9[%dma_wait3A_409, %dma_wait3A_410, %dma_wait3A_411] : memref<8x125x32xf32, #tpu.memory_space<vmem>> -> memref<1x125x32xf32, #tpu.memory_space<vmem>>
        %dma_wait3A_413 = tpu.memref_squeeze %dma_wait3A_412 : memref<1x125x32xf32, #tpu.memory_space<vmem>> -> memref<125x32xf32, #tpu.memory_space<vmem>>
        %dma_wait3A_414 = arith.constant 0 : i32
        %dma_wait3A_415 = tpu.memref_slice %arg8[%add3A_338, %dma_wait3A_414] : memref<80x125xi32, #tpu.memory_space<vmem>> -> memref<1x125xi32, #tpu.memory_space<vmem>>
        %dma_wait3A_416 = tpu.memref_squeeze %dma_wait3A_415 : memref<1x125xi32, #tpu.memory_space<vmem>> -> memref<125xi32, #tpu.memory_space<vmem>>
        %dma_wait3A_417 = arith.constant 0 : i32
        %dma_wait3A_418 = arith.constant 0 : i32
        %dma_wait3A_419 = tpu.memref_slice %arg10[%dma_wait3A_417, %dma_wait3A_418] : memref<10000x32xf32, #tpu.memory_space<vmem_shared>> -> memref<10000x32xf32, #tpu.memory_space<vmem_shared>>
        tpu.wait_indirect_dma semaphore(%arg13 : memref<!tpu.dma_semaphore, #tpu.memory_space<semaphore_mem>>) src(%dma_wait3A_413 : memref<125x32xf32, #tpu.memory_space<vmem>>) dst(%dma_wait3A_419 : memref<10000x32xf32, #tpu.memory_space<vmem_shared>>)
      } else {
      }
      %add3A_366 = arith.constant 4 : i32
      %add3A_367 = arith.addi %add3A_338, %add3A_366 : i32
      %lt3A_368 = arith.constant 80 : i32
      %lt3A_369 = arith.cmpi slt, %add3A_367, %lt3A_368 : i32
      %convert_element_type3A_370 = arith.extui %lt3A_369 : i1 to i32
      %cond3A_371 = arith.constant 0 : i32
      %cond3A_372 = arith.cmpi ne, %convert_element_type3A_370, %cond3A_371 : i32
      scf.if %cond3A_372 {
        %dma_start3A_409 = arith.constant 2 : i32
        %dma_start3A_410 = arith.constant 0 : i32
        %dma_start3A_411 = arith.constant 0 : i32
        %dma_start3A_412 = tpu.memref_slice %arg9[%dma_start3A_409, %dma_start3A_410, %dma_start3A_411] : memref<8x125x32xf32, #tpu.memory_space<vmem>> -> memref<1x125x32xf32, #tpu.memory_space<vmem>>
        %dma_start3A_413 = tpu.memref_squeeze %dma_start3A_412 : memref<1x125x32xf32, #tpu.memory_space<vmem>> -> memref<125x32xf32, #tpu.memory_space<vmem>>
        %dma_start3A_414 = arith.constant 0 : i32
        %dma_start3A_415 = tpu.memref_slice %arg7[%add3A_367, %dma_start3A_414] : memref<80x125xi32, #tpu.memory_space<vmem>> -> memref<1x125xi32, #tpu.memory_space<vmem>>
        %dma_start3A_416 = tpu.memref_squeeze %dma_start3A_415 : memref<1x125xi32, #tpu.memory_space<vmem>> -> memref<125xi32, #tpu.memory_space<vmem>>
        %dma_start3A_417 = arith.constant 0 : i32
        %dma_start3A_418 = arith.constant 0 : i32
        %dma_start3A_419 = tpu.memref_slice %arg11[%dma_start3A_417, %dma_start3A_418] : memref<10000x32xf32, #tpu.memory_space<vmem_shared>> -> memref<10000x32xf32, #tpu.memory_space<vmem_shared>>
        tpu.enqueue_indirect_dma source(%dma_start3A_419 : memref<10000x32xf32, #tpu.memory_space<vmem_shared>>) target(%dma_start3A_413 : memref<125x32xf32, #tpu.memory_space<vmem>>) offsets(%dma_start3A_416 : memref<125xi32, #tpu.memory_space<vmem>>) semaphore(%arg12 : memref<!tpu.dma_semaphore, #tpu.memory_space<semaphore_mem>>)
      } else {
      }
      %add3A_373 = arith.constant 7 : i32
      %add3A_374 = arith.addi %mul3A_122, %add3A_373 : i32
      %dma_wait3A_375 = arith.constant 7 : i32
      %dma_wait3A_376 = arith.constant 0 : i32
      %dma_wait3A_377 = arith.constant 0 : i32
      %dma_wait3A_378 = tpu.memref_slice %arg9[%dma_wait3A_375, %dma_wait3A_376, %dma_wait3A_377] : memref<8x125x32xf32, #tpu.memory_space<vmem>> -> memref<1x125x32xf32, #tpu.memory_space<vmem>>
      %dma_wait3A_379 = tpu.memref_squeeze %dma_wait3A_378 : memref<1x125x32xf32, #tpu.memory_space<vmem>> -> memref<125x32xf32, #tpu.memory_space<vmem>>
      %dma_wait3A_380 = arith.constant 0 : i32
      %dma_wait3A_381 = tpu.memref_slice %arg7[%add3A_374, %dma_wait3A_380] : memref<80x125xi32, #tpu.memory_space<vmem>> -> memref<1x125xi32, #tpu.memory_space<vmem>>
      %dma_wait3A_382 = tpu.memref_squeeze %dma_wait3A_381 : memref<1x125xi32, #tpu.memory_space<vmem>> -> memref<125xi32, #tpu.memory_space<vmem>>
      %dma_wait3A_383 = arith.constant 0 : i32
      %dma_wait3A_384 = arith.constant 0 : i32
      %dma_wait3A_385 = tpu.memref_slice %arg11[%dma_wait3A_383, %dma_wait3A_384] : memref<10000x32xf32, #tpu.memory_space<vmem_shared>> -> memref<10000x32xf32, #tpu.memory_space<vmem_shared>>
      tpu.wait_indirect_dma semaphore(%arg12 : memref<!tpu.dma_semaphore, #tpu.memory_space<semaphore_mem>>) src(%dma_wait3A_385 : memref<10000x32xf32, #tpu.memory_space<vmem_shared>>) dst(%dma_wait3A_379 : memref<125x32xf32, #tpu.memory_space<vmem>>)
      %dma_start3A_386 = arith.constant 7 : i32
      %dma_start3A_387 = arith.constant 0 : i32
      %dma_start3A_388 = arith.constant 0 : i32
      %dma_start3A_389 = tpu.memref_slice %arg9[%dma_start3A_386, %dma_start3A_387, %dma_start3A_388] : memref<8x125x32xf32, #tpu.memory_space<vmem>> -> memref<1x125x32xf32, #tpu.memory_space<vmem>>
      %dma_start3A_390 = tpu.memref_squeeze %dma_start3A_389 : memref<1x125x32xf32, #tpu.memory_space<vmem>> -> memref<125x32xf32, #tpu.memory_space<vmem>>
      %dma_start3A_391 = arith.constant 0 : i32
      %dma_start3A_392 = tpu.memref_slice %arg8[%add3A_374, %dma_start3A_391] : memref<80x125xi32, #tpu.memory_space<vmem>> -> memref<1x125xi32, #tpu.memory_space<vmem>>
      %dma_start3A_393 = tpu.memref_squeeze %dma_start3A_392 : memref<1x125xi32, #tpu.memory_space<vmem>> -> memref<125xi32, #tpu.memory_space<vmem>>
      %dma_start3A_394 = arith.constant 0 : i32
      %dma_start3A_395 = arith.constant 0 : i32
      %dma_start3A_396 = tpu.memref_slice %arg10[%dma_start3A_394, %dma_start3A_395] : memref<10000x32xf32, #tpu.memory_space<vmem_shared>> -> memref<10000x32xf32, #tpu.memory_space<vmem_shared>>
      tpu.enqueue_indirect_dma source(%dma_start3A_390 : memref<125x32xf32, #tpu.memory_space<vmem>>) target(%dma_start3A_396 : memref<10000x32xf32, #tpu.memory_space<vmem_shared>>) offsets(%dma_start3A_393 : memref<125xi32, #tpu.memory_space<vmem>>) semaphore(%arg13 : memref<!tpu.dma_semaphore, #tpu.memory_space<semaphore_mem>>) {add = true}
      %ge3A_397 = arith.constant 4 : i32
      %ge3A_398 = arith.cmpi sge, %add3A_374, %ge3A_397 : i32
      %convert_element_type3A_399 = arith.extui %ge3A_398 : i1 to i32
      %cond3A_400 = arith.constant 0 : i32
      %cond3A_401 = arith.cmpi ne, %convert_element_type3A_399, %cond3A_400 : i32
      scf.if %cond3A_401 {
        %dma_wait3A_409 = arith.constant 7 : i32
        %dma_wait3A_410 = arith.constant 0 : i32
        %dma_wait3A_411 = arith.constant 0 : i32
        %dma_wait3A_412 = tpu.memref_slice %arg9[%dma_wait3A_409, %dma_wait3A_410, %dma_wait3A_411] : memref<8x125x32xf32, #tpu.memory_space<vmem>> -> memref<1x125x32xf32, #tpu.memory_space<vmem>>
        %dma_wait3A_413 = tpu.memref_squeeze %dma_wait3A_412 : memref<1x125x32xf32, #tpu.memory_space<vmem>> -> memref<125x32xf32, #tpu.memory_space<vmem>>
        %dma_wait3A_414 = arith.constant 0 : i32
        %dma_wait3A_415 = tpu.memref_slice %arg8[%add3A_374, %dma_wait3A_414] : memref<80x125xi32, #tpu.memory_space<vmem>> -> memref<1x125xi32, #tpu.memory_space<vmem>>
        %dma_wait3A_416 = tpu.memref_squeeze %dma_wait3A_415 : memref<1x125xi32, #tpu.memory_space<vmem>> -> memref<125xi32, #tpu.memory_space<vmem>>
        %dma_wait3A_417 = arith.constant 0 : i32
        %dma_wait3A_418 = arith.constant 0 : i32
        %dma_wait3A_419 = tpu.memref_slice %arg10[%dma_wait3A_417, %dma_wait3A_418] : memref<10000x32xf32, #tpu.memory_space<vmem_shared>> -> memref<10000x32xf32, #tpu.memory_space<vmem_shared>>
        tpu.wait_indirect_dma semaphore(%arg13 : memref<!tpu.dma_semaphore, #tpu.memory_space<semaphore_mem>>) src(%dma_wait3A_413 : memref<125x32xf32, #tpu.memory_space<vmem>>) dst(%dma_wait3A_419 : memref<10000x32xf32, #tpu.memory_space<vmem_shared>>)
      } else {
      }
      %add3A_402 = arith.constant 4 : i32
      %add3A_403 = arith.addi %add3A_374, %add3A_402 : i32
      %lt3A_404 = arith.constant 80 : i32
      %lt3A_405 = arith.cmpi slt, %add3A_403, %lt3A_404 : i32
      %convert_element_type3A_406 = arith.extui %lt3A_405 : i1 to i32
      %cond3A_407 = arith.constant 0 : i32
      %cond3A_408 = arith.cmpi ne, %convert_element_type3A_406, %cond3A_407 : i32
      scf.if %cond3A_408 {
        %dma_start3A_409 = arith.constant 3 : i32
        %dma_start3A_410 = arith.constant 0 : i32
        %dma_start3A_411 = arith.constant 0 : i32
        %dma_start3A_412 = tpu.memref_slice %arg9[%dma_start3A_409, %dma_start3A_410, %dma_start3A_411] : memref<8x125x32xf32, #tpu.memory_space<vmem>> -> memref<1x125x32xf32, #tpu.memory_space<vmem>>
        %dma_start3A_413 = tpu.memref_squeeze %dma_start3A_412 : memref<1x125x32xf32, #tpu.memory_space<vmem>> -> memref<125x32xf32, #tpu.memory_space<vmem>>
        %dma_start3A_414 = arith.constant 0 : i32
        %dma_start3A_415 = tpu.memref_slice %arg7[%add3A_403, %dma_start3A_414] : memref<80x125xi32, #tpu.memory_space<vmem>> -> memref<1x125xi32, #tpu.memory_space<vmem>>
        %dma_start3A_416 = tpu.memref_squeeze %dma_start3A_415 : memref<1x125xi32, #tpu.memory_space<vmem>> -> memref<125xi32, #tpu.memory_space<vmem>>
        %dma_start3A_417 = arith.constant 0 : i32
        %dma_start3A_418 = arith.constant 0 : i32
        %dma_start3A_419 = tpu.memref_slice %arg11[%dma_start3A_417, %dma_start3A_418] : memref<10000x32xf32, #tpu.memory_space<vmem_shared>> -> memref<10000x32xf32, #tpu.memory_space<vmem_shared>>
        tpu.enqueue_indirect_dma source(%dma_start3A_419 : memref<10000x32xf32, #tpu.memory_space<vmem_shared>>) target(%dma_start3A_413 : memref<125x32xf32, #tpu.memory_space<vmem>>) offsets(%dma_start3A_416 : memref<125xi32, #tpu.memory_space<vmem>>) semaphore(%arg12 : memref<!tpu.dma_semaphore, #tpu.memory_space<semaphore_mem>>)
      } else {
      }
    }
    %scan3A_64 = arith.constant 10 : i32
    %dma_wait3A = arith.constant 0 : i32
    %dma_wait3A_65 = arith.constant 0 : i32
    %dma_wait3A_66 = arith.constant 0 : i32
    %dma_wait3A_67 = arith.constant 0 : i32
    %dma_wait3A_68 = tpu.memref_slice %arg9[%dma_wait3A, %dma_wait3A_66, %dma_wait3A_67] : memref<8x125x32xf32, #tpu.memory_space<vmem>> -> memref<1x125x32xf32, #tpu.memory_space<vmem>>
    %dma_wait3A_69 = tpu.memref_squeeze %dma_wait3A_68 : memref<1x125x32xf32, #tpu.memory_space<vmem>> -> memref<125x32xf32, #tpu.memory_space<vmem>>
    %dma_wait3A_70 = arith.constant 0 : i32
    %dma_wait3A_71 = tpu.memref_slice %arg8[%dma_wait3A_65, %dma_wait3A_70] : memref<80x125xi32, #tpu.memory_space<vmem>> -> memref<1x125xi32, #tpu.memory_space<vmem>>
    %dma_wait3A_72 = tpu.memref_squeeze %dma_wait3A_71 : memref<1x125xi32, #tpu.memory_space<vmem>> -> memref<125xi32, #tpu.memory_space<vmem>>
    %dma_wait3A_73 = arith.constant 0 : i32
    %dma_wait3A_74 = arith.constant 0 : i32
    %dma_wait3A_75 = tpu.memref_slice %arg10[%dma_wait3A_73, %dma_wait3A_74] : memref<10000x32xf32, #tpu.memory_space<vmem_shared>> -> memref<10000x32xf32, #tpu.memory_space<vmem_shared>>
    tpu.wait_indirect_dma semaphore(%arg13 : memref<!tpu.dma_semaphore, #tpu.memory_space<semaphore_mem>>) src(%dma_wait3A_69 : memref<125x32xf32, #tpu.memory_space<vmem>>) dst(%dma_wait3A_75 : memref<10000x32xf32, #tpu.memory_space<vmem_shared>>)
    %dma_wait3A_76 = arith.constant 0 : i32
    %dma_wait3A_77 = arith.constant 0 : i32
    %dma_wait3A_78 = arith.constant 0 : i32
    %dma_wait3A_79 = arith.constant 0 : i32
    %dma_wait3A_80 = tpu.memref_slice %arg9[%dma_wait3A_76, %dma_wait3A_78, %dma_wait3A_79] : memref<8x125x32xf32, #tpu.memory_space<vmem>> -> memref<1x125x32xf32, #tpu.memory_space<vmem>>
    %dma_wait3A_81 = tpu.memref_squeeze %dma_wait3A_80 : memref<1x125x32xf32, #tpu.memory_space<vmem>> -> memref<125x32xf32, #tpu.memory_space<vmem>>
    %dma_wait3A_82 = arith.constant 0 : i32
    %dma_wait3A_83 = tpu.memref_slice %arg8[%dma_wait3A_77, %dma_wait3A_82] : memref<80x125xi32, #tpu.memory_space<vmem>> -> memref<1x125xi32, #tpu.memory_space<vmem>>
    %dma_wait3A_84 = tpu.memref_squeeze %dma_wait3A_83 : memref<1x125xi32, #tpu.memory_space<vmem>> -> memref<125xi32, #tpu.memory_space<vmem>>
    %dma_wait3A_85 = arith.constant 0 : i32
    %dma_wait3A_86 = arith.constant 0 : i32
    %dma_wait3A_87 = tpu.memref_slice %arg10[%dma_wait3A_85, %dma_wait3A_86] : memref<10000x32xf32, #tpu.memory_space<vmem_shared>> -> memref<10000x32xf32, #tpu.memory_space<vmem_shared>>
    tpu.wait_indirect_dma semaphore(%arg13 : memref<!tpu.dma_semaphore, #tpu.memory_space<semaphore_mem>>) src(%dma_wait3A_81 : memref<125x32xf32, #tpu.memory_space<vmem>>) dst(%dma_wait3A_87 : memref<10000x32xf32, #tpu.memory_space<vmem_shared>>)
    %dma_wait3A_88 = arith.constant 0 : i32
    %dma_wait3A_89 = arith.constant 0 : i32
    %dma_wait3A_90 = arith.constant 0 : i32
    %dma_wait3A_91 = arith.constant 0 : i32
    %dma_wait3A_92 = tpu.memref_slice %arg9[%dma_wait3A_88, %dma_wait3A_90, %dma_wait3A_91] : memref<8x125x32xf32, #tpu.memory_space<vmem>> -> memref<1x125x32xf32, #tpu.memory_space<vmem>>
    %dma_wait3A_93 = tpu.memref_squeeze %dma_wait3A_92 : memref<1x125x32xf32, #tpu.memory_space<vmem>> -> memref<125x32xf32, #tpu.memory_space<vmem>>
    %dma_wait3A_94 = arith.constant 0 : i32
    %dma_wait3A_95 = tpu.memref_slice %arg8[%dma_wait3A_89, %dma_wait3A_94] : memref<80x125xi32, #tpu.memory_space<vmem>> -> memref<1x125xi32, #tpu.memory_space<vmem>>
    %dma_wait3A_96 = tpu.memref_squeeze %dma_wait3A_95 : memref<1x125xi32, #tpu.memory_space<vmem>> -> memref<125xi32, #tpu.memory_space<vmem>>
    %dma_wait3A_97 = arith.constant 0 : i32
    %dma_wait3A_98 = arith.constant 0 : i32
    %dma_wait3A_99 = tpu.memref_slice %arg10[%dma_wait3A_97, %dma_wait3A_98] : memref<10000x32xf32, #tpu.memory_space<vmem_shared>> -> memref<10000x32xf32, #tpu.memory_space<vmem_shared>>
    tpu.wait_indirect_dma semaphore(%arg13 : memref<!tpu.dma_semaphore, #tpu.memory_space<semaphore_mem>>) src(%dma_wait3A_93 : memref<125x32xf32, #tpu.memory_space<vmem>>) dst(%dma_wait3A_99 : memref<10000x32xf32, #tpu.memory_space<vmem_shared>>)
    %dma_wait3A_100 = arith.constant 0 : i32
    %dma_wait3A_101 = arith.constant 0 : i32
    %dma_wait3A_102 = arith.constant 0 : i32
    %dma_wait3A_103 = arith.constant 0 : i32
    %dma_wait3A_104 = tpu.memref_slice %arg9[%dma_wait3A_100, %dma_wait3A_102, %dma_wait3A_103] : memref<8x125x32xf32, #tpu.memory_space<vmem>> -> memref<1x125x32xf32, #tpu.memory_space<vmem>>
    %dma_wait3A_105 = tpu.memref_squeeze %dma_wait3A_104 : memref<1x125x32xf32, #tpu.memory_space<vmem>> -> memref<125x32xf32, #tpu.memory_space<vmem>>
    %dma_wait3A_106 = arith.constant 0 : i32
    %dma_wait3A_107 = tpu.memref_slice %arg8[%dma_wait3A_101, %dma_wait3A_106] : memref<80x125xi32, #tpu.memory_space<vmem>> -> memref<1x125xi32, #tpu.memory_space<vmem>>
    %dma_wait3A_108 = tpu.memref_squeeze %dma_wait3A_107 : memref<1x125xi32, #tpu.memory_space<vmem>> -> memref<125xi32, #tpu.memory_space<vmem>>
    %dma_wait3A_109 = arith.constant 0 : i32
    %dma_wait3A_110 = arith.constant 0 : i32
    %dma_wait3A_111 = tpu.memref_slice %arg10[%dma_wait3A_109, %dma_wait3A_110] : memref<10000x32xf32, #tpu.memory_space<vmem_shared>> -> memref<10000x32xf32, #tpu.memory_space<vmem_shared>>
    tpu.wait_indirect_dma semaphore(%arg13 : memref<!tpu.dma_semaphore, #tpu.memory_space<semaphore_mem>>) src(%dma_wait3A_105 : memref<125x32xf32, #tpu.memory_space<vmem>>) dst(%dma_wait3A_111 : memref<10000x32xf32, #tpu.memory_space<vmem_shared>>)
    %barrier3A_112 = arith.constant 0 : index
    tpu.barrier barrier_id(%barrier3A_112)
    %eq3A = arith.constant 0 : i32
    %eq3A_113 = arith.cmpi eq, %arg0, %eq3A : i32
    %convert_element_type3A = arith.extui %eq3A_113 : i1 to i32
    %cond3A = arith.constant 0 : i32
    %cond3A_114 = arith.cmpi ne, %convert_element_type3A, %cond3A : i32
    scf.if %cond3A_114 {
      "tpu.region"() ({
        %run_scoped3A = tpu.sem_alloc : memref<!tpu.dma_semaphore, #tpu.memory_space<semaphore_mem>>
        %dma_start3A_120 = arith.constant 0 : i32
        %dma_start3A_121 = tpu.memref_slice %arg5[%mul3A_2, %dma_start3A_120] : memref<10000x32xf32, #tpu.memory_space<hbm>> -> memref<625x32xf32, #tpu.memory_space<hbm>>
        %dma_start3A_122 = arith.constant 0 : i32
        %dma_start3A_123 = tpu.memref_slice %arg10[%mul3A_2, %dma_start3A_122] : memref<10000x32xf32, #tpu.memory_space<vmem_shared>> -> memref<625x32xf32, #tpu.memory_space<vmem_shared>>
        tpu.enqueue_dma source(%dma_start3A_123 : memref<625x32xf32, #tpu.memory_space<vmem_shared>>) target(%dma_start3A_121 : memref<625x32xf32, #tpu.memory_space<hbm>>) target_semaphore(%run_scoped3A : memref<!tpu.dma_semaphore, #tpu.memory_space<semaphore_mem>>)
        %dma_wait3A_124 = arith.constant 0 : i32
        %dma_wait3A_125 = tpu.memref_slice %arg5[%mul3A_2, %dma_wait3A_124] : memref<10000x32xf32, #tpu.memory_space<hbm>> -> memref<625x32xf32, #tpu.memory_space<hbm>>
        %dma_wait3A_126 = arith.constant 0 : i32
        %dma_wait3A_127 = tpu.memref_slice %arg10[%mul3A_2, %dma_wait3A_126] : memref<10000x32xf32, #tpu.memory_space<vmem_shared>> -> memref<625x32xf32, #tpu.memory_space<vmem_shared>>
        tpu.wait_dma2 semaphore(%run_scoped3A : memref<!tpu.dma_semaphore, #tpu.memory_space<semaphore_mem>>) src(%dma_wait3A_127 : memref<625x32xf32, #tpu.memory_space<vmem_shared>>) dst(%dma_wait3A_125 : memref<625x32xf32, #tpu.memory_space<hbm>>)
        tpu.yield
      }) : () -> ()
    } else {
    }
    %eq3A_115 = arith.constant 1 : i32
    %eq3A_116 = arith.cmpi eq, %arg0, %eq3A_115 : i32
    %convert_element_type3A_117 = arith.extui %eq3A_116 : i1 to i32
    %cond3A_118 = arith.constant 0 : i32
    %cond3A_119 = arith.cmpi ne, %convert_element_type3A_117, %cond3A_118 : i32
    scf.if %cond3A_119 {
      "tpu.region"() ({
        %run_scoped3A = tpu.sem_alloc : memref<!tpu.dma_semaphore, #tpu.memory_space<semaphore_mem>>
        %dma_start3A_120 = arith.constant 0 : i32
        %dma_start3A_121 = tpu.memref_slice %arg6[%mul3A_2, %dma_start3A_120] : memref<10000x32xf32, #tpu.memory_space<hbm>> -> memref<625x32xf32, #tpu.memory_space<hbm>>
        %dma_start3A_122 = arith.constant 0 : i32
        %dma_start3A_123 = tpu.memref_slice %arg10[%mul3A_2, %dma_start3A_122] : memref<10000x32xf32, #tpu.memory_space<vmem_shared>> -> memref<625x32xf32, #tpu.memory_space<vmem_shared>>
        tpu.enqueue_dma source(%dma_start3A_123 : memref<625x32xf32, #tpu.memory_space<vmem_shared>>) target(%dma_start3A_121 : memref<625x32xf32, #tpu.memory_space<hbm>>) target_semaphore(%run_scoped3A : memref<!tpu.dma_semaphore, #tpu.memory_space<semaphore_mem>>)
        %dma_wait3A_124 = arith.constant 0 : i32
        %dma_wait3A_125 = tpu.memref_slice %arg6[%mul3A_2, %dma_wait3A_124] : memref<10000x32xf32, #tpu.memory_space<hbm>> -> memref<625x32xf32, #tpu.memory_space<hbm>>
        %dma_wait3A_126 = arith.constant 0 : i32
        %dma_wait3A_127 = tpu.memref_slice %arg10[%mul3A_2, %dma_wait3A_126] : memref<10000x32xf32, #tpu.memory_space<vmem_shared>> -> memref<625x32xf32, #tpu.memory_space<vmem_shared>>
        tpu.wait_dma2 semaphore(%run_scoped3A : memref<!tpu.dma_semaphore, #tpu.memory_space<semaphore_mem>>) src(%dma_wait3A_127 : memref<625x32xf32, #tpu.memory_space<vmem_shared>>) dst(%dma_wait3A_125 : memref<625x32xf32, #tpu.memory_space<hbm>>)
        tpu.yield
      }) : () -> ()
    } else {
    }
    return
  }
}

#map = affine_map<(d0, d1) -> (0, 0)>
module attributes {stable_mosaic.version = 14 : i64} {
  func.func @_sc_agg(%arg0: i32, %arg1: i32, %arg2: memref<10000x32xf32, #tpu.memory_space<hbm>>, %arg3: memref<10000x32xf32, #tpu.memory_space<hbm>>, %arg4: memref<5120x125xi32, #tpu.memory_space<hbm>>, %arg5: memref<10000x32xf32, #tpu.memory_space<hbm>>, %arg6: memref<10000x32xf32, #tpu.memory_space<hbm>>, %arg7: memref<80x125xi32, #tpu.memory_space<vmem>>, %arg8: memref<80x125xi32, #tpu.memory_space<vmem>>, %arg9: memref<8x125x32xf32, #tpu.memory_space<vmem>>, %arg10: memref<10000x32xf32, #tpu.memory_space<vmem_shared>>, %arg11: memref<10000x32xf32, #tpu.memory_space<vmem_shared>>, %arg12: memref<!tpu.dma_semaphore, #tpu.memory_space<semaphore_mem>>, %arg13: memref<!tpu.dma_semaphore, #tpu.memory_space<semaphore_mem>>) attributes {dimension_semantics = [#tpu.dimension_semantics<core_parallel>, #tpu.dimension_semantics<subcore_parallel>], iteration_bounds = array<i64: 2, 16>, scalar_prefetch = 0 : i64, scratch_operands = 7 : i64, tpu.core_type = #tpu.core_type<sc_vector_subcore>, window_params = [{transform_indices = #map}, {transform_indices = #map}, {transform_indices = #map}, {transform_indices = #map}, {transform_indices = #map}]} {
    %mul3A = arith.constant 2 : i32
    %mul3A_0 = arith.muli %arg1, %mul3A : i32
    %add3A = arith.addi %mul3A_0, %arg0 : i32
    %mul3A_1 = arith.constant 625 : i32
    %mul3A_2 = arith.muli %arg1, %mul3A_1 : i32
    "tpu.region"() ({
      %run_scoped3A = tpu.sem_alloc : memref<!tpu.dma_semaphore, #tpu.memory_space<semaphore_mem>>
      %dma_start3A_120 = arith.constant 0 : i32
      %dma_start3A_121 = tpu.memref_slice %arg10[%mul3A_2, %dma_start3A_120] : memref<10000x32xf32, #tpu.memory_space<vmem_shared>> -> memref<625x32xf32, #tpu.memory_space<vmem_shared>>
      %dma_start3A_122 = arith.constant 0 : i32
      %dma_start3A_123 = tpu.memref_slice %arg3[%mul3A_2, %dma_start3A_122] : memref<10000x32xf32, #tpu.memory_space<hbm>> -> memref<625x32xf32, #tpu.memory_space<hbm>>
      tpu.enqueue_dma source(%dma_start3A_123 : memref<625x32xf32, #tpu.memory_space<hbm>>) target(%dma_start3A_121 : memref<625x32xf32, #tpu.memory_space<vmem_shared>>) target_semaphore(%run_scoped3A : memref<!tpu.dma_semaphore, #tpu.memory_space<semaphore_mem>>)
      %dma_wait3A_124 = arith.constant 0 : i32
      %dma_wait3A_125 = tpu.memref_slice %arg10[%mul3A_2, %dma_wait3A_124] : memref<10000x32xf32, #tpu.memory_space<vmem_shared>> -> memref<625x32xf32, #tpu.memory_space<vmem_shared>>
      %dma_wait3A_126 = arith.constant 0 : i32
      %dma_wait3A_127 = tpu.memref_slice %arg3[%mul3A_2, %dma_wait3A_126] : memref<10000x32xf32, #tpu.memory_space<hbm>> -> memref<625x32xf32, #tpu.memory_space<hbm>>
      tpu.wait_dma2 semaphore(%run_scoped3A : memref<!tpu.dma_semaphore, #tpu.memory_space<semaphore_mem>>) src(%dma_wait3A_127 : memref<625x32xf32, #tpu.memory_space<hbm>>) dst(%dma_wait3A_125 : memref<625x32xf32, #tpu.memory_space<vmem_shared>>)
      tpu.yield
    }) : () -> ()
    %mul3A_3 = arith.constant 625 : i32
    %mul3A_4 = arith.muli %arg1, %mul3A_3 : i32
    %mul3A_5 = arith.constant 625 : i32
    %mul3A_6 = arith.muli %arg1, %mul3A_5 : i32
    "tpu.region"() ({
      %run_scoped3A = tpu.sem_alloc : memref<!tpu.dma_semaphore, #tpu.memory_space<semaphore_mem>>
      %dma_start3A_120 = arith.constant 0 : i32
      %dma_start3A_121 = tpu.memref_slice %arg11[%mul3A_6, %dma_start3A_120] : memref<10000x32xf32, #tpu.memory_space<vmem_shared>> -> memref<625x32xf32, #tpu.memory_space<vmem_shared>>
      %dma_start3A_122 = arith.constant 0 : i32
      %dma_start3A_123 = tpu.memref_slice %arg2[%mul3A_4, %dma_start3A_122] : memref<10000x32xf32, #tpu.memory_space<hbm>> -> memref<625x32xf32, #tpu.memory_space<hbm>>
      tpu.enqueue_dma source(%dma_start3A_123 : memref<625x32xf32, #tpu.memory_space<hbm>>) target(%dma_start3A_121 : memref<625x32xf32, #tpu.memory_space<vmem_shared>>) target_semaphore(%run_scoped3A : memref<!tpu.dma_semaphore, #tpu.memory_space<semaphore_mem>>)
      %dma_wait3A_124 = arith.constant 0 : i32
      %dma_wait3A_125 = tpu.memref_slice %arg11[%mul3A_6, %dma_wait3A_124] : memref<10000x32xf32, #tpu.memory_space<vmem_shared>> -> memref<625x32xf32, #tpu.memory_space<vmem_shared>>
      %dma_wait3A_126 = arith.constant 0 : i32
      %dma_wait3A_127 = tpu.memref_slice %arg2[%mul3A_4, %dma_wait3A_126] : memref<10000x32xf32, #tpu.memory_space<hbm>> -> memref<625x32xf32, #tpu.memory_space<hbm>>
      tpu.wait_dma2 semaphore(%run_scoped3A : memref<!tpu.dma_semaphore, #tpu.memory_space<semaphore_mem>>) src(%dma_wait3A_127 : memref<625x32xf32, #tpu.memory_space<hbm>>) dst(%dma_wait3A_125 : memref<625x32xf32, #tpu.memory_space<vmem_shared>>)
      tpu.yield
    }) : () -> ()
    %mul3A_7 = arith.constant 80 : i32
    %mul3A_8 = arith.muli %add3A, %mul3A_7 : i32
    "tpu.region"() ({
      %run_scoped3A = tpu.sem_alloc : memref<!tpu.dma_semaphore, #tpu.memory_space<semaphore_mem>>
      %dma_start3A_120 = arith.constant 0 : i32
      %dma_start3A_121 = tpu.memref_slice %arg4[%mul3A_8, %dma_start3A_120] : memref<5120x125xi32, #tpu.memory_space<hbm>> -> memref<80x125xi32, #tpu.memory_space<hbm>>
      %dma_start3A_122 = arith.constant 0 : i32
      %dma_start3A_123 = tpu.memref_slice %arg4[%mul3A_8, %dma_start3A_122] : memref<5120x125xi32, #tpu.memory_space<hbm>> -> memref<80x125xi32, #tpu.memory_space<hbm>>
      tpu.enqueue_dma source(%dma_start3A_123 : memref<80x125xi32, #tpu.memory_space<hbm>>) target(%arg7 : memref<80x125xi32, #tpu.memory_space<vmem>>) target_semaphore(%run_scoped3A : memref<!tpu.dma_semaphore, #tpu.memory_space<semaphore_mem>>)
      %dma_wait3A_124 = arith.constant 0 : i32
      %dma_wait3A_125 = tpu.memref_slice %arg4[%mul3A_8, %dma_wait3A_124] : memref<5120x125xi32, #tpu.memory_space<hbm>> -> memref<80x125xi32, #tpu.memory_space<hbm>>
      %dma_wait3A_126 = arith.constant 0 : i32
      %dma_wait3A_127 = tpu.memref_slice %arg4[%mul3A_8, %dma_wait3A_126] : memref<5120x125xi32, #tpu.memory_space<hbm>> -> memref<80x125xi32, #tpu.memory_space<hbm>>
      tpu.wait_dma2 semaphore(%run_scoped3A : memref<!tpu.dma_semaphore, #tpu.memory_space<semaphore_mem>>) src(%dma_wait3A_127 : memref<80x125xi32, #tpu.memory_space<hbm>>) dst(%arg7 : memref<80x125xi32, #tpu.memory_space<vmem>>)
      tpu.yield
    }) : () -> ()
    %add3A_9 = arith.constant 32 : i32
    %add3A_10 = arith.addi %add3A_9, %add3A : i32
    %mul3A_11 = arith.constant 80 : i32
    %mul3A_12 = arith.muli %add3A_10, %mul3A_11 : i32
    "tpu.region"() ({
      %run_scoped3A = tpu.sem_alloc : memref<!tpu.dma_semaphore, #tpu.memory_space<semaphore_mem>>
      %dma_start3A_120 = arith.constant 0 : i32
      %dma_start3A_121 = tpu.memref_slice %arg4[%mul3A_12, %dma_start3A_120] : memref<5120x125xi32, #tpu.memory_space<hbm>> -> memref<80x125xi32, #tpu.memory_space<hbm>>
      %dma_start3A_122 = arith.constant 0 : i32
      %dma_start3A_123 = tpu.memref_slice %arg4[%mul3A_12, %dma_start3A_122] : memref<5120x125xi32, #tpu.memory_space<hbm>> -> memref<80x125xi32, #tpu.memory_space<hbm>>
      tpu.enqueue_dma source(%dma_start3A_123 : memref<80x125xi32, #tpu.memory_space<hbm>>) target(%arg8 : memref<80x125xi32, #tpu.memory_space<vmem>>) target_semaphore(%run_scoped3A : memref<!tpu.dma_semaphore, #tpu.memory_space<semaphore_mem>>)
      %dma_wait3A_124 = arith.constant 0 : i32
      %dma_wait3A_125 = tpu.memref_slice %arg4[%mul3A_12, %dma_wait3A_124] : memref<5120x125xi32, #tpu.memory_space<hbm>> -> memref<80x125xi32, #tpu.memory_space<hbm>>
      %dma_wait3A_126 = arith.constant 0 : i32
      %dma_wait3A_127 = tpu.memref_slice %arg4[%mul3A_12, %dma_wait3A_126] : memref<5120x125xi32, #tpu.memory_space<hbm>> -> memref<80x125xi32, #tpu.memory_space<hbm>>
      tpu.wait_dma2 semaphore(%run_scoped3A : memref<!tpu.dma_semaphore, #tpu.memory_space<semaphore_mem>>) src(%dma_wait3A_127 : memref<80x125xi32, #tpu.memory_space<hbm>>) dst(%arg8 : memref<80x125xi32, #tpu.memory_space<vmem>>)
      tpu.yield
    }) : () -> ()
    %barrier3A = arith.constant 0 : index
    tpu.barrier barrier_id(%barrier3A)
    %dma_start3A = arith.constant 0 : i32
    %dma_start3A_13 = arith.constant 0 : i32
    %dma_start3A_14 = arith.constant 0 : i32
    %dma_start3A_15 = arith.constant 0 : i32
    %dma_start3A_16 = tpu.memref_slice %arg9[%dma_start3A_13, %dma_start3A_14, %dma_start3A_15] : memref<8x125x32xf32, #tpu.memory_space<vmem>> -> memref<1x125x32xf32, #tpu.memory_space<vmem>>
    %dma_start3A_17 = tpu.memref_squeeze %dma_start3A_16 : memref<1x125x32xf32, #tpu.memory_space<vmem>> -> memref<125x32xf32, #tpu.memory_space<vmem>>
    %dma_start3A_18 = arith.constant 0 : i32
    %dma_start3A_19 = tpu.memref_slice %arg7[%dma_start3A, %dma_start3A_18] : memref<80x125xi32, #tpu.memory_space<vmem>> -> memref<1x125xi32, #tpu.memory_space<vmem>>
    %dma_start3A_20 = tpu.memref_squeeze %dma_start3A_19 : memref<1x125xi32, #tpu.memory_space<vmem>> -> memref<125xi32, #tpu.memory_space<vmem>>
    %dma_start3A_21 = arith.constant 0 : i32
    %dma_start3A_22 = arith.constant 0 : i32
    %dma_start3A_23 = tpu.memref_slice %arg11[%dma_start3A_21, %dma_start3A_22] : memref<10000x32xf32, #tpu.memory_space<vmem_shared>> -> memref<10000x32xf32, #tpu.memory_space<vmem_shared>>
    tpu.enqueue_indirect_dma source(%dma_start3A_23 : memref<10000x32xf32, #tpu.memory_space<vmem_shared>>) target(%dma_start3A_17 : memref<125x32xf32, #tpu.memory_space<vmem>>) offsets(%dma_start3A_20 : memref<125xi32, #tpu.memory_space<vmem>>) semaphore(%arg12 : memref<!tpu.dma_semaphore, #tpu.memory_space<semaphore_mem>>)
    %dma_start3A_24 = arith.constant 1 : i32
    %dma_start3A_25 = arith.constant 1 : i32
    %dma_start3A_26 = arith.constant 0 : i32
    %dma_start3A_27 = arith.constant 0 : i32
    %dma_start3A_28 = tpu.memref_slice %arg9[%dma_start3A_25, %dma_start3A_26, %dma_start3A_27] : memref<8x125x32xf32, #tpu.memory_space<vmem>> -> memref<1x125x32xf32, #tpu.memory_space<vmem>>
    %dma_start3A_29 = tpu.memref_squeeze %dma_start3A_28 : memref<1x125x32xf32, #tpu.memory_space<vmem>> -> memref<125x32xf32, #tpu.memory_space<vmem>>
    %dma_start3A_30 = arith.constant 0 : i32
    %dma_start3A_31 = tpu.memref_slice %arg7[%dma_start3A_24, %dma_start3A_30] : memref<80x125xi32, #tpu.memory_space<vmem>> -> memref<1x125xi32, #tpu.memory_space<vmem>>
    %dma_start3A_32 = tpu.memref_squeeze %dma_start3A_31 : memref<1x125xi32, #tpu.memory_space<vmem>> -> memref<125xi32, #tpu.memory_space<vmem>>
    %dma_start3A_33 = arith.constant 0 : i32
    %dma_start3A_34 = arith.constant 0 : i32
    %dma_start3A_35 = tpu.memref_slice %arg11[%dma_start3A_33, %dma_start3A_34] : memref<10000x32xf32, #tpu.memory_space<vmem_shared>> -> memref<10000x32xf32, #tpu.memory_space<vmem_shared>>
    tpu.enqueue_indirect_dma source(%dma_start3A_35 : memref<10000x32xf32, #tpu.memory_space<vmem_shared>>) target(%dma_start3A_29 : memref<125x32xf32, #tpu.memory_space<vmem>>) offsets(%dma_start3A_32 : memref<125xi32, #tpu.memory_space<vmem>>) semaphore(%arg12 : memref<!tpu.dma_semaphore, #tpu.memory_space<semaphore_mem>>)
    %dma_start3A_36 = arith.constant 2 : i32
    %dma_start3A_37 = arith.constant 2 : i32
    %dma_start3A_38 = arith.constant 0 : i32
    %dma_start3A_39 = arith.constant 0 : i32
    %dma_start3A_40 = tpu.memref_slice %arg9[%dma_start3A_37, %dma_start3A_38, %dma_start3A_39] : memref<8x125x32xf32, #tpu.memory_space<vmem>> -> memref<1x125x32xf32, #tpu.memory_space<vmem>>
    %dma_start3A_41 = tpu.memref_squeeze %dma_start3A_40 : memref<1x125x32xf32, #tpu.memory_space<vmem>> -> memref<125x32xf32, #tpu.memory_space<vmem>>
    %dma_start3A_42 = arith.constant 0 : i32
    %dma_start3A_43 = tpu.memref_slice %arg7[%dma_start3A_36, %dma_start3A_42] : memref<80x125xi32, #tpu.memory_space<vmem>> -> memref<1x125xi32, #tpu.memory_space<vmem>>
    %dma_start3A_44 = tpu.memref_squeeze %dma_start3A_43 : memref<1x125xi32, #tpu.memory_space<vmem>> -> memref<125xi32, #tpu.memory_space<vmem>>
    %dma_start3A_45 = arith.constant 0 : i32
    %dma_start3A_46 = arith.constant 0 : i32
    %dma_start3A_47 = tpu.memref_slice %arg11[%dma_start3A_45, %dma_start3A_46] : memref<10000x32xf32, #tpu.memory_space<vmem_shared>> -> memref<10000x32xf32, #tpu.memory_space<vmem_shared>>
    tpu.enqueue_indirect_dma source(%dma_start3A_47 : memref<10000x32xf32, #tpu.memory_space<vmem_shared>>) target(%dma_start3A_41 : memref<125x32xf32, #tpu.memory_space<vmem>>) offsets(%dma_start3A_44 : memref<125xi32, #tpu.memory_space<vmem>>) semaphore(%arg12 : memref<!tpu.dma_semaphore, #tpu.memory_space<semaphore_mem>>)
    %dma_start3A_48 = arith.constant 3 : i32
    %dma_start3A_49 = arith.constant 3 : i32
    %dma_start3A_50 = arith.constant 0 : i32
    %dma_start3A_51 = arith.constant 0 : i32
    %dma_start3A_52 = tpu.memref_slice %arg9[%dma_start3A_49, %dma_start3A_50, %dma_start3A_51] : memref<8x125x32xf32, #tpu.memory_space<vmem>> -> memref<1x125x32xf32, #tpu.memory_space<vmem>>
    %dma_start3A_53 = tpu.memref_squeeze %dma_start3A_52 : memref<1x125x32xf32, #tpu.memory_space<vmem>> -> memref<125x32xf32, #tpu.memory_space<vmem>>
    %dma_start3A_54 = arith.constant 0 : i32
    %dma_start3A_55 = tpu.memref_slice %arg7[%dma_start3A_48, %dma_start3A_54] : memref<80x125xi32, #tpu.memory_space<vmem>> -> memref<1x125xi32, #tpu.memory_space<vmem>>
    %dma_start3A_56 = tpu.memref_squeeze %dma_start3A_55 : memref<1x125xi32, #tpu.memory_space<vmem>> -> memref<125xi32, #tpu.memory_space<vmem>>
    %dma_start3A_57 = arith.constant 0 : i32
    %dma_start3A_58 = arith.constant 0 : i32
    %dma_start3A_59 = tpu.memref_slice %arg11[%dma_start3A_57, %dma_start3A_58] : memref<10000x32xf32, #tpu.memory_space<vmem_shared>> -> memref<10000x32xf32, #tpu.memory_space<vmem_shared>>
    tpu.enqueue_indirect_dma source(%dma_start3A_59 : memref<10000x32xf32, #tpu.memory_space<vmem_shared>>) target(%dma_start3A_53 : memref<125x32xf32, #tpu.memory_space<vmem>>) offsets(%dma_start3A_56 : memref<125xi32, #tpu.memory_space<vmem>>) semaphore(%arg12 : memref<!tpu.dma_semaphore, #tpu.memory_space<semaphore_mem>>)
    %scan3A = arith.constant 0 : i32
    %scan3A_60 = arith.constant 0 : i32
    %scan3A_61 = arith.constant 10 : i32
    %scan3A_62 = arith.addi %scan3A_60, %scan3A_61 : i32
    %scan3A_63 = arith.constant 1 : i32
    scf.for %scan3A_120 = %scan3A_60 to %scan3A_62 step %scan3A_63  : i32 {
      %mul3A_121 = arith.constant 8 : i32
      %mul3A_122 = arith.muli %scan3A_120, %mul3A_121 : i32
      %add3A_123 = arith.constant 0 : i32
      %add3A_124 = arith.addi %mul3A_122, %add3A_123 : i32
      %dma_wait3A_125 = arith.constant 0 : i32
      %dma_wait3A_126 = arith.constant 0 : i32
      %dma_wait3A_127 = arith.constant 0 : i32
      %dma_wait3A_128 = tpu.memref_slice %arg9[%dma_wait3A_125, %dma_wait3A_126, %dma_wait3A_127] : memref<8x125x32xf32, #tpu.memory_space<vmem>> -> memref<1x125x32xf32, #tpu.memory_space<vmem>>
      %dma_wait3A_129 = tpu.memref_squeeze %dma_wait3A_128 : memref<1x125x32xf32, #tpu.memory_space<vmem>> -> memref<125x32xf32, #tpu.memory_space<vmem>>
      %dma_wait3A_130 = arith.constant 0 : i32
      %dma_wait3A_131 = tpu.memref_slice %arg7[%add3A_124, %dma_wait3A_130] : memref<80x125xi32, #tpu.memory_space<vmem>> -> memref<1x125xi32, #tpu.memory_space<vmem>>
      %dma_wait3A_132 = tpu.memref_squeeze %dma_wait3A_131 : memref<1x125xi32, #tpu.memory_space<vmem>> -> memref<125xi32, #tpu.memory_space<vmem>>
      %dma_wait3A_133 = arith.constant 0 : i32
      %dma_wait3A_134 = arith.constant 0 : i32
      %dma_wait3A_135 = tpu.memref_slice %arg11[%dma_wait3A_133, %dma_wait3A_134] : memref<10000x32xf32, #tpu.memory_space<vmem_shared>> -> memref<10000x32xf32, #tpu.memory_space<vmem_shared>>
      tpu.wait_indirect_dma semaphore(%arg12 : memref<!tpu.dma_semaphore, #tpu.memory_space<semaphore_mem>>) src(%dma_wait3A_135 : memref<10000x32xf32, #tpu.memory_space<vmem_shared>>) dst(%dma_wait3A_129 : memref<125x32xf32, #tpu.memory_space<vmem>>)
      %dma_start3A_136 = arith.constant 0 : i32
      %dma_start3A_137 = arith.constant 0 : i32
      %dma_start3A_138 = arith.constant 0 : i32
      %dma_start3A_139 = tpu.memref_slice %arg9[%dma_start3A_136, %dma_start3A_137, %dma_start3A_138] : memref<8x125x32xf32, #tpu.memory_space<vmem>> -> memref<1x125x32xf32, #tpu.memory_space<vmem>>
      %dma_start3A_140 = tpu.memref_squeeze %dma_start3A_139 : memref<1x125x32xf32, #tpu.memory_space<vmem>> -> memref<125x32xf32, #tpu.memory_space<vmem>>
      %dma_start3A_141 = arith.constant 0 : i32
      %dma_start3A_142 = tpu.memref_slice %arg8[%add3A_124, %dma_start3A_141] : memref<80x125xi32, #tpu.memory_space<vmem>> -> memref<1x125xi32, #tpu.memory_space<vmem>>
      %dma_start3A_143 = tpu.memref_squeeze %dma_start3A_142 : memref<1x125xi32, #tpu.memory_space<vmem>> -> memref<125xi32, #tpu.memory_space<vmem>>
      %dma_start3A_144 = arith.constant 0 : i32
      %dma_start3A_145 = arith.constant 0 : i32
      %dma_start3A_146 = tpu.memref_slice %arg10[%dma_start3A_144, %dma_start3A_145] : memref<10000x32xf32, #tpu.memory_space<vmem_shared>> -> memref<10000x32xf32, #tpu.memory_space<vmem_shared>>
      tpu.enqueue_indirect_dma source(%dma_start3A_140 : memref<125x32xf32, #tpu.memory_space<vmem>>) target(%dma_start3A_146 : memref<10000x32xf32, #tpu.memory_space<vmem_shared>>) offsets(%dma_start3A_143 : memref<125xi32, #tpu.memory_space<vmem>>) semaphore(%arg13 : memref<!tpu.dma_semaphore, #tpu.memory_space<semaphore_mem>>) {add = true}
      %ge3A = arith.constant 4 : i32
      %ge3A_147 = arith.cmpi sge, %add3A_124, %ge3A : i32
      %convert_element_type3A_148 = arith.extui %ge3A_147 : i1 to i32
      %cond3A_149 = arith.constant 0 : i32
      %cond3A_150 = arith.cmpi ne, %convert_element_type3A_148, %cond3A_149 : i32
      scf.if %cond3A_150 {
        %dma_wait3A_409 = arith.constant 0 : i32
        %dma_wait3A_410 = arith.constant 0 : i32
        %dma_wait3A_411 = arith.constant 0 : i32
        %dma_wait3A_412 = tpu.memref_slice %arg9[%dma_wait3A_409, %dma_wait3A_410, %dma_wait3A_411] : memref<8x125x32xf32, #tpu.memory_space<vmem>> -> memref<1x125x32xf32, #tpu.memory_space<vmem>>
        %dma_wait3A_413 = tpu.memref_squeeze %dma_wait3A_412 : memref<1x125x32xf32, #tpu.memory_space<vmem>> -> memref<125x32xf32, #tpu.memory_space<vmem>>
        %dma_wait3A_414 = arith.constant 0 : i32
        %dma_wait3A_415 = tpu.memref_slice %arg8[%add3A_124, %dma_wait3A_414] : memref<80x125xi32, #tpu.memory_space<vmem>> -> memref<1x125xi32, #tpu.memory_space<vmem>>
        %dma_wait3A_416 = tpu.memref_squeeze %dma_wait3A_415 : memref<1x125xi32, #tpu.memory_space<vmem>> -> memref<125xi32, #tpu.memory_space<vmem>>
        %dma_wait3A_417 = arith.constant 0 : i32
        %dma_wait3A_418 = arith.constant 0 : i32
        %dma_wait3A_419 = tpu.memref_slice %arg10[%dma_wait3A_417, %dma_wait3A_418] : memref<10000x32xf32, #tpu.memory_space<vmem_shared>> -> memref<10000x32xf32, #tpu.memory_space<vmem_shared>>
        tpu.wait_indirect_dma semaphore(%arg13 : memref<!tpu.dma_semaphore, #tpu.memory_space<semaphore_mem>>) src(%dma_wait3A_413 : memref<125x32xf32, #tpu.memory_space<vmem>>) dst(%dma_wait3A_419 : memref<10000x32xf32, #tpu.memory_space<vmem_shared>>)
      } else {
      }
      %add3A_151 = arith.constant 4 : i32
      %add3A_152 = arith.addi %add3A_124, %add3A_151 : i32
      %lt3A = arith.constant 80 : i32
      %lt3A_153 = arith.cmpi slt, %add3A_152, %lt3A : i32
      %convert_element_type3A_154 = arith.extui %lt3A_153 : i1 to i32
      %cond3A_155 = arith.constant 0 : i32
      %cond3A_156 = arith.cmpi ne, %convert_element_type3A_154, %cond3A_155 : i32
      scf.if %cond3A_156 {
        %dma_start3A_409 = arith.constant 4 : i32
        %dma_start3A_410 = arith.constant 0 : i32
        %dma_start3A_411 = arith.constant 0 : i32
        %dma_start3A_412 = tpu.memref_slice %arg9[%dma_start3A_409, %dma_start3A_410, %dma_start3A_411] : memref<8x125x32xf32, #tpu.memory_space<vmem>> -> memref<1x125x32xf32, #tpu.memory_space<vmem>>
        %dma_start3A_413 = tpu.memref_squeeze %dma_start3A_412 : memref<1x125x32xf32, #tpu.memory_space<vmem>> -> memref<125x32xf32, #tpu.memory_space<vmem>>
        %dma_start3A_414 = arith.constant 0 : i32
        %dma_start3A_415 = tpu.memref_slice %arg7[%add3A_152, %dma_start3A_414] : memref<80x125xi32, #tpu.memory_space<vmem>> -> memref<1x125xi32, #tpu.memory_space<vmem>>
        %dma_start3A_416 = tpu.memref_squeeze %dma_start3A_415 : memref<1x125xi32, #tpu.memory_space<vmem>> -> memref<125xi32, #tpu.memory_space<vmem>>
        %dma_start3A_417 = arith.constant 0 : i32
        %dma_start3A_418 = arith.constant 0 : i32
        %dma_start3A_419 = tpu.memref_slice %arg11[%dma_start3A_417, %dma_start3A_418] : memref<10000x32xf32, #tpu.memory_space<vmem_shared>> -> memref<10000x32xf32, #tpu.memory_space<vmem_shared>>
        tpu.enqueue_indirect_dma source(%dma_start3A_419 : memref<10000x32xf32, #tpu.memory_space<vmem_shared>>) target(%dma_start3A_413 : memref<125x32xf32, #tpu.memory_space<vmem>>) offsets(%dma_start3A_416 : memref<125xi32, #tpu.memory_space<vmem>>) semaphore(%arg12 : memref<!tpu.dma_semaphore, #tpu.memory_space<semaphore_mem>>)
      } else {
      }
      %add3A_157 = arith.constant 1 : i32
      %add3A_158 = arith.addi %mul3A_122, %add3A_157 : i32
      %dma_wait3A_159 = arith.constant 1 : i32
      %dma_wait3A_160 = arith.constant 0 : i32
      %dma_wait3A_161 = arith.constant 0 : i32
      %dma_wait3A_162 = tpu.memref_slice %arg9[%dma_wait3A_159, %dma_wait3A_160, %dma_wait3A_161] : memref<8x125x32xf32, #tpu.memory_space<vmem>> -> memref<1x125x32xf32, #tpu.memory_space<vmem>>
      %dma_wait3A_163 = tpu.memref_squeeze %dma_wait3A_162 : memref<1x125x32xf32, #tpu.memory_space<vmem>> -> memref<125x32xf32, #tpu.memory_space<vmem>>
      %dma_wait3A_164 = arith.constant 0 : i32
      %dma_wait3A_165 = tpu.memref_slice %arg7[%add3A_158, %dma_wait3A_164] : memref<80x125xi32, #tpu.memory_space<vmem>> -> memref<1x125xi32, #tpu.memory_space<vmem>>
      %dma_wait3A_166 = tpu.memref_squeeze %dma_wait3A_165 : memref<1x125xi32, #tpu.memory_space<vmem>> -> memref<125xi32, #tpu.memory_space<vmem>>
      %dma_wait3A_167 = arith.constant 0 : i32
      %dma_wait3A_168 = arith.constant 0 : i32
      %dma_wait3A_169 = tpu.memref_slice %arg11[%dma_wait3A_167, %dma_wait3A_168] : memref<10000x32xf32, #tpu.memory_space<vmem_shared>> -> memref<10000x32xf32, #tpu.memory_space<vmem_shared>>
      tpu.wait_indirect_dma semaphore(%arg12 : memref<!tpu.dma_semaphore, #tpu.memory_space<semaphore_mem>>) src(%dma_wait3A_169 : memref<10000x32xf32, #tpu.memory_space<vmem_shared>>) dst(%dma_wait3A_163 : memref<125x32xf32, #tpu.memory_space<vmem>>)
      %dma_start3A_170 = arith.constant 1 : i32
      %dma_start3A_171 = arith.constant 0 : i32
      %dma_start3A_172 = arith.constant 0 : i32
      %dma_start3A_173 = tpu.memref_slice %arg9[%dma_start3A_170, %dma_start3A_171, %dma_start3A_172] : memref<8x125x32xf32, #tpu.memory_space<vmem>> -> memref<1x125x32xf32, #tpu.memory_space<vmem>>
      %dma_start3A_174 = tpu.memref_squeeze %dma_start3A_173 : memref<1x125x32xf32, #tpu.memory_space<vmem>> -> memref<125x32xf32, #tpu.memory_space<vmem>>
      %dma_start3A_175 = arith.constant 0 : i32
      %dma_start3A_176 = tpu.memref_slice %arg8[%add3A_158, %dma_start3A_175] : memref<80x125xi32, #tpu.memory_space<vmem>> -> memref<1x125xi32, #tpu.memory_space<vmem>>
      %dma_start3A_177 = tpu.memref_squeeze %dma_start3A_176 : memref<1x125xi32, #tpu.memory_space<vmem>> -> memref<125xi32, #tpu.memory_space<vmem>>
      %dma_start3A_178 = arith.constant 0 : i32
      %dma_start3A_179 = arith.constant 0 : i32
      %dma_start3A_180 = tpu.memref_slice %arg10[%dma_start3A_178, %dma_start3A_179] : memref<10000x32xf32, #tpu.memory_space<vmem_shared>> -> memref<10000x32xf32, #tpu.memory_space<vmem_shared>>
      tpu.enqueue_indirect_dma source(%dma_start3A_174 : memref<125x32xf32, #tpu.memory_space<vmem>>) target(%dma_start3A_180 : memref<10000x32xf32, #tpu.memory_space<vmem_shared>>) offsets(%dma_start3A_177 : memref<125xi32, #tpu.memory_space<vmem>>) semaphore(%arg13 : memref<!tpu.dma_semaphore, #tpu.memory_space<semaphore_mem>>) {add = true}
      %ge3A_181 = arith.constant 4 : i32
      %ge3A_182 = arith.cmpi sge, %add3A_158, %ge3A_181 : i32
      %convert_element_type3A_183 = arith.extui %ge3A_182 : i1 to i32
      %cond3A_184 = arith.constant 0 : i32
      %cond3A_185 = arith.cmpi ne, %convert_element_type3A_183, %cond3A_184 : i32
      scf.if %cond3A_185 {
        %dma_wait3A_409 = arith.constant 1 : i32
        %dma_wait3A_410 = arith.constant 0 : i32
        %dma_wait3A_411 = arith.constant 0 : i32
        %dma_wait3A_412 = tpu.memref_slice %arg9[%dma_wait3A_409, %dma_wait3A_410, %dma_wait3A_411] : memref<8x125x32xf32, #tpu.memory_space<vmem>> -> memref<1x125x32xf32, #tpu.memory_space<vmem>>
        %dma_wait3A_413 = tpu.memref_squeeze %dma_wait3A_412 : memref<1x125x32xf32, #tpu.memory_space<vmem>> -> memref<125x32xf32, #tpu.memory_space<vmem>>
        %dma_wait3A_414 = arith.constant 0 : i32
        %dma_wait3A_415 = tpu.memref_slice %arg8[%add3A_158, %dma_wait3A_414] : memref<80x125xi32, #tpu.memory_space<vmem>> -> memref<1x125xi32, #tpu.memory_space<vmem>>
        %dma_wait3A_416 = tpu.memref_squeeze %dma_wait3A_415 : memref<1x125xi32, #tpu.memory_space<vmem>> -> memref<125xi32, #tpu.memory_space<vmem>>
        %dma_wait3A_417 = arith.constant 0 : i32
        %dma_wait3A_418 = arith.constant 0 : i32
        %dma_wait3A_419 = tpu.memref_slice %arg10[%dma_wait3A_417, %dma_wait3A_418] : memref<10000x32xf32, #tpu.memory_space<vmem_shared>> -> memref<10000x32xf32, #tpu.memory_space<vmem_shared>>
        tpu.wait_indirect_dma semaphore(%arg13 : memref<!tpu.dma_semaphore, #tpu.memory_space<semaphore_mem>>) src(%dma_wait3A_413 : memref<125x32xf32, #tpu.memory_space<vmem>>) dst(%dma_wait3A_419 : memref<10000x32xf32, #tpu.memory_space<vmem_shared>>)
      } else {
      }
      %add3A_186 = arith.constant 4 : i32
      %add3A_187 = arith.addi %add3A_158, %add3A_186 : i32
      %lt3A_188 = arith.constant 80 : i32
      %lt3A_189 = arith.cmpi slt, %add3A_187, %lt3A_188 : i32
      %convert_element_type3A_190 = arith.extui %lt3A_189 : i1 to i32
      %cond3A_191 = arith.constant 0 : i32
      %cond3A_192 = arith.cmpi ne, %convert_element_type3A_190, %cond3A_191 : i32
      scf.if %cond3A_192 {
        %dma_start3A_409 = arith.constant 5 : i32
        %dma_start3A_410 = arith.constant 0 : i32
        %dma_start3A_411 = arith.constant 0 : i32
        %dma_start3A_412 = tpu.memref_slice %arg9[%dma_start3A_409, %dma_start3A_410, %dma_start3A_411] : memref<8x125x32xf32, #tpu.memory_space<vmem>> -> memref<1x125x32xf32, #tpu.memory_space<vmem>>
        %dma_start3A_413 = tpu.memref_squeeze %dma_start3A_412 : memref<1x125x32xf32, #tpu.memory_space<vmem>> -> memref<125x32xf32, #tpu.memory_space<vmem>>
        %dma_start3A_414 = arith.constant 0 : i32
        %dma_start3A_415 = tpu.memref_slice %arg7[%add3A_187, %dma_start3A_414] : memref<80x125xi32, #tpu.memory_space<vmem>> -> memref<1x125xi32, #tpu.memory_space<vmem>>
        %dma_start3A_416 = tpu.memref_squeeze %dma_start3A_415 : memref<1x125xi32, #tpu.memory_space<vmem>> -> memref<125xi32, #tpu.memory_space<vmem>>
        %dma_start3A_417 = arith.constant 0 : i32
        %dma_start3A_418 = arith.constant 0 : i32
        %dma_start3A_419 = tpu.memref_slice %arg11[%dma_start3A_417, %dma_start3A_418] : memref<10000x32xf32, #tpu.memory_space<vmem_shared>> -> memref<10000x32xf32, #tpu.memory_space<vmem_shared>>
        tpu.enqueue_indirect_dma source(%dma_start3A_419 : memref<10000x32xf32, #tpu.memory_space<vmem_shared>>) target(%dma_start3A_413 : memref<125x32xf32, #tpu.memory_space<vmem>>) offsets(%dma_start3A_416 : memref<125xi32, #tpu.memory_space<vmem>>) semaphore(%arg12 : memref<!tpu.dma_semaphore, #tpu.memory_space<semaphore_mem>>)
      } else {
      }
      %add3A_193 = arith.constant 2 : i32
      %add3A_194 = arith.addi %mul3A_122, %add3A_193 : i32
      %dma_wait3A_195 = arith.constant 2 : i32
      %dma_wait3A_196 = arith.constant 0 : i32
      %dma_wait3A_197 = arith.constant 0 : i32
      %dma_wait3A_198 = tpu.memref_slice %arg9[%dma_wait3A_195, %dma_wait3A_196, %dma_wait3A_197] : memref<8x125x32xf32, #tpu.memory_space<vmem>> -> memref<1x125x32xf32, #tpu.memory_space<vmem>>
      %dma_wait3A_199 = tpu.memref_squeeze %dma_wait3A_198 : memref<1x125x32xf32, #tpu.memory_space<vmem>> -> memref<125x32xf32, #tpu.memory_space<vmem>>
      %dma_wait3A_200 = arith.constant 0 : i32
      %dma_wait3A_201 = tpu.memref_slice %arg7[%add3A_194, %dma_wait3A_200] : memref<80x125xi32, #tpu.memory_space<vmem>> -> memref<1x125xi32, #tpu.memory_space<vmem>>
      %dma_wait3A_202 = tpu.memref_squeeze %dma_wait3A_201 : memref<1x125xi32, #tpu.memory_space<vmem>> -> memref<125xi32, #tpu.memory_space<vmem>>
      %dma_wait3A_203 = arith.constant 0 : i32
      %dma_wait3A_204 = arith.constant 0 : i32
      %dma_wait3A_205 = tpu.memref_slice %arg11[%dma_wait3A_203, %dma_wait3A_204] : memref<10000x32xf32, #tpu.memory_space<vmem_shared>> -> memref<10000x32xf32, #tpu.memory_space<vmem_shared>>
      tpu.wait_indirect_dma semaphore(%arg12 : memref<!tpu.dma_semaphore, #tpu.memory_space<semaphore_mem>>) src(%dma_wait3A_205 : memref<10000x32xf32, #tpu.memory_space<vmem_shared>>) dst(%dma_wait3A_199 : memref<125x32xf32, #tpu.memory_space<vmem>>)
      %dma_start3A_206 = arith.constant 2 : i32
      %dma_start3A_207 = arith.constant 0 : i32
      %dma_start3A_208 = arith.constant 0 : i32
      %dma_start3A_209 = tpu.memref_slice %arg9[%dma_start3A_206, %dma_start3A_207, %dma_start3A_208] : memref<8x125x32xf32, #tpu.memory_space<vmem>> -> memref<1x125x32xf32, #tpu.memory_space<vmem>>
      %dma_start3A_210 = tpu.memref_squeeze %dma_start3A_209 : memref<1x125x32xf32, #tpu.memory_space<vmem>> -> memref<125x32xf32, #tpu.memory_space<vmem>>
      %dma_start3A_211 = arith.constant 0 : i32
      %dma_start3A_212 = tpu.memref_slice %arg8[%add3A_194, %dma_start3A_211] : memref<80x125xi32, #tpu.memory_space<vmem>> -> memref<1x125xi32, #tpu.memory_space<vmem>>
      %dma_start3A_213 = tpu.memref_squeeze %dma_start3A_212 : memref<1x125xi32, #tpu.memory_space<vmem>> -> memref<125xi32, #tpu.memory_space<vmem>>
      %dma_start3A_214 = arith.constant 0 : i32
      %dma_start3A_215 = arith.constant 0 : i32
      %dma_start3A_216 = tpu.memref_slice %arg10[%dma_start3A_214, %dma_start3A_215] : memref<10000x32xf32, #tpu.memory_space<vmem_shared>> -> memref<10000x32xf32, #tpu.memory_space<vmem_shared>>
      tpu.enqueue_indirect_dma source(%dma_start3A_210 : memref<125x32xf32, #tpu.memory_space<vmem>>) target(%dma_start3A_216 : memref<10000x32xf32, #tpu.memory_space<vmem_shared>>) offsets(%dma_start3A_213 : memref<125xi32, #tpu.memory_space<vmem>>) semaphore(%arg13 : memref<!tpu.dma_semaphore, #tpu.memory_space<semaphore_mem>>) {add = true}
      %ge3A_217 = arith.constant 4 : i32
      %ge3A_218 = arith.cmpi sge, %add3A_194, %ge3A_217 : i32
      %convert_element_type3A_219 = arith.extui %ge3A_218 : i1 to i32
      %cond3A_220 = arith.constant 0 : i32
      %cond3A_221 = arith.cmpi ne, %convert_element_type3A_219, %cond3A_220 : i32
      scf.if %cond3A_221 {
        %dma_wait3A_409 = arith.constant 2 : i32
        %dma_wait3A_410 = arith.constant 0 : i32
        %dma_wait3A_411 = arith.constant 0 : i32
        %dma_wait3A_412 = tpu.memref_slice %arg9[%dma_wait3A_409, %dma_wait3A_410, %dma_wait3A_411] : memref<8x125x32xf32, #tpu.memory_space<vmem>> -> memref<1x125x32xf32, #tpu.memory_space<vmem>>
        %dma_wait3A_413 = tpu.memref_squeeze %dma_wait3A_412 : memref<1x125x32xf32, #tpu.memory_space<vmem>> -> memref<125x32xf32, #tpu.memory_space<vmem>>
        %dma_wait3A_414 = arith.constant 0 : i32
        %dma_wait3A_415 = tpu.memref_slice %arg8[%add3A_194, %dma_wait3A_414] : memref<80x125xi32, #tpu.memory_space<vmem>> -> memref<1x125xi32, #tpu.memory_space<vmem>>
        %dma_wait3A_416 = tpu.memref_squeeze %dma_wait3A_415 : memref<1x125xi32, #tpu.memory_space<vmem>> -> memref<125xi32, #tpu.memory_space<vmem>>
        %dma_wait3A_417 = arith.constant 0 : i32
        %dma_wait3A_418 = arith.constant 0 : i32
        %dma_wait3A_419 = tpu.memref_slice %arg10[%dma_wait3A_417, %dma_wait3A_418] : memref<10000x32xf32, #tpu.memory_space<vmem_shared>> -> memref<10000x32xf32, #tpu.memory_space<vmem_shared>>
        tpu.wait_indirect_dma semaphore(%arg13 : memref<!tpu.dma_semaphore, #tpu.memory_space<semaphore_mem>>) src(%dma_wait3A_413 : memref<125x32xf32, #tpu.memory_space<vmem>>) dst(%dma_wait3A_419 : memref<10000x32xf32, #tpu.memory_space<vmem_shared>>)
      } else {
      }
      %add3A_222 = arith.constant 4 : i32
      %add3A_223 = arith.addi %add3A_194, %add3A_222 : i32
      %lt3A_224 = arith.constant 80 : i32
      %lt3A_225 = arith.cmpi slt, %add3A_223, %lt3A_224 : i32
      %convert_element_type3A_226 = arith.extui %lt3A_225 : i1 to i32
      %cond3A_227 = arith.constant 0 : i32
      %cond3A_228 = arith.cmpi ne, %convert_element_type3A_226, %cond3A_227 : i32
      scf.if %cond3A_228 {
        %dma_start3A_409 = arith.constant 6 : i32
        %dma_start3A_410 = arith.constant 0 : i32
        %dma_start3A_411 = arith.constant 0 : i32
        %dma_start3A_412 = tpu.memref_slice %arg9[%dma_start3A_409, %dma_start3A_410, %dma_start3A_411] : memref<8x125x32xf32, #tpu.memory_space<vmem>> -> memref<1x125x32xf32, #tpu.memory_space<vmem>>
        %dma_start3A_413 = tpu.memref_squeeze %dma_start3A_412 : memref<1x125x32xf32, #tpu.memory_space<vmem>> -> memref<125x32xf32, #tpu.memory_space<vmem>>
        %dma_start3A_414 = arith.constant 0 : i32
        %dma_start3A_415 = tpu.memref_slice %arg7[%add3A_223, %dma_start3A_414] : memref<80x125xi32, #tpu.memory_space<vmem>> -> memref<1x125xi32, #tpu.memory_space<vmem>>
        %dma_start3A_416 = tpu.memref_squeeze %dma_start3A_415 : memref<1x125xi32, #tpu.memory_space<vmem>> -> memref<125xi32, #tpu.memory_space<vmem>>
        %dma_start3A_417 = arith.constant 0 : i32
        %dma_start3A_418 = arith.constant 0 : i32
        %dma_start3A_419 = tpu.memref_slice %arg11[%dma_start3A_417, %dma_start3A_418] : memref<10000x32xf32, #tpu.memory_space<vmem_shared>> -> memref<10000x32xf32, #tpu.memory_space<vmem_shared>>
        tpu.enqueue_indirect_dma source(%dma_start3A_419 : memref<10000x32xf32, #tpu.memory_space<vmem_shared>>) target(%dma_start3A_413 : memref<125x32xf32, #tpu.memory_space<vmem>>) offsets(%dma_start3A_416 : memref<125xi32, #tpu.memory_space<vmem>>) semaphore(%arg12 : memref<!tpu.dma_semaphore, #tpu.memory_space<semaphore_mem>>)
      } else {
      }
      %add3A_229 = arith.constant 3 : i32
      %add3A_230 = arith.addi %mul3A_122, %add3A_229 : i32
      %dma_wait3A_231 = arith.constant 3 : i32
      %dma_wait3A_232 = arith.constant 0 : i32
      %dma_wait3A_233 = arith.constant 0 : i32
      %dma_wait3A_234 = tpu.memref_slice %arg9[%dma_wait3A_231, %dma_wait3A_232, %dma_wait3A_233] : memref<8x125x32xf32, #tpu.memory_space<vmem>> -> memref<1x125x32xf32, #tpu.memory_space<vmem>>
      %dma_wait3A_235 = tpu.memref_squeeze %dma_wait3A_234 : memref<1x125x32xf32, #tpu.memory_space<vmem>> -> memref<125x32xf32, #tpu.memory_space<vmem>>
      %dma_wait3A_236 = arith.constant 0 : i32
      %dma_wait3A_237 = tpu.memref_slice %arg7[%add3A_230, %dma_wait3A_236] : memref<80x125xi32, #tpu.memory_space<vmem>> -> memref<1x125xi32, #tpu.memory_space<vmem>>
      %dma_wait3A_238 = tpu.memref_squeeze %dma_wait3A_237 : memref<1x125xi32, #tpu.memory_space<vmem>> -> memref<125xi32, #tpu.memory_space<vmem>>
      %dma_wait3A_239 = arith.constant 0 : i32
      %dma_wait3A_240 = arith.constant 0 : i32
      %dma_wait3A_241 = tpu.memref_slice %arg11[%dma_wait3A_239, %dma_wait3A_240] : memref<10000x32xf32, #tpu.memory_space<vmem_shared>> -> memref<10000x32xf32, #tpu.memory_space<vmem_shared>>
      tpu.wait_indirect_dma semaphore(%arg12 : memref<!tpu.dma_semaphore, #tpu.memory_space<semaphore_mem>>) src(%dma_wait3A_241 : memref<10000x32xf32, #tpu.memory_space<vmem_shared>>) dst(%dma_wait3A_235 : memref<125x32xf32, #tpu.memory_space<vmem>>)
      %dma_start3A_242 = arith.constant 3 : i32
      %dma_start3A_243 = arith.constant 0 : i32
      %dma_start3A_244 = arith.constant 0 : i32
      %dma_start3A_245 = tpu.memref_slice %arg9[%dma_start3A_242, %dma_start3A_243, %dma_start3A_244] : memref<8x125x32xf32, #tpu.memory_space<vmem>> -> memref<1x125x32xf32, #tpu.memory_space<vmem>>
      %dma_start3A_246 = tpu.memref_squeeze %dma_start3A_245 : memref<1x125x32xf32, #tpu.memory_space<vmem>> -> memref<125x32xf32, #tpu.memory_space<vmem>>
      %dma_start3A_247 = arith.constant 0 : i32
      %dma_start3A_248 = tpu.memref_slice %arg8[%add3A_230, %dma_start3A_247] : memref<80x125xi32, #tpu.memory_space<vmem>> -> memref<1x125xi32, #tpu.memory_space<vmem>>
      %dma_start3A_249 = tpu.memref_squeeze %dma_start3A_248 : memref<1x125xi32, #tpu.memory_space<vmem>> -> memref<125xi32, #tpu.memory_space<vmem>>
      %dma_start3A_250 = arith.constant 0 : i32
      %dma_start3A_251 = arith.constant 0 : i32
      %dma_start3A_252 = tpu.memref_slice %arg10[%dma_start3A_250, %dma_start3A_251] : memref<10000x32xf32, #tpu.memory_space<vmem_shared>> -> memref<10000x32xf32, #tpu.memory_space<vmem_shared>>
      tpu.enqueue_indirect_dma source(%dma_start3A_246 : memref<125x32xf32, #tpu.memory_space<vmem>>) target(%dma_start3A_252 : memref<10000x32xf32, #tpu.memory_space<vmem_shared>>) offsets(%dma_start3A_249 : memref<125xi32, #tpu.memory_space<vmem>>) semaphore(%arg13 : memref<!tpu.dma_semaphore, #tpu.memory_space<semaphore_mem>>) {add = true}
      %ge3A_253 = arith.constant 4 : i32
      %ge3A_254 = arith.cmpi sge, %add3A_230, %ge3A_253 : i32
      %convert_element_type3A_255 = arith.extui %ge3A_254 : i1 to i32
      %cond3A_256 = arith.constant 0 : i32
      %cond3A_257 = arith.cmpi ne, %convert_element_type3A_255, %cond3A_256 : i32
      scf.if %cond3A_257 {
        %dma_wait3A_409 = arith.constant 3 : i32
        %dma_wait3A_410 = arith.constant 0 : i32
        %dma_wait3A_411 = arith.constant 0 : i32
        %dma_wait3A_412 = tpu.memref_slice %arg9[%dma_wait3A_409, %dma_wait3A_410, %dma_wait3A_411] : memref<8x125x32xf32, #tpu.memory_space<vmem>> -> memref<1x125x32xf32, #tpu.memory_space<vmem>>
        %dma_wait3A_413 = tpu.memref_squeeze %dma_wait3A_412 : memref<1x125x32xf32, #tpu.memory_space<vmem>> -> memref<125x32xf32, #tpu.memory_space<vmem>>
        %dma_wait3A_414 = arith.constant 0 : i32
        %dma_wait3A_415 = tpu.memref_slice %arg8[%add3A_230, %dma_wait3A_414] : memref<80x125xi32, #tpu.memory_space<vmem>> -> memref<1x125xi32, #tpu.memory_space<vmem>>
        %dma_wait3A_416 = tpu.memref_squeeze %dma_wait3A_415 : memref<1x125xi32, #tpu.memory_space<vmem>> -> memref<125xi32, #tpu.memory_space<vmem>>
        %dma_wait3A_417 = arith.constant 0 : i32
        %dma_wait3A_418 = arith.constant 0 : i32
        %dma_wait3A_419 = tpu.memref_slice %arg10[%dma_wait3A_417, %dma_wait3A_418] : memref<10000x32xf32, #tpu.memory_space<vmem_shared>> -> memref<10000x32xf32, #tpu.memory_space<vmem_shared>>
        tpu.wait_indirect_dma semaphore(%arg13 : memref<!tpu.dma_semaphore, #tpu.memory_space<semaphore_mem>>) src(%dma_wait3A_413 : memref<125x32xf32, #tpu.memory_space<vmem>>) dst(%dma_wait3A_419 : memref<10000x32xf32, #tpu.memory_space<vmem_shared>>)
      } else {
      }
      %add3A_258 = arith.constant 4 : i32
      %add3A_259 = arith.addi %add3A_230, %add3A_258 : i32
      %lt3A_260 = arith.constant 80 : i32
      %lt3A_261 = arith.cmpi slt, %add3A_259, %lt3A_260 : i32
      %convert_element_type3A_262 = arith.extui %lt3A_261 : i1 to i32
      %cond3A_263 = arith.constant 0 : i32
      %cond3A_264 = arith.cmpi ne, %convert_element_type3A_262, %cond3A_263 : i32
      scf.if %cond3A_264 {
        %dma_start3A_409 = arith.constant 7 : i32
        %dma_start3A_410 = arith.constant 0 : i32
        %dma_start3A_411 = arith.constant 0 : i32
        %dma_start3A_412 = tpu.memref_slice %arg9[%dma_start3A_409, %dma_start3A_410, %dma_start3A_411] : memref<8x125x32xf32, #tpu.memory_space<vmem>> -> memref<1x125x32xf32, #tpu.memory_space<vmem>>
        %dma_start3A_413 = tpu.memref_squeeze %dma_start3A_412 : memref<1x125x32xf32, #tpu.memory_space<vmem>> -> memref<125x32xf32, #tpu.memory_space<vmem>>
        %dma_start3A_414 = arith.constant 0 : i32
        %dma_start3A_415 = tpu.memref_slice %arg7[%add3A_259, %dma_start3A_414] : memref<80x125xi32, #tpu.memory_space<vmem>> -> memref<1x125xi32, #tpu.memory_space<vmem>>
        %dma_start3A_416 = tpu.memref_squeeze %dma_start3A_415 : memref<1x125xi32, #tpu.memory_space<vmem>> -> memref<125xi32, #tpu.memory_space<vmem>>
        %dma_start3A_417 = arith.constant 0 : i32
        %dma_start3A_418 = arith.constant 0 : i32
        %dma_start3A_419 = tpu.memref_slice %arg11[%dma_start3A_417, %dma_start3A_418] : memref<10000x32xf32, #tpu.memory_space<vmem_shared>> -> memref<10000x32xf32, #tpu.memory_space<vmem_shared>>
        tpu.enqueue_indirect_dma source(%dma_start3A_419 : memref<10000x32xf32, #tpu.memory_space<vmem_shared>>) target(%dma_start3A_413 : memref<125x32xf32, #tpu.memory_space<vmem>>) offsets(%dma_start3A_416 : memref<125xi32, #tpu.memory_space<vmem>>) semaphore(%arg12 : memref<!tpu.dma_semaphore, #tpu.memory_space<semaphore_mem>>)
      } else {
      }
      %add3A_265 = arith.constant 4 : i32
      %add3A_266 = arith.addi %mul3A_122, %add3A_265 : i32
      %dma_wait3A_267 = arith.constant 4 : i32
      %dma_wait3A_268 = arith.constant 0 : i32
      %dma_wait3A_269 = arith.constant 0 : i32
      %dma_wait3A_270 = tpu.memref_slice %arg9[%dma_wait3A_267, %dma_wait3A_268, %dma_wait3A_269] : memref<8x125x32xf32, #tpu.memory_space<vmem>> -> memref<1x125x32xf32, #tpu.memory_space<vmem>>
      %dma_wait3A_271 = tpu.memref_squeeze %dma_wait3A_270 : memref<1x125x32xf32, #tpu.memory_space<vmem>> -> memref<125x32xf32, #tpu.memory_space<vmem>>
      %dma_wait3A_272 = arith.constant 0 : i32
      %dma_wait3A_273 = tpu.memref_slice %arg7[%add3A_266, %dma_wait3A_272] : memref<80x125xi32, #tpu.memory_space<vmem>> -> memref<1x125xi32, #tpu.memory_space<vmem>>
      %dma_wait3A_274 = tpu.memref_squeeze %dma_wait3A_273 : memref<1x125xi32, #tpu.memory_space<vmem>> -> memref<125xi32, #tpu.memory_space<vmem>>
      %dma_wait3A_275 = arith.constant 0 : i32
      %dma_wait3A_276 = arith.constant 0 : i32
      %dma_wait3A_277 = tpu.memref_slice %arg11[%dma_wait3A_275, %dma_wait3A_276] : memref<10000x32xf32, #tpu.memory_space<vmem_shared>> -> memref<10000x32xf32, #tpu.memory_space<vmem_shared>>
      tpu.wait_indirect_dma semaphore(%arg12 : memref<!tpu.dma_semaphore, #tpu.memory_space<semaphore_mem>>) src(%dma_wait3A_277 : memref<10000x32xf32, #tpu.memory_space<vmem_shared>>) dst(%dma_wait3A_271 : memref<125x32xf32, #tpu.memory_space<vmem>>)
      %dma_start3A_278 = arith.constant 4 : i32
      %dma_start3A_279 = arith.constant 0 : i32
      %dma_start3A_280 = arith.constant 0 : i32
      %dma_start3A_281 = tpu.memref_slice %arg9[%dma_start3A_278, %dma_start3A_279, %dma_start3A_280] : memref<8x125x32xf32, #tpu.memory_space<vmem>> -> memref<1x125x32xf32, #tpu.memory_space<vmem>>
      %dma_start3A_282 = tpu.memref_squeeze %dma_start3A_281 : memref<1x125x32xf32, #tpu.memory_space<vmem>> -> memref<125x32xf32, #tpu.memory_space<vmem>>
      %dma_start3A_283 = arith.constant 0 : i32
      %dma_start3A_284 = tpu.memref_slice %arg8[%add3A_266, %dma_start3A_283] : memref<80x125xi32, #tpu.memory_space<vmem>> -> memref<1x125xi32, #tpu.memory_space<vmem>>
      %dma_start3A_285 = tpu.memref_squeeze %dma_start3A_284 : memref<1x125xi32, #tpu.memory_space<vmem>> -> memref<125xi32, #tpu.memory_space<vmem>>
      %dma_start3A_286 = arith.constant 0 : i32
      %dma_start3A_287 = arith.constant 0 : i32
      %dma_start3A_288 = tpu.memref_slice %arg10[%dma_start3A_286, %dma_start3A_287] : memref<10000x32xf32, #tpu.memory_space<vmem_shared>> -> memref<10000x32xf32, #tpu.memory_space<vmem_shared>>
      tpu.enqueue_indirect_dma source(%dma_start3A_282 : memref<125x32xf32, #tpu.memory_space<vmem>>) target(%dma_start3A_288 : memref<10000x32xf32, #tpu.memory_space<vmem_shared>>) offsets(%dma_start3A_285 : memref<125xi32, #tpu.memory_space<vmem>>) semaphore(%arg13 : memref<!tpu.dma_semaphore, #tpu.memory_space<semaphore_mem>>) {add = true}
      %ge3A_289 = arith.constant 4 : i32
      %ge3A_290 = arith.cmpi sge, %add3A_266, %ge3A_289 : i32
      %convert_element_type3A_291 = arith.extui %ge3A_290 : i1 to i32
      %cond3A_292 = arith.constant 0 : i32
      %cond3A_293 = arith.cmpi ne, %convert_element_type3A_291, %cond3A_292 : i32
      scf.if %cond3A_293 {
        %dma_wait3A_409 = arith.constant 4 : i32
        %dma_wait3A_410 = arith.constant 0 : i32
        %dma_wait3A_411 = arith.constant 0 : i32
        %dma_wait3A_412 = tpu.memref_slice %arg9[%dma_wait3A_409, %dma_wait3A_410, %dma_wait3A_411] : memref<8x125x32xf32, #tpu.memory_space<vmem>> -> memref<1x125x32xf32, #tpu.memory_space<vmem>>
        %dma_wait3A_413 = tpu.memref_squeeze %dma_wait3A_412 : memref<1x125x32xf32, #tpu.memory_space<vmem>> -> memref<125x32xf32, #tpu.memory_space<vmem>>
        %dma_wait3A_414 = arith.constant 0 : i32
        %dma_wait3A_415 = tpu.memref_slice %arg8[%add3A_266, %dma_wait3A_414] : memref<80x125xi32, #tpu.memory_space<vmem>> -> memref<1x125xi32, #tpu.memory_space<vmem>>
        %dma_wait3A_416 = tpu.memref_squeeze %dma_wait3A_415 : memref<1x125xi32, #tpu.memory_space<vmem>> -> memref<125xi32, #tpu.memory_space<vmem>>
        %dma_wait3A_417 = arith.constant 0 : i32
        %dma_wait3A_418 = arith.constant 0 : i32
        %dma_wait3A_419 = tpu.memref_slice %arg10[%dma_wait3A_417, %dma_wait3A_418] : memref<10000x32xf32, #tpu.memory_space<vmem_shared>> -> memref<10000x32xf32, #tpu.memory_space<vmem_shared>>
        tpu.wait_indirect_dma semaphore(%arg13 : memref<!tpu.dma_semaphore, #tpu.memory_space<semaphore_mem>>) src(%dma_wait3A_413 : memref<125x32xf32, #tpu.memory_space<vmem>>) dst(%dma_wait3A_419 : memref<10000x32xf32, #tpu.memory_space<vmem_shared>>)
      } else {
      }
      %add3A_294 = arith.constant 4 : i32
      %add3A_295 = arith.addi %add3A_266, %add3A_294 : i32
      %lt3A_296 = arith.constant 80 : i32
      %lt3A_297 = arith.cmpi slt, %add3A_295, %lt3A_296 : i32
      %convert_element_type3A_298 = arith.extui %lt3A_297 : i1 to i32
      %cond3A_299 = arith.constant 0 : i32
      %cond3A_300 = arith.cmpi ne, %convert_element_type3A_298, %cond3A_299 : i32
      scf.if %cond3A_300 {
        %dma_start3A_409 = arith.constant 0 : i32
        %dma_start3A_410 = arith.constant 0 : i32
        %dma_start3A_411 = arith.constant 0 : i32
        %dma_start3A_412 = tpu.memref_slice %arg9[%dma_start3A_409, %dma_start3A_410, %dma_start3A_411] : memref<8x125x32xf32, #tpu.memory_space<vmem>> -> memref<1x125x32xf32, #tpu.memory_space<vmem>>
        %dma_start3A_413 = tpu.memref_squeeze %dma_start3A_412 : memref<1x125x32xf32, #tpu.memory_space<vmem>> -> memref<125x32xf32, #tpu.memory_space<vmem>>
        %dma_start3A_414 = arith.constant 0 : i32
        %dma_start3A_415 = tpu.memref_slice %arg7[%add3A_295, %dma_start3A_414] : memref<80x125xi32, #tpu.memory_space<vmem>> -> memref<1x125xi32, #tpu.memory_space<vmem>>
        %dma_start3A_416 = tpu.memref_squeeze %dma_start3A_415 : memref<1x125xi32, #tpu.memory_space<vmem>> -> memref<125xi32, #tpu.memory_space<vmem>>
        %dma_start3A_417 = arith.constant 0 : i32
        %dma_start3A_418 = arith.constant 0 : i32
        %dma_start3A_419 = tpu.memref_slice %arg11[%dma_start3A_417, %dma_start3A_418] : memref<10000x32xf32, #tpu.memory_space<vmem_shared>> -> memref<10000x32xf32, #tpu.memory_space<vmem_shared>>
        tpu.enqueue_indirect_dma source(%dma_start3A_419 : memref<10000x32xf32, #tpu.memory_space<vmem_shared>>) target(%dma_start3A_413 : memref<125x32xf32, #tpu.memory_space<vmem>>) offsets(%dma_start3A_416 : memref<125xi32, #tpu.memory_space<vmem>>) semaphore(%arg12 : memref<!tpu.dma_semaphore, #tpu.memory_space<semaphore_mem>>)
      } else {
      }
      %add3A_301 = arith.constant 5 : i32
      %add3A_302 = arith.addi %mul3A_122, %add3A_301 : i32
      %dma_wait3A_303 = arith.constant 5 : i32
      %dma_wait3A_304 = arith.constant 0 : i32
      %dma_wait3A_305 = arith.constant 0 : i32
      %dma_wait3A_306 = tpu.memref_slice %arg9[%dma_wait3A_303, %dma_wait3A_304, %dma_wait3A_305] : memref<8x125x32xf32, #tpu.memory_space<vmem>> -> memref<1x125x32xf32, #tpu.memory_space<vmem>>
      %dma_wait3A_307 = tpu.memref_squeeze %dma_wait3A_306 : memref<1x125x32xf32, #tpu.memory_space<vmem>> -> memref<125x32xf32, #tpu.memory_space<vmem>>
      %dma_wait3A_308 = arith.constant 0 : i32
      %dma_wait3A_309 = tpu.memref_slice %arg7[%add3A_302, %dma_wait3A_308] : memref<80x125xi32, #tpu.memory_space<vmem>> -> memref<1x125xi32, #tpu.memory_space<vmem>>
      %dma_wait3A_310 = tpu.memref_squeeze %dma_wait3A_309 : memref<1x125xi32, #tpu.memory_space<vmem>> -> memref<125xi32, #tpu.memory_space<vmem>>
      %dma_wait3A_311 = arith.constant 0 : i32
      %dma_wait3A_312 = arith.constant 0 : i32
      %dma_wait3A_313 = tpu.memref_slice %arg11[%dma_wait3A_311, %dma_wait3A_312] : memref<10000x32xf32, #tpu.memory_space<vmem_shared>> -> memref<10000x32xf32, #tpu.memory_space<vmem_shared>>
      tpu.wait_indirect_dma semaphore(%arg12 : memref<!tpu.dma_semaphore, #tpu.memory_space<semaphore_mem>>) src(%dma_wait3A_313 : memref<10000x32xf32, #tpu.memory_space<vmem_shared>>) dst(%dma_wait3A_307 : memref<125x32xf32, #tpu.memory_space<vmem>>)
      %dma_start3A_314 = arith.constant 5 : i32
      %dma_start3A_315 = arith.constant 0 : i32
      %dma_start3A_316 = arith.constant 0 : i32
      %dma_start3A_317 = tpu.memref_slice %arg9[%dma_start3A_314, %dma_start3A_315, %dma_start3A_316] : memref<8x125x32xf32, #tpu.memory_space<vmem>> -> memref<1x125x32xf32, #tpu.memory_space<vmem>>
      %dma_start3A_318 = tpu.memref_squeeze %dma_start3A_317 : memref<1x125x32xf32, #tpu.memory_space<vmem>> -> memref<125x32xf32, #tpu.memory_space<vmem>>
      %dma_start3A_319 = arith.constant 0 : i32
      %dma_start3A_320 = tpu.memref_slice %arg8[%add3A_302, %dma_start3A_319] : memref<80x125xi32, #tpu.memory_space<vmem>> -> memref<1x125xi32, #tpu.memory_space<vmem>>
      %dma_start3A_321 = tpu.memref_squeeze %dma_start3A_320 : memref<1x125xi32, #tpu.memory_space<vmem>> -> memref<125xi32, #tpu.memory_space<vmem>>
      %dma_start3A_322 = arith.constant 0 : i32
      %dma_start3A_323 = arith.constant 0 : i32
      %dma_start3A_324 = tpu.memref_slice %arg10[%dma_start3A_322, %dma_start3A_323] : memref<10000x32xf32, #tpu.memory_space<vmem_shared>> -> memref<10000x32xf32, #tpu.memory_space<vmem_shared>>
      tpu.enqueue_indirect_dma source(%dma_start3A_318 : memref<125x32xf32, #tpu.memory_space<vmem>>) target(%dma_start3A_324 : memref<10000x32xf32, #tpu.memory_space<vmem_shared>>) offsets(%dma_start3A_321 : memref<125xi32, #tpu.memory_space<vmem>>) semaphore(%arg13 : memref<!tpu.dma_semaphore, #tpu.memory_space<semaphore_mem>>) {add = true}
      %ge3A_325 = arith.constant 4 : i32
      %ge3A_326 = arith.cmpi sge, %add3A_302, %ge3A_325 : i32
      %convert_element_type3A_327 = arith.extui %ge3A_326 : i1 to i32
      %cond3A_328 = arith.constant 0 : i32
      %cond3A_329 = arith.cmpi ne, %convert_element_type3A_327, %cond3A_328 : i32
      scf.if %cond3A_329 {
        %dma_wait3A_409 = arith.constant 5 : i32
        %dma_wait3A_410 = arith.constant 0 : i32
        %dma_wait3A_411 = arith.constant 0 : i32
        %dma_wait3A_412 = tpu.memref_slice %arg9[%dma_wait3A_409, %dma_wait3A_410, %dma_wait3A_411] : memref<8x125x32xf32, #tpu.memory_space<vmem>> -> memref<1x125x32xf32, #tpu.memory_space<vmem>>
        %dma_wait3A_413 = tpu.memref_squeeze %dma_wait3A_412 : memref<1x125x32xf32, #tpu.memory_space<vmem>> -> memref<125x32xf32, #tpu.memory_space<vmem>>
        %dma_wait3A_414 = arith.constant 0 : i32
        %dma_wait3A_415 = tpu.memref_slice %arg8[%add3A_302, %dma_wait3A_414] : memref<80x125xi32, #tpu.memory_space<vmem>> -> memref<1x125xi32, #tpu.memory_space<vmem>>
        %dma_wait3A_416 = tpu.memref_squeeze %dma_wait3A_415 : memref<1x125xi32, #tpu.memory_space<vmem>> -> memref<125xi32, #tpu.memory_space<vmem>>
        %dma_wait3A_417 = arith.constant 0 : i32
        %dma_wait3A_418 = arith.constant 0 : i32
        %dma_wait3A_419 = tpu.memref_slice %arg10[%dma_wait3A_417, %dma_wait3A_418] : memref<10000x32xf32, #tpu.memory_space<vmem_shared>> -> memref<10000x32xf32, #tpu.memory_space<vmem_shared>>
        tpu.wait_indirect_dma semaphore(%arg13 : memref<!tpu.dma_semaphore, #tpu.memory_space<semaphore_mem>>) src(%dma_wait3A_413 : memref<125x32xf32, #tpu.memory_space<vmem>>) dst(%dma_wait3A_419 : memref<10000x32xf32, #tpu.memory_space<vmem_shared>>)
      } else {
      }
      %add3A_330 = arith.constant 4 : i32
      %add3A_331 = arith.addi %add3A_302, %add3A_330 : i32
      %lt3A_332 = arith.constant 80 : i32
      %lt3A_333 = arith.cmpi slt, %add3A_331, %lt3A_332 : i32
      %convert_element_type3A_334 = arith.extui %lt3A_333 : i1 to i32
      %cond3A_335 = arith.constant 0 : i32
      %cond3A_336 = arith.cmpi ne, %convert_element_type3A_334, %cond3A_335 : i32
      scf.if %cond3A_336 {
        %dma_start3A_409 = arith.constant 1 : i32
        %dma_start3A_410 = arith.constant 0 : i32
        %dma_start3A_411 = arith.constant 0 : i32
        %dma_start3A_412 = tpu.memref_slice %arg9[%dma_start3A_409, %dma_start3A_410, %dma_start3A_411] : memref<8x125x32xf32, #tpu.memory_space<vmem>> -> memref<1x125x32xf32, #tpu.memory_space<vmem>>
        %dma_start3A_413 = tpu.memref_squeeze %dma_start3A_412 : memref<1x125x32xf32, #tpu.memory_space<vmem>> -> memref<125x32xf32, #tpu.memory_space<vmem>>
        %dma_start3A_414 = arith.constant 0 : i32
        %dma_start3A_415 = tpu.memref_slice %arg7[%add3A_331, %dma_start3A_414] : memref<80x125xi32, #tpu.memory_space<vmem>> -> memref<1x125xi32, #tpu.memory_space<vmem>>
        %dma_start3A_416 = tpu.memref_squeeze %dma_start3A_415 : memref<1x125xi32, #tpu.memory_space<vmem>> -> memref<125xi32, #tpu.memory_space<vmem>>
        %dma_start3A_417 = arith.constant 0 : i32
        %dma_start3A_418 = arith.constant 0 : i32
        %dma_start3A_419 = tpu.memref_slice %arg11[%dma_start3A_417, %dma_start3A_418] : memref<10000x32xf32, #tpu.memory_space<vmem_shared>> -> memref<10000x32xf32, #tpu.memory_space<vmem_shared>>
        tpu.enqueue_indirect_dma source(%dma_start3A_419 : memref<10000x32xf32, #tpu.memory_space<vmem_shared>>) target(%dma_start3A_413 : memref<125x32xf32, #tpu.memory_space<vmem>>) offsets(%dma_start3A_416 : memref<125xi32, #tpu.memory_space<vmem>>) semaphore(%arg12 : memref<!tpu.dma_semaphore, #tpu.memory_space<semaphore_mem>>)
      } else {
      }
      %add3A_337 = arith.constant 6 : i32
      %add3A_338 = arith.addi %mul3A_122, %add3A_337 : i32
      %dma_wait3A_339 = arith.constant 6 : i32
      %dma_wait3A_340 = arith.constant 0 : i32
      %dma_wait3A_341 = arith.constant 0 : i32
      %dma_wait3A_342 = tpu.memref_slice %arg9[%dma_wait3A_339, %dma_wait3A_340, %dma_wait3A_341] : memref<8x125x32xf32, #tpu.memory_space<vmem>> -> memref<1x125x32xf32, #tpu.memory_space<vmem>>
      %dma_wait3A_343 = tpu.memref_squeeze %dma_wait3A_342 : memref<1x125x32xf32, #tpu.memory_space<vmem>> -> memref<125x32xf32, #tpu.memory_space<vmem>>
      %dma_wait3A_344 = arith.constant 0 : i32
      %dma_wait3A_345 = tpu.memref_slice %arg7[%add3A_338, %dma_wait3A_344] : memref<80x125xi32, #tpu.memory_space<vmem>> -> memref<1x125xi32, #tpu.memory_space<vmem>>
      %dma_wait3A_346 = tpu.memref_squeeze %dma_wait3A_345 : memref<1x125xi32, #tpu.memory_space<vmem>> -> memref<125xi32, #tpu.memory_space<vmem>>
      %dma_wait3A_347 = arith.constant 0 : i32
      %dma_wait3A_348 = arith.constant 0 : i32
      %dma_wait3A_349 = tpu.memref_slice %arg11[%dma_wait3A_347, %dma_wait3A_348] : memref<10000x32xf32, #tpu.memory_space<vmem_shared>> -> memref<10000x32xf32, #tpu.memory_space<vmem_shared>>
      tpu.wait_indirect_dma semaphore(%arg12 : memref<!tpu.dma_semaphore, #tpu.memory_space<semaphore_mem>>) src(%dma_wait3A_349 : memref<10000x32xf32, #tpu.memory_space<vmem_shared>>) dst(%dma_wait3A_343 : memref<125x32xf32, #tpu.memory_space<vmem>>)
      %dma_start3A_350 = arith.constant 6 : i32
      %dma_start3A_351 = arith.constant 0 : i32
      %dma_start3A_352 = arith.constant 0 : i32
      %dma_start3A_353 = tpu.memref_slice %arg9[%dma_start3A_350, %dma_start3A_351, %dma_start3A_352] : memref<8x125x32xf32, #tpu.memory_space<vmem>> -> memref<1x125x32xf32, #tpu.memory_space<vmem>>
      %dma_start3A_354 = tpu.memref_squeeze %dma_start3A_353 : memref<1x125x32xf32, #tpu.memory_space<vmem>> -> memref<125x32xf32, #tpu.memory_space<vmem>>
      %dma_start3A_355 = arith.constant 0 : i32
      %dma_start3A_356 = tpu.memref_slice %arg8[%add3A_338, %dma_start3A_355] : memref<80x125xi32, #tpu.memory_space<vmem>> -> memref<1x125xi32, #tpu.memory_space<vmem>>
      %dma_start3A_357 = tpu.memref_squeeze %dma_start3A_356 : memref<1x125xi32, #tpu.memory_space<vmem>> -> memref<125xi32, #tpu.memory_space<vmem>>
      %dma_start3A_358 = arith.constant 0 : i32
      %dma_start3A_359 = arith.constant 0 : i32
      %dma_start3A_360 = tpu.memref_slice %arg10[%dma_start3A_358, %dma_start3A_359] : memref<10000x32xf32, #tpu.memory_space<vmem_shared>> -> memref<10000x32xf32, #tpu.memory_space<vmem_shared>>
      tpu.enqueue_indirect_dma source(%dma_start3A_354 : memref<125x32xf32, #tpu.memory_space<vmem>>) target(%dma_start3A_360 : memref<10000x32xf32, #tpu.memory_space<vmem_shared>>) offsets(%dma_start3A_357 : memref<125xi32, #tpu.memory_space<vmem>>) semaphore(%arg13 : memref<!tpu.dma_semaphore, #tpu.memory_space<semaphore_mem>>) {add = true}
      %ge3A_361 = arith.constant 4 : i32
      %ge3A_362 = arith.cmpi sge, %add3A_338, %ge3A_361 : i32
      %convert_element_type3A_363 = arith.extui %ge3A_362 : i1 to i32
      %cond3A_364 = arith.constant 0 : i32
      %cond3A_365 = arith.cmpi ne, %convert_element_type3A_363, %cond3A_364 : i32
      scf.if %cond3A_365 {
        %dma_wait3A_409 = arith.constant 6 : i32
        %dma_wait3A_410 = arith.constant 0 : i32
        %dma_wait3A_411 = arith.constant 0 : i32
        %dma_wait3A_412 = tpu.memref_slice %arg9[%dma_wait3A_409, %dma_wait3A_410, %dma_wait3A_411] : memref<8x125x32xf32, #tpu.memory_space<vmem>> -> memref<1x125x32xf32, #tpu.memory_space<vmem>>
        %dma_wait3A_413 = tpu.memref_squeeze %dma_wait3A_412 : memref<1x125x32xf32, #tpu.memory_space<vmem>> -> memref<125x32xf32, #tpu.memory_space<vmem>>
        %dma_wait3A_414 = arith.constant 0 : i32
        %dma_wait3A_415 = tpu.memref_slice %arg8[%add3A_338, %dma_wait3A_414] : memref<80x125xi32, #tpu.memory_space<vmem>> -> memref<1x125xi32, #tpu.memory_space<vmem>>
        %dma_wait3A_416 = tpu.memref_squeeze %dma_wait3A_415 : memref<1x125xi32, #tpu.memory_space<vmem>> -> memref<125xi32, #tpu.memory_space<vmem>>
        %dma_wait3A_417 = arith.constant 0 : i32
        %dma_wait3A_418 = arith.constant 0 : i32
        %dma_wait3A_419 = tpu.memref_slice %arg10[%dma_wait3A_417, %dma_wait3A_418] : memref<10000x32xf32, #tpu.memory_space<vmem_shared>> -> memref<10000x32xf32, #tpu.memory_space<vmem_shared>>
        tpu.wait_indirect_dma semaphore(%arg13 : memref<!tpu.dma_semaphore, #tpu.memory_space<semaphore_mem>>) src(%dma_wait3A_413 : memref<125x32xf32, #tpu.memory_space<vmem>>) dst(%dma_wait3A_419 : memref<10000x32xf32, #tpu.memory_space<vmem_shared>>)
      } else {
      }
      %add3A_366 = arith.constant 4 : i32
      %add3A_367 = arith.addi %add3A_338, %add3A_366 : i32
      %lt3A_368 = arith.constant 80 : i32
      %lt3A_369 = arith.cmpi slt, %add3A_367, %lt3A_368 : i32
      %convert_element_type3A_370 = arith.extui %lt3A_369 : i1 to i32
      %cond3A_371 = arith.constant 0 : i32
      %cond3A_372 = arith.cmpi ne, %convert_element_type3A_370, %cond3A_371 : i32
      scf.if %cond3A_372 {
        %dma_start3A_409 = arith.constant 2 : i32
        %dma_start3A_410 = arith.constant 0 : i32
        %dma_start3A_411 = arith.constant 0 : i32
        %dma_start3A_412 = tpu.memref_slice %arg9[%dma_start3A_409, %dma_start3A_410, %dma_start3A_411] : memref<8x125x32xf32, #tpu.memory_space<vmem>> -> memref<1x125x32xf32, #tpu.memory_space<vmem>>
        %dma_start3A_413 = tpu.memref_squeeze %dma_start3A_412 : memref<1x125x32xf32, #tpu.memory_space<vmem>> -> memref<125x32xf32, #tpu.memory_space<vmem>>
        %dma_start3A_414 = arith.constant 0 : i32
        %dma_start3A_415 = tpu.memref_slice %arg7[%add3A_367, %dma_start3A_414] : memref<80x125xi32, #tpu.memory_space<vmem>> -> memref<1x125xi32, #tpu.memory_space<vmem>>
        %dma_start3A_416 = tpu.memref_squeeze %dma_start3A_415 : memref<1x125xi32, #tpu.memory_space<vmem>> -> memref<125xi32, #tpu.memory_space<vmem>>
        %dma_start3A_417 = arith.constant 0 : i32
        %dma_start3A_418 = arith.constant 0 : i32
        %dma_start3A_419 = tpu.memref_slice %arg11[%dma_start3A_417, %dma_start3A_418] : memref<10000x32xf32, #tpu.memory_space<vmem_shared>> -> memref<10000x32xf32, #tpu.memory_space<vmem_shared>>
        tpu.enqueue_indirect_dma source(%dma_start3A_419 : memref<10000x32xf32, #tpu.memory_space<vmem_shared>>) target(%dma_start3A_413 : memref<125x32xf32, #tpu.memory_space<vmem>>) offsets(%dma_start3A_416 : memref<125xi32, #tpu.memory_space<vmem>>) semaphore(%arg12 : memref<!tpu.dma_semaphore, #tpu.memory_space<semaphore_mem>>)
      } else {
      }
      %add3A_373 = arith.constant 7 : i32
      %add3A_374 = arith.addi %mul3A_122, %add3A_373 : i32
      %dma_wait3A_375 = arith.constant 7 : i32
      %dma_wait3A_376 = arith.constant 0 : i32
      %dma_wait3A_377 = arith.constant 0 : i32
      %dma_wait3A_378 = tpu.memref_slice %arg9[%dma_wait3A_375, %dma_wait3A_376, %dma_wait3A_377] : memref<8x125x32xf32, #tpu.memory_space<vmem>> -> memref<1x125x32xf32, #tpu.memory_space<vmem>>
      %dma_wait3A_379 = tpu.memref_squeeze %dma_wait3A_378 : memref<1x125x32xf32, #tpu.memory_space<vmem>> -> memref<125x32xf32, #tpu.memory_space<vmem>>
      %dma_wait3A_380 = arith.constant 0 : i32
      %dma_wait3A_381 = tpu.memref_slice %arg7[%add3A_374, %dma_wait3A_380] : memref<80x125xi32, #tpu.memory_space<vmem>> -> memref<1x125xi32, #tpu.memory_space<vmem>>
      %dma_wait3A_382 = tpu.memref_squeeze %dma_wait3A_381 : memref<1x125xi32, #tpu.memory_space<vmem>> -> memref<125xi32, #tpu.memory_space<vmem>>
      %dma_wait3A_383 = arith.constant 0 : i32
      %dma_wait3A_384 = arith.constant 0 : i32
      %dma_wait3A_385 = tpu.memref_slice %arg11[%dma_wait3A_383, %dma_wait3A_384] : memref<10000x32xf32, #tpu.memory_space<vmem_shared>> -> memref<10000x32xf32, #tpu.memory_space<vmem_shared>>
      tpu.wait_indirect_dma semaphore(%arg12 : memref<!tpu.dma_semaphore, #tpu.memory_space<semaphore_mem>>) src(%dma_wait3A_385 : memref<10000x32xf32, #tpu.memory_space<vmem_shared>>) dst(%dma_wait3A_379 : memref<125x32xf32, #tpu.memory_space<vmem>>)
      %dma_start3A_386 = arith.constant 7 : i32
      %dma_start3A_387 = arith.constant 0 : i32
      %dma_start3A_388 = arith.constant 0 : i32
      %dma_start3A_389 = tpu.memref_slice %arg9[%dma_start3A_386, %dma_start3A_387, %dma_start3A_388] : memref<8x125x32xf32, #tpu.memory_space<vmem>> -> memref<1x125x32xf32, #tpu.memory_space<vmem>>
      %dma_start3A_390 = tpu.memref_squeeze %dma_start3A_389 : memref<1x125x32xf32, #tpu.memory_space<vmem>> -> memref<125x32xf32, #tpu.memory_space<vmem>>
      %dma_start3A_391 = arith.constant 0 : i32
      %dma_start3A_392 = tpu.memref_slice %arg8[%add3A_374, %dma_start3A_391] : memref<80x125xi32, #tpu.memory_space<vmem>> -> memref<1x125xi32, #tpu.memory_space<vmem>>
      %dma_start3A_393 = tpu.memref_squeeze %dma_start3A_392 : memref<1x125xi32, #tpu.memory_space<vmem>> -> memref<125xi32, #tpu.memory_space<vmem>>
      %dma_start3A_394 = arith.constant 0 : i32
      %dma_start3A_395 = arith.constant 0 : i32
      %dma_start3A_396 = tpu.memref_slice %arg10[%dma_start3A_394, %dma_start3A_395] : memref<10000x32xf32, #tpu.memory_space<vmem_shared>> -> memref<10000x32xf32, #tpu.memory_space<vmem_shared>>
      tpu.enqueue_indirect_dma source(%dma_start3A_390 : memref<125x32xf32, #tpu.memory_space<vmem>>) target(%dma_start3A_396 : memref<10000x32xf32, #tpu.memory_space<vmem_shared>>) offsets(%dma_start3A_393 : memref<125xi32, #tpu.memory_space<vmem>>) semaphore(%arg13 : memref<!tpu.dma_semaphore, #tpu.memory_space<semaphore_mem>>) {add = true}
      %ge3A_397 = arith.constant 4 : i32
      %ge3A_398 = arith.cmpi sge, %add3A_374, %ge3A_397 : i32
      %convert_element_type3A_399 = arith.extui %ge3A_398 : i1 to i32
      %cond3A_400 = arith.constant 0 : i32
      %cond3A_401 = arith.cmpi ne, %convert_element_type3A_399, %cond3A_400 : i32
      scf.if %cond3A_401 {
        %dma_wait3A_409 = arith.constant 7 : i32
        %dma_wait3A_410 = arith.constant 0 : i32
        %dma_wait3A_411 = arith.constant 0 : i32
        %dma_wait3A_412 = tpu.memref_slice %arg9[%dma_wait3A_409, %dma_wait3A_410, %dma_wait3A_411] : memref<8x125x32xf32, #tpu.memory_space<vmem>> -> memref<1x125x32xf32, #tpu.memory_space<vmem>>
        %dma_wait3A_413 = tpu.memref_squeeze %dma_wait3A_412 : memref<1x125x32xf32, #tpu.memory_space<vmem>> -> memref<125x32xf32, #tpu.memory_space<vmem>>
        %dma_wait3A_414 = arith.constant 0 : i32
        %dma_wait3A_415 = tpu.memref_slice %arg8[%add3A_374, %dma_wait3A_414] : memref<80x125xi32, #tpu.memory_space<vmem>> -> memref<1x125xi32, #tpu.memory_space<vmem>>
        %dma_wait3A_416 = tpu.memref_squeeze %dma_wait3A_415 : memref<1x125xi32, #tpu.memory_space<vmem>> -> memref<125xi32, #tpu.memory_space<vmem>>
        %dma_wait3A_417 = arith.constant 0 : i32
        %dma_wait3A_418 = arith.constant 0 : i32
        %dma_wait3A_419 = tpu.memref_slice %arg10[%dma_wait3A_417, %dma_wait3A_418] : memref<10000x32xf32, #tpu.memory_space<vmem_shared>> -> memref<10000x32xf32, #tpu.memory_space<vmem_shared>>
        tpu.wait_indirect_dma semaphore(%arg13 : memref<!tpu.dma_semaphore, #tpu.memory_space<semaphore_mem>>) src(%dma_wait3A_413 : memref<125x32xf32, #tpu.memory_space<vmem>>) dst(%dma_wait3A_419 : memref<10000x32xf32, #tpu.memory_space<vmem_shared>>)
      } else {
      }
      %add3A_402 = arith.constant 4 : i32
      %add3A_403 = arith.addi %add3A_374, %add3A_402 : i32
      %lt3A_404 = arith.constant 80 : i32
      %lt3A_405 = arith.cmpi slt, %add3A_403, %lt3A_404 : i32
      %convert_element_type3A_406 = arith.extui %lt3A_405 : i1 to i32
      %cond3A_407 = arith.constant 0 : i32
      %cond3A_408 = arith.cmpi ne, %convert_element_type3A_406, %cond3A_407 : i32
      scf.if %cond3A_408 {
        %dma_start3A_409 = arith.constant 3 : i32
        %dma_start3A_410 = arith.constant 0 : i32
        %dma_start3A_411 = arith.constant 0 : i32
        %dma_start3A_412 = tpu.memref_slice %arg9[%dma_start3A_409, %dma_start3A_410, %dma_start3A_411] : memref<8x125x32xf32, #tpu.memory_space<vmem>> -> memref<1x125x32xf32, #tpu.memory_space<vmem>>
        %dma_start3A_413 = tpu.memref_squeeze %dma_start3A_412 : memref<1x125x32xf32, #tpu.memory_space<vmem>> -> memref<125x32xf32, #tpu.memory_space<vmem>>
        %dma_start3A_414 = arith.constant 0 : i32
        %dma_start3A_415 = tpu.memref_slice %arg7[%add3A_403, %dma_start3A_414] : memref<80x125xi32, #tpu.memory_space<vmem>> -> memref<1x125xi32, #tpu.memory_space<vmem>>
        %dma_start3A_416 = tpu.memref_squeeze %dma_start3A_415 : memref<1x125xi32, #tpu.memory_space<vmem>> -> memref<125xi32, #tpu.memory_space<vmem>>
        %dma_start3A_417 = arith.constant 0 : i32
        %dma_start3A_418 = arith.constant 0 : i32
        %dma_start3A_419 = tpu.memref_slice %arg11[%dma_start3A_417, %dma_start3A_418] : memref<10000x32xf32, #tpu.memory_space<vmem_shared>> -> memref<10000x32xf32, #tpu.memory_space<vmem_shared>>
        tpu.enqueue_indirect_dma source(%dma_start3A_419 : memref<10000x32xf32, #tpu.memory_space<vmem_shared>>) target(%dma_start3A_413 : memref<125x32xf32, #tpu.memory_space<vmem>>) offsets(%dma_start3A_416 : memref<125xi32, #tpu.memory_space<vmem>>) semaphore(%arg12 : memref<!tpu.dma_semaphore, #tpu.memory_space<semaphore_mem>>)
      } else {
      }
    }
    %scan3A_64 = arith.constant 10 : i32
    %dma_wait3A = arith.constant 0 : i32
    %dma_wait3A_65 = arith.constant 0 : i32
    %dma_wait3A_66 = arith.constant 0 : i32
    %dma_wait3A_67 = arith.constant 0 : i32
    %dma_wait3A_68 = tpu.memref_slice %arg9[%dma_wait3A, %dma_wait3A_66, %dma_wait3A_67] : memref<8x125x32xf32, #tpu.memory_space<vmem>> -> memref<1x125x32xf32, #tpu.memory_space<vmem>>
    %dma_wait3A_69 = tpu.memref_squeeze %dma_wait3A_68 : memref<1x125x32xf32, #tpu.memory_space<vmem>> -> memref<125x32xf32, #tpu.memory_space<vmem>>
    %dma_wait3A_70 = arith.constant 0 : i32
    %dma_wait3A_71 = tpu.memref_slice %arg8[%dma_wait3A_65, %dma_wait3A_70] : memref<80x125xi32, #tpu.memory_space<vmem>> -> memref<1x125xi32, #tpu.memory_space<vmem>>
    %dma_wait3A_72 = tpu.memref_squeeze %dma_wait3A_71 : memref<1x125xi32, #tpu.memory_space<vmem>> -> memref<125xi32, #tpu.memory_space<vmem>>
    %dma_wait3A_73 = arith.constant 0 : i32
    %dma_wait3A_74 = arith.constant 0 : i32
    %dma_wait3A_75 = tpu.memref_slice %arg10[%dma_wait3A_73, %dma_wait3A_74] : memref<10000x32xf32, #tpu.memory_space<vmem_shared>> -> memref<10000x32xf32, #tpu.memory_space<vmem_shared>>
    tpu.wait_indirect_dma semaphore(%arg13 : memref<!tpu.dma_semaphore, #tpu.memory_space<semaphore_mem>>) src(%dma_wait3A_69 : memref<125x32xf32, #tpu.memory_space<vmem>>) dst(%dma_wait3A_75 : memref<10000x32xf32, #tpu.memory_space<vmem_shared>>)
    %dma_wait3A_76 = arith.constant 0 : i32
    %dma_wait3A_77 = arith.constant 0 : i32
    %dma_wait3A_78 = arith.constant 0 : i32
    %dma_wait3A_79 = arith.constant 0 : i32
    %dma_wait3A_80 = tpu.memref_slice %arg9[%dma_wait3A_76, %dma_wait3A_78, %dma_wait3A_79] : memref<8x125x32xf32, #tpu.memory_space<vmem>> -> memref<1x125x32xf32, #tpu.memory_space<vmem>>
    %dma_wait3A_81 = tpu.memref_squeeze %dma_wait3A_80 : memref<1x125x32xf32, #tpu.memory_space<vmem>> -> memref<125x32xf32, #tpu.memory_space<vmem>>
    %dma_wait3A_82 = arith.constant 0 : i32
    %dma_wait3A_83 = tpu.memref_slice %arg8[%dma_wait3A_77, %dma_wait3A_82] : memref<80x125xi32, #tpu.memory_space<vmem>> -> memref<1x125xi32, #tpu.memory_space<vmem>>
    %dma_wait3A_84 = tpu.memref_squeeze %dma_wait3A_83 : memref<1x125xi32, #tpu.memory_space<vmem>> -> memref<125xi32, #tpu.memory_space<vmem>>
    %dma_wait3A_85 = arith.constant 0 : i32
    %dma_wait3A_86 = arith.constant 0 : i32
    %dma_wait3A_87 = tpu.memref_slice %arg10[%dma_wait3A_85, %dma_wait3A_86] : memref<10000x32xf32, #tpu.memory_space<vmem_shared>> -> memref<10000x32xf32, #tpu.memory_space<vmem_shared>>
    tpu.wait_indirect_dma semaphore(%arg13 : memref<!tpu.dma_semaphore, #tpu.memory_space<semaphore_mem>>) src(%dma_wait3A_81 : memref<125x32xf32, #tpu.memory_space<vmem>>) dst(%dma_wait3A_87 : memref<10000x32xf32, #tpu.memory_space<vmem_shared>>)
    %dma_wait3A_88 = arith.constant 0 : i32
    %dma_wait3A_89 = arith.constant 0 : i32
    %dma_wait3A_90 = arith.constant 0 : i32
    %dma_wait3A_91 = arith.constant 0 : i32
    %dma_wait3A_92 = tpu.memref_slice %arg9[%dma_wait3A_88, %dma_wait3A_90, %dma_wait3A_91] : memref<8x125x32xf32, #tpu.memory_space<vmem>> -> memref<1x125x32xf32, #tpu.memory_space<vmem>>
    %dma_wait3A_93 = tpu.memref_squeeze %dma_wait3A_92 : memref<1x125x32xf32, #tpu.memory_space<vmem>> -> memref<125x32xf32, #tpu.memory_space<vmem>>
    %dma_wait3A_94 = arith.constant 0 : i32
    %dma_wait3A_95 = tpu.memref_slice %arg8[%dma_wait3A_89, %dma_wait3A_94] : memref<80x125xi32, #tpu.memory_space<vmem>> -> memref<1x125xi32, #tpu.memory_space<vmem>>
    %dma_wait3A_96 = tpu.memref_squeeze %dma_wait3A_95 : memref<1x125xi32, #tpu.memory_space<vmem>> -> memref<125xi32, #tpu.memory_space<vmem>>
    %dma_wait3A_97 = arith.constant 0 : i32
    %dma_wait3A_98 = arith.constant 0 : i32
    %dma_wait3A_99 = tpu.memref_slice %arg10[%dma_wait3A_97, %dma_wait3A_98] : memref<10000x32xf32, #tpu.memory_space<vmem_shared>> -> memref<10000x32xf32, #tpu.memory_space<vmem_shared>>
    tpu.wait_indirect_dma semaphore(%arg13 : memref<!tpu.dma_semaphore, #tpu.memory_space<semaphore_mem>>) src(%dma_wait3A_93 : memref<125x32xf32, #tpu.memory_space<vmem>>) dst(%dma_wait3A_99 : memref<10000x32xf32, #tpu.memory_space<vmem_shared>>)
    %dma_wait3A_100 = arith.constant 0 : i32
    %dma_wait3A_101 = arith.constant 0 : i32
    %dma_wait3A_102 = arith.constant 0 : i32
    %dma_wait3A_103 = arith.constant 0 : i32
    %dma_wait3A_104 = tpu.memref_slice %arg9[%dma_wait3A_100, %dma_wait3A_102, %dma_wait3A_103] : memref<8x125x32xf32, #tpu.memory_space<vmem>> -> memref<1x125x32xf32, #tpu.memory_space<vmem>>
    %dma_wait3A_105 = tpu.memref_squeeze %dma_wait3A_104 : memref<1x125x32xf32, #tpu.memory_space<vmem>> -> memref<125x32xf32, #tpu.memory_space<vmem>>
    %dma_wait3A_106 = arith.constant 0 : i32
    %dma_wait3A_107 = tpu.memref_slice %arg8[%dma_wait3A_101, %dma_wait3A_106] : memref<80x125xi32, #tpu.memory_space<vmem>> -> memref<1x125xi32, #tpu.memory_space<vmem>>
    %dma_wait3A_108 = tpu.memref_squeeze %dma_wait3A_107 : memref<1x125xi32, #tpu.memory_space<vmem>> -> memref<125xi32, #tpu.memory_space<vmem>>
    %dma_wait3A_109 = arith.constant 0 : i32
    %dma_wait3A_110 = arith.constant 0 : i32
    %dma_wait3A_111 = tpu.memref_slice %arg10[%dma_wait3A_109, %dma_wait3A_110] : memref<10000x32xf32, #tpu.memory_space<vmem_shared>> -> memref<10000x32xf32, #tpu.memory_space<vmem_shared>>
    tpu.wait_indirect_dma semaphore(%arg13 : memref<!tpu.dma_semaphore, #tpu.memory_space<semaphore_mem>>) src(%dma_wait3A_105 : memref<125x32xf32, #tpu.memory_space<vmem>>) dst(%dma_wait3A_111 : memref<10000x32xf32, #tpu.memory_space<vmem_shared>>)
    %barrier3A_112 = arith.constant 0 : index
    tpu.barrier barrier_id(%barrier3A_112)
    %eq3A = arith.constant 0 : i32
    %eq3A_113 = arith.cmpi eq, %arg0, %eq3A : i32
    %convert_element_type3A = arith.extui %eq3A_113 : i1 to i32
    %cond3A = arith.constant 0 : i32
    %cond3A_114 = arith.cmpi ne, %convert_element_type3A, %cond3A : i32
    scf.if %cond3A_114 {
      "tpu.region"() ({
        %run_scoped3A = tpu.sem_alloc : memref<!tpu.dma_semaphore, #tpu.memory_space<semaphore_mem>>
        %dma_start3A_120 = arith.constant 0 : i32
        %dma_start3A_121 = tpu.memref_slice %arg5[%mul3A_2, %dma_start3A_120] : memref<10000x32xf32, #tpu.memory_space<hbm>> -> memref<625x32xf32, #tpu.memory_space<hbm>>
        %dma_start3A_122 = arith.constant 0 : i32
        %dma_start3A_123 = tpu.memref_slice %arg10[%mul3A_2, %dma_start3A_122] : memref<10000x32xf32, #tpu.memory_space<vmem_shared>> -> memref<625x32xf32, #tpu.memory_space<vmem_shared>>
        tpu.enqueue_dma source(%dma_start3A_123 : memref<625x32xf32, #tpu.memory_space<vmem_shared>>) target(%dma_start3A_121 : memref<625x32xf32, #tpu.memory_space<hbm>>) target_semaphore(%run_scoped3A : memref<!tpu.dma_semaphore, #tpu.memory_space<semaphore_mem>>)
        %dma_wait3A_124 = arith.constant 0 : i32
        %dma_wait3A_125 = tpu.memref_slice %arg5[%mul3A_2, %dma_wait3A_124] : memref<10000x32xf32, #tpu.memory_space<hbm>> -> memref<625x32xf32, #tpu.memory_space<hbm>>
        %dma_wait3A_126 = arith.constant 0 : i32
        %dma_wait3A_127 = tpu.memref_slice %arg10[%mul3A_2, %dma_wait3A_126] : memref<10000x32xf32, #tpu.memory_space<vmem_shared>> -> memref<625x32xf32, #tpu.memory_space<vmem_shared>>
        tpu.wait_dma2 semaphore(%run_scoped3A : memref<!tpu.dma_semaphore, #tpu.memory_space<semaphore_mem>>) src(%dma_wait3A_127 : memref<625x32xf32, #tpu.memory_space<vmem_shared>>) dst(%dma_wait3A_125 : memref<625x32xf32, #tpu.memory_space<hbm>>)
        tpu.yield
      }) : () -> ()
    } else {
    }
    %eq3A_115 = arith.constant 1 : i32
    %eq3A_116 = arith.cmpi eq, %arg0, %eq3A_115 : i32
    %convert_element_type3A_117 = arith.extui %eq3A_116 : i1 to i32
    %cond3A_118 = arith.constant 0 : i32
    %cond3A_119 = arith.cmpi ne, %convert_element_type3A_117, %cond3A_118 : i32
    scf.if %cond3A_119 {
      "tpu.region"() ({
        %run_scoped3A = tpu.sem_alloc : memref<!tpu.dma_semaphore, #tpu.memory_space<semaphore_mem>>
        %dma_start3A_120 = arith.constant 0 : i32
        %dma_start3A_121 = tpu.memref_slice %arg6[%mul3A_2, %dma_start3A_120] : memref<10000x32xf32, #tpu.memory_space<hbm>> -> memref<625x32xf32, #tpu.memory_space<hbm>>
        %dma_start3A_122 = arith.constant 0 : i32
        %dma_start3A_123 = tpu.memref_slice %arg10[%mul3A_2, %dma_start3A_122] : memref<10000x32xf32, #tpu.memory_space<vmem_shared>> -> memref<625x32xf32, #tpu.memory_space<vmem_shared>>
        tpu.enqueue_dma source(%dma_start3A_123 : memref<625x32xf32, #tpu.memory_space<vmem_shared>>) target(%dma_start3A_121 : memref<625x32xf32, #tpu.memory_space<hbm>>) target_semaphore(%run_scoped3A : memref<!tpu.dma_semaphore, #tpu.memory_space<semaphore_mem>>)
        %dma_wait3A_124 = arith.constant 0 : i32
        %dma_wait3A_125 = tpu.memref_slice %arg6[%mul3A_2, %dma_wait3A_124] : memref<10000x32xf32, #tpu.memory_space<hbm>> -> memref<625x32xf32, #tpu.memory_space<hbm>>
        %dma_wait3A_126 = arith.constant 0 : i32
        %dma_wait3A_127 = tpu.memref_slice %arg10[%mul3A_2, %dma_wait3A_126] : memref<10000x32xf32, #tpu.memory_space<vmem_shared>> -> memref<625x32xf32, #tpu.memory_space<vmem_shared>>
        tpu.wait_dma2 semaphore(%run_scoped3A : memref<!tpu.dma_semaphore, #tpu.memory_space<semaphore_mem>>) src(%dma_wait3A_127 : memref<625x32xf32, #tpu.memory_space<vmem_shared>>) dst(%dma_wait3A_125 : memref<625x32xf32, #tpu.memory_space<hbm>>)
        tpu.yield
      }) : () -> ()
    } else {
    }
    return
  }
}

module attributes {stable_mosaic.version = 14 : i64} {
  func.func @_proj_body(%arg0: memref<2500x512xf32, #tpu.memory_space<vmem>>, %arg1: memref<512x128xf32, #tpu.memory_space<vmem>>, %arg2: memref<2500x128xf32, #tpu.memory_space<vmem>>) attributes {dimension_semantics = [], scalar_prefetch = 0 : i64, scratch_operands = 0 : i64, tpu.core_type = #tpu.core_type<tc>} {
    %get3A = arith.constant 0 : index
    %get3A_0 = arith.constant 0 : index
    %get3A_1 = vector.load %arg0[%get3A, %get3A_0] : memref<2500x512xf32, #tpu.memory_space<vmem>>, vector<2500x512xf32>
    %get3A_2 = arith.constant 0 : index
    %get3A_3 = arith.constant 0 : index
    %get3A_4 = vector.load %arg1[%get3A_2, %get3A_3] : memref<512x128xf32, #tpu.memory_space<vmem>>, vector<512x128xf32>
    %dot_general3A = arith.constant dense<0.000000e+00> : vector<2500x128xf32>
    %dot_general3A_5 = tpu.matmul %get3A_1, %get3A_4, %dot_general3A {dimension_numbers = #tpu.dot_dimension_numbers<[1], [0], [0], [1], [0, 0, 1, 1], [], []>, transpose_lhs_hint = false} : vector<2500x512xf32>, vector<512x128xf32>, vector<2500x128xf32> -> vector<2500x128xf32>
    %swap3A = arith.constant 0 : index
    %swap3A_6 = arith.constant 0 : index
    %swap3A_7 = vector.load %arg2[%swap3A, %swap3A_6] : memref<2500x128xf32, #tpu.memory_space<vmem>>, vector<2500x128xf32>
    tpu.vector_store %arg2[%swap3A, %swap3A_6], %dot_general3A_5 {strides = array<i32>} : memref<2500x128xf32, #tpu.memory_space<vmem>>, vector<2500x128xf32>,
    return
  }
}

module attributes {stable_mosaic.version = 14 : i64} {
  func.func @_mid_body(%arg0: i32, %arg1: memref<2500x128xf32, #tpu.memory_space<vmem>>, %arg2: memref<2500x128xf32, #tpu.memory_space<vmem>>, %arg3: memref<2500x128xf32, #tpu.memory_space<vmem>>, %arg4: memref<1x128xf32, #tpu.memory_space<vmem>>, %arg5: memref<128x128xf32, #tpu.memory_space<vmem>>, %arg6: memref<1x128xf32, #tpu.memory_space<vmem>>, %arg7: memref<128x128xf32, #tpu.memory_space<vmem>>, %arg8: memref<2500x128xf32, #tpu.memory_space<vmem>>) attributes {dimension_semantics = [#tpu.dimension_semantics<arbitrary>], iteration_bounds = array<i64: 1>, scalar_prefetch = 0 : i64, scratch_operands = 0 : i64, tpu.core_type = #tpu.core_type<tc>, window_params = [{pipeline_mode = #tpu.pipeline_mode<synchronous>, transform_indices = @transform_0, window_bounds = array<i64: 2500, 128>}, {pipeline_mode = #tpu.pipeline_mode<synchronous>, transform_indices = @transform_1, window_bounds = array<i64: 2500, 128>}, {pipeline_mode = #tpu.pipeline_mode<synchronous>, transform_indices = @transform_2, window_bounds = array<i64: 2500, 128>}, {pipeline_mode = #tpu.pipeline_mode<synchronous>, transform_indices = @transform_3, window_bounds = array<i64: 1, 128>}, {pipeline_mode = #tpu.pipeline_mode<synchronous>, transform_indices = @transform_4, window_bounds = array<i64: 128, 128>}, {pipeline_mode = #tpu.pipeline_mode<synchronous>, transform_indices = @transform_5, window_bounds = array<i64: 1, 128>}, {pipeline_mode = #tpu.pipeline_mode<synchronous>, transform_indices = @transform_6, window_bounds = array<i64: 128, 128>}, {pipeline_mode = #tpu.pipeline_mode<synchronous>, transform_indices = @transform_7, window_bounds = array<i64: 2500, 128>}]} {
    %get3A = arith.constant 0 : index
    %get3A_0 = arith.constant 0 : index
    %get3A_1 = vector.load %arg1[%get3A, %get3A_0] : memref<2500x128xf32, #tpu.memory_space<vmem>>, vector<2500x128xf32>
    %get3A_2 = arith.constant 0 : index
    %get3A_3 = arith.constant 0 : index
    %get3A_4 = vector.load %arg2[%get3A_2, %get3A_3] : memref<2500x128xf32, #tpu.memory_space<vmem>>, vector<2500x128xf32>
    %add3A = arith.addf %get3A_1, %get3A_4 : vector<2500x128xf32>
    %get3A_5 = arith.constant 0 : index
    %get3A_6 = arith.constant 0 : index
    %get3A_7 = vector.load %arg3[%get3A_5, %get3A_6] : memref<2500x128xf32, #tpu.memory_space<vmem>>, vector<2500x128xf32>
    %add3A_8 = arith.addf %add3A, %get3A_7 : vector<2500x128xf32>
    %get3A_9 = arith.constant 0 : index
    %get3A_10 = arith.constant 0 : index
    %get3A_11 = vector.load %arg4[%get3A_9, %get3A_10] : memref<1x128xf32, #tpu.memory_space<vmem>>, vector<1x128xf32>
    %add3A_12 = vector.broadcast %get3A_11 : vector<1x128xf32> to vector<2500x128xf32>
    %add3A_13 = arith.addf %add3A_8, %add3A_12 : vector<2500x128xf32>
    %max3A = arith.constant 0.000000e+00 : f32
    %max3A_14 = vector.broadcast %max3A : f32 to vector<2500x128xf32>
    %max3A_15 = arith.maximumf %add3A_13, %max3A_14 : vector<2500x128xf32>
    %get3A_16 = arith.constant 0 : index
    %get3A_17 = arith.constant 0 : index
    %get3A_18 = vector.load %arg5[%get3A_16, %get3A_17] : memref<128x128xf32, #tpu.memory_space<vmem>>, vector<128x128xf32>
    %dot_general3A = arith.constant dense<0.000000e+00> : vector<2500x128xf32>
    %dot_general3A_19 = tpu.matmul %max3A_15, %get3A_18, %dot_general3A {dimension_numbers = #tpu.dot_dimension_numbers<[1], [0], [0], [1], [0, 0, 1, 1], [], []>, transpose_lhs_hint = false} : vector<2500x128xf32>, vector<128x128xf32>, vector<2500x128xf32> -> vector<2500x128xf32>
    %get3A_20 = arith.constant 0 : index
    %get3A_21 = arith.constant 0 : index
    %get3A_22 = vector.load %arg6[%get3A_20, %get3A_21] : memref<1x128xf32, #tpu.memory_space<vmem>>, vector<1x128xf32>
    %add3A_23 = vector.broadcast %get3A_22 : vector<1x128xf32> to vector<2500x128xf32>
    %add3A_24 = arith.addf %dot_general3A_19, %add3A_23 : vector<2500x128xf32>
    %max3A_25 = arith.constant 0.000000e+00 : f32
    %max3A_26 = vector.broadcast %max3A_25 : f32 to vector<2500x128xf32>
    %max3A_27 = arith.maximumf %add3A_24, %max3A_26 : vector<2500x128xf32>
    %get3A_28 = arith.constant 0 : index
    %get3A_29 = arith.constant 0 : index
    %get3A_30 = vector.load %arg7[%get3A_28, %get3A_29] : memref<128x128xf32, #tpu.memory_space<vmem>>, vector<128x128xf32>
    %dot_general3A_31 = arith.constant dense<0.000000e+00> : vector<2500x128xf32>
    %dot_general3A_32 = tpu.matmul %max3A_27, %get3A_30, %dot_general3A_31 {dimension_numbers = #tpu.dot_dimension_numbers<[1], [0], [0], [1], [0, 0, 1, 1], [], []>, transpose_lhs_hint = false} : vector<2500x128xf32>, vector<128x128xf32>, vector<2500x128xf32> -> vector<2500x128xf32>
    %swap3A = arith.constant 0 : index
    %swap3A_33 = arith.constant 0 : index
    %swap3A_34 = vector.load %arg8[%swap3A, %swap3A_33] : memref<2500x128xf32, #tpu.memory_space<vmem>>, vector<2500x128xf32>
    tpu.vector_store %arg8[%swap3A, %swap3A_33], %dot_general3A_32 {strides = array<i32>} : memref<2500x128xf32, #tpu.memory_space<vmem>>, vector<2500x128xf32>,
    return
  }
  func.func @transform_0(%arg0: i32) -> (i32, i32) {
    %c0_i32 = arith.constant 0 : i32
    %c0_i32_0 = arith.constant 0 : i32
    %c0_i32_1 = arith.constant 0 : i32
    return %c0_i32, %c0_i32_0 : i32, i32
  }
  func.func @transform_1(%arg0: i32) -> (i32, i32) {
    %c0_i32 = arith.constant 0 : i32
    %c0_i32_0 = arith.constant 0 : i32
    %c0_i32_1 = arith.constant 0 : i32
    return %c0_i32, %c0_i32_0 : i32, i32
  }
  func.func @transform_2(%arg0: i32) -> (i32, i32) {
    %c0_i32 = arith.constant 0 : i32
    %c0_i32_0 = arith.constant 0 : i32
    %c0_i32_1 = arith.constant 0 : i32
    return %c0_i32, %c0_i32_0 : i32, i32
  }
  func.func @transform_3(%arg0: i32) -> (i32, i32) {
    %c0_i32 = arith.constant 0 : i32
    %c0_i32_0 = arith.constant 0 : i32
    %c0_i32_1 = arith.constant 0 : i32
    return %c0_i32, %c0_i32_0 : i32, i32
  }
  func.func @transform_4(%arg0: i32) -> (i32, i32) {
    %c0_i32 = arith.constant 0 : i32
    %c0_i32_0 = arith.constant 0 : i32
    %c0_i32_1 = arith.constant 0 : i32
    return %c0_i32, %c0_i32_0 : i32, i32
  }
  func.func @transform_5(%arg0: i32) -> (i32, i32) {
    %c0_i32 = arith.constant 0 : i32
    %c0_i32_0 = arith.constant 0 : i32
    %c0_i32_1 = arith.constant 0 : i32
    return %c0_i32, %c0_i32_0 : i32, i32
  }
  func.func @transform_6(%arg0: i32) -> (i32, i32) {
    %c0_i32 = arith.constant 0 : i32
    %c0_i32_0 = arith.constant 0 : i32
    %c0_i32_1 = arith.constant 0 : i32
    return %c0_i32, %c0_i32_0 : i32, i32
  }
  func.func @transform_7(%arg0: i32) -> (i32, i32) {
    %c0_i32 = arith.constant 0 : i32
    %c0_i32_0 = arith.constant 0 : i32
    %c0_i32_1 = arith.constant 0 : i32
    return %c0_i32, %c0_i32_0 : i32, i32
  }
}

module attributes {stable_mosaic.version = 14 : i64} {
  func.func @_final_body(%arg0: i32, %arg1: memref<2500x128xf32, #tpu.memory_space<vmem>>, %arg2: memref<2500x128xf32, #tpu.memory_space<vmem>>, %arg3: memref<2500x128xf32, #tpu.memory_space<vmem>>, %arg4: memref<1x128xf32, #tpu.memory_space<vmem>>, %arg5: memref<128x128xf32, #tpu.memory_space<vmem>>, %arg6: memref<1x128xf32, #tpu.memory_space<vmem>>, %arg7: memref<4x2500xi32, #tpu.memory_space<vmem>>, %arg8: memref<32x32xf32, #tpu.memory_space<vmem>>, %arg9: memref<1x32xf32, #tpu.memory_space<vmem>>, %arg10: memref<32x2xf32, #tpu.memory_space<vmem>>, %arg11: memref<1x2xf32, #tpu.memory_space<vmem>>, %arg12: memref<64x2xf32, #tpu.memory_space<vmem>>) attributes {dimension_semantics = [#tpu.dimension_semantics<arbitrary>], iteration_bounds = array<i64: 1>, scalar_prefetch = 0 : i64, scratch_operands = 0 : i64, tpu.core_type = #tpu.core_type<tc>, window_params = [{pipeline_mode = #tpu.pipeline_mode<synchronous>, transform_indices = @transform_0, window_bounds = array<i64: 2500, 128>}, {pipeline_mode = #tpu.pipeline_mode<synchronous>, transform_indices = @transform_1, window_bounds = array<i64: 2500, 128>}, {pipeline_mode = #tpu.pipeline_mode<synchronous>, transform_indices = @transform_2, window_bounds = array<i64: 2500, 128>}, {pipeline_mode = #tpu.pipeline_mode<synchronous>, transform_indices = @transform_3, window_bounds = array<i64: 1, 128>}, {pipeline_mode = #tpu.pipeline_mode<synchronous>, transform_indices = @transform_4, window_bounds = array<i64: 128, 128>}, {pipeline_mode = #tpu.pipeline_mode<synchronous>, transform_indices = @transform_5, window_bounds = array<i64: 1, 128>}, {pipeline_mode = #tpu.pipeline_mode<synchronous>, transform_indices = @transform_6, window_bounds = array<i64: 4, 2500>}, {pipeline_mode = #tpu.pipeline_mode<synchronous>, transform_indices = @transform_7, window_bounds = array<i64: 32, 32>}, {pipeline_mode = #tpu.pipeline_mode<synchronous>, transform_indices = @transform_8, window_bounds = array<i64: 1, 32>}, {pipeline_mode = #tpu.pipeline_mode<synchronous>, transform_indices = @transform_9, window_bounds = array<i64: 32, 2>}, {pipeline_mode = #tpu.pipeline_mode<synchronous>, transform_indices = @transform_10, window_bounds = array<i64: 1, 2>}, {pipeline_mode = #tpu.pipeline_mode<synchronous>, transform_indices = @transform_11, window_bounds = array<i64: 64, 2>}]} {
    %get3A = arith.constant 0 : index
    %get3A_0 = arith.constant 0 : index
    %get3A_1 = vector.load %arg1[%get3A, %get3A_0] : memref<2500x128xf32, #tpu.memory_space<vmem>>, vector<2500x128xf32>
    %get3A_2 = arith.constant 0 : index
    %get3A_3 = arith.constant 0 : index
    %get3A_4 = vector.load %arg2[%get3A_2, %get3A_3] : memref<2500x128xf32, #tpu.memory_space<vmem>>, vector<2500x128xf32>
    %add3A = arith.addf %get3A_1, %get3A_4 : vector<2500x128xf32>
    %get3A_5 = arith.constant 0 : index
    %get3A_6 = arith.constant 0 : index
    %get3A_7 = vector.load %arg3[%get3A_5, %get3A_6] : memref<2500x128xf32, #tpu.memory_space<vmem>>, vector<2500x128xf32>
    %add3A_8 = arith.addf %add3A, %get3A_7 : vector<2500x128xf32>
    %get3A_9 = arith.constant 0 : index
    %get3A_10 = arith.constant 0 : index
    %get3A_11 = vector.load %arg4[%get3A_9, %get3A_10] : memref<1x128xf32, #tpu.memory_space<vmem>>, vector<1x128xf32>
    %add3A_12 = vector.broadcast %get3A_11 : vector<1x128xf32> to vector<2500x128xf32>
    %add3A_13 = arith.addf %add3A_8, %add3A_12 : vector<2500x128xf32>
    %max3A = arith.constant 0.000000e+00 : f32
    %max3A_14 = vector.broadcast %max3A : f32 to vector<2500x128xf32>
    %max3A_15 = arith.maximumf %add3A_13, %max3A_14 : vector<2500x128xf32>
    %get3A_16 = arith.constant 0 : index
    %get3A_17 = arith.constant 0 : index
    %get3A_18 = vector.load %arg5[%get3A_16, %get3A_17] : memref<128x128xf32, #tpu.memory_space<vmem>>, vector<128x128xf32>
    %dot_general3A = arith.constant dense<0.000000e+00> : vector<2500x128xf32>
    %dot_general3A_19 = tpu.matmul %max3A_15, %get3A_18, %dot_general3A {dimension_numbers = #tpu.dot_dimension_numbers<[1], [0], [0], [1], [0, 0, 1, 1], [], []>, transpose_lhs_hint = false} : vector<2500x128xf32>, vector<128x128xf32>, vector<2500x128xf32> -> vector<2500x128xf32>
    %get3A_20 = arith.constant 0 : index
    %get3A_21 = arith.constant 0 : index
    %get3A_22 = vector.load %arg6[%get3A_20, %get3A_21] : memref<1x128xf32, #tpu.memory_space<vmem>>, vector<1x128xf32>
    %add3A_23 = vector.broadcast %get3A_22 : vector<1x128xf32> to vector<2500x128xf32>
    %add3A_24 = arith.addf %dot_general3A_19, %add3A_23 : vector<2500x128xf32>
    %max3A_25 = arith.constant 0.000000e+00 : f32
    %max3A_26 = vector.broadcast %max3A_25 : f32 to vector<2500x128xf32>
    %max3A_27 = arith.maximumf %add3A_24, %max3A_26 : vector<2500x128xf32>
    %iota3A = tpu.iota {dimensions = array<i32: 1>} : vector<2500x128xi32>
    %jit3A = arith.constant 32 : i32
    %div3A = vector.broadcast %jit3A : i32 to vector<2500x128xi32>
    %div3A_28 = arith.divsi %iota3A, %div3A : vector<2500x128xi32>
    %sign3A = arith.constant 0 : i32
    %sign3A_29 = vector.broadcast %sign3A : i32 to vector<2500x128xi32>
    %sign3A_30 = arith.cmpi sgt, %iota3A, %sign3A_29 : vector<2500x128xi32>
    %sign3A_31 = arith.extui %sign3A_30 : vector<2500x128xi1> to vector<2500x128xi32>
    %sign3A_32 = arith.constant 0 : i32
    %sign3A_33 = vector.broadcast %sign3A_32 : i32 to vector<2500x128xi32>
    %sign3A_34 = arith.cmpi slt, %iota3A, %sign3A_33 : vector<2500x128xi32>
    %sign3A_35 = arith.extui %sign3A_34 : vector<2500x128xi1> to vector<2500x128xi32>
    %sign3A_36 = arith.subi %sign3A_31, %sign3A_35 : vector<2500x128xi32>
    %sign3A_37 = arith.constant 0 : i32
    %sign3A_38 = arith.cmpi sgt, %jit3A, %sign3A_37 : i32
    %sign3A_39 = arith.extui %sign3A_38 : i1 to i32
    %sign3A_40 = arith.constant 0 : i32
    %sign3A_41 = arith.cmpi slt, %jit3A, %sign3A_40 : i32
    %sign3A_42 = arith.extui %sign3A_41 : i1 to i32
    %sign3A_43 = arith.subi %sign3A_39, %sign3A_42 : i32
    %ne3A = vector.broadcast %sign3A_43 : i32 to vector<2500x128xi32>
    %ne3A_44 = arith.cmpi ne, %sign3A_36, %ne3A : vector<2500x128xi32>
    %rem3A = vector.broadcast %jit3A : i32 to vector<2500x128xi32>
    %rem3A_45 = arith.remsi %iota3A, %rem3A : vector<2500x128xi32>
    %ne3A_46 = arith.constant 0 : i32
    %ne3A_47 = vector.broadcast %ne3A_46 : i32 to vector<2500x128xi32>
    %ne3A_48 = arith.cmpi ne, %rem3A_45, %ne3A_47 : vector<2500x128xi32>
    %and3A = arith.andi %ne3A_44, %ne3A_48 : vector<2500x128xi1>
    %sub3A = arith.constant 1 : i32
    %sub3A_49 = vector.broadcast %sub3A : i32 to vector<2500x128xi32>
    %sub3A_50 = arith.subi %div3A_28, %sub3A_49 : vector<2500x128xi32>
    %select_n3A = arith.select %and3A, %sub3A_50, %div3A_28 : vector<2500x128xi1>, vector<2500x128xi32>
    %broadcast_in_dim3A = arith.constant 0.000000e+00 : f32
    %broadcast_in_dim3A_51 = vector.broadcast %broadcast_in_dim3A : f32 to vector<64x128xf32>
    %broadcast_in_dim3A_52 = arith.constant 0.000000e+00 : f32
    %broadcast_in_dim3A_53 = vector.broadcast %broadcast_in_dim3A_52 : f32 to vector<64x1xf32>
    %get3A_54 = arith.constant 0 : index
    %get3A_55 = arith.constant 0 : index
    %get3A_56 = vector.load %arg7[%get3A_54, %get3A_55] : memref<4x2500xi32, #tpu.memory_space<vmem>>, vector<1x2500xi32>
    %get3A_57 = vector.shape_cast %get3A_56 : vector<1x2500xi32> to vector<2500xi32>
    %broadcast_in_dim3A_58 = vector.shape_cast %get3A_57 : vector<2500xi32> to vector<1x2500xi32>
    %iota3A_59 = tpu.iota {dimensions = array<i32: 0>} : vector<64x2500xi32>
    %eq3A = vector.broadcast %broadcast_in_dim3A_58 : vector<1x2500xi32> to vector<64x2500xi32>
    %eq3A_60 = arith.cmpi eq, %eq3A, %iota3A_59 : vector<64x2500xi32>
    %convert_element_type3A = arith.extui %eq3A_60 : vector<64x2500xi1> to vector<64x2500xi32>
    %convert_element_type3A_61 = arith.sitofp %convert_element_type3A : vector<64x2500xi32> to vector<64x2500xf32>
    %eq3A_62 = arith.constant 0 : i32
    %eq3A_63 = vector.broadcast %eq3A_62 : i32 to vector<2500x128xi32>
    %eq3A_64 = arith.cmpi eq, %select_n3A, %eq3A_63 : vector<2500x128xi32>
    %jit3A_65 = arith.constant 0.000000e+00 : f32
    %broadcast_in_dim3A_66 = vector.broadcast %jit3A_65 : f32 to vector<2500x128xf32>
    %select_n3A_67 = arith.select %eq3A_64, %max3A_27, %broadcast_in_dim3A_66 : vector<2500x128xi1>, vector<2500x128xf32>
    %dot_general3A_68 = arith.constant dense<0.000000e+00> : vector<64x128xf32>
    %dot_general3A_69 = tpu.matmul %convert_element_type3A_61, %select_n3A_67, %dot_general3A_68 {dimension_numbers = #tpu.dot_dimension_numbers<[1], [0], [0], [1], [0, 0, 1, 1], [], []>, transpose_lhs_hint = false} : vector<64x2500xf32>, vector<2500x128xf32>, vector<64x128xf32> -> vector<64x128xf32>
    %add3A_70 = arith.addf %broadcast_in_dim3A_51, %dot_general3A_69 : vector<64x128xf32>
    %reduce_sum3A = arith.constant dense<0.000000e+00> : vector<64xf32>
    %reduce_sum3A_71 = vector.multi_reduction <add>, %convert_element_type3A_61, %reduce_sum3A [1] : vector<64x2500xf32> to vector<64xf32>
    %broadcast_in_dim3A_72 = vector.shape_cast %reduce_sum3A_71 : vector<64xf32> to vector<64x1xf32>
    %add3A_73 = arith.addf %broadcast_in_dim3A_53, %broadcast_in_dim3A_72 : vector<64x1xf32>
    %get3A_74 = arith.constant 1 : index
    %get3A_75 = arith.constant 0 : index
    %get3A_76 = vector.load %arg7[%get3A_74, %get3A_75] : memref<4x2500xi32, #tpu.memory_space<vmem>>, vector<1x2500xi32>
    %get3A_77 = vector.shape_cast %get3A_76 : vector<1x2500xi32> to vector<2500xi32>
    %broadcast_in_dim3A_78 = vector.shape_cast %get3A_77 : vector<2500xi32> to vector<1x2500xi32>
    %iota3A_79 = tpu.iota {dimensions = array<i32: 0>} : vector<64x2500xi32>
    %eq3A_80 = vector.broadcast %broadcast_in_dim3A_78 : vector<1x2500xi32> to vector<64x2500xi32>
    %eq3A_81 = arith.cmpi eq, %eq3A_80, %iota3A_79 : vector<64x2500xi32>
    %convert_element_type3A_82 = arith.extui %eq3A_81 : vector<64x2500xi1> to vector<64x2500xi32>
    %convert_element_type3A_83 = arith.sitofp %convert_element_type3A_82 : vector<64x2500xi32> to vector<64x2500xf32>
    %eq3A_84 = arith.constant 1 : i32
    %eq3A_85 = vector.broadcast %eq3A_84 : i32 to vector<2500x128xi32>
    %eq3A_86 = arith.cmpi eq, %select_n3A, %eq3A_85 : vector<2500x128xi32>
    %jit3A_87 = arith.constant 0.000000e+00 : f32
    %broadcast_in_dim3A_88 = vector.broadcast %jit3A_87 : f32 to vector<2500x128xf32>
    %select_n3A_89 = arith.select %eq3A_86, %max3A_27, %broadcast_in_dim3A_88 : vector<2500x128xi1>, vector<2500x128xf32>
    %dot_general3A_90 = arith.constant dense<0.000000e+00> : vector<64x128xf32>
    %dot_general3A_91 = tpu.matmul %convert_element_type3A_83, %select_n3A_89, %dot_general3A_90 {dimension_numbers = #tpu.dot_dimension_numbers<[1], [0], [0], [1], [0, 0, 1, 1], [], []>, transpose_lhs_hint = false} : vector<64x2500xf32>, vector<2500x128xf32>, vector<64x128xf32> -> vector<64x128xf32>
    %add3A_92 = arith.addf %add3A_70, %dot_general3A_91 : vector<64x128xf32>
    %reduce_sum3A_93 = arith.constant dense<0.000000e+00> : vector<64xf32>
    %reduce_sum3A_94 = vector.multi_reduction <add>, %convert_element_type3A_83, %reduce_sum3A_93 [1] : vector<64x2500xf32> to vector<64xf32>
    %broadcast_in_dim3A_95 = vector.shape_cast %reduce_sum3A_94 : vector<64xf32> to vector<64x1xf32>
    %add3A_96 = arith.addf %add3A_73, %broadcast_in_dim3A_95 : vector<64x1xf32>
    %get3A_97 = arith.constant 2 : index
    %get3A_98 = arith.constant 0 : index
    %get3A_99 = vector.load %arg7[%get3A_97, %get3A_98] : memref<4x2500xi32, #tpu.memory_space<vmem>>, vector<1x2500xi32>
    %get3A_100 = vector.shape_cast %get3A_99 : vector<1x2500xi32> to vector<2500xi32>
    %broadcast_in_dim3A_101 = vector.shape_cast %get3A_100 : vector<2500xi32> to vector<1x2500xi32>
    %iota3A_102 = tpu.iota {dimensions = array<i32: 0>} : vector<64x2500xi32>
    %eq3A_103 = vector.broadcast %broadcast_in_dim3A_101 : vector<1x2500xi32> to vector<64x2500xi32>
    %eq3A_104 = arith.cmpi eq, %eq3A_103, %iota3A_102 : vector<64x2500xi32>
    %convert_element_type3A_105 = arith.extui %eq3A_104 : vector<64x2500xi1> to vector<64x2500xi32>
    %convert_element_type3A_106 = arith.sitofp %convert_element_type3A_105 : vector<64x2500xi32> to vector<64x2500xf32>
    %eq3A_107 = arith.constant 2 : i32
    %eq3A_108 = vector.broadcast %eq3A_107 : i32 to vector<2500x128xi32>
    %eq3A_109 = arith.cmpi eq, %select_n3A, %eq3A_108 : vector<2500x128xi32>
    %jit3A_110 = arith.constant 0.000000e+00 : f32
    %broadcast_in_dim3A_111 = vector.broadcast %jit3A_110 : f32 to vector<2500x128xf32>
    %select_n3A_112 = arith.select %eq3A_109, %max3A_27, %broadcast_in_dim3A_111 : vector<2500x128xi1>, vector<2500x128xf32>
    %dot_general3A_113 = arith.constant dense<0.000000e+00> : vector<64x128xf32>
    %dot_general3A_114 = tpu.matmul %convert_element_type3A_106, %select_n3A_112, %dot_general3A_113 {dimension_numbers = #tpu.dot_dimension_numbers<[1], [0], [0], [1], [0, 0, 1, 1], [], []>, transpose_lhs_hint = false} : vector<64x2500xf32>, vector<2500x128xf32>, vector<64x128xf32> -> vector<64x128xf32>
    %add3A_115 = arith.addf %add3A_92, %dot_general3A_114 : vector<64x128xf32>
    %reduce_sum3A_116 = arith.constant dense<0.000000e+00> : vector<64xf32>
    %reduce_sum3A_117 = vector.multi_reduction <add>, %convert_element_type3A_106, %reduce_sum3A_116 [1] : vector<64x2500xf32> to vector<64xf32>
    %broadcast_in_dim3A_118 = vector.shape_cast %reduce_sum3A_117 : vector<64xf32> to vector<64x1xf32>
    %add3A_119 = arith.addf %add3A_96, %broadcast_in_dim3A_118 : vector<64x1xf32>
    %get3A_120 = arith.constant 3 : index
    %get3A_121 = arith.constant 0 : index
    %get3A_122 = vector.load %arg7[%get3A_120, %get3A_121] : memref<4x2500xi32, #tpu.memory_space<vmem>>, vector<1x2500xi32>
    %get3A_123 = vector.shape_cast %get3A_122 : vector<1x2500xi32> to vector<2500xi32>
    %broadcast_in_dim3A_124 = vector.shape_cast %get3A_123 : vector<2500xi32> to vector<1x2500xi32>
    %iota3A_125 = tpu.iota {dimensions = array<i32: 0>} : vector<64x2500xi32>
    %eq3A_126 = vector.broadcast %broadcast_in_dim3A_124 : vector<1x2500xi32> to vector<64x2500xi32>
    %eq3A_127 = arith.cmpi eq, %eq3A_126, %iota3A_125 : vector<64x2500xi32>
    %convert_element_type3A_128 = arith.extui %eq3A_127 : vector<64x2500xi1> to vector<64x2500xi32>
    %convert_element_type3A_129 = arith.sitofp %convert_element_type3A_128 : vector<64x2500xi32> to vector<64x2500xf32>
    %eq3A_130 = arith.constant 3 : i32
    %eq3A_131 = vector.broadcast %eq3A_130 : i32 to vector<2500x128xi32>
    %eq3A_132 = arith.cmpi eq, %select_n3A, %eq3A_131 : vector<2500x128xi32>
    %jit3A_133 = arith.constant 0.000000e+00 : f32
    %broadcast_in_dim3A_134 = vector.broadcast %jit3A_133 : f32 to vector<2500x128xf32>
    %select_n3A_135 = arith.select %eq3A_132, %max3A_27, %broadcast_in_dim3A_134 : vector<2500x128xi1>, vector<2500x128xf32>
    %dot_general3A_136 = arith.constant dense<0.000000e+00> : vector<64x128xf32>
    %dot_general3A_137 = tpu.matmul %convert_element_type3A_129, %select_n3A_135, %dot_general3A_136 {dimension_numbers = #tpu.dot_dimension_numbers<[1], [0], [0], [1], [0, 0, 1, 1], [], []>, transpose_lhs_hint = false} : vector<64x2500xf32>, vector<2500x128xf32>, vector<64x128xf32> -> vector<64x128xf32>
    %add3A_138 = arith.addf %add3A_115, %dot_general3A_137 : vector<64x128xf32>
    %reduce_sum3A_139 = arith.constant dense<0.000000e+00> : vector<64xf32>
    %reduce_sum3A_140 = vector.multi_reduction <add>, %convert_element_type3A_129, %reduce_sum3A_139 [1] : vector<64x2500xf32> to vector<64xf32>
    %broadcast_in_dim3A_141 = vector.shape_cast %reduce_sum3A_140 : vector<64xf32> to vector<64x1xf32>
    %add3A_142 = arith.addf %add3A_119, %broadcast_in_dim3A_141 : vector<64x1xf32>
    %slice3A = vector.extract_strided_slice %add3A_138 {offsets = [0, 0], sizes = [64, 32], strides = [1, 1]} : vector<64x128xf32> to vector<64x32xf32>
    %slice3A_143 = vector.extract_strided_slice %add3A_138 {offsets = [0, 32], sizes = [64, 32], strides = [1, 1]} : vector<64x128xf32> to vector<64x32xf32>
    %add3A_144 = arith.addf %slice3A, %slice3A_143 : vector<64x32xf32>
    %slice3A_145 = vector.extract_strided_slice %add3A_138 {offsets = [0, 64], sizes = [64, 32], strides = [1, 1]} : vector<64x128xf32> to vector<64x32xf32>
    %add3A_146 = arith.addf %add3A_144, %slice3A_145 : vector<64x32xf32>
    %slice3A_147 = vector.extract_strided_slice %add3A_138 {offsets = [0, 96], sizes = [64, 32], strides = [1, 1]} : vector<64x128xf32> to vector<64x32xf32>
    %add3A_148 = arith.addf %add3A_146, %slice3A_147 : vector<64x32xf32>
    %max3A_149 = arith.constant 1.000000e+00 : f32
    %max3A_150 = vector.broadcast %max3A_149 : f32 to vector<64x1xf32>
    %max3A_151 = arith.maximumf %add3A_142, %max3A_150 : vector<64x1xf32>
    %div3A_152 = vector.broadcast %max3A_151 : vector<64x1xf32> to vector<64x32xf32>
    %div3A_153 = arith.divf %add3A_148, %div3A_152 : vector<64x32xf32>
    %get3A_154 = arith.constant 0 : index
    %get3A_155 = arith.constant 0 : index
    %get3A_156 = vector.load %arg8[%get3A_154, %get3A_155] : memref<32x32xf32, #tpu.memory_space<vmem>>, vector<32x32xf32>
    %dot_general3A_157 = arith.constant dense<0.000000e+00> : vector<64x32xf32>
    %dot_general3A_158 = tpu.matmul %div3A_153, %get3A_156, %dot_general3A_157 {dimension_numbers = #tpu.dot_dimension_numbers<[1], [0], [0], [1], [0, 0, 1, 1], [], []>, transpose_lhs_hint = false} : vector<64x32xf32>, vector<32x32xf32>, vector<64x32xf32> -> vector<64x32xf32>
    %get3A_159 = arith.constant 0 : index
    %get3A_160 = arith.constant 0 : index
    %get3A_161 = vector.load %arg9[%get3A_159, %get3A_160] : memref<1x32xf32, #tpu.memory_space<vmem>>, vector<1x32xf32>
    %add3A_162 = vector.broadcast %get3A_161 : vector<1x32xf32> to vector<64x32xf32>
    %add3A_163 = arith.addf %dot_general3A_158, %add3A_162 : vector<64x32xf32>
    %max3A_164 = arith.constant 0.000000e+00 : f32
    %max3A_165 = vector.broadcast %max3A_164 : f32 to vector<64x32xf32>
    %max3A_166 = arith.maximumf %add3A_163, %max3A_165 : vector<64x32xf32>
    %get3A_167 = arith.constant 0 : index
    %get3A_168 = arith.constant 0 : index
    %get3A_169 = vector.load %arg10[%get3A_167, %get3A_168] : memref<32x2xf32, #tpu.memory_space<vmem>>, vector<32x2xf32>
    %dot_general3A_170 = arith.constant dense<0.000000e+00> : vector<64x2xf32>
    %dot_general3A_171 = tpu.matmul %max3A_166, %get3A_169, %dot_general3A_170 {dimension_numbers = #tpu.dot_dimension_numbers<[1], [0], [0], [1], [0, 0, 1, 1], [], []>, transpose_lhs_hint = false} : vector<64x32xf32>, vector<32x2xf32>, vector<64x2xf32> -> vector<64x2xf32>
    %get3A_172 = arith.constant 0 : index
    %get3A_173 = arith.constant 0 : index
    %get3A_174 = vector.load %arg11[%get3A_172, %get3A_173] : memref<1x2xf32, #tpu.memory_space<vmem>>, vector<1x2xf32>
    %add3A_175 = vector.broadcast %get3A_174 : vector<1x2xf32> to vector<64x2xf32>
    %add3A_176 = arith.addf %dot_general3A_171, %add3A_175 : vector<64x2xf32>
    %reduce_max3A = arith.constant dense<0xFF800000> : vector<64xf32>
    %reduce_max3A_177 = vector.multi_reduction <maximumf>, %add3A_176, %reduce_max3A [1] : vector<64x2xf32> to vector<64xf32>
    %broadcast_in_dim3A_178 = vector.shape_cast %reduce_max3A_177 : vector<64xf32> to vector<64x1xf32>
    %sub3A_179 = vector.broadcast %broadcast_in_dim3A_178 : vector<64x1xf32> to vector<64x2xf32>
    %sub3A_180 = arith.subf %add3A_176, %sub3A_179 : vector<64x2xf32>
    %exp3A = math.exp %sub3A_180 : vector<64x2xf32>
    %sub3A_181 = vector.broadcast %broadcast_in_dim3A_178 : vector<64x1xf32> to vector<64x2xf32>
    %sub3A_182 = arith.subf %add3A_176, %sub3A_181 : vector<64x2xf32>
    %reduce_sum3A_183 = arith.constant dense<0.000000e+00> : vector<64xf32>
    %reduce_sum3A_184 = vector.multi_reduction <add>, %exp3A, %reduce_sum3A_183 [1] : vector<64x2xf32> to vector<64xf32>
    %broadcast_in_dim3A_185 = vector.shape_cast %reduce_sum3A_184 : vector<64xf32> to vector<64x1xf32>
    %log3A = math.log %broadcast_in_dim3A_185 : vector<64x1xf32>
    %sub3A_186 = vector.broadcast %log3A : vector<64x1xf32> to vector<64x2xf32>
    %sub3A_187 = arith.subf %sub3A_182, %sub3A_186 : vector<64x2xf32>
    %swap3A = arith.constant 0 : index
    %swap3A_188 = arith.constant 0 : index
    %swap3A_189 = vector.load %arg12[%swap3A, %swap3A_188] : memref<64x2xf32, #tpu.memory_space<vmem>>, vector<64x2xf32>
    tpu.vector_store %arg12[%swap3A, %swap3A_188], %sub3A_187 {strides = array<i32>} : memref<64x2xf32, #tpu.memory_space<vmem>>, vector<64x2xf32>,
    return
  }
  func.func @transform_0(%arg0: i32) -> (i32, i32) {
    %c0_i32 = arith.constant 0 : i32
    %c0_i32_0 = arith.constant 0 : i32
    %c0_i32_1 = arith.constant 0 : i32
    return %c0_i32, %c0_i32_0 : i32, i32
  }
  func.func @transform_1(%arg0: i32) -> (i32, i32) {
    %c0_i32 = arith.constant 0 : i32
    %c0_i32_0 = arith.constant 0 : i32
    %c0_i32_1 = arith.constant 0 : i32
    return %c0_i32, %c0_i32_0 : i32, i32
  }
  func.func @transform_2(%arg0: i32) -> (i32, i32) {
    %c0_i32 = arith.constant 0 : i32
    %c0_i32_0 = arith.constant 0 : i32
    %c0_i32_1 = arith.constant 0 : i32
    return %c0_i32, %c0_i32_0 : i32, i32
  }
  func.func @transform_3(%arg0: i32) -> (i32, i32) {
    %c0_i32 = arith.constant 0 : i32
    %c0_i32_0 = arith.constant 0 : i32
    %c0_i32_1 = arith.constant 0 : i32
    return %c0_i32, %c0_i32_0 : i32, i32
  }
  func.func @transform_4(%arg0: i32) -> (i32, i32) {
    %c0_i32 = arith.constant 0 : i32
    %c0_i32_0 = arith.constant 0 : i32
    %c0_i32_1 = arith.constant 0 : i32
    return %c0_i32, %c0_i32_0 : i32, i32
  }
  func.func @transform_5(%arg0: i32) -> (i32, i32) {
    %c0_i32 = arith.constant 0 : i32
    %c0_i32_0 = arith.constant 0 : i32
    %c0_i32_1 = arith.constant 0 : i32
    return %c0_i32, %c0_i32_0 : i32, i32
  }
  func.func @transform_6(%arg0: i32) -> (i32, i32) {
    %c0_i32 = arith.constant 0 : i32
    %c0_i32_0 = arith.constant 0 : i32
    %c0_i32_1 = arith.constant 0 : i32
    return %c0_i32, %c0_i32_0 : i32, i32
  }
  func.func @transform_7(%arg0: i32) -> (i32, i32) {
    %c0_i32 = arith.constant 0 : i32
    %c0_i32_0 = arith.constant 0 : i32
    %c0_i32_1 = arith.constant 0 : i32
    return %c0_i32, %c0_i32_0 : i32, i32
  }
  func.func @transform_8(%arg0: i32) -> (i32, i32) {
    %c0_i32 = arith.constant 0 : i32
    %c0_i32_0 = arith.constant 0 : i32
    %c0_i32_1 = arith.constant 0 : i32
    return %c0_i32, %c0_i32_0 : i32, i32
  }
  func.func @transform_9(%arg0: i32) -> (i32, i32) {
    %c0_i32 = arith.constant 0 : i32
    %c0_i32_0 = arith.constant 0 : i32
    %c0_i32_1 = arith.constant 0 : i32
    return %c0_i32, %c0_i32_0 : i32, i32
  }
  func.func @transform_10(%arg0: i32) -> (i32, i32) {
    %c0_i32 = arith.constant 0 : i32
    %c0_i32_0 = arith.constant 0 : i32
    %c0_i32_1 = arith.constant 0 : i32
    return %c0_i32, %c0_i32_0 : i32, i32
  }
  func.func @transform_11(%arg0: i32) -> (i32, i32) {
    %c0_i32 = arith.constant 0 : i32
    %c0_i32_0 = arith.constant 0 : i32
    %c0_i32_1 = arith.constant 0 : i32
    return %c0_i32, %c0_i32_0 : i32, i32
  }
}

</mosaic_0001>

<sc_bundles>
// kernel: kernel.12.cloned.1.call-start
scs
__scs_entry_jumppad:
0x0: {  	(pc) =	sbr.rel $0x88, $3  }
0x1: {  	(tag) =	ssettag $0x0;
	lr =	simm.s32 $0x1  }
0x2: {  	[smem:$0x3F8E] =	sst lr;
	_ =	strace $0xD0000000  }
0x3: {  	_ = 	snop  }
0x4: {  	_ = 	snop  }
0x5: {  	_ = 	snop  }
0x6: {  	_ = 	snop  }
0x7: {  	_ = 	snop  }
__scs_overlays_trampoline_lowered:
0x8: {  	[smem:$0x3F9D] =	sst s0  }
0x9: {  	[smem:$0x3F9E] =	sst s1  }
0xa: {  	[smem:$0x3F9F] =	sst s2  }
0xb: {  	[smem:$0x3FA0] =	sst s3  }
0xc: {  	[smem:$0x3FA1] =	sst s4  }
0xd: {  	[smem:$0x3FA2] =	sst s5  }
0xe: {  	[smem:$0x3FA3] =	sst s6  }
0xf: {  	[smem:$0x3FA4] =	sst s7  }
0x10: {  	[smem:$0x3FA5] =	sst s8  }
0x11: {  	[smem:$0x3FA6] =	sst s9;
	s0 =	simm.s32 @!p0 $0x0  }
0x12: {  	s1 =	sld [smem:$0x3F8C];
	s0 =	simm.s32 @p0 $0x1  }
0x13: {  	[smem:$0x3FA7] =	sst s0;
	s0 =	simm.s32 @!p1 $0x0  }
0x14: {  	s2 =	sld [smem:$0x3F8B];
	s0 =	simm.s32 @p1 $0x1  }
0x15: {  	[smem:$0x3FA8] =	sst s0;
	s0 =	simm.s32 @!p2 $0x0  }
0x16: {  	s3 =	sld [smem:$0x3FDB];
	s0 =	simm.s32 @p2 $0x1  }
0x17: {  	s4 =	simm.s32 $0x1BF5;
	[smem:$0x3FAA] =	sst s0  }
0x18: {  	s0 =	sld [smem:$0x3F8D];
	_ =	swait.ge [sflag:s4], $0x0  }
0x19: {  	s7 =	sld [smem:$0x3F8E]  }
0x1a: {  	s8 =	sadd.s32 $0xFFFFE003, lr  }
0x1b: {  	s9 =	sadd.s32 $0xFFFFFEF7, lr;
	s5 =	simm.s32 $0xFFFFFFFF;
	p2 =	slt.u32 s8, $0xFFFFF086  }
0x1c: {  	p1 =	slt.u32 s9, $0xF7A;
	s5 =	simm.s32 @!p2 $0x0  }
0x1d: {  	s5 =	simm.s32 @p1 $0x1;
	p0 =	seq.s32 s7, s2  }
0x1e: {  	s7 =	smul.u32 @!p0 $0xF7A, s2;
	p2 =	seq.s32 @!p0 s5, $0x0  }
0x1f: {  	s9 =	smul.u32 $0xF7A, s1;
	s8 =	simm.s32 @!p0 $0x1BF5;
	p2 =	por !p2, p0  }
0x20: {  	[sflag:s8] =	ssyncset.s32 @!p0 $0xFFFFF086;
	s6 =	sadd.s32 @!p0 s3, s7;
	s7 =	simm.s32 @!p0 $0x108  }
0x21: {  	s3 =	sadd.s32 s3, s9;
	s6 =	sadd.s32 @!p0 $0x88, s6;
	s7 =	simm.s32 @p2 $0x1082  }
0x22: {  	[simem:s7], [sflag:s8] =	dma.local @!p0 [hbm:s6], $0xF7A  }
0x23: {  	s9 =	sor.u32 $0xD0000000, s2;
	s6 =	simm.s32 $0x108;
	_ =	swait.ge @!p0 [sflag:s8], $0x0  }
0x24: {  	s3 =	sadd.s32 $0x88, s3;
	s6 =	simm.s32 @!p1 $0x1082;
	[sflag:s4] =	ssyncset.s32 $0xFFFFF086  }
0x25: {  	[simem:s6], [sflag:s4] =	dma.local [hbm:s3], $0xF7A  }
0x26: {  	[smem:$0x3F8E] =	sst s1;
	(tag) =	ssettag s2;
	_ =	strace s9  }
0x27: {  	s1 =	sld [smem:$0x3F9E]  }
0x28: {  	s2 =	sld [smem:$0x3F9F]  }
0x29: {  	s4 =	sld [smem:$0x3FA1]  }
0x2a: {  	p0 =	seq.s32 s5, $0x0;
	s5 =	sld [smem:$0x3FA2]  }
0x2b: {  	s6 =	sld [smem:$0x3FA3]  }
0x2c: {  	s7 =	sld [smem:$0x3FA4]  }
0x2d: {  	s3 =	simm.s32 $0x108;
	s8 =	sld [smem:$0x3FA5]  }
0x2e: {  	s3 =	simm.s32 @!p0 $0x1082;
	s9 =	sld [smem:$0x3FA6]  }
0x2f: {  	lr =	sadd.s32 s0, s3;
	s0 =	sld [smem:$0x3F9D]  }
0x30: {  	s3 =	sld [smem:$0x3FA0]  }
0x31: {  	[smem:$0x3FA9] =	sst s10  }
0x32: {  	s10 =	sld [smem:$0x3FA7];
	_ =	sdelay $0x3  }
0x33: {  	p0 =	seq.s32 s10, $0x1;
	s10 =	sld [smem:$0x3FA9];
	_ =	sdelay $0x3  }
0x34: {  	[smem:$0x3FA9] =	sst s10  }
0x35: {  	s10 =	sld [smem:$0x3FA8];
	_ =	sdelay $0x3  }
0x36: {  	p1 =	seq.s32 s10, $0x1;
	s10 =	sld [smem:$0x3FA9];
	_ =	sdelay $0x3  }
0x37: {  	[smem:$0x3FA9] =	sst s10  }
0x38: {  	s10 =	sld [smem:$0x3FAA]  }
0x39: {  	_ = 	snop;
	(pc) =	sbr.ind lr, $3  }
0x3a: {  	_ = 	snop  }
0x3b: {  	_ = 	snop  }
0x3c: {  	p2 =	seq.s32 s10, $0x1;
	s10 =	sld [smem:$0x3FA9]  }
0x3d: {  	_ =	shalt  }
0x3e: {  	_ =	shalt  }
0x3f: {  	_ =	shalt  }
0x40: {  	_ =	shalt  }
0x41: {  	_ =	shalt  }
0x42: {  	_ =	shalt  }
0x43: {  	_ =	shalt  }
0x44: {  	_ =	shalt  }
0x45: {  	_ =	shalt  }
0x46: {  	_ =	shalt  }
0x47: {  	_ =	shalt  }
0x48: {  	_ =	shalt  }
0x49: {  	_ =	shalt  }
0x4a: {  	_ =	shalt  }
0x4b: {  	_ =	shalt  }
0x4c: {  	_ =	shalt  }
0x4d: {  	_ =	shalt  }
0x4e: {  	_ =	shalt  }
0x4f: {  	_ =	shalt  }
0x50: {  	_ =	shalt  }
0x51: {  	_ =	shalt  }
0x52: {  	_ =	shalt  }
0x53: {  	_ =	shalt  }
0x54: {  	_ =	shalt  }
0x55: {  	_ =	shalt  }
0x56: {  	_ =	shalt  }
0x57: {  	_ =	shalt  }
0x58: {  	_ =	shalt  }
0x59: {  	_ =	shalt  }
0x5a: {  	_ =	shalt  }
0x5b: {  	_ =	shalt  }
0x5c: {  	_ =	shalt  }
0x5d: {  	_ =	shalt  }
0x5e: {  	_ =	shalt  }
0x5f: {  	_ =	shalt  }
0x60: {  	_ =	shalt  }
0x61: {  	_ =	shalt  }
0x62: {  	_ =	shalt  }
0x63: {  	_ =	shalt  }
0x64: {  	_ =	shalt  }
0x65: {  	_ =	shalt  }
0x66: {  	_ =	shalt  }
0x67: {  	_ =	shalt  }
0x68: {  	_ =	shalt  }
0x69: {  	_ =	shalt  }
0x6a: {  	_ =	shalt  }
0x6b: {  	_ =	shalt  }
0x6c: {  	_ =	shalt  }
0x6d: {  	_ =	shalt  }
0x6e: {  	_ =	shalt  }
0x6f: {  	_ =	shalt  }
0x70: {  	_ =	shalt  }
0x71: {  	_ =	shalt  }
0x72: {  	_ =	shalt  }
0x73: {  	_ =	shalt  }
0x74: {  	_ =	shalt  }
0x75: {  	_ =	shalt  }
0x76: {  	_ =	shalt  }
0x77: {  	_ =	shalt  }
0x78: {  	_ =	shalt  }
0x79: {  	_ =	shalt  }
0x7a: {  	_ =	shalt  }
0x7b: {  	_ =	shalt  }
0x7c: {  	_ =	shalt  }
0x7d: {  	_ =	shalt  }
0x7e: {  	_ =	shalt  }
0x7f: {  	_ =	shalt  }
0x80: {  	_ =	shalt  }
0x81: {  	_ =	shalt  }
0x82: {  	_ =	shalt  }
0x83: {  	_ =	shalt  }
0x84: {  	_ =	shalt  }
0x85: {  	_ =	shalt  }
0x86: {  	_ =	shalt  }
0x87: {  	_ =	shalt  }
.Lfunc_end0:
.L_simem_size_0:
called_computation.1_lowered:
.L_overlay_start_0:
0x88: {  	s2 =	sld [smem:$0x3FD9]  }
0x89: {  	s3 =	sld [smem:$0x3FFE];
	_ =	sdelay $0x1  }
0x8a: {  	s1 =	srdreg.scid  }
0x8b: {  	s0 =	sand.u32 $0x1, s1  }
0x8c: {  	s16 =	sshll.u32 s0, $0xA;
	s2 =	sadd.s32 s3, s2  }
0x8d: {  	s2 =	sadd.s32 s2, s16  }
0x8e: {  	[smem:$0x3FB5] =	sst s2  }
0x8f: {  	_ = 	snop  }
0x90: {  	(tm) =	ssettm $0x1  }
0x91: {  	s17 =	sld [smem:$0x3FFB];
	_ =	sdelay $0x3  }
0x92: {  	_ =	strace s17  }
0x93: {  	s2 =	sld [smem:$0x3FFC];
	_ =	sdelay $0x3  }
0x94: {  	_ =	strace s2  }
0x95: {  	s2 =	sld [smem:$0x3FFD];
	_ =	sdelay $0x3  }
0x96: {  	_ =	strace s2  }
0x97: {  	_ =	strace $0x8FFFFFFF  }
0x98: {  	s18 =	sld [smem:$0x3FDB];
	_ =	sdelay $0x1  }
0x99: {  	s19 =	simm.s32 $_scs_section_size  }
0x9a: {  	s4 =	simm.s32 $_size__tile_overlayer_lowered;
	s5 =	simm.s32 $_tile_overlayer_lowered  }
0x9b: {  	s22 =	simm.s32 $0x1BFF;
	s21 =	sshll.u32 s5, $0x1;
	s2 =	sadd.s32 s19, s18  }
0x9c: {  	s6 =	simm.s32 $0x0;
	s20 =	sshll.u32 s4, $0x1;
	s4 =	sadd.s32 s21, s2  }
0x9d: {  	[timem:s6], [sflag:s22] =	dma.local [hbm:s4], s20  }
0x9e: {  	_ =	swait.ge [sflag:s22], s20  }
0x9f: {  	s3 =	ssub.s32 $0x0, s20;
	[sflag:s22] =	ssyncset.done $0x0  }
0xa0: {  	[sflag:s22] =	ssyncadd.s32 s3;
	_ =	sdelay $0x1  }
0xa1: {  	s23 =	simm.s32 $0x1B8B  }
0xa2: {  	_ =	swait.ge [sflag:s23], $0x1  }
0xa3: {  	[sflag:s23] =	ssyncset.done $0x0  }
0xa4: {  	s25 =	simm.s32 $0x1B8E;
	s24 =	sld [smem:$0x3FFE];
	[sflag:s23] =	ssyncadd.s32 $0xFFFFFFFF  }
0xa5: {  	s26 =	simm.s32 $execute0_lowered;
	[smem:$0x3FD2] =	sst s25  }
0xa6: {  	s4 =	sshll.u32 s26, $0x1;
	_ =	strace $0x80000049;
	[dreg:$0x1] =	wrdreg $0xFFFFFFFF  }
0xa7: {  	s28 =	simm.s32 $_size_execute0_lowered;
	s2 =	sadd.s32 s2, s4;
	[dreg:$0x0] =	wrdreg $0x0  }
0xa8: {  	s4 =	sshll.u32 s28, $0x1;
	[dreg:$0x2] =	wrdreg s2  }
0xa9: {  	[dreg:$0x3] =	wrdreg s4  }
0xaa: {  	[dreg:$0x4] =	wrdreg $0xC0  }
0xab: {  	_ =	task [dreg:s6], $0x5FFFF  }
0xac: {  	[dreg:$0x1] =	wrdreg $0xFFFFFFFF  }
0xad: {  	[dreg:$0x0] =	wrdreg $0x60  }
0xae: {  	[dreg:$0x2] =	wrdreg s24  }
0xaf: {  	[dreg:$0x3] =	wrdreg $0xCD000  }
0xb0: {  	[dreg:$0x4] =	wrdreg $0x11B200  }
0xb1: {  	[dreg:$0x5] =	wrdreg $0x9  }
0xb2: {  	_ =	task.clear_ibuf [dreg:s6], $0x6FFFF;
	_ =	strace $0x90000049  }
0xb3: {  	s29 =	simm.s32 $0x9;
	_ =	strace $0x8000004B  }
0xb4: {  	_ =	swait.ge [sflag:s29], $0x1  }
0xb5: {  	[sflag:s29] =	ssyncadd.s32 $0xFFFFFFFF  }
0xb6: {  	_ =	strace $0x9000004B  }
0xb7: {  	_ =	sfence  }
0xb8: {  	s30 =	sld [smem:$0x0];
	_ =	sdelay $0x2  }
0xb9: {  	s31 =	sshll.u32 s1, $0xD;
	s1 =	sshrl.u32 s1, $0x2  }
0xba: {  	s3 =	sand.u32 $0x4000, s31;
	s1 =	sadd.s32 s1, s30  }
0xbb: {  	s0 =	sor.u32 s3, s0;
	s1 =	sshll.u32 s1, $0x11  }
0xbc: {  	s0 =	sor.u32 s1, s0  }
0xbd: {  	s0 =	sadd.s32 $0x8F2B, s0  }
0xbe: {  	[sflag:s0] =	ssyncadd.remote.s32 $0x1  }
0xbf: {  	_ =	sfence.sel $0xFFFF  }
0xc0: {  	[dreg:$0x0] =	wrdreg $0xFFFFFFFF;
	(pc) =	sbr.abs _section_cstart, $3  }
0xc1: {  	[dreg:$0x1] =	wrdreg $0xFFFFFFFF  }
0xc2: {  	_ =	task.clear_ibuf [dreg:s6], $0x2FFFF;
	_ =	strace $0x9FFFFFFF  }
0xc3: {  	(tm) =	ssettm $0x7FFFFFFF  }
tec
execute0_lowered:
.L_overlay_start_1:
0x0: {  	(tag) =	ssettag $0x1  }
0x1: {  	s0 =	rddreg [dreg:$0x0]  }
0x2: {  	s2 =	rddreg [dreg:$0x1]  }
0x3: {  	s3 =	rddreg [dreg:$0x2]  }
0x4: {  	s13 =	stileid.u32;
	s4 =	simm.s32 $0x0;
	s5 =	srdreg.scid  }
0x5: {  	s14 =	simm.s32 $0x36E00;
	s16 =	simm.s32 $0x7D;
	s17 =	simm.s32 $0x5000  }
0x6: {  	s19 =	simm.s32 $0x5FA0;
	s21 =	simm.s32 $0x6F40;
	s28 =	simm.s32 $0xADC0  }
0x7: {  	s29 =	simm.s32 $0xBD60;
	s30 =	simm.s32 $0x2;
	s31 =	simm.s32 $0x0  }
0x8: {  	s1 =	smul.u32 $0x4E20, s13;
	[smem:$0x7FF] =	sst s4;
	s8 =	sand.u32 $0x1, s5  }
0x9: {  	s7 =	sshll.u32 s13, $0x1;
	s25 =	sshll.u32 s13, $0x6;
	_ =	strace $0x8000004A  }
0xa: {  	s6 =	ssub.s32 $0x2, s8;
	s9 =	sor.u32 s8, s7;
	p0 =	seq.s32 s8, $0x1  }
0xb: {  	s23 =	sshrl.u32 s1, $0x3;
	s24 =	sshrl.u32 s6, $0x1;
	s26 =	smul.u32 $0x2800, s9  }
0xc: {  	s12 =	sadd.s32 s1, s2;
	s1 =	sadd.s32 s1, s3;
	s9 =	smul.u32 $0x500, s9  }
0xd: {  	s14 =	simm.s32 @!p0 $0x2D000;
	s11 =	sadd.s32 s23, s0;
	s0 =	sadd.s32 $0xF200, s0  }
0xe: {  	s10 =	ssub.s32 s6, s24;
	s6 =	sor.u32 $0x1C03, s25;
	s12 =	sshrl.u32 s12, $0x3  }
.Ltmp0:
0xf: {  	s23 =	simm.s32 $0x7EE0;
	s24 =	simm.s32 $0x1;
	(pc) =	sbr.rel .LBB2_1-.Ltmp0, $4  }
0x10: {  	s25 =	simm.s32 $0x8E80;
	s5 =	sadd.s32 $0x23200, s11;
	s7 =	sadd.s32 $0x5400, s11  }
0x11: {  	s13 =	sshrl.u32 s26, $0x3;
	s8 =	sadd.s32 s0, s9;
	s10 =	smax.u32 s10, $0x1  }
0x12: {  	s11 =	sadd.s32 s14, s11;
	s14 =	sshrl.u32 s1, $0x3;
	s13 =	sadd.s32 s0, s13  }
0x13: {  	s26 =	simm.s32 $0x9E20;
	s9 =	sadd.s32 $0xA000, s13;
	s13 =	simm.s32 $0x3  }
.LBB2_4:
0x14: {  	_ =	swait.ge [sflag:s24], $0xFA0  }
0x15: {  	[sflag:s24] =	ssyncset.done $0x0  }
0x16: {  	[sflag:s24] =	ssyncadd.s32 $0xFFFFF060  }
0x17: {  	[spmem:s2] =	stream.indirect.scatter.add.f32 [tilespmem:s29], [sflag:$0x2], $0x20, s15, s16, $0xb8;
	[tilespmem:$0x16940] =	vst v63  }
0x18: {  	_ =	swait.ge [sflag:s30], $0xFA0  }
0x19: {  	[sflag:s30] =	ssyncset.done $0x0  }
0x1a: {  	[sflag:s30] =	ssyncadd.s32 $0xFFFFF060  }
0x1b: {  	_ =	swait.ge [sflag:s30], $0xFA0  }
0x1c: {  	[sflag:s30] =	ssyncset.done $0x0  }
0x1d: {  	[sflag:s30] =	ssyncadd.s32 $0xFFFFF060  }
0x1e: {  	_ =	swait.ge [sflag:s30], $0xFA0  }
0x1f: {  	[sflag:s30] =	ssyncset.done $0x0  }
0x20: {  	[sflag:s30] =	ssyncadd.s32 $0xFFFFF060  }
0x21: {  	_ =	swait.ge [sflag:s30], $0xFA0  }
0x22: {  	[sflag:s30] =	ssyncset.done $0x0  }
0x23: {  	[sflag:s30] =	ssyncadd.s32 $0xFFFFF060  }
0x24: {  	_ =	swait.ge [sflag:s30], $0xFA0  }
0x25: {  	s31 =	sadd.s32 $0x1, s31;
	[sflag:s30] =	ssyncset.done $0x0  }
0x26: {  	p0 =	sne.s32 s31, s10;
	[sflag:s30] =	ssyncadd.s32 $0xFFFFF060  }
.Ltmp1:
0x27: {  	[bflag:$0x0] =	sbarrier.arrive $0xFFFF;
	(pc) =	sbr.rel @!p0 .LBB2_5-.Ltmp1, $4  }
0x28: {  	[hbm:s11], [sflag:s6] =	dma.local [spmem:s12], $0x9C4  }
0x29: {  	_ =	swait.ge [sflag:s13], $0x9C4  }
0x2a: {  	[sflag:s13] =	ssyncset.done $0x0  }
0x2b: {  	[sflag:s13] =	ssyncadd.s32 $0xFFFFF63C  }
.LBB2_1:
0x2c: {  	[spmem:s12], [sflag:s6] =	dma.local [hbm:s5], $0x9C4  }
0x2d: {  	_ =	swait.ge [sflag:s13], $0x9C4  }
0x2e: {  	[sflag:s13] =	ssyncset.done $0x0  }
0x2f: {  	[sflag:s13] =	ssyncadd.s32 $0xFFFFF63C  }
0x30: {  	[spmem:s14], [sflag:s6] =	dma.local [hbm:s7], $0x9C4  }
0x31: {  	_ =	swait.ge [sflag:s13], $0x9C4  }
0x32: {  	[sflag:s13] =	ssyncset.done $0x0  }
0x33: {  	[sflag:s13] =	ssyncadd.s32 $0xFFFFF63C  }
0x34: {  	[tilespmem:s4], [sflag:$0x3] =	stream.linear.gather [hbm4b:s8+s4], $0x2800, $0x38;
	[tilespmem:$0x16940] =	vst v63  }
0x35: {  	_ =	swait.ge [sflag:s13], $0x2800  }
0x36: {  	[sflag:s13] =	ssyncset.done $0x0  }
0x37: {  	s0 =	simm.s32 $0x2800;
	[sflag:s13] =	ssyncadd.s32 $0xFFFFD800  }
0x38: {  	[tilespmem:s0], [sflag:$0x3] =	stream.linear.gather [hbm4b:s9+s4], $0x2800, $0x38;
	[tilespmem:$0x16940] =	vst v63  }
0x39: {  	_ =	swait.ge [sflag:s13], $0x2800  }
0x3a: {  	[sflag:s13] =	ssyncset.done $0x0  }
0x3b: {  	[sflag:s13] =	ssyncadd.s32 $0xFFFFD800  }
0x3c: {  	[bflag:$0x0] =	sbarrier.arrive $0xFFFF  }
0x3d: {  	[tilespmem:s17], [sflag:$0x1] =	stream.indirect.gather [spmem:s3], $0x20, s4, s16, $0xb8;
	[tilespmem:$0x16940] =	vst v63  }
0x3e: {  	s18 =	simm.s32 $0x80  }
0x3f: {  	[tilespmem:s19], [sflag:$0x1] =	stream.indirect.gather [spmem:s3], $0x20, s18, s16, $0xb8;
	[tilespmem:$0x16940] =	vst v63  }
0x40: {  	s20 =	simm.s32 $0x100  }
0x41: {  	[tilespmem:s21], [sflag:$0x1] =	stream.indirect.gather [spmem:s3], $0x20, s20, s16, $0xb8;
	[tilespmem:$0x16940] =	vst v63  }
0x42: {  	s22 =	simm.s32 $0x180;
	s0 =	simm.s32 $0x0  }
0x43: {  	[tilespmem:s23], [sflag:$0x1] =	stream.indirect.gather [spmem:s3], $0x20, s22, s16, $0xb8;
	[tilespmem:$0x16940] =	vst v63  }
.LBB2_2:
0x44: {  	_ =	swait.ge [sflag:s24], $0xFA0  }
0x45: {  	s1 =	sshra.s32 s0, $0x2;
	[sflag:s24] =	ssyncset.done $0x0  }
0x46: {  	p0 =	seq.s32 s0, $0x0;
	s15 =	sadd.s32 $0x2800, s1;
	[sflag:s24] =	ssyncadd.s32 $0xFFFFF060  }
0x47: {  	[spmem:s2] =	stream.indirect.scatter.add.f32 [tilespmem:s17], [sflag:$0x2], $0x20, s15, s16, $0xb8;
	[tilespmem:$0x16940] =	vst v63  }
0x48: {  	s15 =	simm.s32 @!p0 $0x2  }
0x49: {  	_ =	swait.ge @!p0 [sflag:s15], $0xFA0  }
0x4a: {  	[sflag:s15] =	ssyncset.done @!p0 $0x0  }
0x4b: {  	s18 =	sadd.s32 $0x200, s1;
	[sflag:s15] =	ssyncadd.s32 @!p0 $0xFFFFF060  }
0x4c: {  	[tilespmem:s25], [sflag:$0x1] =	stream.indirect.gather [spmem:s3], $0x20, s18, s16, $0xb8;
	[tilespmem:$0x16940] =	vst v63  }
0x4d: {  	_ =	swait.ge [sflag:s24], $0xFA0  }
0x4e: {  	[sflag:s24] =	ssyncset.done $0x0  }
0x4f: {  	s22 =	sadd.s32 $0x2880, s1;
	[sflag:s24] =	ssyncadd.s32 $0xFFFFF060  }
0x50: {  	[spmem:s2] =	stream.indirect.scatter.add.f32 [tilespmem:s19], [sflag:$0x2], $0x20, s22, s16, $0xb8;
	[tilespmem:$0x16940] =	vst v63  }
0x51: {  	_ =	swait.ge @!p0 [sflag:s15], $0xFA0  }
0x52: {  	[sflag:s15] =	ssyncset.done @!p0 $0x0  }
0x53: {  	s20 =	sadd.s32 $0x280, s1;
	[sflag:s15] =	ssyncadd.s32 @!p0 $0xFFFFF060  }
0x54: {  	[tilespmem:s26], [sflag:$0x1] =	stream.indirect.gather [spmem:s3], $0x20, s20, s16, $0xb8;
	[tilespmem:$0x16940] =	vst v63  }
0x55: {  	_ =	swait.ge [sflag:s24], $0xFA0  }
0x56: {  	[sflag:s24] =	ssyncset.done $0x0  }
0x57: {  	s22 =	sadd.s32 $0x2900, s1;
	[sflag:s24] =	ssyncadd.s32 $0xFFFFF060  }
0x58: {  	[spmem:s2] =	stream.indirect.scatter.add.f32 [tilespmem:s21], [sflag:$0x2], $0x20, s22, s16, $0xb8;
	[tilespmem:$0x16940] =	vst v63  }
0x59: {  	_ =	swait.ge @!p0 [sflag:s15], $0xFA0  }
0x5a: {  	[sflag:s15] =	ssyncset.done @!p0 $0x0  }
0x5b: {  	s20 =	sadd.s32 $0x300, s1;
	[sflag:s15] =	ssyncadd.s32 @!p0 $0xFFFFF060  }
0x5c: {  	[tilespmem:s28], [sflag:$0x1] =	stream.indirect.gather [spmem:s3], $0x20, s20, s16, $0xb8;
	[tilespmem:$0x16940] =	vst v63  }
0x5d: {  	_ =	swait.ge [sflag:s24], $0xFA0  }
0x5e: {  	[sflag:s24] =	ssyncset.done $0x0  }
0x5f: {  	s22 =	sadd.s32 $0x2980, s1;
	[sflag:s24] =	ssyncadd.s32 $0xFFFFF060  }
0x60: {  	[spmem:s2] =	stream.indirect.scatter.add.f32 [tilespmem:s23], [sflag:$0x2], $0x20, s22, s16, $0xb8;
	[tilespmem:$0x16940] =	vst v63  }
0x61: {  	_ =	swait.ge @!p0 [sflag:s15], $0xFA0  }
0x62: {  	[sflag:s15] =	ssyncset.done @!p0 $0x0  }
0x63: {  	s18 =	sadd.s32 $0x380, s1;
	[sflag:s15] =	ssyncadd.s32 @!p0 $0xFFFFF060  }
0x64: {  	[tilespmem:s29], [sflag:$0x1] =	stream.indirect.gather [spmem:s3], $0x20, s18, s16, $0xb8;
	[tilespmem:$0x16940] =	vst v63  }
0x65: {  	_ =	swait.ge [sflag:s24], $0xFA0  }
0x66: {  	[sflag:s24] =	ssyncset.done $0x0  }
0x67: {  	s20 =	sadd.s32 $0x2A00, s1;
	[sflag:s24] =	ssyncadd.s32 $0xFFFFF060  }
0x68: {  	[spmem:s2] =	stream.indirect.scatter.add.f32 [tilespmem:s25], [sflag:$0x2], $0x20, s20, s16, $0xb8;
	[tilespmem:$0x16940] =	vst v63  }
0x69: {  	_ =	swait.ge [sflag:s30], $0xFA0  }
0x6a: {  	p0 =	seq.s32 s0, $0x9000;
	[sflag:s30] =	ssyncset.done $0x0  }
0x6b: {  	s15 =	simm.s32 @p0 $0x1;
	[sflag:s30] =	ssyncadd.s32 $0xFFFFF060  }
0x6c: {  	_ =	swait.ge @p0 [sflag:s15], $0xFA0  }
0x6d: {  	[sflag:s15] =	ssyncset.done @p0 $0x0  }
0x6e: {  	[sflag:s15] =	ssyncadd.s32 @p0 $0xFFFFF060;
	s15 =	sshra.s32 @p0 s0, $0x2  }
0x6f: {  	s18 =	simm.s32 @p0 $0x7D;
	s20 =	simm.s32 @p0 $0x9E20;
	s15 =	sadd.s32 @p0 $0x2A80, s15  }
0x70: {  	[spmem:s2] =	stream.indirect.scatter.add.f32 @p0 [tilespmem:s20], [sflag:$0x2], $0x20, s15, s18, $0xb8;
	[tilespmem:$0x16940] =	vst v63  }
0x71: {  	s15 =	simm.s32 @p0 $0x2  }
0x72: {  	_ =	swait.ge @p0 [sflag:s15], $0xFA0  }
0x73: {  	[sflag:s15] =	ssyncset.done @p0 $0x0  }
0x74: {  	[sflag:s15] =	ssyncadd.s32 @p0 $0xFFFFF060;
	s15 =	sshra.s32 @!p0 s0, $0x2  }
0x75: {  	s22 =	simm.s32 @!p0 $0x5000;
	s20 =	simm.s32 @!p0 $0x7D;
	s18 =	sadd.s32 @!p0 $0x400, s15  }
0x76: {  	[tilespmem:s22], [sflag:$0x1] =	stream.indirect.gather @!p0 [spmem:s3], $0x20, s18, s20, $0xb8;
	[tilespmem:$0x16940] =	vst v63  }
0x77: {  	s18 =	simm.s32 @!p0 $0x1  }
0x78: {  	_ =	swait.ge @!p0 [sflag:s18], $0xFA0  }
0x79: {  	[sflag:s18] =	ssyncset.done @!p0 $0x0  }
0x7a: {  	s22 =	simm.s32 @!p0 $0x9E20;
	[sflag:s18] =	ssyncadd.s32 @!p0 $0xFFFFF060;
	s18 =	sadd.s32 @!p0 $0x2A80, s15  }
0x7b: {  	[spmem:s2] =	stream.indirect.scatter.add.f32 @!p0 [tilespmem:s22], [sflag:$0x2], $0x20, s18, s20, $0xb8;
	[tilespmem:$0x16940] =	vst v63  }
0x7c: {  	s18 =	simm.s32 @!p0 $0x2  }
0x7d: {  	_ =	swait.ge @!p0 [sflag:s18], $0xFA0  }
0x7e: {  	[sflag:s18] =	ssyncset.done @!p0 $0x0  }
0x7f: {  	s15 =	sadd.s32 @!p0 $0x480, s15;
	[sflag:s18] =	ssyncadd.s32 @!p0 $0xFFFFF060;
	s18 =	simm.s32 @!p0 $0x5FA0  }
0x80: {  	[tilespmem:s18], [sflag:$0x1] =	stream.indirect.gather @!p0 [spmem:s3], $0x20, s15, s20, $0xb8;
	[tilespmem:$0x16940] =	vst v63  }
0x81: {  	_ =	swait.ge [sflag:s24], $0xFA0  }
0x82: {  	[sflag:s24] =	ssyncset.done $0x0  }
.Ltmp2:
0x83: {  	s22 =	sadd.s32 $0x2B00, s1;
	[sflag:s24] =	ssyncadd.s32 $0xFFFFF060;
	(pc) =	sbr.rel @p0 .LBB2_4-.Ltmp2, $4  }
0x84: {  	[spmem:s2] =	stream.indirect.scatter.add.f32 [tilespmem:s28], [sflag:$0x2], $0x20, s22, s16, $0xb8;
	[tilespmem:$0x16940] =	vst v63  }
0x85: {  	_ =	swait.ge [sflag:s30], $0xFA0  }
0x86: {  	[sflag:s30] =	ssyncset.done $0x0  }
0x87: {  	s15 =	sadd.s32 $0x2B80, s1;
	[sflag:s30] =	ssyncadd.s32 $0xFFFFF060  }
0x88: {  	s18 =	sadd.s32 $0x500, s1  }
0x89: {  	[tilespmem:s21], [sflag:$0x1] =	stream.indirect.gather [spmem:s3], $0x20, s18, s16, $0xb8;
	[tilespmem:$0x16940] =	vst v63  }
0x8a: {  	_ =	swait.ge [sflag:s24], $0xFA0  }
0x8b: {  	[sflag:s24] =	ssyncset.done $0x0  }
0x8c: {  	[sflag:s24] =	ssyncadd.s32 $0xFFFFF060  }
0x8d: {  	[spmem:s2] =	stream.indirect.scatter.add.f32 [tilespmem:s29], [sflag:$0x2], $0x20, s15, s16, $0xb8;
	[tilespmem:$0x16940] =	vst v63  }
.Ltmp3:
0x8e: {  	_ = 	snop;
	(pc) =	sbr.rel .LBB2_2-.Ltmp3, $4  }
0x8f: {  	_ =	swait.ge [sflag:s30], $0xFA0  }
0x90: {  	[sflag:s30] =	ssyncset.done $0x0  }
0x91: {  	s22 =	sadd.s32 $0x580, s1;
	s0 =	sadd.s32 $0x1000, s0;
	[sflag:s30] =	ssyncadd.s32 $0xFFFFF060  }
0x92: {  	[tilespmem:s23], [sflag:$0x1] =	stream.indirect.gather [spmem:s3], $0x20, s22, s16, $0xb8;
	[tilespmem:$0x16940] =	vst v63  }
.LBB2_5:
0x93: {  	_ =	sfence.sel $0x180000  }
0x94: {  	[bflag:$0x0] =	sbarrier.arrive $0xFFFF  }
0x95: {  	_ =	strace $0x9000004A  }
0x96: {  	s0 =	stileid.u32;
	[bflag:$0x2] =	sbarrier.arrive $0xFFFF  }
0x97: {  	p0 =	sne.s32 s0, $0x0;
	s0 =	rddreg [dreg:$0x3]  }
0x98: {  	s0 =	sadd.s32 @!p0 $0x100000, s0  }
0x99: {  	[sflag:s0] =	ssyncadd.tile.s32 @!p0 $0x1;
	_ =	shalt  }
.Lfunc_end2:
_tile_overlayer_lowered:
.L_overlay_start_2:
0x9a: {  	(tag) =	ssettag $0x2  }
0x9b: {  	s0 =	rddreg [dreg:$0x0];
	s2 =	stileid.u32  }
0x9c: {  	s1 =	rddreg [dreg:$0x1];
	p0 =	sne.s32 s2, $0x0  }
0x9d: {  	s3 =	rddreg [dreg:$0x2];
	[bflag:$0x3] =	sbarrier.arrive $0xFFFF;
	s2 =	simm.s32 @!p0 $0x1C03  }
0x9e: {  	[timem:s3], [sflag:s2] =	dma.local @!p0 [hbm:s0], s1  }
0x9f: {  	s0 =	simm.s32 @!p0 $0x3  }
0xa0: {  	_ =	swait.ge @!p0 [sflag:s0], s1  }
0xa1: {  	s1 =	ssub.s32 @!p0 $0x0, s1;
	[sflag:s0] =	ssyncset.done @!p0 $0x0  }
0xa2: {  	[sflag:s0] =	ssyncadd.s32 @!p0 s1  }
0xa3: {  	[bflag:$0x3] =	sbarrier.arrive $0xFFFF  }
0xa4: {  	_ =	shalt  }

// kernel: kernel.15.cloned.1.call-start
scs
__scs_entry_jumppad:
0x0: {  	(pc) =	sbr.rel $0x88, $3  }
0x1: {  	(tag) =	ssettag $0x0;
	lr =	simm.s32 $0x1  }
0x2: {  	[smem:$0x3F8E] =	sst lr;
	_ =	strace $0xD0000000  }
0x3: {  	_ = 	snop  }
0x4: {  	_ = 	snop  }
0x5: {  	_ = 	snop  }
0x6: {  	_ = 	snop  }
0x7: {  	_ = 	snop  }
__scs_overlays_trampoline_lowered:
0x8: {  	[smem:$0x3F9D] =	sst s0  }
0x9: {  	[smem:$0x3F9E] =	sst s1  }
0xa: {  	[smem:$0x3F9F] =	sst s2  }
0xb: {  	[smem:$0x3FA0] =	sst s3  }
0xc: {  	[smem:$0x3FA1] =	sst s4  }
0xd: {  	[smem:$0x3FA2] =	sst s5  }
0xe: {  	[smem:$0x3FA3] =	sst s6  }
0xf: {  	[smem:$0x3FA4] =	sst s7  }
0x10: {  	[smem:$0x3FA5] =	sst s8  }
0x11: {  	[smem:$0x3FA6] =	sst s9;
	s0 =	simm.s32 @!p0 $0x0  }
0x12: {  	s1 =	sld [smem:$0x3F8C];
	s0 =	simm.s32 @p0 $0x1  }
0x13: {  	[smem:$0x3FA7] =	sst s0;
	s0 =	simm.s32 @!p1 $0x0  }
0x14: {  	s2 =	sld [smem:$0x3F8B];
	s0 =	simm.s32 @p1 $0x1  }
0x15: {  	[smem:$0x3FA8] =	sst s0;
	s0 =	simm.s32 @!p2 $0x0  }
0x16: {  	s3 =	sld [smem:$0x3FDB];
	s0 =	simm.s32 @p2 $0x1  }
0x17: {  	s4 =	simm.s32 $0x1BF5;
	[smem:$0x3FAA] =	sst s0  }
0x18: {  	s0 =	sld [smem:$0x3F8D];
	_ =	swait.ge [sflag:s4], $0x0  }
0x19: {  	s7 =	sld [smem:$0x3F8E]  }
0x1a: {  	s8 =	sadd.s32 $0xFFFFE003, lr  }
0x1b: {  	s9 =	sadd.s32 $0xFFFFFEF7, lr;
	s5 =	simm.s32 $0xFFFFFFFF;
	p2 =	slt.u32 s8, $0xFFFFF086  }
0x1c: {  	p1 =	slt.u32 s9, $0xF7A;
	s5 =	simm.s32 @!p2 $0x0  }
0x1d: {  	s5 =	simm.s32 @p1 $0x1;
	p0 =	seq.s32 s7, s2  }
0x1e: {  	s7 =	smul.u32 @!p0 $0xF7A, s2;
	p2 =	seq.s32 @!p0 s5, $0x0  }
0x1f: {  	s9 =	smul.u32 $0xF7A, s1;
	s8 =	simm.s32 @!p0 $0x1BF5;
	p2 =	por !p2, p0  }
0x20: {  	[sflag:s8] =	ssyncset.s32 @!p0 $0xFFFFF086;
	s6 =	sadd.s32 @!p0 s3, s7;
	s7 =	simm.s32 @!p0 $0x108  }
0x21: {  	s3 =	sadd.s32 s3, s9;
	s6 =	sadd.s32 @!p0 $0x88, s6;
	s7 =	simm.s32 @p2 $0x1082  }
0x22: {  	[simem:s7], [sflag:s8] =	dma.local @!p0 [hbm:s6], $0xF7A  }
0x23: {  	s9 =	sor.u32 $0xD0000000, s2;
	s6 =	simm.s32 $0x108;
	_ =	swait.ge @!p0 [sflag:s8], $0x0  }
0x24: {  	s3 =	sadd.s32 $0x88, s3;
	s6 =	simm.s32 @!p1 $0x1082;
	[sflag:s4] =	ssyncset.s32 $0xFFFFF086  }
0x25: {  	[simem:s6], [sflag:s4] =	dma.local [hbm:s3], $0xF7A  }
0x26: {  	[smem:$0x3F8E] =	sst s1;
	(tag) =	ssettag s2;
	_ =	strace s9  }
0x27: {  	s1 =	sld [smem:$0x3F9E]  }
0x28: {  	s2 =	sld [smem:$0x3F9F]  }
0x29: {  	s4 =	sld [smem:$0x3FA1]  }
0x2a: {  	p0 =	seq.s32 s5, $0x0;
	s5 =	sld [smem:$0x3FA2]  }
0x2b: {  	s6 =	sld [smem:$0x3FA3]  }
0x2c: {  	s7 =	sld [smem:$0x3FA4]  }
0x2d: {  	s3 =	simm.s32 $0x108;
	s8 =	sld [smem:$0x3FA5]  }
0x2e: {  	s3 =	simm.s32 @!p0 $0x1082;
	s9 =	sld [smem:$0x3FA6]  }
0x2f: {  	lr =	sadd.s32 s0, s3;
	s0 =	sld [smem:$0x3F9D]  }
0x30: {  	s3 =	sld [smem:$0x3FA0]  }
0x31: {  	[smem:$0x3FA9] =	sst s10  }
0x32: {  	s10 =	sld [smem:$0x3FA7];
	_ =	sdelay $0x3  }
0x33: {  	p0 =	seq.s32 s10, $0x1;
	s10 =	sld [smem:$0x3FA9];
	_ =	sdelay $0x3  }
0x34: {  	[smem:$0x3FA9] =	sst s10  }
0x35: {  	s10 =	sld [smem:$0x3FA8];
	_ =	sdelay $0x3  }
0x36: {  	p1 =	seq.s32 s10, $0x1;
	s10 =	sld [smem:$0x3FA9];
	_ =	sdelay $0x3  }
0x37: {  	[smem:$0x3FA9] =	sst s10  }
0x38: {  	s10 =	sld [smem:$0x3FAA]  }
0x39: {  	_ = 	snop;
	(pc) =	sbr.ind lr, $3  }
0x3a: {  	_ = 	snop  }
0x3b: {  	_ = 	snop  }
0x3c: {  	p2 =	seq.s32 s10, $0x1;
	s10 =	sld [smem:$0x3FA9]  }
0x3d: {  	_ =	shalt  }
0x3e: {  	_ =	shalt  }
0x3f: {  	_ =	shalt  }
0x40: {  	_ =	shalt  }
0x41: {  	_ =	shalt  }
0x42: {  	_ =	shalt  }
0x43: {  	_ =	shalt  }
0x44: {  	_ =	shalt  }
0x45: {  	_ =	shalt  }
0x46: {  	_ =	shalt  }
0x47: {  	_ =	shalt  }
0x48: {  	_ =	shalt  }
0x49: {  	_ =	shalt  }
0x4a: {  	_ =	shalt  }
0x4b: {  	_ =	shalt  }
0x4c: {  	_ =	shalt  }
0x4d: {  	_ =	shalt  }
0x4e: {  	_ =	shalt  }
0x4f: {  	_ =	shalt  }
0x50: {  	_ =	shalt  }
0x51: {  	_ =	shalt  }
0x52: {  	_ =	shalt  }
0x53: {  	_ =	shalt  }
0x54: {  	_ =	shalt  }
0x55: {  	_ =	shalt  }
0x56: {  	_ =	shalt  }
0x57: {  	_ =	shalt  }
0x58: {  	_ =	shalt  }
0x59: {  	_ =	shalt  }
0x5a: {  	_ =	shalt  }
0x5b: {  	_ =	shalt  }
0x5c: {  	_ =	shalt  }
0x5d: {  	_ =	shalt  }
0x5e: {  	_ =	shalt  }
0x5f: {  	_ =	shalt  }
0x60: {  	_ =	shalt  }
0x61: {  	_ =	shalt  }
0x62: {  	_ =	shalt  }
0x63: {  	_ =	shalt  }
0x64: {  	_ =	shalt  }
0x65: {  	_ =	shalt  }
0x66: {  	_ =	shalt  }
0x67: {  	_ =	shalt  }
0x68: {  	_ =	shalt  }
0x69: {  	_ =	shalt  }
0x6a: {  	_ =	shalt  }
0x6b: {  	_ =	shalt  }
0x6c: {  	_ =	shalt  }
0x6d: {  	_ =	shalt  }
0x6e: {  	_ =	shalt  }
0x6f: {  	_ =	shalt  }
0x70: {  	_ =	shalt  }
0x71: {  	_ =	shalt  }
0x72: {  	_ =	shalt  }
0x73: {  	_ =	shalt  }
0x74: {  	_ =	shalt  }
0x75: {  	_ =	shalt  }
0x76: {  	_ =	shalt  }
0x77: {  	_ =	shalt  }
0x78: {  	_ =	shalt  }
0x79: {  	_ =	shalt  }
0x7a: {  	_ =	shalt  }
0x7b: {  	_ =	shalt  }
0x7c: {  	_ =	shalt  }
0x7d: {  	_ =	shalt  }
0x7e: {  	_ =	shalt  }
0x7f: {  	_ =	shalt  }
0x80: {  	_ =	shalt  }
0x81: {  	_ =	shalt  }
0x82: {  	_ =	shalt  }
0x83: {  	_ =	shalt  }
0x84: {  	_ =	shalt  }
0x85: {  	_ =	shalt  }
0x86: {  	_ =	shalt  }
0x87: {  	_ =	shalt  }
.Lfunc_end0:
.L_simem_size_0:
called_computation.2_lowered:
.L_overlay_start_0:
0x88: {  	s2 =	sld [smem:$0x3FD9]  }
0x89: {  	s3 =	sld [smem:$0x3FFE];
	_ =	sdelay $0x1  }
0x8a: {  	s1 =	srdreg.scid  }
0x8b: {  	s0 =	sand.u32 $0x1, s1  }
0x8c: {  	s16 =	sshll.u32 s0, $0xA;
	s2 =	sadd.s32 s3, s2  }
0x8d: {  	s2 =	sadd.s32 s2, s16  }
0x8e: {  	[smem:$0x3FB5] =	sst s2  }
0x8f: {  	_ = 	snop  }
0x90: {  	(tm) =	ssettm $0x1  }
0x91: {  	s17 =	sld [smem:$0x3FFB];
	_ =	sdelay $0x3  }
0x92: {  	_ =	strace s17  }
0x93: {  	s2 =	sld [smem:$0x3FFC];
	_ =	sdelay $0x3  }
0x94: {  	_ =	strace s2  }
0x95: {  	s2 =	sld [smem:$0x3FFD];
	_ =	sdelay $0x3  }
0x96: {  	_ =	strace s2  }
0x97: {  	_ =	strace $0x8FFFFFFF  }
0x98: {  	s18 =	sld [smem:$0x3FDB];
	_ =	sdelay $0x1  }
0x99: {  	s19 =	simm.s32 $_scs_section_size  }
0x9a: {  	s4 =	simm.s32 $_size__tile_overlayer_lowered;
	s5 =	simm.s32 $_tile_overlayer_lowered  }
0x9b: {  	s22 =	simm.s32 $0x1BFF;
	s21 =	sshll.u32 s5, $0x1;
	s2 =	sadd.s32 s19, s18  }
0x9c: {  	s6 =	simm.s32 $0x0;
	s20 =	sshll.u32 s4, $0x1;
	s4 =	sadd.s32 s21, s2  }
0x9d: {  	[timem:s6], [sflag:s22] =	dma.local [hbm:s4], s20  }
0x9e: {  	_ =	swait.ge [sflag:s22], s20  }
0x9f: {  	s3 =	ssub.s32 $0x0, s20;
	[sflag:s22] =	ssyncset.done $0x0  }
0xa0: {  	[sflag:s22] =	ssyncadd.s32 s3;
	_ =	sdelay $0x1  }
0xa1: {  	s23 =	simm.s32 $0x1B8B  }
0xa2: {  	_ =	swait.ge [sflag:s23], $0x1  }
0xa3: {  	[sflag:s23] =	ssyncset.done $0x0  }
0xa4: {  	s25 =	simm.s32 $0x1B8E;
	s24 =	sld [smem:$0x3FFE];
	[sflag:s23] =	ssyncadd.s32 $0xFFFFFFFF  }
0xa5: {  	s26 =	simm.s32 $execute0_lowered;
	[smem:$0x3FD2] =	sst s25  }
0xa6: {  	s4 =	sshll.u32 s26, $0x1;
	_ =	strace $0x8000004C;
	[dreg:$0x1] =	wrdreg $0xFFFFFFFF  }
0xa7: {  	s28 =	simm.s32 $_size_execute0_lowered;
	s2 =	sadd.s32 s2, s4;
	[dreg:$0x0] =	wrdreg $0x0  }
0xa8: {  	s4 =	sshll.u32 s28, $0x1;
	[dreg:$0x2] =	wrdreg s2  }
0xa9: {  	[dreg:$0x3] =	wrdreg s4  }
0xaa: {  	[dreg:$0x4] =	wrdreg $0xC0  }
0xab: {  	_ =	task [dreg:s6], $0x5FFFF  }
0xac: {  	[dreg:$0x1] =	wrdreg $0xFFFFFFFF  }
0xad: {  	[dreg:$0x0] =	wrdreg $0x60  }
0xae: {  	[dreg:$0x2] =	wrdreg s24  }
0xaf: {  	[dreg:$0x3] =	wrdreg $0xCD000  }
0xb0: {  	[dreg:$0x4] =	wrdreg $0x11B200  }
0xb1: {  	[dreg:$0x5] =	wrdreg $0x9  }
0xb2: {  	_ =	task.clear_ibuf [dreg:s6], $0x6FFFF;
	_ =	strace $0x9000004C  }
0xb3: {  	s29 =	simm.s32 $0x9;
	_ =	strace $0x8000004E  }
0xb4: {  	_ =	swait.ge [sflag:s29], $0x1  }
0xb5: {  	[sflag:s29] =	ssyncadd.s32 $0xFFFFFFFF  }
0xb6: {  	_ =	strace $0x9000004E  }
0xb7: {  	_ =	sfence  }
0xb8: {  	s30 =	sld [smem:$0x0];
	_ =	sdelay $0x2  }
0xb9: {  	s31 =	sshll.u32 s1, $0xD;
	s1 =	sshrl.u32 s1, $0x2  }
0xba: {  	s3 =	sand.u32 $0x4000, s31;
	s1 =	sadd.s32 s1, s30  }
0xbb: {  	s0 =	sor.u32 s3, s0;
	s1 =	sshll.u32 s1, $0x11  }
0xbc: {  	s0 =	sor.u32 s1, s0  }
0xbd: {  	s0 =	sadd.s32 $0x8F2B, s0  }
0xbe: {  	[sflag:s0] =	ssyncadd.remote.s32 $0x1  }
0xbf: {  	_ =	sfence.sel $0xFFFF  }
0xc0: {  	[dreg:$0x0] =	wrdreg $0xFFFFFFFF;
	(pc) =	sbr.abs _section_cstart, $3  }
0xc1: {  	[dreg:$0x1] =	wrdreg $0xFFFFFFFF  }
0xc2: {  	_ =	task.clear_ibuf [dreg:s6], $0x2FFFF;
	_ =	strace $0x9FFFFFFF  }
0xc3: {  	(tm) =	ssettm $0x7FFFFFFF  }
tec
execute0_lowered:
.L_overlay_start_1:
0x0: {  	(tag) =	ssettag $0x1  }
0x1: {  	s0 =	rddreg [dreg:$0x0]  }
0x2: {  	s2 =	rddreg [dreg:$0x1]  }
0x3: {  	s3 =	rddreg [dreg:$0x2]  }
0x4: {  	s13 =	stileid.u32;
	s4 =	simm.s32 $0x0;
	s5 =	srdreg.scid  }
0x5: {  	s14 =	simm.s32 $0x36E00;
	s16 =	simm.s32 $0x7D;
	s17 =	simm.s32 $0x5000  }
0x6: {  	s19 =	simm.s32 $0x5FA0;
	s21 =	simm.s32 $0x6F40;
	s28 =	simm.s32 $0xADC0  }
0x7: {  	s29 =	simm.s32 $0xBD60;
	s30 =	simm.s32 $0x2;
	s31 =	simm.s32 $0x0  }
0x8: {  	s1 =	smul.u32 $0x4E20, s13;
	[smem:$0x7FF] =	sst s4;
	s8 =	sand.u32 $0x1, s5  }
0x9: {  	s7 =	sshll.u32 s13, $0x1;
	s25 =	sshll.u32 s13, $0x6;
	_ =	strace $0x8000004D  }
0xa: {  	s6 =	ssub.s32 $0x2, s8;
	s9 =	sor.u32 s8, s7;
	p0 =	seq.s32 s8, $0x1  }
0xb: {  	s23 =	sshrl.u32 s1, $0x3;
	s24 =	sshrl.u32 s6, $0x1;
	s26 =	smul.u32 $0x2800, s9  }
0xc: {  	s12 =	sadd.s32 s1, s2;
	s1 =	sadd.s32 s1, s3;
	s9 =	smul.u32 $0x500, s9  }
0xd: {  	s14 =	simm.s32 @!p0 $0x2D000;
	s11 =	sadd.s32 s23, s0;
	s0 =	sadd.s32 $0xF200, s0  }
0xe: {  	s10 =	ssub.s32 s6, s24;
	s6 =	sor.u32 $0x1C03, s25;
	s12 =	sshrl.u32 s12, $0x3  }
.Ltmp0:
0xf: {  	s23 =	simm.s32 $0x7EE0;
	s24 =	simm.s32 $0x1;
	(pc) =	sbr.rel .LBB2_1-.Ltmp0, $4  }
0x10: {  	s25 =	simm.s32 $0x8E80;
	s5 =	sadd.s32 $0x23200, s11;
	s7 =	sadd.s32 $0x5400, s11  }
0x11: {  	s13 =	sshrl.u32 s26, $0x3;
	s8 =	sadd.s32 s0, s9;
	s10 =	smax.u32 s10, $0x1  }
0x12: {  	s11 =	sadd.s32 s14, s11;
	s14 =	sshrl.u32 s1, $0x3;
	s13 =	sadd.s32 s0, s13  }
0x13: {  	s26 =	simm.s32 $0x9E20;
	s9 =	sadd.s32 $0xA000, s13;
	s13 =	simm.s32 $0x3  }
.LBB2_4:
0x14: {  	_ =	swait.ge [sflag:s24], $0xFA0  }
0x15: {  	[sflag:s24] =	ssyncset.done $0x0  }
0x16: {  	[sflag:s24] =	ssyncadd.s32 $0xFFFFF060  }
0x17: {  	[spmem:s2] =	stream.indirect.scatter.add.f32 [tilespmem:s29], [sflag:$0x2], $0x20, s15, s16, $0xb8;
	[tilespmem:$0x16940] =	vst v63  }
0x18: {  	_ =	swait.ge [sflag:s30], $0xFA0  }
0x19: {  	[sflag:s30] =	ssyncset.done $0x0  }
0x1a: {  	[sflag:s30] =	ssyncadd.s32 $0xFFFFF060  }
0x1b: {  	_ =	swait.ge [sflag:s30], $0xFA0  }
0x1c: {  	[sflag:s30] =	ssyncset.done $0x0  }
0x1d: {  	[sflag:s30] =	ssyncadd.s32 $0xFFFFF060  }
0x1e: {  	_ =	swait.ge [sflag:s30], $0xFA0  }
0x1f: {  	[sflag:s30] =	ssyncset.done $0x0  }
0x20: {  	[sflag:s30] =	ssyncadd.s32 $0xFFFFF060  }
0x21: {  	_ =	swait.ge [sflag:s30], $0xFA0  }
0x22: {  	[sflag:s30] =	ssyncset.done $0x0  }
0x23: {  	[sflag:s30] =	ssyncadd.s32 $0xFFFFF060  }
0x24: {  	_ =	swait.ge [sflag:s30], $0xFA0  }
0x25: {  	s31 =	sadd.s32 $0x1, s31;
	[sflag:s30] =	ssyncset.done $0x0  }
0x26: {  	p0 =	sne.s32 s31, s10;
	[sflag:s30] =	ssyncadd.s32 $0xFFFFF060  }
.Ltmp1:
0x27: {  	[bflag:$0x0] =	sbarrier.arrive $0xFFFF;
	(pc) =	sbr.rel @!p0 .LBB2_5-.Ltmp1, $4  }
0x28: {  	[hbm:s11], [sflag:s6] =	dma.local [spmem:s12], $0x9C4  }
0x29: {  	_ =	swait.ge [sflag:s13], $0x9C4  }
0x2a: {  	[sflag:s13] =	ssyncset.done $0x0  }
0x2b: {  	[sflag:s13] =	ssyncadd.s32 $0xFFFFF63C  }
.LBB2_1:
0x2c: {  	[spmem:s12], [sflag:s6] =	dma.local [hbm:s5], $0x9C4  }
0x2d: {  	_ =	swait.ge [sflag:s13], $0x9C4  }
0x2e: {  	[sflag:s13] =	ssyncset.done $0x0  }
0x2f: {  	[sflag:s13] =	ssyncadd.s32 $0xFFFFF63C  }
0x30: {  	[spmem:s14], [sflag:s6] =	dma.local [hbm:s7], $0x9C4  }
0x31: {  	_ =	swait.ge [sflag:s13], $0x9C4  }
0x32: {  	[sflag:s13] =	ssyncset.done $0x0  }
0x33: {  	[sflag:s13] =	ssyncadd.s32 $0xFFFFF63C  }
0x34: {  	[tilespmem:s4], [sflag:$0x3] =	stream.linear.gather [hbm4b:s8+s4], $0x2800, $0x38;
	[tilespmem:$0x16940] =	vst v63  }
0x35: {  	_ =	swait.ge [sflag:s13], $0x2800  }
0x36: {  	[sflag:s13] =	ssyncset.done $0x0  }
0x37: {  	s0 =	simm.s32 $0x2800;
	[sflag:s13] =	ssyncadd.s32 $0xFFFFD800  }
0x38: {  	[tilespmem:s0], [sflag:$0x3] =	stream.linear.gather [hbm4b:s9+s4], $0x2800, $0x38;
	[tilespmem:$0x16940] =	vst v63  }
0x39: {  	_ =	swait.ge [sflag:s13], $0x2800  }
0x3a: {  	[sflag:s13] =	ssyncset.done $0x0  }
0x3b: {  	[sflag:s13] =	ssyncadd.s32 $0xFFFFD800  }
0x3c: {  	[bflag:$0x0] =	sbarrier.arrive $0xFFFF  }
0x3d: {  	[tilespmem:s17], [sflag:$0x1] =	stream.indirect.gather [spmem:s3], $0x20, s4, s16, $0xb8;
	[tilespmem:$0x16940] =	vst v63  }
0x3e: {  	s18 =	simm.s32 $0x80  }
0x3f: {  	[tilespmem:s19], [sflag:$0x1] =	stream.indirect.gather [spmem:s3], $0x20, s18, s16, $0xb8;
	[tilespmem:$0x16940] =	vst v63  }
0x40: {  	s20 =	simm.s32 $0x100  }
0x41: {  	[tilespmem:s21], [sflag:$0x1] =	stream.indirect.gather [spmem:s3], $0x20, s20, s16, $0xb8;
	[tilespmem:$0x16940] =	vst v63  }
0x42: {  	s22 =	simm.s32 $0x180;
	s0 =	simm.s32 $0x0  }
0x43: {  	[tilespmem:s23], [sflag:$0x1] =	stream.indirect.gather [spmem:s3], $0x20, s22, s16, $0xb8;
	[tilespmem:$0x16940] =	vst v63  }
.LBB2_2:
0x44: {  	_ =	swait.ge [sflag:s24], $0xFA0  }
0x45: {  	s1 =	sshra.s32 s0, $0x2;
	[sflag:s24] =	ssyncset.done $0x0  }
0x46: {  	p0 =	seq.s32 s0, $0x0;
	s15 =	sadd.s32 $0x2800, s1;
	[sflag:s24] =	ssyncadd.s32 $0xFFFFF060  }
0x47: {  	[spmem:s2] =	stream.indirect.scatter.add.f32 [tilespmem:s17], [sflag:$0x2], $0x20, s15, s16, $0xb8;
	[tilespmem:$0x16940] =	vst v63  }
0x48: {  	s15 =	simm.s32 @!p0 $0x2  }
0x49: {  	_ =	swait.ge @!p0 [sflag:s15], $0xFA0  }
0x4a: {  	[sflag:s15] =	ssyncset.done @!p0 $0x0  }
0x4b: {  	s18 =	sadd.s32 $0x200, s1;
	[sflag:s15] =	ssyncadd.s32 @!p0 $0xFFFFF060  }
0x4c: {  	[tilespmem:s25], [sflag:$0x1] =	stream.indirect.gather [spmem:s3], $0x20, s18, s16, $0xb8;
	[tilespmem:$0x16940] =	vst v63  }
0x4d: {  	_ =	swait.ge [sflag:s24], $0xFA0  }
0x4e: {  	[sflag:s24] =	ssyncset.done $0x0  }
0x4f: {  	s22 =	sadd.s32 $0x2880, s1;
	[sflag:s24] =	ssyncadd.s32 $0xFFFFF060  }
0x50: {  	[spmem:s2] =	stream.indirect.scatter.add.f32 [tilespmem:s19], [sflag:$0x2], $0x20, s22, s16, $0xb8;
	[tilespmem:$0x16940] =	vst v63  }
0x51: {  	_ =	swait.ge @!p0 [sflag:s15], $0xFA0  }
0x52: {  	[sflag:s15] =	ssyncset.done @!p0 $0x0  }
0x53: {  	s20 =	sadd.s32 $0x280, s1;
	[sflag:s15] =	ssyncadd.s32 @!p0 $0xFFFFF060  }
0x54: {  	[tilespmem:s26], [sflag:$0x1] =	stream.indirect.gather [spmem:s3], $0x20, s20, s16, $0xb8;
	[tilespmem:$0x16940] =	vst v63  }
0x55: {  	_ =	swait.ge [sflag:s24], $0xFA0  }
0x56: {  	[sflag:s24] =	ssyncset.done $0x0  }
0x57: {  	s22 =	sadd.s32 $0x2900, s1;
	[sflag:s24] =	ssyncadd.s32 $0xFFFFF060  }
0x58: {  	[spmem:s2] =	stream.indirect.scatter.add.f32 [tilespmem:s21], [sflag:$0x2], $0x20, s22, s16, $0xb8;
	[tilespmem:$0x16940] =	vst v63  }
0x59: {  	_ =	swait.ge @!p0 [sflag:s15], $0xFA0  }
0x5a: {  	[sflag:s15] =	ssyncset.done @!p0 $0x0  }
0x5b: {  	s20 =	sadd.s32 $0x300, s1;
	[sflag:s15] =	ssyncadd.s32 @!p0 $0xFFFFF060  }
0x5c: {  	[tilespmem:s28], [sflag:$0x1] =	stream.indirect.gather [spmem:s3], $0x20, s20, s16, $0xb8;
	[tilespmem:$0x16940] =	vst v63  }
0x5d: {  	_ =	swait.ge [sflag:s24], $0xFA0  }
0x5e: {  	[sflag:s24] =	ssyncset.done $0x0  }
0x5f: {  	s22 =	sadd.s32 $0x2980, s1;
	[sflag:s24] =	ssyncadd.s32 $0xFFFFF060  }
0x60: {  	[spmem:s2] =	stream.indirect.scatter.add.f32 [tilespmem:s23], [sflag:$0x2], $0x20, s22, s16, $0xb8;
	[tilespmem:$0x16940] =	vst v63  }
0x61: {  	_ =	swait.ge @!p0 [sflag:s15], $0xFA0  }
0x62: {  	[sflag:s15] =	ssyncset.done @!p0 $0x0  }
0x63: {  	s18 =	sadd.s32 $0x380, s1;
	[sflag:s15] =	ssyncadd.s32 @!p0 $0xFFFFF060  }
0x64: {  	[tilespmem:s29], [sflag:$0x1] =	stream.indirect.gather [spmem:s3], $0x20, s18, s16, $0xb8;
	[tilespmem:$0x16940] =	vst v63  }
0x65: {  	_ =	swait.ge [sflag:s24], $0xFA0  }
0x66: {  	[sflag:s24] =	ssyncset.done $0x0  }
0x67: {  	s20 =	sadd.s32 $0x2A00, s1;
	[sflag:s24] =	ssyncadd.s32 $0xFFFFF060  }
0x68: {  	[spmem:s2] =	stream.indirect.scatter.add.f32 [tilespmem:s25], [sflag:$0x2], $0x20, s20, s16, $0xb8;
	[tilespmem:$0x16940] =	vst v63  }
0x69: {  	_ =	swait.ge [sflag:s30], $0xFA0  }
0x6a: {  	p0 =	seq.s32 s0, $0x9000;
	[sflag:s30] =	ssyncset.done $0x0  }
0x6b: {  	s15 =	simm.s32 @p0 $0x1;
	[sflag:s30] =	ssyncadd.s32 $0xFFFFF060  }
0x6c: {  	_ =	swait.ge @p0 [sflag:s15], $0xFA0  }
0x6d: {  	[sflag:s15] =	ssyncset.done @p0 $0x0  }
0x6e: {  	[sflag:s15] =	ssyncadd.s32 @p0 $0xFFFFF060;
	s15 =	sshra.s32 @p0 s0, $0x2  }
0x6f: {  	s18 =	simm.s32 @p0 $0x7D;
	s20 =	simm.s32 @p0 $0x9E20;
	s15 =	sadd.s32 @p0 $0x2A80, s15  }
0x70: {  	[spmem:s2] =	stream.indirect.scatter.add.f32 @p0 [tilespmem:s20], [sflag:$0x2], $0x20, s15, s18, $0xb8;
	[tilespmem:$0x16940] =	vst v63  }
0x71: {  	s15 =	simm.s32 @p0 $0x2  }
0x72: {  	_ =	swait.ge @p0 [sflag:s15], $0xFA0  }
0x73: {  	[sflag:s15] =	ssyncset.done @p0 $0x0  }
0x74: {  	[sflag:s15] =	ssyncadd.s32 @p0 $0xFFFFF060;
	s15 =	sshra.s32 @!p0 s0, $0x2  }
0x75: {  	s22 =	simm.s32 @!p0 $0x5000;
	s20 =	simm.s32 @!p0 $0x7D;
	s18 =	sadd.s32 @!p0 $0x400, s15  }
0x76: {  	[tilespmem:s22], [sflag:$0x1] =	stream.indirect.gather @!p0 [spmem:s3], $0x20, s18, s20, $0xb8;
	[tilespmem:$0x16940] =	vst v63  }
0x77: {  	s18 =	simm.s32 @!p0 $0x1  }
0x78: {  	_ =	swait.ge @!p0 [sflag:s18], $0xFA0  }
0x79: {  	[sflag:s18] =	ssyncset.done @!p0 $0x0  }
0x7a: {  	s22 =	simm.s32 @!p0 $0x9E20;
	[sflag:s18] =	ssyncadd.s32 @!p0 $0xFFFFF060;
	s18 =	sadd.s32 @!p0 $0x2A80, s15  }
0x7b: {  	[spmem:s2] =	stream.indirect.scatter.add.f32 @!p0 [tilespmem:s22], [sflag:$0x2], $0x20, s18, s20, $0xb8;
	[tilespmem:$0x16940] =	vst v63  }
0x7c: {  	s18 =	simm.s32 @!p0 $0x2  }
0x7d: {  	_ =	swait.ge @!p0 [sflag:s18], $0xFA0  }
0x7e: {  	[sflag:s18] =	ssyncset.done @!p0 $0x0  }
0x7f: {  	s15 =	sadd.s32 @!p0 $0x480, s15;
	[sflag:s18] =	ssyncadd.s32 @!p0 $0xFFFFF060;
	s18 =	simm.s32 @!p0 $0x5FA0  }
0x80: {  	[tilespmem:s18], [sflag:$0x1] =	stream.indirect.gather @!p0 [spmem:s3], $0x20, s15, s20, $0xb8;
	[tilespmem:$0x16940] =	vst v63  }
0x81: {  	_ =	swait.ge [sflag:s24], $0xFA0  }
0x82: {  	[sflag:s24] =	ssyncset.done $0x0  }
.Ltmp2:
0x83: {  	s22 =	sadd.s32 $0x2B00, s1;
	[sflag:s24] =	ssyncadd.s32 $0xFFFFF060;
	(pc) =	sbr.rel @p0 .LBB2_4-.Ltmp2, $4  }
0x84: {  	[spmem:s2] =	stream.indirect.scatter.add.f32 [tilespmem:s28], [sflag:$0x2], $0x20, s22, s16, $0xb8;
	[tilespmem:$0x16940] =	vst v63  }
0x85: {  	_ =	swait.ge [sflag:s30], $0xFA0  }
0x86: {  	[sflag:s30] =	ssyncset.done $0x0  }
0x87: {  	s15 =	sadd.s32 $0x2B80, s1;
	[sflag:s30] =	ssyncadd.s32 $0xFFFFF060  }
0x88: {  	s18 =	sadd.s32 $0x500, s1  }
0x89: {  	[tilespmem:s21], [sflag:$0x1] =	stream.indirect.gather [spmem:s3], $0x20, s18, s16, $0xb8;
	[tilespmem:$0x16940] =	vst v63  }
0x8a: {  	_ =	swait.ge [sflag:s24], $0xFA0  }
0x8b: {  	[sflag:s24] =	ssyncset.done $0x0  }
0x8c: {  	[sflag:s24] =	ssyncadd.s32 $0xFFFFF060  }
0x8d: {  	[spmem:s2] =	stream.indirect.scatter.add.f32 [tilespmem:s29], [sflag:$0x2], $0x20, s15, s16, $0xb8;
	[tilespmem:$0x16940] =	vst v63  }
.Ltmp3:
0x8e: {  	_ = 	snop;
	(pc) =	sbr.rel .LBB2_2-.Ltmp3, $4  }
0x8f: {  	_ =	swait.ge [sflag:s30], $0xFA0  }
0x90: {  	[sflag:s30] =	ssyncset.done $0x0  }
0x91: {  	s22 =	sadd.s32 $0x580, s1;
	s0 =	sadd.s32 $0x1000, s0;
	[sflag:s30] =	ssyncadd.s32 $0xFFFFF060  }
0x92: {  	[tilespmem:s23], [sflag:$0x1] =	stream.indirect.gather [spmem:s3], $0x20, s22, s16, $0xb8;
	[tilespmem:$0x16940] =	vst v63  }
.LBB2_5:
0x93: {  	_ =	sfence.sel $0x180000  }
0x94: {  	[bflag:$0x0] =	sbarrier.arrive $0xFFFF  }
0x95: {  	_ =	strace $0x9000004D  }
0x96: {  	s0 =	stileid.u32;
	[bflag:$0x2] =	sbarrier.arrive $0xFFFF  }
0x97: {  	p0 =	sne.s32 s0, $0x0;
	s0 =	rddreg [dreg:$0x3]  }
0x98: {  	s0 =	sadd.s32 @!p0 $0x100000, s0  }
0x99: {  	[sflag:s0] =	ssyncadd.tile.s32 @!p0 $0x1;
	_ =	shalt  }
.Lfunc_end2:
_tile_overlayer_lowered:
.L_overlay_start_2:
0x9a: {  	(tag) =	ssettag $0x2  }
0x9b: {  	s0 =	rddreg [dreg:$0x0];
	s2 =	stileid.u32  }
0x9c: {  	s1 =	rddreg [dreg:$0x1];
	p0 =	sne.s32 s2, $0x0  }
0x9d: {  	s3 =	rddreg [dreg:$0x2];
	[bflag:$0x3] =	sbarrier.arrive $0xFFFF;
	s2 =	simm.s32 @!p0 $0x1C03  }
0x9e: {  	[timem:s3], [sflag:s2] =	dma.local @!p0 [hbm:s0], s1  }
0x9f: {  	s0 =	simm.s32 @!p0 $0x3  }
0xa0: {  	_ =	swait.ge @!p0 [sflag:s0], s1  }
0xa1: {  	s1 =	ssub.s32 @!p0 $0x0, s1;
	[sflag:s0] =	ssyncset.done @!p0 $0x0  }
0xa2: {  	[sflag:s0] =	ssyncadd.s32 @!p0 s1  }
0xa3: {  	[bflag:$0x3] =	sbarrier.arrive $0xFFFF  }
0xa4: {  	_ =	shalt  }

// kernel: kernel.9.cloned.1.call-start
scs
__scs_entry_jumppad:
0x0: {  	(pc) =	sbr.rel $0x88, $3  }
0x1: {  	(tag) =	ssettag $0x0;
	lr =	simm.s32 $0x1  }
0x2: {  	[smem:$0x3F8E] =	sst lr;
	_ =	strace $0xD0000000  }
0x3: {  	_ = 	snop  }
0x4: {  	_ = 	snop  }
0x5: {  	_ = 	snop  }
0x6: {  	_ = 	snop  }
0x7: {  	_ = 	snop  }
__scs_overlays_trampoline_lowered:
0x8: {  	[smem:$0x3F9D] =	sst s0  }
0x9: {  	[smem:$0x3F9E] =	sst s1  }
0xa: {  	[smem:$0x3F9F] =	sst s2  }
0xb: {  	[smem:$0x3FA0] =	sst s3  }
0xc: {  	[smem:$0x3FA1] =	sst s4  }
0xd: {  	[smem:$0x3FA2] =	sst s5  }
0xe: {  	[smem:$0x3FA3] =	sst s6  }
0xf: {  	[smem:$0x3FA4] =	sst s7  }
0x10: {  	[smem:$0x3FA5] =	sst s8  }
0x11: {  	[smem:$0x3FA6] =	sst s9;
	s0 =	simm.s32 @!p0 $0x0  }
0x12: {  	s1 =	sld [smem:$0x3F8C];
	s0 =	simm.s32 @p0 $0x1  }
0x13: {  	[smem:$0x3FA7] =	sst s0;
	s0 =	simm.s32 @!p1 $0x0  }
0x14: {  	s2 =	sld [smem:$0x3F8B];
	s0 =	simm.s32 @p1 $0x1  }
0x15: {  	[smem:$0x3FA8] =	sst s0;
	s0 =	simm.s32 @!p2 $0x0  }
0x16: {  	s3 =	sld [smem:$0x3FDB];
	s0 =	simm.s32 @p2 $0x1  }
0x17: {  	s4 =	simm.s32 $0x1BF5;
	[smem:$0x3FAA] =	sst s0  }
0x18: {  	s0 =	sld [smem:$0x3F8D];
	_ =	swait.ge [sflag:s4], $0x0  }
0x19: {  	s7 =	sld [smem:$0x3F8E]  }
0x1a: {  	s8 =	sadd.s32 $0xFFFFE003, lr  }
0x1b: {  	s9 =	sadd.s32 $0xFFFFFEF7, lr;
	s5 =	simm.s32 $0xFFFFFFFF;
	p2 =	slt.u32 s8, $0xFFFFF086  }
0x1c: {  	p1 =	slt.u32 s9, $0xF7A;
	s5 =	simm.s32 @!p2 $0x0  }
0x1d: {  	s5 =	simm.s32 @p1 $0x1;
	p0 =	seq.s32 s7, s2  }
0x1e: {  	s7 =	smul.u32 @!p0 $0xF7A, s2;
	p2 =	seq.s32 @!p0 s5, $0x0  }
0x1f: {  	s9 =	smul.u32 $0xF7A, s1;
	s8 =	simm.s32 @!p0 $0x1BF5;
	p2 =	por !p2, p0  }
0x20: {  	[sflag:s8] =	ssyncset.s32 @!p0 $0xFFFFF086;
	s6 =	sadd.s32 @!p0 s3, s7;
	s7 =	simm.s32 @!p0 $0x108  }
0x21: {  	s3 =	sadd.s32 s3, s9;
	s6 =	sadd.s32 @!p0 $0x88, s6;
	s7 =	simm.s32 @p2 $0x1082  }
0x22: {  	[simem:s7], [sflag:s8] =	dma.local @!p0 [hbm:s6], $0xF7A  }
0x23: {  	s9 =	sor.u32 $0xD0000000, s2;
	s6 =	simm.s32 $0x108;
	_ =	swait.ge @!p0 [sflag:s8], $0x0  }
0x24: {  	s3 =	sadd.s32 $0x88, s3;
	s6 =	simm.s32 @!p1 $0x1082;
	[sflag:s4] =	ssyncset.s32 $0xFFFFF086  }
0x25: {  	[simem:s6], [sflag:s4] =	dma.local [hbm:s3], $0xF7A  }
0x26: {  	[smem:$0x3F8E] =	sst s1;
	(tag) =	ssettag s2;
	_ =	strace s9  }
0x27: {  	s1 =	sld [smem:$0x3F9E]  }
0x28: {  	s2 =	sld [smem:$0x3F9F]  }
0x29: {  	s4 =	sld [smem:$0x3FA1]  }
0x2a: {  	p0 =	seq.s32 s5, $0x0;
	s5 =	sld [smem:$0x3FA2]  }
0x2b: {  	s6 =	sld [smem:$0x3FA3]  }
0x2c: {  	s7 =	sld [smem:$0x3FA4]  }
0x2d: {  	s3 =	simm.s32 $0x108;
	s8 =	sld [smem:$0x3FA5]  }
0x2e: {  	s3 =	simm.s32 @!p0 $0x1082;
	s9 =	sld [smem:$0x3FA6]  }
0x2f: {  	lr =	sadd.s32 s0, s3;
	s0 =	sld [smem:$0x3F9D]  }
0x30: {  	s3 =	sld [smem:$0x3FA0]  }
0x31: {  	[smem:$0x3FA9] =	sst s10  }
0x32: {  	s10 =	sld [smem:$0x3FA7];
	_ =	sdelay $0x3  }
0x33: {  	p0 =	seq.s32 s10, $0x1;
	s10 =	sld [smem:$0x3FA9];
	_ =	sdelay $0x3  }
0x34: {  	[smem:$0x3FA9] =	sst s10  }
0x35: {  	s10 =	sld [smem:$0x3FA8];
	_ =	sdelay $0x3  }
0x36: {  	p1 =	seq.s32 s10, $0x1;
	s10 =	sld [smem:$0x3FA9];
	_ =	sdelay $0x3  }
0x37: {  	[smem:$0x3FA9] =	sst s10  }
0x38: {  	s10 =	sld [smem:$0x3FAA]  }
0x39: {  	_ = 	snop;
	(pc) =	sbr.ind lr, $3  }
0x3a: {  	_ = 	snop  }
0x3b: {  	_ = 	snop  }
0x3c: {  	p2 =	seq.s32 s10, $0x1;
	s10 =	sld [smem:$0x3FA9]  }
0x3d: {  	_ =	shalt  }
0x3e: {  	_ =	shalt  }
0x3f: {  	_ =	shalt  }
0x40: {  	_ =	shalt  }
0x41: {  	_ =	shalt  }
0x42: {  	_ =	shalt  }
0x43: {  	_ =	shalt  }
0x44: {  	_ =	shalt  }
0x45: {  	_ =	shalt  }
0x46: {  	_ =	shalt  }
0x47: {  	_ =	shalt  }
0x48: {  	_ =	shalt  }
0x49: {  	_ =	shalt  }
0x4a: {  	_ =	shalt  }
0x4b: {  	_ =	shalt  }
0x4c: {  	_ =	shalt  }
0x4d: {  	_ =	shalt  }
0x4e: {  	_ =	shalt  }
0x4f: {  	_ =	shalt  }
0x50: {  	_ =	shalt  }
0x51: {  	_ =	shalt  }
0x52: {  	_ =	shalt  }
0x53: {  	_ =	shalt  }
0x54: {  	_ =	shalt  }
0x55: {  	_ =	shalt  }
0x56: {  	_ =	shalt  }
0x57: {  	_ =	shalt  }
0x58: {  	_ =	shalt  }
0x59: {  	_ =	shalt  }
0x5a: {  	_ =	shalt  }
0x5b: {  	_ =	shalt  }
0x5c: {  	_ =	shalt  }
0x5d: {  	_ =	shalt  }
0x5e: {  	_ =	shalt  }
0x5f: {  	_ =	shalt  }
0x60: {  	_ =	shalt  }
0x61: {  	_ =	shalt  }
0x62: {  	_ =	shalt  }
0x63: {  	_ =	shalt  }
0x64: {  	_ =	shalt  }
0x65: {  	_ =	shalt  }
0x66: {  	_ =	shalt  }
0x67: {  	_ =	shalt  }
0x68: {  	_ =	shalt  }
0x69: {  	_ =	shalt  }
0x6a: {  	_ =	shalt  }
0x6b: {  	_ =	shalt  }
0x6c: {  	_ =	shalt  }
0x6d: {  	_ =	shalt  }
0x6e: {  	_ =	shalt  }
0x6f: {  	_ =	shalt  }
0x70: {  	_ =	shalt  }
0x71: {  	_ =	shalt  }
0x72: {  	_ =	shalt  }
0x73: {  	_ =	shalt  }
0x74: {  	_ =	shalt  }
0x75: {  	_ =	shalt  }
0x76: {  	_ =	shalt  }
0x77: {  	_ =	shalt  }
0x78: {  	_ =	shalt  }
0x79: {  	_ =	shalt  }
0x7a: {  	_ =	shalt  }
0x7b: {  	_ =	shalt  }
0x7c: {  	_ =	shalt  }
0x7d: {  	_ =	shalt  }
0x7e: {  	_ =	shalt  }
0x7f: {  	_ =	shalt  }
0x80: {  	_ =	shalt  }
0x81: {  	_ =	shalt  }
0x82: {  	_ =	shalt  }
0x83: {  	_ =	shalt  }
0x84: {  	_ =	shalt  }
0x85: {  	_ =	shalt  }
0x86: {  	_ =	shalt  }
0x87: {  	_ =	shalt  }
.Lfunc_end0:
.L_simem_size_0:
called_computation_lowered:
.L_overlay_start_0:
0x88: {  	s2 =	sld [smem:$0x3FD9]  }
0x89: {  	s3 =	sld [smem:$0x3FFE];
	_ =	sdelay $0x1  }
0x8a: {  	s1 =	srdreg.scid  }
0x8b: {  	s0 =	sand.u32 $0x1, s1  }
0x8c: {  	s16 =	sshll.u32 s0, $0xA;
	s2 =	sadd.s32 s3, s2  }
0x8d: {  	s2 =	sadd.s32 s2, s16  }
0x8e: {  	[smem:$0x3FB5] =	sst s2  }
0x8f: {  	_ = 	snop  }
0x90: {  	(tm) =	ssettm $0x1  }
0x91: {  	s17 =	sld [smem:$0x3FFB];
	_ =	sdelay $0x3  }
0x92: {  	_ =	strace s17  }
0x93: {  	s2 =	sld [smem:$0x3FFC];
	_ =	sdelay $0x3  }
0x94: {  	_ =	strace s2  }
0x95: {  	s2 =	sld [smem:$0x3FFD];
	_ =	sdelay $0x3  }
0x96: {  	_ =	strace s2  }
0x97: {  	_ =	strace $0x8FFFFFFF  }
0x98: {  	s18 =	sld [smem:$0x3FDB];
	_ =	sdelay $0x1  }
0x99: {  	s19 =	simm.s32 $_scs_section_size  }
0x9a: {  	s4 =	simm.s32 $_size__tile_overlayer_lowered;
	s5 =	simm.s32 $_tile_overlayer_lowered  }
0x9b: {  	s22 =	simm.s32 $0x1BFF;
	s21 =	sshll.u32 s5, $0x1;
	s2 =	sadd.s32 s19, s18  }
0x9c: {  	s6 =	simm.s32 $0x0;
	s20 =	sshll.u32 s4, $0x1;
	s4 =	sadd.s32 s21, s2  }
0x9d: {  	[timem:s6], [sflag:s22] =	dma.local [hbm:s4], s20  }
0x9e: {  	_ =	swait.ge [sflag:s22], s20  }
0x9f: {  	s3 =	ssub.s32 $0x0, s20;
	[sflag:s22] =	ssyncset.done $0x0  }
0xa0: {  	[sflag:s22] =	ssyncadd.s32 s3;
	_ =	sdelay $0x1  }
0xa1: {  	s23 =	simm.s32 $0x1B8B  }
0xa2: {  	_ =	swait.ge [sflag:s23], $0x1  }
0xa3: {  	[sflag:s23] =	ssyncset.done $0x0  }
0xa4: {  	s25 =	simm.s32 $0x1B8E;
	s24 =	sld [smem:$0x3FFE];
	[sflag:s23] =	ssyncadd.s32 $0xFFFFFFFF  }
0xa5: {  	s26 =	simm.s32 $execute0_lowered;
	[smem:$0x3FD2] =	sst s25  }
0xa6: {  	s4 =	sshll.u32 s26, $0x1;
	_ =	strace $0x80000046;
	[dreg:$0x1] =	wrdreg $0xFFFFFFFF  }
0xa7: {  	s28 =	simm.s32 $_size_execute0_lowered;
	s2 =	sadd.s32 s2, s4;
	[dreg:$0x0] =	wrdreg $0x0  }
0xa8: {  	s4 =	sshll.u32 s28, $0x1;
	[dreg:$0x2] =	wrdreg s2  }
0xa9: {  	[dreg:$0x3] =	wrdreg s4  }
0xaa: {  	[dreg:$0x4] =	wrdreg $0xC0  }
0xab: {  	_ =	task [dreg:s6], $0x5FFFF  }
0xac: {  	[dreg:$0x1] =	wrdreg $0xFFFFFFFF  }
0xad: {  	[dreg:$0x0] =	wrdreg $0x60  }
0xae: {  	[dreg:$0x2] =	wrdreg s24  }
0xaf: {  	[dreg:$0x3] =	wrdreg $0xCD000  }
0xb0: {  	[dreg:$0x4] =	wrdreg $0x11B200  }
0xb1: {  	[dreg:$0x5] =	wrdreg $0x9  }
0xb2: {  	_ =	task.clear_ibuf [dreg:s6], $0x6FFFF;
	_ =	strace $0x90000046  }
0xb3: {  	s29 =	simm.s32 $0x9;
	_ =	strace $0x80000048  }
0xb4: {  	_ =	swait.ge [sflag:s29], $0x1  }
0xb5: {  	[sflag:s29] =	ssyncadd.s32 $0xFFFFFFFF  }
0xb6: {  	_ =	strace $0x90000048  }
0xb7: {  	_ =	sfence  }
0xb8: {  	s30 =	sld [smem:$0x0];
	_ =	sdelay $0x2  }
0xb9: {  	s31 =	sshll.u32 s1, $0xD;
	s1 =	sshrl.u32 s1, $0x2  }
0xba: {  	s3 =	sand.u32 $0x4000, s31;
	s1 =	sadd.s32 s1, s30  }
0xbb: {  	s0 =	sor.u32 s3, s0;
	s1 =	sshll.u32 s1, $0x11  }
0xbc: {  	s0 =	sor.u32 s1, s0  }
0xbd: {  	s0 =	sadd.s32 $0x8F2B, s0  }
0xbe: {  	[sflag:s0] =	ssyncadd.remote.s32 $0x1  }
0xbf: {  	_ =	sfence.sel $0xFFFF  }
0xc0: {  	[dreg:$0x0] =	wrdreg $0xFFFFFFFF;
	(pc) =	sbr.abs _section_cstart, $3  }
0xc1: {  	[dreg:$0x1] =	wrdreg $0xFFFFFFFF  }
0xc2: {  	_ =	task.clear_ibuf [dreg:s6], $0x2FFFF;
	_ =	strace $0x9FFFFFFF  }
0xc3: {  	(tm) =	ssettm $0x7FFFFFFF  }
tec
execute0_lowered:
.L_overlay_start_1:
0x0: {  	(tag) =	ssettag $0x1  }
0x1: {  	s0 =	rddreg [dreg:$0x0]  }
0x2: {  	s2 =	rddreg [dreg:$0x1]  }
0x3: {  	s3 =	rddreg [dreg:$0x2]  }
0x4: {  	s13 =	stileid.u32;
	s4 =	simm.s32 $0x0;
	s5 =	srdreg.scid  }
0x5: {  	s14 =	simm.s32 $0x36E00;
	s16 =	simm.s32 $0x7D;
	s17 =	simm.s32 $0x5000  }
0x6: {  	s19 =	simm.s32 $0x5FA0;
	s21 =	simm.s32 $0x6F40;
	s28 =	simm.s32 $0xADC0  }
0x7: {  	s29 =	simm.s32 $0xBD60;
	s30 =	simm.s32 $0x2;
	s31 =	simm.s32 $0x0  }
0x8: {  	s1 =	smul.u32 $0x4E20, s13;
	[smem:$0x7FF] =	sst s4;
	s8 =	sand.u32 $0x1, s5  }
0x9: {  	s7 =	sshll.u32 s13, $0x1;
	s25 =	sshll.u32 s13, $0x6;
	_ =	strace $0x80000047  }
0xa: {  	s6 =	ssub.s32 $0x2, s8;
	s9 =	sor.u32 s8, s7;
	p0 =	seq.s32 s8, $0x1  }
0xb: {  	s23 =	sshrl.u32 s1, $0x3;
	s24 =	sshrl.u32 s6, $0x1;
	s26 =	smul.u32 $0x2800, s9  }
0xc: {  	s12 =	sadd.s32 s1, s2;
	s1 =	sadd.s32 s1, s3;
	s9 =	smul.u32 $0x500, s9  }
0xd: {  	s14 =	simm.s32 @!p0 $0x2D000;
	s11 =	sadd.s32 s23, s0;
	s0 =	sadd.s32 $0xF200, s0  }
0xe: {  	s10 =	ssub.s32 s6, s24;
	s6 =	sor.u32 $0x1C03, s25;
	s12 =	sshrl.u32 s12, $0x3  }
.Ltmp0:
0xf: {  	s23 =	simm.s32 $0x7EE0;
	s24 =	simm.s32 $0x1;
	(pc) =	sbr.rel .LBB2_1-.Ltmp0, $4  }
0x10: {  	s25 =	simm.s32 $0x8E80;
	s5 =	sadd.s32 $0x23200, s11;
	s7 =	sadd.s32 $0x5400, s11  }
0x11: {  	s13 =	sshrl.u32 s26, $0x3;
	s8 =	sadd.s32 s0, s9;
	s10 =	smax.u32 s10, $0x1  }
0x12: {  	s11 =	sadd.s32 s14, s11;
	s14 =	sshrl.u32 s1, $0x3;
	s13 =	sadd.s32 s0, s13  }
0x13: {  	s26 =	simm.s32 $0x9E20;
	s9 =	sadd.s32 $0xA000, s13;
	s13 =	simm.s32 $0x3  }
.LBB2_4:
0x14: {  	_ =	swait.ge [sflag:s24], $0xFA0  }
0x15: {  	[sflag:s24] =	ssyncset.done $0x0  }
0x16: {  	[sflag:s24] =	ssyncadd.s32 $0xFFFFF060  }
0x17: {  	[spmem:s2] =	stream.indirect.scatter.add.f32 [tilespmem:s29], [sflag:$0x2], $0x20, s15, s16, $0xb8;
	[tilespmem:$0x16940] =	vst v63  }
0x18: {  	_ =	swait.ge [sflag:s30], $0xFA0  }
0x19: {  	[sflag:s30] =	ssyncset.done $0x0  }
0x1a: {  	[sflag:s30] =	ssyncadd.s32 $0xFFFFF060  }
0x1b: {  	_ =	swait.ge [sflag:s30], $0xFA0  }
0x1c: {  	[sflag:s30] =	ssyncset.done $0x0  }
0x1d: {  	[sflag:s30] =	ssyncadd.s32 $0xFFFFF060  }
0x1e: {  	_ =	swait.ge [sflag:s30], $0xFA0  }
0x1f: {  	[sflag:s30] =	ssyncset.done $0x0  }
0x20: {  	[sflag:s30] =	ssyncadd.s32 $0xFFFFF060  }
0x21: {  	_ =	swait.ge [sflag:s30], $0xFA0  }
0x22: {  	[sflag:s30] =	ssyncset.done $0x0  }
0x23: {  	[sflag:s30] =	ssyncadd.s32 $0xFFFFF060  }
0x24: {  	_ =	swait.ge [sflag:s30], $0xFA0  }
0x25: {  	s31 =	sadd.s32 $0x1, s31;
	[sflag:s30] =	ssyncset.done $0x0  }
0x26: {  	p0 =	sne.s32 s31, s10;
	[sflag:s30] =	ssyncadd.s32 $0xFFFFF060  }
.Ltmp1:
0x27: {  	[bflag:$0x0] =	sbarrier.arrive $0xFFFF;
	(pc) =	sbr.rel @!p0 .LBB2_5-.Ltmp1, $4  }
0x28: {  	[hbm:s11], [sflag:s6] =	dma.local [spmem:s12], $0x9C4  }
0x29: {  	_ =	swait.ge [sflag:s13], $0x9C4  }
0x2a: {  	[sflag:s13] =	ssyncset.done $0x0  }
0x2b: {  	[sflag:s13] =	ssyncadd.s32 $0xFFFFF63C  }
.LBB2_1:
0x2c: {  	[spmem:s12], [sflag:s6] =	dma.local [hbm:s5], $0x9C4  }
0x2d: {  	_ =	swait.ge [sflag:s13], $0x9C4  }
0x2e: {  	[sflag:s13] =	ssyncset.done $0x0  }
0x2f: {  	[sflag:s13] =	ssyncadd.s32 $0xFFFFF63C  }
0x30: {  	[spmem:s14], [sflag:s6] =	dma.local [hbm:s7], $0x9C4  }
0x31: {  	_ =	swait.ge [sflag:s13], $0x9C4  }
0x32: {  	[sflag:s13] =	ssyncset.done $0x0  }
0x33: {  	[sflag:s13] =	ssyncadd.s32 $0xFFFFF63C  }
0x34: {  	[tilespmem:s4], [sflag:$0x3] =	stream.linear.gather [hbm4b:s8+s4], $0x2800, $0x38;
	[tilespmem:$0x16940] =	vst v63  }
0x35: {  	_ =	swait.ge [sflag:s13], $0x2800  }
0x36: {  	[sflag:s13] =	ssyncset.done $0x0  }
0x37: {  	s0 =	simm.s32 $0x2800;
	[sflag:s13] =	ssyncadd.s32 $0xFFFFD800  }
0x38: {  	[tilespmem:s0], [sflag:$0x3] =	stream.linear.gather [hbm4b:s9+s4], $0x2800, $0x38;
	[tilespmem:$0x16940] =	vst v63  }
0x39: {  	_ =	swait.ge [sflag:s13], $0x2800  }
0x3a: {  	[sflag:s13] =	ssyncset.done $0x0  }
0x3b: {  	[sflag:s13] =	ssyncadd.s32 $0xFFFFD800  }
0x3c: {  	[bflag:$0x0] =	sbarrier.arrive $0xFFFF  }
0x3d: {  	[tilespmem:s17], [sflag:$0x1] =	stream.indirect.gather [spmem:s3], $0x20, s4, s16, $0xb8;
	[tilespmem:$0x16940] =	vst v63  }
0x3e: {  	s18 =	simm.s32 $0x80  }
0x3f: {  	[tilespmem:s19], [sflag:$0x1] =	stream.indirect.gather [spmem:s3], $0x20, s18, s16, $0xb8;
	[tilespmem:$0x16940] =	vst v63  }
0x40: {  	s20 =	simm.s32 $0x100  }
0x41: {  	[tilespmem:s21], [sflag:$0x1] =	stream.indirect.gather [spmem:s3], $0x20, s20, s16, $0xb8;
	[tilespmem:$0x16940] =	vst v63  }
0x42: {  	s22 =	simm.s32 $0x180;
	s0 =	simm.s32 $0x0  }
0x43: {  	[tilespmem:s23], [sflag:$0x1] =	stream.indirect.gather [spmem:s3], $0x20, s22, s16, $0xb8;
	[tilespmem:$0x16940] =	vst v63  }
.LBB2_2:
0x44: {  	_ =	swait.ge [sflag:s24], $0xFA0  }
0x45: {  	s1 =	sshra.s32 s0, $0x2;
	[sflag:s24] =	ssyncset.done $0x0  }
0x46: {  	p0 =	seq.s32 s0, $0x0;
	s15 =	sadd.s32 $0x2800, s1;
	[sflag:s24] =	ssyncadd.s32 $0xFFFFF060  }
0x47: {  	[spmem:s2] =	stream.indirect.scatter.add.f32 [tilespmem:s17], [sflag:$0x2], $0x20, s15, s16, $0xb8;
	[tilespmem:$0x16940] =	vst v63  }
0x48: {  	s15 =	simm.s32 @!p0 $0x2  }
0x49: {  	_ =	swait.ge @!p0 [sflag:s15], $0xFA0  }
0x4a: {  	[sflag:s15] =	ssyncset.done @!p0 $0x0  }
0x4b: {  	s18 =	sadd.s32 $0x200, s1;
	[sflag:s15] =	ssyncadd.s32 @!p0 $0xFFFFF060  }
0x4c: {  	[tilespmem:s25], [sflag:$0x1] =	stream.indirect.gather [spmem:s3], $0x20, s18, s16, $0xb8;
	[tilespmem:$0x16940] =	vst v63  }
0x4d: {  	_ =	swait.ge [sflag:s24], $0xFA0  }
0x4e: {  	[sflag:s24] =	ssyncset.done $0x0  }
0x4f: {  	s22 =	sadd.s32 $0x2880, s1;
	[sflag:s24] =	ssyncadd.s32 $0xFFFFF060  }
0x50: {  	[spmem:s2] =	stream.indirect.scatter.add.f32 [tilespmem:s19], [sflag:$0x2], $0x20, s22, s16, $0xb8;
	[tilespmem:$0x16940] =	vst v63  }
0x51: {  	_ =	swait.ge @!p0 [sflag:s15], $0xFA0  }
0x52: {  	[sflag:s15] =	ssyncset.done @!p0 $0x0  }
0x53: {  	s20 =	sadd.s32 $0x280, s1;
	[sflag:s15] =	ssyncadd.s32 @!p0 $0xFFFFF060  }
0x54: {  	[tilespmem:s26], [sflag:$0x1] =	stream.indirect.gather [spmem:s3], $0x20, s20, s16, $0xb8;
	[tilespmem:$0x16940] =	vst v63  }
0x55: {  	_ =	swait.ge [sflag:s24], $0xFA0  }
0x56: {  	[sflag:s24] =	ssyncset.done $0x0  }
0x57: {  	s22 =	sadd.s32 $0x2900, s1;
	[sflag:s24] =	ssyncadd.s32 $0xFFFFF060  }
0x58: {  	[spmem:s2] =	stream.indirect.scatter.add.f32 [tilespmem:s21], [sflag:$0x2], $0x20, s22, s16, $0xb8;
	[tilespmem:$0x16940] =	vst v63  }
0x59: {  	_ =	swait.ge @!p0 [sflag:s15], $0xFA0  }
0x5a: {  	[sflag:s15] =	ssyncset.done @!p0 $0x0  }
0x5b: {  	s20 =	sadd.s32 $0x300, s1;
	[sflag:s15] =	ssyncadd.s32 @!p0 $0xFFFFF060  }
0x5c: {  	[tilespmem:s28], [sflag:$0x1] =	stream.indirect.gather [spmem:s3], $0x20, s20, s16, $0xb8;
	[tilespmem:$0x16940] =	vst v63  }
0x5d: {  	_ =	swait.ge [sflag:s24], $0xFA0  }
0x5e: {  	[sflag:s24] =	ssyncset.done $0x0  }
0x5f: {  	s22 =	sadd.s32 $0x2980, s1;
	[sflag:s24] =	ssyncadd.s32 $0xFFFFF060  }
0x60: {  	[spmem:s2] =	stream.indirect.scatter.add.f32 [tilespmem:s23], [sflag:$0x2], $0x20, s22, s16, $0xb8;
	[tilespmem:$0x16940] =	vst v63  }
0x61: {  	_ =	swait.ge @!p0 [sflag:s15], $0xFA0  }
0x62: {  	[sflag:s15] =	ssyncset.done @!p0 $0x0  }
0x63: {  	s18 =	sadd.s32 $0x380, s1;
	[sflag:s15] =	ssyncadd.s32 @!p0 $0xFFFFF060  }
0x64: {  	[tilespmem:s29], [sflag:$0x1] =	stream.indirect.gather [spmem:s3], $0x20, s18, s16, $0xb8;
	[tilespmem:$0x16940] =	vst v63  }
0x65: {  	_ =	swait.ge [sflag:s24], $0xFA0  }
0x66: {  	[sflag:s24] =	ssyncset.done $0x0  }
0x67: {  	s20 =	sadd.s32 $0x2A00, s1;
	[sflag:s24] =	ssyncadd.s32 $0xFFFFF060  }
0x68: {  	[spmem:s2] =	stream.indirect.scatter.add.f32 [tilespmem:s25], [sflag:$0x2], $0x20, s20, s16, $0xb8;
	[tilespmem:$0x16940] =	vst v63  }
0x69: {  	_ =	swait.ge [sflag:s30], $0xFA0  }
0x6a: {  	p0 =	seq.s32 s0, $0x9000;
	[sflag:s30] =	ssyncset.done $0x0  }
0x6b: {  	s15 =	simm.s32 @p0 $0x1;
	[sflag:s30] =	ssyncadd.s32 $0xFFFFF060  }
0x6c: {  	_ =	swait.ge @p0 [sflag:s15], $0xFA0  }
0x6d: {  	[sflag:s15] =	ssyncset.done @p0 $0x0  }
0x6e: {  	[sflag:s15] =	ssyncadd.s32 @p0 $0xFFFFF060;
	s15 =	sshra.s32 @p0 s0, $0x2  }
0x6f: {  	s18 =	simm.s32 @p0 $0x7D;
	s20 =	simm.s32 @p0 $0x9E20;
	s15 =	sadd.s32 @p0 $0x2A80, s15  }
0x70: {  	[spmem:s2] =	stream.indirect.scatter.add.f32 @p0 [tilespmem:s20], [sflag:$0x2], $0x20, s15, s18, $0xb8;
	[tilespmem:$0x16940] =	vst v63  }
0x71: {  	s15 =	simm.s32 @p0 $0x2  }
0x72: {  	_ =	swait.ge @p0 [sflag:s15], $0xFA0  }
0x73: {  	[sflag:s15] =	ssyncset.done @p0 $0x0  }
0x74: {  	[sflag:s15] =	ssyncadd.s32 @p0 $0xFFFFF060;
	s15 =	sshra.s32 @!p0 s0, $0x2  }
0x75: {  	s22 =	simm.s32 @!p0 $0x5000;
	s20 =	simm.s32 @!p0 $0x7D;
	s18 =	sadd.s32 @!p0 $0x400, s15  }
0x76: {  	[tilespmem:s22], [sflag:$0x1] =	stream.indirect.gather @!p0 [spmem:s3], $0x20, s18, s20, $0xb8;
	[tilespmem:$0x16940] =	vst v63  }
0x77: {  	s18 =	simm.s32 @!p0 $0x1  }
0x78: {  	_ =	swait.ge @!p0 [sflag:s18], $0xFA0  }
0x79: {  	[sflag:s18] =	ssyncset.done @!p0 $0x0  }
0x7a: {  	s22 =	simm.s32 @!p0 $0x9E20;
	[sflag:s18] =	ssyncadd.s32 @!p0 $0xFFFFF060;
	s18 =	sadd.s32 @!p0 $0x2A80, s15  }
0x7b: {  	[spmem:s2] =	stream.indirect.scatter.add.f32 @!p0 [tilespmem:s22], [sflag:$0x2], $0x20, s18, s20, $0xb8;
	[tilespmem:$0x16940] =	vst v63  }
0x7c: {  	s18 =	simm.s32 @!p0 $0x2  }
0x7d: {  	_ =	swait.ge @!p0 [sflag:s18], $0xFA0  }
0x7e: {  	[sflag:s18] =	ssyncset.done @!p0 $0x0  }
0x7f: {  	s15 =	sadd.s32 @!p0 $0x480, s15;
	[sflag:s18] =	ssyncadd.s32 @!p0 $0xFFFFF060;
	s18 =	simm.s32 @!p0 $0x5FA0  }
0x80: {  	[tilespmem:s18], [sflag:$0x1] =	stream.indirect.gather @!p0 [spmem:s3], $0x20, s15, s20, $0xb8;
	[tilespmem:$0x16940] =	vst v63  }
0x81: {  	_ =	swait.ge [sflag:s24], $0xFA0  }
0x82: {  	[sflag:s24] =	ssyncset.done $0x0  }
.Ltmp2:
0x83: {  	s22 =	sadd.s32 $0x2B00, s1;
	[sflag:s24] =	ssyncadd.s32 $0xFFFFF060;
	(pc) =	sbr.rel @p0 .LBB2_4-.Ltmp2, $4  }
0x84: {  	[spmem:s2] =	stream.indirect.scatter.add.f32 [tilespmem:s28], [sflag:$0x2], $0x20, s22, s16, $0xb8;
	[tilespmem:$0x16940] =	vst v63  }
0x85: {  	_ =	swait.ge [sflag:s30], $0xFA0  }
0x86: {  	[sflag:s30] =	ssyncset.done $0x0  }
0x87: {  	s15 =	sadd.s32 $0x2B80, s1;
	[sflag:s30] =	ssyncadd.s32 $0xFFFFF060  }
0x88: {  	s18 =	sadd.s32 $0x500, s1  }
0x89: {  	[tilespmem:s21], [sflag:$0x1] =	stream.indirect.gather [spmem:s3], $0x20, s18, s16, $0xb8;
	[tilespmem:$0x16940] =	vst v63  }
0x8a: {  	_ =	swait.ge [sflag:s24], $0xFA0  }
0x8b: {  	[sflag:s24] =	ssyncset.done $0x0  }
0x8c: {  	[sflag:s24] =	ssyncadd.s32 $0xFFFFF060  }
0x8d: {  	[spmem:s2] =	stream.indirect.scatter.add.f32 [tilespmem:s29], [sflag:$0x2], $0x20, s15, s16, $0xb8;
	[tilespmem:$0x16940] =	vst v63  }
.Ltmp3:
0x8e: {  	_ = 	snop;
	(pc) =	sbr.rel .LBB2_2-.Ltmp3, $4  }
0x8f: {  	_ =	swait.ge [sflag:s30], $0xFA0  }
0x90: {  	[sflag:s30] =	ssyncset.done $0x0  }
0x91: {  	s22 =	sadd.s32 $0x580, s1;
	s0 =	sadd.s32 $0x1000, s0;
	[sflag:s30] =	ssyncadd.s32 $0xFFFFF060  }
0x92: {  	[tilespmem:s23], [sflag:$0x1] =	stream.indirect.gather [spmem:s3], $0x20, s22, s16, $0xb8;
	[tilespmem:$0x16940] =	vst v63  }
.LBB2_5:
0x93: {  	_ =	sfence.sel $0x180000  }
0x94: {  	[bflag:$0x0] =	sbarrier.arrive $0xFFFF  }
0x95: {  	_ =	strace $0x90000047  }
0x96: {  	s0 =	stileid.u32;
	[bflag:$0x2] =	sbarrier.arrive $0xFFFF  }
0x97: {  	p0 =	sne.s32 s0, $0x0;
	s0 =	rddreg [dreg:$0x3]  }
0x98: {  	s0 =	sadd.s32 @!p0 $0x100000, s0  }
0x99: {  	[sflag:s0] =	ssyncadd.tile.s32 @!p0 $0x1;
	_ =	shalt  }
.Lfunc_end2:
_tile_overlayer_lowered:
.L_overlay_start_2:
0x9a: {  	(tag) =	ssettag $0x2  }
0x9b: {  	s0 =	rddreg [dreg:$0x0];
	s2 =	stileid.u32  }
0x9c: {  	s1 =	rddreg [dreg:$0x1];
	p0 =	sne.s32 s2, $0x0  }
0x9d: {  	s3 =	rddreg [dreg:$0x2];
	[bflag:$0x3] =	sbarrier.arrive $0xFFFF;
	s2 =	simm.s32 @!p0 $0x1C03  }
0x9e: {  	[timem:s3], [sflag:s2] =	dma.local @!p0 [hbm:s0], s1  }
0x9f: {  	s0 =	simm.s32 @!p0 $0x3  }
0xa0: {  	_ =	swait.ge @!p0 [sflag:s0], s1  }
0xa1: {  	s1 =	ssub.s32 @!p0 $0x0, s1;
	[sflag:s0] =	ssyncset.done @!p0 $0x0  }
0xa2: {  	[sflag:s0] =	ssyncadd.s32 @!p0 s1  }
0xa3: {  	[bflag:$0x3] =	sbarrier.arrive $0xFFFF  }
0xa4: {  	_ =	shalt  }

</sc_bundles>
